<compile_context>
chip_gen: v7x
topology: tpu7x:2x2x1
jax: 0.10.2.dev20260603
libtpu: 0.0.44.dev20260713+nightly
codegen_flags: <defaults>
</compile_context>

<pallas_src>
import functools

import jax
import jax.numpy as jnp
from jax import lax
from jax.experimental import pallas as pl
from jax.experimental.pallas import tpu as pltpu
from jax.experimental.pallas import tpu_sc as plsc


def _tc_project_table(embed, w0b, b0, r0b):
    c, d = embed.shape
    blk = 1000
    grid = c // blk

    def body(e_ref, w_ref, b_ref, r_ref, out_ref):
        e = e_ref[...]
        out_ref[:, :d] = (
            jnp.dot(e, w_ref[...], preferred_element_type=jnp.float32)
            + b_ref[...])
        out_ref[:, d:] = jnp.dot(e, r_ref[...],
                                 preferred_element_type=jnp.float32)

    return pl.pallas_call(
        body,
        grid=(grid,),
        in_specs=[
            pl.BlockSpec((blk, d), lambda i: (i, 0)),
            pl.BlockSpec((d, d), lambda i: (0, 0)),
            pl.BlockSpec((1, d), lambda i: (0, 0)),
            pl.BlockSpec((d, d), lambda i: (0, 0)),
        ],
        out_specs=pl.BlockSpec((blk, 2 * d), lambda i: (i, 0)),
        out_shape=jax.ShapeDtypeStruct((c, 2 * d), jnp.float32),
        compiler_params=pltpu.CompilerParams(
            dimension_semantics=("arbitrary",)),
    )(embed, w0b, b0.reshape(1, d), r0b)


def _sc_gather(table, idx):
    n = idx.shape[0]
    d = table.shape[1]
    nw = 32
    per_w = n // nw
    chunk = 128
    nbuf = 6
    nstream_f = per_w // chunk
    sg_n = nstream_f // nbuf
    rem = nstream_f - sg_n * nbuf
    tail = per_w - nstream_f * chunk
    idx3 = idx.reshape(nw, 1, per_w)
    mesh = plsc.VectorSubcoreMesh(core_axis_name="c", subcore_axis_name="s")

    @functools.partial(
        pl.kernel,
        mesh=mesh,
        out_type=jax.ShapeDtypeStruct((n, d), jnp.float32),
        scratch_types=[
            pltpu.VMEM((1, per_w), jnp.int32),
            pltpu.VMEM((nbuf, chunk, d), jnp.float32),
            pltpu.SemaphoreType.DMA,
            pltpu.SemaphoreType.DMA,
        ],
    )
    def k(table_hbm, idx_hbm, out_hbm, idx_v, rows_v, gsem, wsem):
        wid = lax.axis_index("s") * 2 + lax.axis_index("c")
        pltpu.sync_copy(idx_hbm.at[wid], idx_v)
        wbase = wid * per_w

        def drain(b):
            pltpu.make_async_copy(table_hbm.at[pl.ds(0, chunk)],
                                  rows_v.at[b], wsem).wait()

        def run_group(sg, slots):
            offs = [(sg * nbuf + i) * chunk for i in range(len(slots))]
            hs = [
                pltpu.async_copy(
                    table_hbm.at[idx_v.at[0, pl.ds(offs[i], chunk)]],
                    rows_v.at[b], gsem)
                for i, b in enumerate(slots)
            ]
            for h in hs:
                h.wait()
            for i, b in enumerate(slots):
                pltpu.async_copy(rows_v.at[b],
                                 out_hbm.at[pl.ds(wbase + offs[i], chunk)],
                                 wsem)

        def sgroup(sg, carry):
            slots = list(range(nbuf))

            @pl.when(sg > 0)
            def _():
                for b in slots:
                    drain(b)

            run_group(sg, slots)
            return carry

        lax.fori_loop(0, sg_n, sgroup, 0)
        outstanding = [sg_n > 0] * nbuf
        if rem:
            slots = list(range(rem))
            for b in slots:
                if outstanding[b]:
                    drain(b)
            run_group(sg_n, slots)
            for b in slots:
                outstanding[b] = True
        for b in range(nbuf):
            if outstanding[b]:
                drain(b)
        if tail:
            toff = nstream_f * chunk
            pltpu.async_copy(
                table_hbm.at[idx_v.at[0, pl.ds(toff, tail)]],
                rows_v.at[0, pl.ds(0, tail)], gsem).wait()
            pltpu.sync_copy(rows_v.at[0, pl.ds(0, tail)],
                            out_hbm.at[pl.ds(wbase + toff, tail)])

    return k(table, idx3)


def _tc_mlp(orig_t, react, p, col0=0):
    ws, bs, rs, w_out, b_out = p
    d, _ = orig_t.shape
    n = react.shape[0]
    blk = 3200
    sub = blk // 128
    grid = n // blk
    blk0 = col0 // blk

    bf = jnp.bfloat16
    flat = [jnp.concatenate([ws[0][:d], rs[0][:d]], axis=1).astype(bf)]
    layer_has_r = []
    for i in range(1, len(ws)):
        if rs[i] is not None:
            flat += [jnp.concatenate([ws[i], rs[i]], axis=1).astype(bf),
                     bs[i].reshape(1, -1)]
            layer_has_r.append(True)
        else:
            flat += [ws[i].astype(bf), bs[i].reshape(1, -1)]
            layer_has_r.append(False)
    flat += [w_out.reshape(1, -1).astype(bf), b_out.reshape(1, 1)]
    n_w = len(flat)

    def body(*refs):
        orig_ref, react_ref = refs[0], refs[1]
        wv = [r[...] for r in refs[2:2 + n_w]]
        gate_ref = refs[2 + n_w]
        gmax_ref = refs[3 + n_w]
        smax_ref = refs[4 + n_w]

        ot = orig_ref[...].astype(bf)
        it = iter(wv)
        wr0 = next(it)
        zr = jax.lax.dot_general(
            ot, wr0, (((0,), (0,)), ((), ())),
            preferred_element_type=jnp.float32)
        z = jnp.maximum(zr[:, :d] + react_ref[:, :d], 0.0)
        h = z + zr[:, d:] + react_ref[:, d:]
        for has_r in layer_has_r:
            w = next(it)
            b = next(it)
            h16 = h.astype(bf)
            if has_r:
                out_d = w.shape[1] // 2
                zr = jnp.dot(h16, w, preferred_element_type=jnp.float32)
                z = jnp.maximum(zr[:, :out_d] + b, 0.0)
                h = z + zr[:, out_d:]
            else:
                z = jnp.maximum(
                    jnp.dot(h16, w, preferred_element_type=jnp.float32) + b,
                    0.0)
                h = z + h
        wo = next(it)
        bo = next(it)
        h16 = h.astype(bf)
        rows = []
        for j in range(sub):
            hs = h16[j * 128:(j + 1) * 128, :]
            rows.append(jax.lax.dot_general(
                wo, hs, (((1,), (1,)), ((), ())),
                preferred_element_type=jnp.float32))
        gate = jnp.concatenate(rows, axis=0) + bo[0, 0]
        gate_ref[0] = gate

        bm = jnp.max(gate)
        prev = jnp.where(pl.program_id(0) == 0, -jnp.inf, smax_ref[0])
        m = jnp.maximum(prev, bm)
        smax_ref[0] = m
        gmax_ref[...] = jnp.full((8, 128), m, jnp.float32)

    in_specs = [
        pl.BlockSpec((d, blk), lambda i: (0, i + blk0)),
        pl.BlockSpec((blk, 2 * d), lambda i: (i, 0)),
    ]
    for a in flat:
        in_specs.append(pl.BlockSpec(a.shape, lambda i: (0,) * a.ndim))

    gate, gmax = pl.pallas_call(
        body,
        grid=(grid,),
        in_specs=in_specs,
        out_specs=[
            pl.BlockSpec((1, sub, 128), lambda i: (i, 0, 0)),
            pl.BlockSpec((8, 128), lambda i: (0, 0)),
        ],
        out_shape=[
            jax.ShapeDtypeStruct((grid, sub, 128), jnp.float32),
            jax.ShapeDtypeStruct((8, 128), jnp.float32),
        ],
        scratch_shapes=[pltpu.SMEM((1,), jnp.float32)],
        compiler_params=pltpu.CompilerParams(
            dimension_semantics=("arbitrary",)),
    )(orig_t, react, *flat)
    return gate.reshape(n // 128, 128), gmax


def _sc_softmax(gate2, idx2, gmax16, zeros_c):
    r = gate2.shape[0]
    c = zeros_c.shape[0]
    nt = 16
    rb = r // nt
    mesh = plsc.VectorSubcoreMesh(core_axis_name="c", subcore_axis_name="s",
                                  num_cores=1)

    @functools.partial(
        pl.kernel,
        mesh=mesh,
        out_type=jax.ShapeDtypeStruct((r, 128), jnp.float32),
        scratch_types=[
            pltpu.VMEM((rb, 128), jnp.float32),
            pltpu.VMEM((rb, 128), jnp.int32),
            pltpu.VMEM((16,), jnp.float32),
            pltpu.VMEM((128,), jnp.float32),
            pltpu.VMEM_SHARED((c,), jnp.float32),
        ],
    )
    def k(gate_hbm, idx_hbm, gmax_hbm, zc_hbm, out_hbm,
          ebuf, ibuf, gmv, drow, accs):
        t = lax.axis_index("s")
        base = t * rb
        nr = rb

        pltpu.sync_copy(gate_hbm.at[pl.ds(base, rb)], ebuf)
        pltpu.sync_copy(idx_hbm.at[pl.ds(base, rb)], ibuf)
        pltpu.sync_copy(gmax_hbm, gmv)

        @pl.when(t == 0)
        def _():
            pltpu.sync_copy(zc_hbm, accs)

        m = gmv[...]

        def row_exp(ri, carry):
            for li in range(8):
                g = ebuf[ri, pl.ds(li * 16, 16)]
                ebuf[ri, pl.ds(li * 16, 16)] = jnp.exp(g - m)
            return carry

        lax.fori_loop(0, nr, row_exp, 0)
        plsc.subcore_barrier()

        def row_scatter(ri, carry):
            pltpu.sync_copy(ebuf.at[ri], accs.at[ibuf.at[ri]], add=True)
            return carry

        lax.fori_loop(0, nr, row_scatter, 0)
        plsc.subcore_barrier()

        def row_div(ri, carry):
            pltpu.sync_copy(accs.at[ibuf.at[ri]], drow)
            for li in range(8):
                den = drow[pl.ds(li * 16, 16)] + 1e-13
                e = ebuf[ri, pl.ds(li * 16, 16)]
                ebuf[ri, pl.ds(li * 16, 16)] = e / den
            return carry

        lax.fori_loop(0, nr, row_div, 0)

        pltpu.sync_copy(ebuf, out_hbm.at[pl.ds(base, rb)])

    return k(gate2, idx2, gmax16, zeros_c)


def kernel(orig_elem_fea, reaction_elem_idx, reaction_embed, params):
    n = orig_elem_fea.shape[0]
    c = reaction_embed.shape[0]
    idx = reaction_elem_idx.astype(jnp.int32)
    rows = n // 128
    rows_pad = ((rows + 127) // 128) * 128
    pad = rows_pad - rows
    idx2 = jnp.concatenate(
        [idx.reshape(rows, 128),
         jnp.full((pad, 128), c - 1, jnp.int32)], axis=0)
    zeros_c = jnp.zeros((c,), jnp.float32)

    outs = []
    orig_t = orig_elem_fea.T
    for p in params:
        ws, bs, rs, _, _ = p
        d = orig_elem_fea.shape[1]
        table = _tc_project_table(reaction_embed, ws[0][d:], bs[0], rs[0][d:])
        nphase = 2
        ph = n // nphase
        gates, gmaxes = [], []
        for k in range(nphase):
            react = _sc_gather(table, idx[k * ph:(k + 1) * ph])
            g, gm = _tc_mlp(orig_t, react, p, col0=k * ph)
            gates.append(g)
            gmaxes.append(gm)
        gate = jnp.concatenate(gates, axis=0)
        gmax = gmaxes[0]
        for gm in gmaxes[1:]:
            gmax = jnp.maximum(gmax, gm)
        gate2 = jnp.concatenate(
            [gate, jnp.full((pad, 128), -1e30, jnp.float32)], axis=0)
        gmax16 = gmax[0, :16]
        sm = _sc_softmax(gate2, idx2, gmax16, zeros_c)
        outs.append(sm[:rows].reshape(-1))
    if len(outs) == 1:
        return outs[0]
    return jnp.mean(jnp.stack(outs), axis=0)

# --- scband reference (transcript-rebuilt; emitter-appended) ---
"""Pipeline reference for scband-stoich-net-73083163509423 (READ-ONLY COPY).

The authoritative reference and input builder live on the scoring server;
editing this copy changes nothing except your own understanding.
"""

import jax, jax.numpy as jnp
import numpy as np

N = 320000
C = 10000
ELEM_DIM = 64
REACT_DIM = 64
INTER = 64
N_HEADS = 1
HIDDEN = [INTER, INTER, INTER, INTER, 128, 128, 64]


def make_gate_params(key):
    dims = [ELEM_DIM + REACT_DIM] + HIDDEN
    Ws, bs, Rs = [], [], []
    for i in range(len(HIDDEN)):
        key, k1, k2 = jax.random.split(key, 3)
        Ws.append(jax.random.normal(k1, (dims[i], dims[i + 1]), jnp.float32) * 0.05)
        bs.append(jnp.zeros((dims[i + 1],), jnp.float32))
        if dims[i] != dims[i + 1]:
            Rs.append(jax.random.normal(k2, (dims[i], dims[i + 1]), jnp.float32) * 0.05)
        else:
            Rs.append(None)
    key, k1 = jax.random.split(key)
    W_out = jax.random.normal(k1, (dims[-1], 1), jnp.float32) * 0.05
    b_out = jnp.zeros((1,), jnp.float32)
    return (Ws, bs, Rs, W_out, b_out)


def setup_inputs(seed: int = 0):
    key = jax.random.key(seed)
    k1, k2, k3, k4 = jax.random.split(key, 4)
    orig_elem_fea = jax.random.normal(k1, (N, ELEM_DIM), jnp.float32)
    reaction_elem_idx = jnp.sort(jax.random.randint(k2, (N,), 0, C, jnp.int32))
    reaction_embed = jax.random.normal(k3, (C, REACT_DIM), jnp.float32)
    params = [make_gate_params(jax.random.fold_in(k4, h)) for h in range(N_HEADS)]
    return {
        "orig_elem_fea": orig_elem_fea,
        "reaction_elem_idx": reaction_elem_idx,
        "reaction_embed": reaction_embed,
        "params": params,
    }


def _gate_nn(p, fea):
    Ws, bs, Rs, W_out, b_out = p
    h = fea
    for W, b, R in zip(Ws, bs, Rs):
        z = jax.nn.relu(h @ W + b)
        res = h if R is None else h @ R
        h = z + res
    return h @ W_out + b_out


def _norm_stoich(p, fea, index):
    gate = _gate_nn(p, fea)  # [N, 1]
    seg_max = jax.ops.segment_max(gate, index, num_segments=C)  # [C, 1]
    gate = gate - seg_max[index]
    gate = jnp.exp(gate)
    denom = jax.ops.segment_sum(gate, index, num_segments=C)[index] + 1e-13
    return gate / denom


def reference(orig_elem_fea, reaction_elem_idx, reaction_embed, params):
    reaction_per_elem = reaction_embed[reaction_elem_idx]  # gather [N, REACT_DIM]
    fea = jnp.concatenate([orig_elem_fea, reaction_per_elem], axis=1)
    head_stoich = [_norm_stoich(p, fea, reaction_elem_idx) for p in params]
    stoichs = jnp.mean(jnp.stack(head_stoich), axis=0)
    return stoichs.reshape(-1)

if __name__ == "__main__":
    import jax
    _d = setup_inputs()
    print(jax.jit(kernel)(*tuple(_d.values())))

</pallas_src>

<mosaic_0001>
#map = affine_map<(d0, d1) -> (0, 0)>
#map1 = affine_map<(d0, d1) -> (0, 0, 0)>
module attributes {stable_mosaic.version = 14 : i64} {
  func.func @k(%arg0: i32, %arg1: i32, %arg2: memref<10000x128xf32, #tpu.memory_space<hbm>>, %arg3: memref<32x1x5000xi32, #tpu.memory_space<hbm>>, %arg4: memref<160000x128xf32, #tpu.memory_space<hbm>>, %arg5: memref<1x5000xi32, #tpu.memory_space<vmem>>, %arg6: memref<6x128x128xf32, #tpu.memory_space<vmem>>, %arg7: memref<!tpu.dma_semaphore, #tpu.memory_space<semaphore_mem>>, %arg8: memref<!tpu.dma_semaphore, #tpu.memory_space<semaphore_mem>>) attributes {dimension_semantics = [#tpu.dimension_semantics<core_parallel>, #tpu.dimension_semantics<subcore_parallel>], iteration_bounds = array<i64: 2, 16>, scalar_prefetch = 0 : i64, scratch_operands = 4 : i64, tpu.core_type = #tpu.core_type<sc_vector_subcore>, window_params = [{transform_indices = #map}, {transform_indices = #map1}, {transform_indices = #map}]} {
    %mul3A = arith.constant 2 : i32
    %mul3A_0 = arith.muli %arg1, %mul3A : i32
    %add3A = arith.addi %mul3A_0, %arg0 : i32
    "tpu.region"() ({
      %run_scoped3A_284 = tpu.sem_alloc : memref<!tpu.dma_semaphore, #tpu.memory_space<semaphore_mem>>
      %dma_start3A_285 = arith.constant 0 : i32
      %dma_start3A_286 = arith.constant 0 : i32
      %dma_start3A_287 = tpu.memref_slice %arg3[%add3A, %dma_start3A_285, %dma_start3A_286] : memref<32x1x5000xi32, #tpu.memory_space<hbm>> -> memref<1x1x5000xi32, #tpu.memory_space<hbm>>
      %dma_start3A_288 = tpu.memref_squeeze %dma_start3A_287 : memref<1x1x5000xi32, #tpu.memory_space<hbm>> -> memref<1x5000xi32, #tpu.memory_space<hbm>>
      %dma_start3A_289 = arith.constant 0 : i32
      %dma_start3A_290 = arith.constant 0 : i32
      %dma_start3A_291 = tpu.memref_slice %arg3[%add3A, %dma_start3A_289, %dma_start3A_290] : memref<32x1x5000xi32, #tpu.memory_space<hbm>> -> memref<1x1x5000xi32, #tpu.memory_space<hbm>>
      %dma_start3A_292 = tpu.memref_squeeze %dma_start3A_291 : memref<1x1x5000xi32, #tpu.memory_space<hbm>> -> memref<1x5000xi32, #tpu.memory_space<hbm>>
      tpu.enqueue_dma source(%dma_start3A_292 : memref<1x5000xi32, #tpu.memory_space<hbm>>) target(%arg5 : memref<1x5000xi32, #tpu.memory_space<vmem>>) target_semaphore(%run_scoped3A_284 : memref<!tpu.dma_semaphore, #tpu.memory_space<semaphore_mem>>)
      %dma_wait3A_293 = arith.constant 0 : i32
      %dma_wait3A_294 = arith.constant 0 : i32
      %dma_wait3A_295 = tpu.memref_slice %arg3[%add3A, %dma_wait3A_293, %dma_wait3A_294] : memref<32x1x5000xi32, #tpu.memory_space<hbm>> -> memref<1x1x5000xi32, #tpu.memory_space<hbm>>
      %dma_wait3A_296 = tpu.memref_squeeze %dma_wait3A_295 : memref<1x1x5000xi32, #tpu.memory_space<hbm>> -> memref<1x5000xi32, #tpu.memory_space<hbm>>
      %dma_wait3A_297 = arith.constant 0 : i32
      %dma_wait3A_298 = arith.constant 0 : i32
      %dma_wait3A_299 = tpu.memref_slice %arg3[%add3A, %dma_wait3A_297, %dma_wait3A_298] : memref<32x1x5000xi32, #tpu.memory_space<hbm>> -> memref<1x1x5000xi32, #tpu.memory_space<hbm>>
      %dma_wait3A_300 = tpu.memref_squeeze %dma_wait3A_299 : memref<1x1x5000xi32, #tpu.memory_space<hbm>> -> memref<1x5000xi32, #tpu.memory_space<hbm>>
      tpu.wait_dma2 semaphore(%run_scoped3A_284 : memref<!tpu.dma_semaphore, #tpu.memory_space<semaphore_mem>>) src(%dma_wait3A_300 : memref<1x5000xi32, #tpu.memory_space<hbm>>) dst(%arg5 : memref<1x5000xi32, #tpu.memory_space<vmem>>)
      tpu.yield
    }) : () -> ()
    %mul3A_1 = arith.constant 5000 : i32
    %mul3A_2 = arith.muli %add3A, %mul3A_1 : i32
    %scan3A = arith.constant 0 : i32
    %scan3A_3 = arith.constant 0 : i32
    %scan3A_4 = arith.constant 6 : i32
    %scan3A_5 = arith.addi %scan3A_3, %scan3A_4 : i32
    %scan3A_6 = arith.constant 1 : i32
    scf.for %scan3A_284 = %scan3A_3 to %scan3A_5 step %scan3A_6  : i32 {
      %gt3A = arith.constant 0 : i32
      %gt3A_285 = arith.cmpi sgt, %scan3A_284, %gt3A : i32
      %convert_element_type3A = arith.extui %gt3A_285 : i1 to i32
      %cond3A = arith.constant 0 : i32
      %cond3A_286 = arith.cmpi ne, %convert_element_type3A, %cond3A : i32
      scf.if %cond3A_286 {
        %dma_wait3A_539 = arith.constant 0 : i32
        %dma_wait3A_540 = arith.constant 0 : i32
        %dma_wait3A_541 = arith.constant 0 : i32
        %dma_wait3A_542 = tpu.memref_slice %arg6[%dma_wait3A_539, %dma_wait3A_540, %dma_wait3A_541] : memref<6x128x128xf32, #tpu.memory_space<vmem>> -> memref<1x128x128xf32, #tpu.memory_space<vmem>>
        %dma_wait3A_543 = tpu.memref_squeeze %dma_wait3A_542 : memref<1x128x128xf32, #tpu.memory_space<vmem>> -> memref<128x128xf32, #tpu.memory_space<vmem>>
        %dma_wait3A_544 = arith.constant 0 : i32
        %dma_wait3A_545 = arith.constant 0 : i32
        %dma_wait3A_546 = tpu.memref_slice %arg2[%dma_wait3A_544, %dma_wait3A_545] : memref<10000x128xf32, #tpu.memory_space<hbm>> -> memref<128x128xf32, #tpu.memory_space<hbm>>
        %dma_wait3A_547 = arith.constant 0 : i32
        %dma_wait3A_548 = arith.constant 0 : i32
        %dma_wait3A_549 = tpu.memref_slice %arg6[%dma_wait3A_539, %dma_wait3A_547, %dma_wait3A_548] : memref<6x128x128xf32, #tpu.memory_space<vmem>> -> memref<1x128x128xf32, #tpu.memory_space<vmem>>
        %dma_wait3A_550 = tpu.memref_squeeze %dma_wait3A_549 : memref<1x128x128xf32, #tpu.memory_space<vmem>> -> memref<128x128xf32, #tpu.memory_space<vmem>>
        %dma_wait3A_551 = arith.constant 0 : i32
        %dma_wait3A_552 = arith.constant 0 : i32
        %dma_wait3A_553 = tpu.memref_slice %arg2[%dma_wait3A_551, %dma_wait3A_552] : memref<10000x128xf32, #tpu.memory_space<hbm>> -> memref<128x128xf32, #tpu.memory_space<hbm>>
        tpu.wait_dma2 semaphore(%arg8 : memref<!tpu.dma_semaphore, #tpu.memory_space<semaphore_mem>>) src(%dma_wait3A_553 : memref<128x128xf32, #tpu.memory_space<hbm>>) dst(%dma_wait3A_550 : memref<128x128xf32, #tpu.memory_space<vmem>>)
        %dma_wait3A_554 = arith.constant 1 : i32
        %dma_wait3A_555 = arith.constant 0 : i32
        %dma_wait3A_556 = arith.constant 0 : i32
        %dma_wait3A_557 = tpu.memref_slice %arg6[%dma_wait3A_554, %dma_wait3A_555, %dma_wait3A_556] : memref<6x128x128xf32, #tpu.memory_space<vmem>> -> memref<1x128x128xf32, #tpu.memory_space<vmem>>
        %dma_wait3A_558 = tpu.memref_squeeze %dma_wait3A_557 : memref<1x128x128xf32, #tpu.memory_space<vmem>> -> memref<128x128xf32, #tpu.memory_space<vmem>>
        %dma_wait3A_559 = arith.constant 0 : i32
        %dma_wait3A_560 = arith.constant 0 : i32
        %dma_wait3A_561 = tpu.memref_slice %arg2[%dma_wait3A_559, %dma_wait3A_560] : memref<10000x128xf32, #tpu.memory_space<hbm>> -> memref<128x128xf32, #tpu.memory_space<hbm>>
        %dma_wait3A_562 = arith.constant 0 : i32
        %dma_wait3A_563 = arith.constant 0 : i32
        %dma_wait3A_564 = tpu.memref_slice %arg6[%dma_wait3A_554, %dma_wait3A_562, %dma_wait3A_563] : memref<6x128x128xf32, #tpu.memory_space<vmem>> -> memref<1x128x128xf32, #tpu.memory_space<vmem>>
        %dma_wait3A_565 = tpu.memref_squeeze %dma_wait3A_564 : memref<1x128x128xf32, #tpu.memory_space<vmem>> -> memref<128x128xf32, #tpu.memory_space<vmem>>
        %dma_wait3A_566 = arith.constant 0 : i32
        %dma_wait3A_567 = arith.constant 0 : i32
        %dma_wait3A_568 = tpu.memref_slice %arg2[%dma_wait3A_566, %dma_wait3A_567] : memref<10000x128xf32, #tpu.memory_space<hbm>> -> memref<128x128xf32, #tpu.memory_space<hbm>>
        tpu.wait_dma2 semaphore(%arg8 : memref<!tpu.dma_semaphore, #tpu.memory_space<semaphore_mem>>) src(%dma_wait3A_568 : memref<128x128xf32, #tpu.memory_space<hbm>>) dst(%dma_wait3A_565 : memref<128x128xf32, #tpu.memory_space<vmem>>)
        %dma_wait3A_569 = arith.constant 2 : i32
        %dma_wait3A_570 = arith.constant 0 : i32
        %dma_wait3A_571 = arith.constant 0 : i32
        %dma_wait3A_572 = tpu.memref_slice %arg6[%dma_wait3A_569, %dma_wait3A_570, %dma_wait3A_571] : memref<6x128x128xf32, #tpu.memory_space<vmem>> -> memref<1x128x128xf32, #tpu.memory_space<vmem>>
        %dma_wait3A_573 = tpu.memref_squeeze %dma_wait3A_572 : memref<1x128x128xf32, #tpu.memory_space<vmem>> -> memref<128x128xf32, #tpu.memory_space<vmem>>
        %dma_wait3A_574 = arith.constant 0 : i32
        %dma_wait3A_575 = arith.constant 0 : i32
        %dma_wait3A_576 = tpu.memref_slice %arg2[%dma_wait3A_574, %dma_wait3A_575] : memref<10000x128xf32, #tpu.memory_space<hbm>> -> memref<128x128xf32, #tpu.memory_space<hbm>>
        %dma_wait3A_577 = arith.constant 0 : i32
        %dma_wait3A_578 = arith.constant 0 : i32
        %dma_wait3A_579 = tpu.memref_slice %arg6[%dma_wait3A_569, %dma_wait3A_577, %dma_wait3A_578] : memref<6x128x128xf32, #tpu.memory_space<vmem>> -> memref<1x128x128xf32, #tpu.memory_space<vmem>>
        %dma_wait3A_580 = tpu.memref_squeeze %dma_wait3A_579 : memref<1x128x128xf32, #tpu.memory_space<vmem>> -> memref<128x128xf32, #tpu.memory_space<vmem>>
        %dma_wait3A_581 = arith.constant 0 : i32
        %dma_wait3A_582 = arith.constant 0 : i32
        %dma_wait3A_583 = tpu.memref_slice %arg2[%dma_wait3A_581, %dma_wait3A_582] : memref<10000x128xf32, #tpu.memory_space<hbm>> -> memref<128x128xf32, #tpu.memory_space<hbm>>
        tpu.wait_dma2 semaphore(%arg8 : memref<!tpu.dma_semaphore, #tpu.memory_space<semaphore_mem>>) src(%dma_wait3A_583 : memref<128x128xf32, #tpu.memory_space<hbm>>) dst(%dma_wait3A_580 : memref<128x128xf32, #tpu.memory_space<vmem>>)
        %dma_wait3A_584 = arith.constant 3 : i32
        %dma_wait3A_585 = arith.constant 0 : i32
        %dma_wait3A_586 = arith.constant 0 : i32
        %dma_wait3A_587 = tpu.memref_slice %arg6[%dma_wait3A_584, %dma_wait3A_585, %dma_wait3A_586] : memref<6x128x128xf32, #tpu.memory_space<vmem>> -> memref<1x128x128xf32, #tpu.memory_space<vmem>>
        %dma_wait3A_588 = tpu.memref_squeeze %dma_wait3A_587 : memref<1x128x128xf32, #tpu.memory_space<vmem>> -> memref<128x128xf32, #tpu.memory_space<vmem>>
        %dma_wait3A_589 = arith.constant 0 : i32
        %dma_wait3A_590 = arith.constant 0 : i32
        %dma_wait3A_591 = tpu.memref_slice %arg2[%dma_wait3A_589, %dma_wait3A_590] : memref<10000x128xf32, #tpu.memory_space<hbm>> -> memref<128x128xf32, #tpu.memory_space<hbm>>
        %dma_wait3A_592 = arith.constant 0 : i32
        %dma_wait3A_593 = arith.constant 0 : i32
        %dma_wait3A_594 = tpu.memref_slice %arg6[%dma_wait3A_584, %dma_wait3A_592, %dma_wait3A_593] : memref<6x128x128xf32, #tpu.memory_space<vmem>> -> memref<1x128x128xf32, #tpu.memory_space<vmem>>
        %dma_wait3A_595 = tpu.memref_squeeze %dma_wait3A_594 : memref<1x128x128xf32, #tpu.memory_space<vmem>> -> memref<128x128xf32, #tpu.memory_space<vmem>>
        %dma_wait3A_596 = arith.constant 0 : i32
        %dma_wait3A_597 = arith.constant 0 : i32
        %dma_wait3A_598 = tpu.memref_slice %arg2[%dma_wait3A_596, %dma_wait3A_597] : memref<10000x128xf32, #tpu.memory_space<hbm>> -> memref<128x128xf32, #tpu.memory_space<hbm>>
        tpu.wait_dma2 semaphore(%arg8 : memref<!tpu.dma_semaphore, #tpu.memory_space<semaphore_mem>>) src(%dma_wait3A_598 : memref<128x128xf32, #tpu.memory_space<hbm>>) dst(%dma_wait3A_595 : memref<128x128xf32, #tpu.memory_space<vmem>>)
        %dma_wait3A_599 = arith.constant 4 : i32
        %dma_wait3A_600 = arith.constant 0 : i32
        %dma_wait3A_601 = arith.constant 0 : i32
        %dma_wait3A_602 = tpu.memref_slice %arg6[%dma_wait3A_599, %dma_wait3A_600, %dma_wait3A_601] : memref<6x128x128xf32, #tpu.memory_space<vmem>> -> memref<1x128x128xf32, #tpu.memory_space<vmem>>
        %dma_wait3A_603 = tpu.memref_squeeze %dma_wait3A_602 : memref<1x128x128xf32, #tpu.memory_space<vmem>> -> memref<128x128xf32, #tpu.memory_space<vmem>>
        %dma_wait3A_604 = arith.constant 0 : i32
        %dma_wait3A_605 = arith.constant 0 : i32
        %dma_wait3A_606 = tpu.memref_slice %arg2[%dma_wait3A_604, %dma_wait3A_605] : memref<10000x128xf32, #tpu.memory_space<hbm>> -> memref<128x128xf32, #tpu.memory_space<hbm>>
        %dma_wait3A_607 = arith.constant 0 : i32
        %dma_wait3A_608 = arith.constant 0 : i32
        %dma_wait3A_609 = tpu.memref_slice %arg6[%dma_wait3A_599, %dma_wait3A_607, %dma_wait3A_608] : memref<6x128x128xf32, #tpu.memory_space<vmem>> -> memref<1x128x128xf32, #tpu.memory_space<vmem>>
        %dma_wait3A_610 = tpu.memref_squeeze %dma_wait3A_609 : memref<1x128x128xf32, #tpu.memory_space<vmem>> -> memref<128x128xf32, #tpu.memory_space<vmem>>
        %dma_wait3A_611 = arith.constant 0 : i32
        %dma_wait3A_612 = arith.constant 0 : i32
        %dma_wait3A_613 = tpu.memref_slice %arg2[%dma_wait3A_611, %dma_wait3A_612] : memref<10000x128xf32, #tpu.memory_space<hbm>> -> memref<128x128xf32, #tpu.memory_space<hbm>>
        tpu.wait_dma2 semaphore(%arg8 : memref<!tpu.dma_semaphore, #tpu.memory_space<semaphore_mem>>) src(%dma_wait3A_613 : memref<128x128xf32, #tpu.memory_space<hbm>>) dst(%dma_wait3A_610 : memref<128x128xf32, #tpu.memory_space<vmem>>)
        %dma_wait3A_614 = arith.constant 5 : i32
        %dma_wait3A_615 = arith.constant 0 : i32
        %dma_wait3A_616 = arith.constant 0 : i32
        %dma_wait3A_617 = tpu.memref_slice %arg6[%dma_wait3A_614, %dma_wait3A_615, %dma_wait3A_616] : memref<6x128x128xf32, #tpu.memory_space<vmem>> -> memref<1x128x128xf32, #tpu.memory_space<vmem>>
        %dma_wait3A_618 = tpu.memref_squeeze %dma_wait3A_617 : memref<1x128x128xf32, #tpu.memory_space<vmem>> -> memref<128x128xf32, #tpu.memory_space<vmem>>
        %dma_wait3A_619 = arith.constant 0 : i32
        %dma_wait3A_620 = arith.constant 0 : i32
        %dma_wait3A_621 = tpu.memref_slice %arg2[%dma_wait3A_619, %dma_wait3A_620] : memref<10000x128xf32, #tpu.memory_space<hbm>> -> memref<128x128xf32, #tpu.memory_space<hbm>>
        %dma_wait3A_622 = arith.constant 0 : i32
        %dma_wait3A_623 = arith.constant 0 : i32
        %dma_wait3A_624 = tpu.memref_slice %arg6[%dma_wait3A_614, %dma_wait3A_622, %dma_wait3A_623] : memref<6x128x128xf32, #tpu.memory_space<vmem>> -> memref<1x128x128xf32, #tpu.memory_space<vmem>>
        %dma_wait3A_625 = tpu.memref_squeeze %dma_wait3A_624 : memref<1x128x128xf32, #tpu.memory_space<vmem>> -> memref<128x128xf32, #tpu.memory_space<vmem>>
        %dma_wait3A_626 = arith.constant 0 : i32
        %dma_wait3A_627 = arith.constant 0 : i32
        %dma_wait3A_628 = tpu.memref_slice %arg2[%dma_wait3A_626, %dma_wait3A_627] : memref<10000x128xf32, #tpu.memory_space<hbm>> -> memref<128x128xf32, #tpu.memory_space<hbm>>
        tpu.wait_dma2 semaphore(%arg8 : memref<!tpu.dma_semaphore, #tpu.memory_space<semaphore_mem>>) src(%dma_wait3A_628 : memref<128x128xf32, #tpu.memory_space<hbm>>) dst(%dma_wait3A_625 : memref<128x128xf32, #tpu.memory_space<vmem>>)
      } else {
      }
      %mul3A_287 = arith.constant 6 : i32
      %mul3A_288 = arith.muli %scan3A_284, %mul3A_287 : i32
      %add3A_289 = arith.constant 0 : i32
      %add3A_290 = arith.addi %mul3A_288, %add3A_289 : i32
      %mul3A_291 = arith.constant 128 : i32
      %mul3A_292 = arith.muli %add3A_290, %mul3A_291 : i32
      %mul3A_293 = arith.constant 6 : i32
      %mul3A_294 = arith.muli %scan3A_284, %mul3A_293 : i32
      %add3A_295 = arith.constant 1 : i32
      %add3A_296 = arith.addi %mul3A_294, %add3A_295 : i32
      %mul3A_297 = arith.constant 128 : i32
      %mul3A_298 = arith.muli %add3A_296, %mul3A_297 : i32
      %mul3A_299 = arith.constant 6 : i32
      %mul3A_300 = arith.muli %scan3A_284, %mul3A_299 : i32
      %add3A_301 = arith.constant 2 : i32
      %add3A_302 = arith.addi %mul3A_300, %add3A_301 : i32
      %mul3A_303 = arith.constant 128 : i32
      %mul3A_304 = arith.muli %add3A_302, %mul3A_303 : i32
      %mul3A_305 = arith.constant 6 : i32
      %mul3A_306 = arith.muli %scan3A_284, %mul3A_305 : i32
      %add3A_307 = arith.constant 3 : i32
      %add3A_308 = arith.addi %mul3A_306, %add3A_307 : i32
      %mul3A_309 = arith.constant 128 : i32
      %mul3A_310 = arith.muli %add3A_308, %mul3A_309 : i32
      %mul3A_311 = arith.constant 6 : i32
      %mul3A_312 = arith.muli %scan3A_284, %mul3A_311 : i32
      %add3A_313 = arith.constant 4 : i32
      %add3A_314 = arith.addi %mul3A_312, %add3A_313 : i32
      %mul3A_315 = arith.constant 128 : i32
      %mul3A_316 = arith.muli %add3A_314, %mul3A_315 : i32
      %mul3A_317 = arith.constant 6 : i32
      %mul3A_318 = arith.muli %scan3A_284, %mul3A_317 : i32
      %add3A_319 = arith.constant 5 : i32
      %add3A_320 = arith.addi %mul3A_318, %add3A_319 : i32
      %mul3A_321 = arith.constant 128 : i32
      %mul3A_322 = arith.muli %add3A_320, %mul3A_321 : i32
      %dma_start3A_323 = arith.constant 0 : i32
      %dma_start3A_324 = arith.constant 0 : i32
      %dma_start3A_325 = arith.constant 0 : i32
      %dma_start3A_326 = arith.constant 0 : i32
      %dma_start3A_327 = tpu.memref_slice %arg6[%dma_start3A_324, %dma_start3A_325, %dma_start3A_326] : memref<6x128x128xf32, #tpu.memory_space<vmem>> -> memref<1x128x128xf32, #tpu.memory_space<vmem>>
      %dma_start3A_328 = tpu.memref_squeeze %dma_start3A_327 : memref<1x128x128xf32, #tpu.memory_space<vmem>> -> memref<128x128xf32, #tpu.memory_space<vmem>>
      %dma_start3A_329 = tpu.memref_slice %arg5[%dma_start3A_323, %mul3A_292] : memref<1x5000xi32, #tpu.memory_space<vmem>> -> memref<1x128xi32, #tpu.memory_space<vmem>>
      %dma_start3A_330 = tpu.memref_squeeze %dma_start3A_329 : memref<1x128xi32, #tpu.memory_space<vmem>> -> memref<128xi32, #tpu.memory_space<vmem>>
      %dma_start3A_331 = arith.constant 0 : i32
      %dma_start3A_332 = arith.constant 0 : i32
      %dma_start3A_333 = tpu.memref_slice %arg2[%dma_start3A_331, %dma_start3A_332] : memref<10000x128xf32, #tpu.memory_space<hbm>> -> memref<10000x128xf32, #tpu.memory_space<hbm>>
      tpu.enqueue_indirect_dma source(%dma_start3A_333 : memref<10000x128xf32, #tpu.memory_space<hbm>>) target(%dma_start3A_328 : memref<128x128xf32, #tpu.memory_space<vmem>>) offsets(%dma_start3A_330 : memref<128xi32, #tpu.memory_space<vmem>>) semaphore(%arg7 : memref<!tpu.dma_semaphore, #tpu.memory_space<semaphore_mem>>)
      %dma_start3A_334 = arith.constant 0 : i32
      %dma_start3A_335 = arith.constant 1 : i32
      %dma_start3A_336 = arith.constant 0 : i32
      %dma_start3A_337 = arith.constant 0 : i32
      %dma_start3A_338 = tpu.memref_slice %arg6[%dma_start3A_335, %dma_start3A_336, %dma_start3A_337] : memref<6x128x128xf32, #tpu.memory_space<vmem>> -> memref<1x128x128xf32, #tpu.memory_space<vmem>>
      %dma_start3A_339 = tpu.memref_squeeze %dma_start3A_338 : memref<1x128x128xf32, #tpu.memory_space<vmem>> -> memref<128x128xf32, #tpu.memory_space<vmem>>
      %dma_start3A_340 = tpu.memref_slice %arg5[%dma_start3A_334, %mul3A_298] : memref<1x5000xi32, #tpu.memory_space<vmem>> -> memref<1x128xi32, #tpu.memory_space<vmem>>
      %dma_start3A_341 = tpu.memref_squeeze %dma_start3A_340 : memref<1x128xi32, #tpu.memory_space<vmem>> -> memref<128xi32, #tpu.memory_space<vmem>>
      %dma_start3A_342 = arith.constant 0 : i32
      %dma_start3A_343 = arith.constant 0 : i32
      %dma_start3A_344 = tpu.memref_slice %arg2[%dma_start3A_342, %dma_start3A_343] : memref<10000x128xf32, #tpu.memory_space<hbm>> -> memref<10000x128xf32, #tpu.memory_space<hbm>>
      tpu.enqueue_indirect_dma source(%dma_start3A_344 : memref<10000x128xf32, #tpu.memory_space<hbm>>) target(%dma_start3A_339 : memref<128x128xf32, #tpu.memory_space<vmem>>) offsets(%dma_start3A_341 : memref<128xi32, #tpu.memory_space<vmem>>) semaphore(%arg7 : memref<!tpu.dma_semaphore, #tpu.memory_space<semaphore_mem>>)
      %dma_start3A_345 = arith.constant 0 : i32
      %dma_start3A_346 = arith.constant 2 : i32
      %dma_start3A_347 = arith.constant 0 : i32
      %dma_start3A_348 = arith.constant 0 : i32
      %dma_start3A_349 = tpu.memref_slice %arg6[%dma_start3A_346, %dma_start3A_347, %dma_start3A_348] : memref<6x128x128xf32, #tpu.memory_space<vmem>> -> memref<1x128x128xf32, #tpu.memory_space<vmem>>
      %dma_start3A_350 = tpu.memref_squeeze %dma_start3A_349 : memref<1x128x128xf32, #tpu.memory_space<vmem>> -> memref<128x128xf32, #tpu.memory_space<vmem>>
      %dma_start3A_351 = tpu.memref_slice %arg5[%dma_start3A_345, %mul3A_304] : memref<1x5000xi32, #tpu.memory_space<vmem>> -> memref<1x128xi32, #tpu.memory_space<vmem>>
      %dma_start3A_352 = tpu.memref_squeeze %dma_start3A_351 : memref<1x128xi32, #tpu.memory_space<vmem>> -> memref<128xi32, #tpu.memory_space<vmem>>
      %dma_start3A_353 = arith.constant 0 : i32
      %dma_start3A_354 = arith.constant 0 : i32
      %dma_start3A_355 = tpu.memref_slice %arg2[%dma_start3A_353, %dma_start3A_354] : memref<10000x128xf32, #tpu.memory_space<hbm>> -> memref<10000x128xf32, #tpu.memory_space<hbm>>
      tpu.enqueue_indirect_dma source(%dma_start3A_355 : memref<10000x128xf32, #tpu.memory_space<hbm>>) target(%dma_start3A_350 : memref<128x128xf32, #tpu.memory_space<vmem>>) offsets(%dma_start3A_352 : memref<128xi32, #tpu.memory_space<vmem>>) semaphore(%arg7 : memref<!tpu.dma_semaphore, #tpu.memory_space<semaphore_mem>>)
      %dma_start3A_356 = arith.constant 0 : i32
      %dma_start3A_357 = arith.constant 3 : i32
      %dma_start3A_358 = arith.constant 0 : i32
      %dma_start3A_359 = arith.constant 0 : i32
      %dma_start3A_360 = tpu.memref_slice %arg6[%dma_start3A_357, %dma_start3A_358, %dma_start3A_359] : memref<6x128x128xf32, #tpu.memory_space<vmem>> -> memref<1x128x128xf32, #tpu.memory_space<vmem>>
      %dma_start3A_361 = tpu.memref_squeeze %dma_start3A_360 : memref<1x128x128xf32, #tpu.memory_space<vmem>> -> memref<128x128xf32, #tpu.memory_space<vmem>>
      %dma_start3A_362 = tpu.memref_slice %arg5[%dma_start3A_356, %mul3A_310] : memref<1x5000xi32, #tpu.memory_space<vmem>> -> memref<1x128xi32, #tpu.memory_space<vmem>>
      %dma_start3A_363 = tpu.memref_squeeze %dma_start3A_362 : memref<1x128xi32, #tpu.memory_space<vmem>> -> memref<128xi32, #tpu.memory_space<vmem>>
      %dma_start3A_364 = arith.constant 0 : i32
      %dma_start3A_365 = arith.constant 0 : i32
      %dma_start3A_366 = tpu.memref_slice %arg2[%dma_start3A_364, %dma_start3A_365] : memref<10000x128xf32, #tpu.memory_space<hbm>> -> memref<10000x128xf32, #tpu.memory_space<hbm>>
      tpu.enqueue_indirect_dma source(%dma_start3A_366 : memref<10000x128xf32, #tpu.memory_space<hbm>>) target(%dma_start3A_361 : memref<128x128xf32, #tpu.memory_space<vmem>>) offsets(%dma_start3A_363 : memref<128xi32, #tpu.memory_space<vmem>>) semaphore(%arg7 : memref<!tpu.dma_semaphore, #tpu.memory_space<semaphore_mem>>)
      %dma_start3A_367 = arith.constant 0 : i32
      %dma_start3A_368 = arith.constant 4 : i32
      %dma_start3A_369 = arith.constant 0 : i32
      %dma_start3A_370 = arith.constant 0 : i32
      %dma_start3A_371 = tpu.memref_slice %arg6[%dma_start3A_368, %dma_start3A_369, %dma_start3A_370] : memref<6x128x128xf32, #tpu.memory_space<vmem>> -> memref<1x128x128xf32, #tpu.memory_space<vmem>>
      %dma_start3A_372 = tpu.memref_squeeze %dma_start3A_371 : memref<1x128x128xf32, #tpu.memory_space<vmem>> -> memref<128x128xf32, #tpu.memory_space<vmem>>
      %dma_start3A_373 = tpu.memref_slice %arg5[%dma_start3A_367, %mul3A_316] : memref<1x5000xi32, #tpu.memory_space<vmem>> -> memref<1x128xi32, #tpu.memory_space<vmem>>
      %dma_start3A_374 = tpu.memref_squeeze %dma_start3A_373 : memref<1x128xi32, #tpu.memory_space<vmem>> -> memref<128xi32, #tpu.memory_space<vmem>>
      %dma_start3A_375 = arith.constant 0 : i32
      %dma_start3A_376 = arith.constant 0 : i32
      %dma_start3A_377 = tpu.memref_slice %arg2[%dma_start3A_375, %dma_start3A_376] : memref<10000x128xf32, #tpu.memory_space<hbm>> -> memref<10000x128xf32, #tpu.memory_space<hbm>>
      tpu.enqueue_indirect_dma source(%dma_start3A_377 : memref<10000x128xf32, #tpu.memory_space<hbm>>) target(%dma_start3A_372 : memref<128x128xf32, #tpu.memory_space<vmem>>) offsets(%dma_start3A_374 : memref<128xi32, #tpu.memory_space<vmem>>) semaphore(%arg7 : memref<!tpu.dma_semaphore, #tpu.memory_space<semaphore_mem>>)
      %dma_start3A_378 = arith.constant 0 : i32
      %dma_start3A_379 = arith.constant 5 : i32
      %dma_start3A_380 = arith.constant 0 : i32
      %dma_start3A_381 = arith.constant 0 : i32
      %dma_start3A_382 = tpu.memref_slice %arg6[%dma_start3A_379, %dma_start3A_380, %dma_start3A_381] : memref<6x128x128xf32, #tpu.memory_space<vmem>> -> memref<1x128x128xf32, #tpu.memory_space<vmem>>
      %dma_start3A_383 = tpu.memref_squeeze %dma_start3A_382 : memref<1x128x128xf32, #tpu.memory_space<vmem>> -> memref<128x128xf32, #tpu.memory_space<vmem>>
      %dma_start3A_384 = tpu.memref_slice %arg5[%dma_start3A_378, %mul3A_322] : memref<1x5000xi32, #tpu.memory_space<vmem>> -> memref<1x128xi32, #tpu.memory_space<vmem>>
      %dma_start3A_385 = tpu.memref_squeeze %dma_start3A_384 : memref<1x128xi32, #tpu.memory_space<vmem>> -> memref<128xi32, #tpu.memory_space<vmem>>
      %dma_start3A_386 = arith.constant 0 : i32
      %dma_start3A_387 = arith.constant 0 : i32
      %dma_start3A_388 = tpu.memref_slice %arg2[%dma_start3A_386, %dma_start3A_387] : memref<10000x128xf32, #tpu.memory_space<hbm>> -> memref<10000x128xf32, #tpu.memory_space<hbm>>
      tpu.enqueue_indirect_dma source(%dma_start3A_388 : memref<10000x128xf32, #tpu.memory_space<hbm>>) target(%dma_start3A_383 : memref<128x128xf32, #tpu.memory_space<vmem>>) offsets(%dma_start3A_385 : memref<128xi32, #tpu.memory_space<vmem>>) semaphore(%arg7 : memref<!tpu.dma_semaphore, #tpu.memory_space<semaphore_mem>>)
      %dma_wait3A_389 = arith.constant 0 : i32
      %dma_wait3A_390 = arith.constant 0 : i32
      %dma_wait3A_391 = arith.constant 0 : i32
      %dma_wait3A_392 = arith.constant 0 : i32
      %dma_wait3A_393 = tpu.memref_slice %arg6[%dma_wait3A_390, %dma_wait3A_391, %dma_wait3A_392] : memref<6x128x128xf32, #tpu.memory_space<vmem>> -> memref<1x128x128xf32, #tpu.memory_space<vmem>>
      %dma_wait3A_394 = tpu.memref_squeeze %dma_wait3A_393 : memref<1x128x128xf32, #tpu.memory_space<vmem>> -> memref<128x128xf32, #tpu.memory_space<vmem>>
      %dma_wait3A_395 = tpu.memref_slice %arg5[%dma_wait3A_389, %mul3A_292] : memref<1x5000xi32, #tpu.memory_space<vmem>> -> memref<1x128xi32, #tpu.memory_space<vmem>>
      %dma_wait3A_396 = tpu.memref_squeeze %dma_wait3A_395 : memref<1x128xi32, #tpu.memory_space<vmem>> -> memref<128xi32, #tpu.memory_space<vmem>>
      %dma_wait3A_397 = arith.constant 0 : i32
      %dma_wait3A_398 = arith.constant 0 : i32
      %dma_wait3A_399 = tpu.memref_slice %arg2[%dma_wait3A_397, %dma_wait3A_398] : memref<10000x128xf32, #tpu.memory_space<hbm>> -> memref<10000x128xf32, #tpu.memory_space<hbm>>
      tpu.wait_indirect_dma semaphore(%arg7 : memref<!tpu.dma_semaphore, #tpu.memory_space<semaphore_mem>>) src(%dma_wait3A_399 : memref<10000x128xf32, #tpu.memory_space<hbm>>) dst(%dma_wait3A_394 : memref<128x128xf32, #tpu.memory_space<vmem>>)
      %dma_wait3A_400 = arith.constant 0 : i32
      %dma_wait3A_401 = arith.constant 1 : i32
      %dma_wait3A_402 = arith.constant 0 : i32
      %dma_wait3A_403 = arith.constant 0 : i32
      %dma_wait3A_404 = tpu.memref_slice %arg6[%dma_wait3A_401, %dma_wait3A_402, %dma_wait3A_403] : memref<6x128x128xf32, #tpu.memory_space<vmem>> -> memref<1x128x128xf32, #tpu.memory_space<vmem>>
      %dma_wait3A_405 = tpu.memref_squeeze %dma_wait3A_404 : memref<1x128x128xf32, #tpu.memory_space<vmem>> -> memref<128x128xf32, #tpu.memory_space<vmem>>
      %dma_wait3A_406 = tpu.memref_slice %arg5[%dma_wait3A_400, %mul3A_298] : memref<1x5000xi32, #tpu.memory_space<vmem>> -> memref<1x128xi32, #tpu.memory_space<vmem>>
      %dma_wait3A_407 = tpu.memref_squeeze %dma_wait3A_406 : memref<1x128xi32, #tpu.memory_space<vmem>> -> memref<128xi32, #tpu.memory_space<vmem>>
      %dma_wait3A_408 = arith.constant 0 : i32
      %dma_wait3A_409 = arith.constant 0 : i32
      %dma_wait3A_410 = tpu.memref_slice %arg2[%dma_wait3A_408, %dma_wait3A_409] : memref<10000x128xf32, #tpu.memory_space<hbm>> -> memref<10000x128xf32, #tpu.memory_space<hbm>>
      tpu.wait_indirect_dma semaphore(%arg7 : memref<!tpu.dma_semaphore, #tpu.memory_space<semaphore_mem>>) src(%dma_wait3A_410 : memref<10000x128xf32, #tpu.memory_space<hbm>>) dst(%dma_wait3A_405 : memref<128x128xf32, #tpu.memory_space<vmem>>)
      %dma_wait3A_411 = arith.constant 0 : i32
      %dma_wait3A_412 = arith.constant 2 : i32
      %dma_wait3A_413 = arith.constant 0 : i32
      %dma_wait3A_414 = arith.constant 0 : i32
      %dma_wait3A_415 = tpu.memref_slice %arg6[%dma_wait3A_412, %dma_wait3A_413, %dma_wait3A_414] : memref<6x128x128xf32, #tpu.memory_space<vmem>> -> memref<1x128x128xf32, #tpu.memory_space<vmem>>
      %dma_wait3A_416 = tpu.memref_squeeze %dma_wait3A_415 : memref<1x128x128xf32, #tpu.memory_space<vmem>> -> memref<128x128xf32, #tpu.memory_space<vmem>>
      %dma_wait3A_417 = tpu.memref_slice %arg5[%dma_wait3A_411, %mul3A_304] : memref<1x5000xi32, #tpu.memory_space<vmem>> -> memref<1x128xi32, #tpu.memory_space<vmem>>
      %dma_wait3A_418 = tpu.memref_squeeze %dma_wait3A_417 : memref<1x128xi32, #tpu.memory_space<vmem>> -> memref<128xi32, #tpu.memory_space<vmem>>
      %dma_wait3A_419 = arith.constant 0 : i32
      %dma_wait3A_420 = arith.constant 0 : i32
      %dma_wait3A_421 = tpu.memref_slice %arg2[%dma_wait3A_419, %dma_wait3A_420] : memref<10000x128xf32, #tpu.memory_space<hbm>> -> memref<10000x128xf32, #tpu.memory_space<hbm>>
      tpu.wait_indirect_dma semaphore(%arg7 : memref<!tpu.dma_semaphore, #tpu.memory_space<semaphore_mem>>) src(%dma_wait3A_421 : memref<10000x128xf32, #tpu.memory_space<hbm>>) dst(%dma_wait3A_416 : memref<128x128xf32, #tpu.memory_space<vmem>>)
      %dma_wait3A_422 = arith.constant 0 : i32
      %dma_wait3A_423 = arith.constant 3 : i32
      %dma_wait3A_424 = arith.constant 0 : i32
      %dma_wait3A_425 = arith.constant 0 : i32
      %dma_wait3A_426 = tpu.memref_slice %arg6[%dma_wait3A_423, %dma_wait3A_424, %dma_wait3A_425] : memref<6x128x128xf32, #tpu.memory_space<vmem>> -> memref<1x128x128xf32, #tpu.memory_space<vmem>>
      %dma_wait3A_427 = tpu.memref_squeeze %dma_wait3A_426 : memref<1x128x128xf32, #tpu.memory_space<vmem>> -> memref<128x128xf32, #tpu.memory_space<vmem>>
      %dma_wait3A_428 = tpu.memref_slice %arg5[%dma_wait3A_422, %mul3A_310] : memref<1x5000xi32, #tpu.memory_space<vmem>> -> memref<1x128xi32, #tpu.memory_space<vmem>>
      %dma_wait3A_429 = tpu.memref_squeeze %dma_wait3A_428 : memref<1x128xi32, #tpu.memory_space<vmem>> -> memref<128xi32, #tpu.memory_space<vmem>>
      %dma_wait3A_430 = arith.constant 0 : i32
      %dma_wait3A_431 = arith.constant 0 : i32
      %dma_wait3A_432 = tpu.memref_slice %arg2[%dma_wait3A_430, %dma_wait3A_431] : memref<10000x128xf32, #tpu.memory_space<hbm>> -> memref<10000x128xf32, #tpu.memory_space<hbm>>
      tpu.wait_indirect_dma semaphore(%arg7 : memref<!tpu.dma_semaphore, #tpu.memory_space<semaphore_mem>>) src(%dma_wait3A_432 : memref<10000x128xf32, #tpu.memory_space<hbm>>) dst(%dma_wait3A_427 : memref<128x128xf32, #tpu.memory_space<vmem>>)
      %dma_wait3A_433 = arith.constant 0 : i32
      %dma_wait3A_434 = arith.constant 4 : i32
      %dma_wait3A_435 = arith.constant 0 : i32
      %dma_wait3A_436 = arith.constant 0 : i32
      %dma_wait3A_437 = tpu.memref_slice %arg6[%dma_wait3A_434, %dma_wait3A_435, %dma_wait3A_436] : memref<6x128x128xf32, #tpu.memory_space<vmem>> -> memref<1x128x128xf32, #tpu.memory_space<vmem>>
      %dma_wait3A_438 = tpu.memref_squeeze %dma_wait3A_437 : memref<1x128x128xf32, #tpu.memory_space<vmem>> -> memref<128x128xf32, #tpu.memory_space<vmem>>
      %dma_wait3A_439 = tpu.memref_slice %arg5[%dma_wait3A_433, %mul3A_316] : memref<1x5000xi32, #tpu.memory_space<vmem>> -> memref<1x128xi32, #tpu.memory_space<vmem>>
      %dma_wait3A_440 = tpu.memref_squeeze %dma_wait3A_439 : memref<1x128xi32, #tpu.memory_space<vmem>> -> memref<128xi32, #tpu.memory_space<vmem>>
      %dma_wait3A_441 = arith.constant 0 : i32
      %dma_wait3A_442 = arith.constant 0 : i32
      %dma_wait3A_443 = tpu.memref_slice %arg2[%dma_wait3A_441, %dma_wait3A_442] : memref<10000x128xf32, #tpu.memory_space<hbm>> -> memref<10000x128xf32, #tpu.memory_space<hbm>>
      tpu.wait_indirect_dma semaphore(%arg7 : memref<!tpu.dma_semaphore, #tpu.memory_space<semaphore_mem>>) src(%dma_wait3A_443 : memref<10000x128xf32, #tpu.memory_space<hbm>>) dst(%dma_wait3A_438 : memref<128x128xf32, #tpu.memory_space<vmem>>)
      %dma_wait3A_444 = arith.constant 0 : i32
      %dma_wait3A_445 = arith.constant 5 : i32
      %dma_wait3A_446 = arith.constant 0 : i32
      %dma_wait3A_447 = arith.constant 0 : i32
      %dma_wait3A_448 = tpu.memref_slice %arg6[%dma_wait3A_445, %dma_wait3A_446, %dma_wait3A_447] : memref<6x128x128xf32, #tpu.memory_space<vmem>> -> memref<1x128x128xf32, #tpu.memory_space<vmem>>
      %dma_wait3A_449 = tpu.memref_squeeze %dma_wait3A_448 : memref<1x128x128xf32, #tpu.memory_space<vmem>> -> memref<128x128xf32, #tpu.memory_space<vmem>>
      %dma_wait3A_450 = tpu.memref_slice %arg5[%dma_wait3A_444, %mul3A_322] : memref<1x5000xi32, #tpu.memory_space<vmem>> -> memref<1x128xi32, #tpu.memory_space<vmem>>
      %dma_wait3A_451 = tpu.memref_squeeze %dma_wait3A_450 : memref<1x128xi32, #tpu.memory_space<vmem>> -> memref<128xi32, #tpu.memory_space<vmem>>
      %dma_wait3A_452 = arith.constant 0 : i32
      %dma_wait3A_453 = arith.constant 0 : i32
      %dma_wait3A_454 = tpu.memref_slice %arg2[%dma_wait3A_452, %dma_wait3A_453] : memref<10000x128xf32, #tpu.memory_space<hbm>> -> memref<10000x128xf32, #tpu.memory_space<hbm>>
      tpu.wait_indirect_dma semaphore(%arg7 : memref<!tpu.dma_semaphore, #tpu.memory_space<semaphore_mem>>) src(%dma_wait3A_454 : memref<10000x128xf32, #tpu.memory_space<hbm>>) dst(%dma_wait3A_449 : memref<128x128xf32, #tpu.memory_space<vmem>>)
      %add3A_455 = arith.addi %mul3A_2, %mul3A_292 : i32
      %dma_start3A_456 = arith.constant 0 : i32
      %dma_start3A_457 = arith.constant 0 : i32
      %dma_start3A_458 = arith.constant 0 : i32
      %dma_start3A_459 = tpu.memref_slice %arg6[%dma_start3A_456, %dma_start3A_457, %dma_start3A_458] : memref<6x128x128xf32, #tpu.memory_space<vmem>> -> memref<1x128x128xf32, #tpu.memory_space<vmem>>
      %dma_start3A_460 = tpu.memref_squeeze %dma_start3A_459 : memref<1x128x128xf32, #tpu.memory_space<vmem>> -> memref<128x128xf32, #tpu.memory_space<vmem>>
      %dma_start3A_461 = arith.constant 0 : i32
      %dma_start3A_462 = tpu.memref_slice %arg4[%add3A_455, %dma_start3A_461] : memref<160000x128xf32, #tpu.memory_space<hbm>> -> memref<128x128xf32, #tpu.memory_space<hbm>>
      %dma_start3A_463 = arith.constant 0 : i32
      %dma_start3A_464 = tpu.memref_slice %arg4[%add3A_455, %dma_start3A_463] : memref<160000x128xf32, #tpu.memory_space<hbm>> -> memref<128x128xf32, #tpu.memory_space<hbm>>
      %dma_start3A_465 = arith.constant 0 : i32
      %dma_start3A_466 = arith.constant 0 : i32
      %dma_start3A_467 = tpu.memref_slice %arg6[%dma_start3A_456, %dma_start3A_465, %dma_start3A_466] : memref<6x128x128xf32, #tpu.memory_space<vmem>> -> memref<1x128x128xf32, #tpu.memory_space<vmem>>
      %dma_start3A_468 = tpu.memref_squeeze %dma_start3A_467 : memref<1x128x128xf32, #tpu.memory_space<vmem>> -> memref<128x128xf32, #tpu.memory_space<vmem>>
      tpu.enqueue_dma source(%dma_start3A_468 : memref<128x128xf32, #tpu.memory_space<vmem>>) target(%dma_start3A_464 : memref<128x128xf32, #tpu.memory_space<hbm>>) target_semaphore(%arg8 : memref<!tpu.dma_semaphore, #tpu.memory_space<semaphore_mem>>)
      %add3A_469 = arith.addi %mul3A_2, %mul3A_298 : i32
      %dma_start3A_470 = arith.constant 1 : i32
      %dma_start3A_471 = arith.constant 0 : i32
      %dma_start3A_472 = arith.constant 0 : i32
      %dma_start3A_473 = tpu.memref_slice %arg6[%dma_start3A_470, %dma_start3A_471, %dma_start3A_472] : memref<6x128x128xf32, #tpu.memory_space<vmem>> -> memref<1x128x128xf32, #tpu.memory_space<vmem>>
      %dma_start3A_474 = tpu.memref_squeeze %dma_start3A_473 : memref<1x128x128xf32, #tpu.memory_space<vmem>> -> memref<128x128xf32, #tpu.memory_space<vmem>>
      %dma_start3A_475 = arith.constant 0 : i32
      %dma_start3A_476 = tpu.memref_slice %arg4[%add3A_469, %dma_start3A_475] : memref<160000x128xf32, #tpu.memory_space<hbm>> -> memref<128x128xf32, #tpu.memory_space<hbm>>
      %dma_start3A_477 = arith.constant 0 : i32
      %dma_start3A_478 = tpu.memref_slice %arg4[%add3A_469, %dma_start3A_477] : memref<160000x128xf32, #tpu.memory_space<hbm>> -> memref<128x128xf32, #tpu.memory_space<hbm>>
      %dma_start3A_479 = arith.constant 0 : i32
      %dma_start3A_480 = arith.constant 0 : i32
      %dma_start3A_481 = tpu.memref_slice %arg6[%dma_start3A_470, %dma_start3A_479, %dma_start3A_480] : memref<6x128x128xf32, #tpu.memory_space<vmem>> -> memref<1x128x128xf32, #tpu.memory_space<vmem>>
      %dma_start3A_482 = tpu.memref_squeeze %dma_start3A_481 : memref<1x128x128xf32, #tpu.memory_space<vmem>> -> memref<128x128xf32, #tpu.memory_space<vmem>>
      tpu.enqueue_dma source(%dma_start3A_482 : memref<128x128xf32, #tpu.memory_space<vmem>>) target(%dma_start3A_478 : memref<128x128xf32, #tpu.memory_space<hbm>>) target_semaphore(%arg8 : memref<!tpu.dma_semaphore, #tpu.memory_space<semaphore_mem>>)
      %add3A_483 = arith.addi %mul3A_2, %mul3A_304 : i32
      %dma_start3A_484 = arith.constant 2 : i32
      %dma_start3A_485 = arith.constant 0 : i32
      %dma_start3A_486 = arith.constant 0 : i32
      %dma_start3A_487 = tpu.memref_slice %arg6[%dma_start3A_484, %dma_start3A_485, %dma_start3A_486] : memref<6x128x128xf32, #tpu.memory_space<vmem>> -> memref<1x128x128xf32, #tpu.memory_space<vmem>>
      %dma_start3A_488 = tpu.memref_squeeze %dma_start3A_487 : memref<1x128x128xf32, #tpu.memory_space<vmem>> -> memref<128x128xf32, #tpu.memory_space<vmem>>
      %dma_start3A_489 = arith.constant 0 : i32
      %dma_start3A_490 = tpu.memref_slice %arg4[%add3A_483, %dma_start3A_489] : memref<160000x128xf32, #tpu.memory_space<hbm>> -> memref<128x128xf32, #tpu.memory_space<hbm>>
      %dma_start3A_491 = arith.constant 0 : i32
      %dma_start3A_492 = tpu.memref_slice %arg4[%add3A_483, %dma_start3A_491] : memref<160000x128xf32, #tpu.memory_space<hbm>> -> memref<128x128xf32, #tpu.memory_space<hbm>>
      %dma_start3A_493 = arith.constant 0 : i32
      %dma_start3A_494 = arith.constant 0 : i32
      %dma_start3A_495 = tpu.memref_slice %arg6[%dma_start3A_484, %dma_start3A_493, %dma_start3A_494] : memref<6x128x128xf32, #tpu.memory_space<vmem>> -> memref<1x128x128xf32, #tpu.memory_space<vmem>>
      %dma_start3A_496 = tpu.memref_squeeze %dma_start3A_495 : memref<1x128x128xf32, #tpu.memory_space<vmem>> -> memref<128x128xf32, #tpu.memory_space<vmem>>
      tpu.enqueue_dma source(%dma_start3A_496 : memref<128x128xf32, #tpu.memory_space<vmem>>) target(%dma_start3A_492 : memref<128x128xf32, #tpu.memory_space<hbm>>) target_semaphore(%arg8 : memref<!tpu.dma_semaphore, #tpu.memory_space<semaphore_mem>>)
      %add3A_497 = arith.addi %mul3A_2, %mul3A_310 : i32
      %dma_start3A_498 = arith.constant 3 : i32
      %dma_start3A_499 = arith.constant 0 : i32
      %dma_start3A_500 = arith.constant 0 : i32
      %dma_start3A_501 = tpu.memref_slice %arg6[%dma_start3A_498, %dma_start3A_499, %dma_start3A_500] : memref<6x128x128xf32, #tpu.memory_space<vmem>> -> memref<1x128x128xf32, #tpu.memory_space<vmem>>
      %dma_start3A_502 = tpu.memref_squeeze %dma_start3A_501 : memref<1x128x128xf32, #tpu.memory_space<vmem>> -> memref<128x128xf32, #tpu.memory_space<vmem>>
      %dma_start3A_503 = arith.constant 0 : i32
      %dma_start3A_504 = tpu.memref_slice %arg4[%add3A_497, %dma_start3A_503] : memref<160000x128xf32, #tpu.memory_space<hbm>> -> memref<128x128xf32, #tpu.memory_space<hbm>>
      %dma_start3A_505 = arith.constant 0 : i32
      %dma_start3A_506 = tpu.memref_slice %arg4[%add3A_497, %dma_start3A_505] : memref<160000x128xf32, #tpu.memory_space<hbm>> -> memref<128x128xf32, #tpu.memory_space<hbm>>
      %dma_start3A_507 = arith.constant 0 : i32
      %dma_start3A_508 = arith.constant 0 : i32
      %dma_start3A_509 = tpu.memref_slice %arg6[%dma_start3A_498, %dma_start3A_507, %dma_start3A_508] : memref<6x128x128xf32, #tpu.memory_space<vmem>> -> memref<1x128x128xf32, #tpu.memory_space<vmem>>
      %dma_start3A_510 = tpu.memref_squeeze %dma_start3A_509 : memref<1x128x128xf32, #tpu.memory_space<vmem>> -> memref<128x128xf32, #tpu.memory_space<vmem>>
      tpu.enqueue_dma source(%dma_start3A_510 : memref<128x128xf32, #tpu.memory_space<vmem>>) target(%dma_start3A_506 : memref<128x128xf32, #tpu.memory_space<hbm>>) target_semaphore(%arg8 : memref<!tpu.dma_semaphore, #tpu.memory_space<semaphore_mem>>)
      %add3A_511 = arith.addi %mul3A_2, %mul3A_316 : i32
      %dma_start3A_512 = arith.constant 4 : i32
      %dma_start3A_513 = arith.constant 0 : i32
      %dma_start3A_514 = arith.constant 0 : i32
      %dma_start3A_515 = tpu.memref_slice %arg6[%dma_start3A_512, %dma_start3A_513, %dma_start3A_514] : memref<6x128x128xf32, #tpu.memory_space<vmem>> -> memref<1x128x128xf32, #tpu.memory_space<vmem>>
      %dma_start3A_516 = tpu.memref_squeeze %dma_start3A_515 : memref<1x128x128xf32, #tpu.memory_space<vmem>> -> memref<128x128xf32, #tpu.memory_space<vmem>>
      %dma_start3A_517 = arith.constant 0 : i32
      %dma_start3A_518 = tpu.memref_slice %arg4[%add3A_511, %dma_start3A_517] : memref<160000x128xf32, #tpu.memory_space<hbm>> -> memref<128x128xf32, #tpu.memory_space<hbm>>
      %dma_start3A_519 = arith.constant 0 : i32
      %dma_start3A_520 = tpu.memref_slice %arg4[%add3A_511, %dma_start3A_519] : memref<160000x128xf32, #tpu.memory_space<hbm>> -> memref<128x128xf32, #tpu.memory_space<hbm>>
      %dma_start3A_521 = arith.constant 0 : i32
      %dma_start3A_522 = arith.constant 0 : i32
      %dma_start3A_523 = tpu.memref_slice %arg6[%dma_start3A_512, %dma_start3A_521, %dma_start3A_522] : memref<6x128x128xf32, #tpu.memory_space<vmem>> -> memref<1x128x128xf32, #tpu.memory_space<vmem>>
      %dma_start3A_524 = tpu.memref_squeeze %dma_start3A_523 : memref<1x128x128xf32, #tpu.memory_space<vmem>> -> memref<128x128xf32, #tpu.memory_space<vmem>>
      tpu.enqueue_dma source(%dma_start3A_524 : memref<128x128xf32, #tpu.memory_space<vmem>>) target(%dma_start3A_520 : memref<128x128xf32, #tpu.memory_space<hbm>>) target_semaphore(%arg8 : memref<!tpu.dma_semaphore, #tpu.memory_space<semaphore_mem>>)
      %add3A_525 = arith.addi %mul3A_2, %mul3A_322 : i32
      %dma_start3A_526 = arith.constant 5 : i32
      %dma_start3A_527 = arith.constant 0 : i32
      %dma_start3A_528 = arith.constant 0 : i32
      %dma_start3A_529 = tpu.memref_slice %arg6[%dma_start3A_526, %dma_start3A_527, %dma_start3A_528] : memref<6x128x128xf32, #tpu.memory_space<vmem>> -> memref<1x128x128xf32, #tpu.memory_space<vmem>>
      %dma_start3A_530 = tpu.memref_squeeze %dma_start3A_529 : memref<1x128x128xf32, #tpu.memory_space<vmem>> -> memref<128x128xf32, #tpu.memory_space<vmem>>
      %dma_start3A_531 = arith.constant 0 : i32
      %dma_start3A_532 = tpu.memref_slice %arg4[%add3A_525, %dma_start3A_531] : memref<160000x128xf32, #tpu.memory_space<hbm>> -> memref<128x128xf32, #tpu.memory_space<hbm>>
      %dma_start3A_533 = arith.constant 0 : i32
      %dma_start3A_534 = tpu.memref_slice %arg4[%add3A_525, %dma_start3A_533] : memref<160000x128xf32, #tpu.memory_space<hbm>> -> memref<128x128xf32, #tpu.memory_space<hbm>>
      %dma_start3A_535 = arith.constant 0 : i32
      %dma_start3A_536 = arith.constant 0 : i32
      %dma_start3A_537 = tpu.memref_slice %arg6[%dma_start3A_526, %dma_start3A_535, %dma_start3A_536] : memref<6x128x128xf32, #tpu.memory_space<vmem>> -> memref<1x128x128xf32, #tpu.memory_space<vmem>>
      %dma_start3A_538 = tpu.memref_squeeze %dma_start3A_537 : memref<1x128x128xf32, #tpu.memory_space<vmem>> -> memref<128x128xf32, #tpu.memory_space<vmem>>
      tpu.enqueue_dma source(%dma_start3A_538 : memref<128x128xf32, #tpu.memory_space<vmem>>) target(%dma_start3A_534 : memref<128x128xf32, #tpu.memory_space<hbm>>) target_semaphore(%arg8 : memref<!tpu.dma_semaphore, #tpu.memory_space<semaphore_mem>>)
    }
    %scan3A_7 = arith.constant 6 : i32
    %dma_wait3A = arith.constant 0 : i32
    %dma_wait3A_8 = arith.constant 0 : i32
    %dma_wait3A_9 = arith.constant 0 : i32
    %dma_wait3A_10 = tpu.memref_slice %arg6[%dma_wait3A, %dma_wait3A_8, %dma_wait3A_9] : memref<6x128x128xf32, #tpu.memory_space<vmem>> -> memref<1x128x128xf32, #tpu.memory_space<vmem>>
    %dma_wait3A_11 = tpu.memref_squeeze %dma_wait3A_10 : memref<1x128x128xf32, #tpu.memory_space<vmem>> -> memref<128x128xf32, #tpu.memory_space<vmem>>
    %dma_wait3A_12 = arith.constant 0 : i32
    %dma_wait3A_13 = arith.constant 0 : i32
    %dma_wait3A_14 = tpu.memref_slice %arg2[%dma_wait3A_12, %dma_wait3A_13] : memref<10000x128xf32, #tpu.memory_space<hbm>> -> memref<128x128xf32, #tpu.memory_space<hbm>>
    %dma_wait3A_15 = arith.constant 0 : i32
    %dma_wait3A_16 = arith.constant 0 : i32
    %dma_wait3A_17 = tpu.memref_slice %arg6[%dma_wait3A, %dma_wait3A_15, %dma_wait3A_16] : memref<6x128x128xf32, #tpu.memory_space<vmem>> -> memref<1x128x128xf32, #tpu.memory_space<vmem>>
    %dma_wait3A_18 = tpu.memref_squeeze %dma_wait3A_17 : memref<1x128x128xf32, #tpu.memory_space<vmem>> -> memref<128x128xf32, #tpu.memory_space<vmem>>
    %dma_wait3A_19 = arith.constant 0 : i32
    %dma_wait3A_20 = arith.constant 0 : i32
    %dma_wait3A_21 = tpu.memref_slice %arg2[%dma_wait3A_19, %dma_wait3A_20] : memref<10000x128xf32, #tpu.memory_space<hbm>> -> memref<128x128xf32, #tpu.memory_space<hbm>>
    tpu.wait_dma2 semaphore(%arg8 : memref<!tpu.dma_semaphore, #tpu.memory_space<semaphore_mem>>) src(%dma_wait3A_21 : memref<128x128xf32, #tpu.memory_space<hbm>>) dst(%dma_wait3A_18 : memref<128x128xf32, #tpu.memory_space<vmem>>)
    %dma_wait3A_22 = arith.constant 1 : i32
    %dma_wait3A_23 = arith.constant 0 : i32
    %dma_wait3A_24 = arith.constant 0 : i32
    %dma_wait3A_25 = tpu.memref_slice %arg6[%dma_wait3A_22, %dma_wait3A_23, %dma_wait3A_24] : memref<6x128x128xf32, #tpu.memory_space<vmem>> -> memref<1x128x128xf32, #tpu.memory_space<vmem>>
    %dma_wait3A_26 = tpu.memref_squeeze %dma_wait3A_25 : memref<1x128x128xf32, #tpu.memory_space<vmem>> -> memref<128x128xf32, #tpu.memory_space<vmem>>
    %dma_wait3A_27 = arith.constant 0 : i32
    %dma_wait3A_28 = arith.constant 0 : i32
    %dma_wait3A_29 = tpu.memref_slice %arg2[%dma_wait3A_27, %dma_wait3A_28] : memref<10000x128xf32, #tpu.memory_space<hbm>> -> memref<128x128xf32, #tpu.memory_space<hbm>>
    %dma_wait3A_30 = arith.constant 0 : i32
    %dma_wait3A_31 = arith.constant 0 : i32
    %dma_wait3A_32 = tpu.memref_slice %arg6[%dma_wait3A_22, %dma_wait3A_30, %dma_wait3A_31] : memref<6x128x128xf32, #tpu.memory_space<vmem>> -> memref<1x128x128xf32, #tpu.memory_space<vmem>>
    %dma_wait3A_33 = tpu.memref_squeeze %dma_wait3A_32 : memref<1x128x128xf32, #tpu.memory_space<vmem>> -> memref<128x128xf32, #tpu.memory_space<vmem>>
    %dma_wait3A_34 = arith.constant 0 : i32
    %dma_wait3A_35 = arith.constant 0 : i32
    %dma_wait3A_36 = tpu.memref_slice %arg2[%dma_wait3A_34, %dma_wait3A_35] : memref<10000x128xf32, #tpu.memory_space<hbm>> -> memref<128x128xf32, #tpu.memory_space<hbm>>
    tpu.wait_dma2 semaphore(%arg8 : memref<!tpu.dma_semaphore, #tpu.memory_space<semaphore_mem>>) src(%dma_wait3A_36 : memref<128x128xf32, #tpu.memory_space<hbm>>) dst(%dma_wait3A_33 : memref<128x128xf32, #tpu.memory_space<vmem>>)
    %dma_wait3A_37 = arith.constant 2 : i32
    %dma_wait3A_38 = arith.constant 0 : i32
    %dma_wait3A_39 = arith.constant 0 : i32
    %dma_wait3A_40 = tpu.memref_slice %arg6[%dma_wait3A_37, %dma_wait3A_38, %dma_wait3A_39] : memref<6x128x128xf32, #tpu.memory_space<vmem>> -> memref<1x128x128xf32, #tpu.memory_space<vmem>>
    %dma_wait3A_41 = tpu.memref_squeeze %dma_wait3A_40 : memref<1x128x128xf32, #tpu.memory_space<vmem>> -> memref<128x128xf32, #tpu.memory_space<vmem>>
    %dma_wait3A_42 = arith.constant 0 : i32
    %dma_wait3A_43 = arith.constant 0 : i32
    %dma_wait3A_44 = tpu.memref_slice %arg2[%dma_wait3A_42, %dma_wait3A_43] : memref<10000x128xf32, #tpu.memory_space<hbm>> -> memref<128x128xf32, #tpu.memory_space<hbm>>
    %dma_wait3A_45 = arith.constant 0 : i32
    %dma_wait3A_46 = arith.constant 0 : i32
    %dma_wait3A_47 = tpu.memref_slice %arg6[%dma_wait3A_37, %dma_wait3A_45, %dma_wait3A_46] : memref<6x128x128xf32, #tpu.memory_space<vmem>> -> memref<1x128x128xf32, #tpu.memory_space<vmem>>
    %dma_wait3A_48 = tpu.memref_squeeze %dma_wait3A_47 : memref<1x128x128xf32, #tpu.memory_space<vmem>> -> memref<128x128xf32, #tpu.memory_space<vmem>>
    %dma_wait3A_49 = arith.constant 0 : i32
    %dma_wait3A_50 = arith.constant 0 : i32
    %dma_wait3A_51 = tpu.memref_slice %arg2[%dma_wait3A_49, %dma_wait3A_50] : memref<10000x128xf32, #tpu.memory_space<hbm>> -> memref<128x128xf32, #tpu.memory_space<hbm>>
    tpu.wait_dma2 semaphore(%arg8 : memref<!tpu.dma_semaphore, #tpu.memory_space<semaphore_mem>>) src(%dma_wait3A_51 : memref<128x128xf32, #tpu.memory_space<hbm>>) dst(%dma_wait3A_48 : memref<128x128xf32, #tpu.memory_space<vmem>>)
    %dma_start3A = arith.constant 0 : i32
    %dma_start3A_52 = arith.constant 0 : i32
    %dma_start3A_53 = arith.constant 0 : i32
    %dma_start3A_54 = arith.constant 0 : i32
    %dma_start3A_55 = tpu.memref_slice %arg6[%dma_start3A_52, %dma_start3A_53, %dma_start3A_54] : memref<6x128x128xf32, #tpu.memory_space<vmem>> -> memref<1x128x128xf32, #tpu.memory_space<vmem>>
    %dma_start3A_56 = tpu.memref_squeeze %dma_start3A_55 : memref<1x128x128xf32, #tpu.memory_space<vmem>> -> memref<128x128xf32, #tpu.memory_space<vmem>>
    %dma_start3A_57 = arith.constant 4608 : i32
    %dma_start3A_58 = tpu.memref_slice %arg5[%dma_start3A, %dma_start3A_57] : memref<1x5000xi32, #tpu.memory_space<vmem>> -> memref<1x128xi32, #tpu.memory_space<vmem>>
    %dma_start3A_59 = tpu.memref_squeeze %dma_start3A_58 : memref<1x128xi32, #tpu.memory_space<vmem>> -> memref<128xi32, #tpu.memory_space<vmem>>
    %dma_start3A_60 = arith.constant 0 : i32
    %dma_start3A_61 = arith.constant 0 : i32
    %dma_start3A_62 = tpu.memref_slice %arg2[%dma_start3A_60, %dma_start3A_61] : memref<10000x128xf32, #tpu.memory_space<hbm>> -> memref<10000x128xf32, #tpu.memory_space<hbm>>
    tpu.enqueue_indirect_dma source(%dma_start3A_62 : memref<10000x128xf32, #tpu.memory_space<hbm>>) target(%dma_start3A_56 : memref<128x128xf32, #tpu.memory_space<vmem>>) offsets(%dma_start3A_59 : memref<128xi32, #tpu.memory_space<vmem>>) semaphore(%arg7 : memref<!tpu.dma_semaphore, #tpu.memory_space<semaphore_mem>>)
    %dma_start3A_63 = arith.constant 0 : i32
    %dma_start3A_64 = arith.constant 1 : i32
    %dma_start3A_65 = arith.constant 0 : i32
    %dma_start3A_66 = arith.constant 0 : i32
    %dma_start3A_67 = tpu.memref_slice %arg6[%dma_start3A_64, %dma_start3A_65, %dma_start3A_66] : memref<6x128x128xf32, #tpu.memory_space<vmem>> -> memref<1x128x128xf32, #tpu.memory_space<vmem>>
    %dma_start3A_68 = tpu.memref_squeeze %dma_start3A_67 : memref<1x128x128xf32, #tpu.memory_space<vmem>> -> memref<128x128xf32, #tpu.memory_space<vmem>>
    %dma_start3A_69 = arith.constant 4736 : i32
    %dma_start3A_70 = tpu.memref_slice %arg5[%dma_start3A_63, %dma_start3A_69] : memref<1x5000xi32, #tpu.memory_space<vmem>> -> memref<1x128xi32, #tpu.memory_space<vmem>>
    %dma_start3A_71 = tpu.memref_squeeze %dma_start3A_70 : memref<1x128xi32, #tpu.memory_space<vmem>> -> memref<128xi32, #tpu.memory_space<vmem>>
    %dma_start3A_72 = arith.constant 0 : i32
    %dma_start3A_73 = arith.constant 0 : i32
    %dma_start3A_74 = tpu.memref_slice %arg2[%dma_start3A_72, %dma_start3A_73] : memref<10000x128xf32, #tpu.memory_space<hbm>> -> memref<10000x128xf32, #tpu.memory_space<hbm>>
    tpu.enqueue_indirect_dma source(%dma_start3A_74 : memref<10000x128xf32, #tpu.memory_space<hbm>>) target(%dma_start3A_68 : memref<128x128xf32, #tpu.memory_space<vmem>>) offsets(%dma_start3A_71 : memref<128xi32, #tpu.memory_space<vmem>>) semaphore(%arg7 : memref<!tpu.dma_semaphore, #tpu.memory_space<semaphore_mem>>)
    %dma_start3A_75 = arith.constant 0 : i32
    %dma_start3A_76 = arith.constant 2 : i32
    %dma_start3A_77 = arith.constant 0 : i32
    %dma_start3A_78 = arith.constant 0 : i32
    %dma_start3A_79 = tpu.memref_slice %arg6[%dma_start3A_76, %dma_start3A_77, %dma_start3A_78] : memref<6x128x128xf32, #tpu.memory_space<vmem>> -> memref<1x128x128xf32, #tpu.memory_space<vmem>>
    %dma_start3A_80 = tpu.memref_squeeze %dma_start3A_79 : memref<1x128x128xf32, #tpu.memory_space<vmem>> -> memref<128x128xf32, #tpu.memory_space<vmem>>
    %dma_start3A_81 = arith.constant 4864 : i32
    %dma_start3A_82 = tpu.memref_slice %arg5[%dma_start3A_75, %dma_start3A_81] : memref<1x5000xi32, #tpu.memory_space<vmem>> -> memref<1x128xi32, #tpu.memory_space<vmem>>
    %dma_start3A_83 = tpu.memref_squeeze %dma_start3A_82 : memref<1x128xi32, #tpu.memory_space<vmem>> -> memref<128xi32, #tpu.memory_space<vmem>>
    %dma_start3A_84 = arith.constant 0 : i32
    %dma_start3A_85 = arith.constant 0 : i32
    %dma_start3A_86 = tpu.memref_slice %arg2[%dma_start3A_84, %dma_start3A_85] : memref<10000x128xf32, #tpu.memory_space<hbm>> -> memref<10000x128xf32, #tpu.memory_space<hbm>>
    tpu.enqueue_indirect_dma source(%dma_start3A_86 : memref<10000x128xf32, #tpu.memory_space<hbm>>) target(%dma_start3A_80 : memref<128x128xf32, #tpu.memory_space<vmem>>) offsets(%dma_start3A_83 : memref<128xi32, #tpu.memory_space<vmem>>) semaphore(%arg7 : memref<!tpu.dma_semaphore, #tpu.memory_space<semaphore_mem>>)
    %dma_wait3A_87 = arith.constant 0 : i32
    %dma_wait3A_88 = arith.constant 0 : i32
    %dma_wait3A_89 = arith.constant 0 : i32
    %dma_wait3A_90 = arith.constant 0 : i32
    %dma_wait3A_91 = tpu.memref_slice %arg6[%dma_wait3A_88, %dma_wait3A_89, %dma_wait3A_90] : memref<6x128x128xf32, #tpu.memory_space<vmem>> -> memref<1x128x128xf32, #tpu.memory_space<vmem>>
    %dma_wait3A_92 = tpu.memref_squeeze %dma_wait3A_91 : memref<1x128x128xf32, #tpu.memory_space<vmem>> -> memref<128x128xf32, #tpu.memory_space<vmem>>
    %dma_wait3A_93 = arith.constant 4608 : i32
    %dma_wait3A_94 = tpu.memref_slice %arg5[%dma_wait3A_87, %dma_wait3A_93] : memref<1x5000xi32, #tpu.memory_space<vmem>> -> memref<1x128xi32, #tpu.memory_space<vmem>>
    %dma_wait3A_95 = tpu.memref_squeeze %dma_wait3A_94 : memref<1x128xi32, #tpu.memory_space<vmem>> -> memref<128xi32, #tpu.memory_space<vmem>>
    %dma_wait3A_96 = arith.constant 0 : i32
    %dma_wait3A_97 = arith.constant 0 : i32
    %dma_wait3A_98 = tpu.memref_slice %arg2[%dma_wait3A_96, %dma_wait3A_97] : memref<10000x128xf32, #tpu.memory_space<hbm>> -> memref<10000x128xf32, #tpu.memory_space<hbm>>
    tpu.wait_indirect_dma semaphore(%arg7 : memref<!tpu.dma_semaphore, #tpu.memory_space<semaphore_mem>>) src(%dma_wait3A_98 : memref<10000x128xf32, #tpu.memory_space<hbm>>) dst(%dma_wait3A_92 : memref<128x128xf32, #tpu.memory_space<vmem>>)
    %dma_wait3A_99 = arith.constant 0 : i32
    %dma_wait3A_100 = arith.constant 1 : i32
    %dma_wait3A_101 = arith.constant 0 : i32
    %dma_wait3A_102 = arith.constant 0 : i32
    %dma_wait3A_103 = tpu.memref_slice %arg6[%dma_wait3A_100, %dma_wait3A_101, %dma_wait3A_102] : memref<6x128x128xf32, #tpu.memory_space<vmem>> -> memref<1x128x128xf32, #tpu.memory_space<vmem>>
    %dma_wait3A_104 = tpu.memref_squeeze %dma_wait3A_103 : memref<1x128x128xf32, #tpu.memory_space<vmem>> -> memref<128x128xf32, #tpu.memory_space<vmem>>
    %dma_wait3A_105 = arith.constant 4736 : i32
    %dma_wait3A_106 = tpu.memref_slice %arg5[%dma_wait3A_99, %dma_wait3A_105] : memref<1x5000xi32, #tpu.memory_space<vmem>> -> memref<1x128xi32, #tpu.memory_space<vmem>>
    %dma_wait3A_107 = tpu.memref_squeeze %dma_wait3A_106 : memref<1x128xi32, #tpu.memory_space<vmem>> -> memref<128xi32, #tpu.memory_space<vmem>>
    %dma_wait3A_108 = arith.constant 0 : i32
    %dma_wait3A_109 = arith.constant 0 : i32
    %dma_wait3A_110 = tpu.memref_slice %arg2[%dma_wait3A_108, %dma_wait3A_109] : memref<10000x128xf32, #tpu.memory_space<hbm>> -> memref<10000x128xf32, #tpu.memory_space<hbm>>
    tpu.wait_indirect_dma semaphore(%arg7 : memref<!tpu.dma_semaphore, #tpu.memory_space<semaphore_mem>>) src(%dma_wait3A_110 : memref<10000x128xf32, #tpu.memory_space<hbm>>) dst(%dma_wait3A_104 : memref<128x128xf32, #tpu.memory_space<vmem>>)
    %dma_wait3A_111 = arith.constant 0 : i32
    %dma_wait3A_112 = arith.constant 2 : i32
    %dma_wait3A_113 = arith.constant 0 : i32
    %dma_wait3A_114 = arith.constant 0 : i32
    %dma_wait3A_115 = tpu.memref_slice %arg6[%dma_wait3A_112, %dma_wait3A_113, %dma_wait3A_114] : memref<6x128x128xf32, #tpu.memory_space<vmem>> -> memref<1x128x128xf32, #tpu.memory_space<vmem>>
    %dma_wait3A_116 = tpu.memref_squeeze %dma_wait3A_115 : memref<1x128x128xf32, #tpu.memory_space<vmem>> -> memref<128x128xf32, #tpu.memory_space<vmem>>
    %dma_wait3A_117 = arith.constant 4864 : i32
    %dma_wait3A_118 = tpu.memref_slice %arg5[%dma_wait3A_111, %dma_wait3A_117] : memref<1x5000xi32, #tpu.memory_space<vmem>> -> memref<1x128xi32, #tpu.memory_space<vmem>>
    %dma_wait3A_119 = tpu.memref_squeeze %dma_wait3A_118 : memref<1x128xi32, #tpu.memory_space<vmem>> -> memref<128xi32, #tpu.memory_space<vmem>>
    %dma_wait3A_120 = arith.constant 0 : i32
    %dma_wait3A_121 = arith.constant 0 : i32
    %dma_wait3A_122 = tpu.memref_slice %arg2[%dma_wait3A_120, %dma_wait3A_121] : memref<10000x128xf32, #tpu.memory_space<hbm>> -> memref<10000x128xf32, #tpu.memory_space<hbm>>
    tpu.wait_indirect_dma semaphore(%arg7 : memref<!tpu.dma_semaphore, #tpu.memory_space<semaphore_mem>>) src(%dma_wait3A_122 : memref<10000x128xf32, #tpu.memory_space<hbm>>) dst(%dma_wait3A_116 : memref<128x128xf32, #tpu.memory_space<vmem>>)
    %add3A_123 = arith.constant 4608 : i32
    %add3A_124 = arith.addi %mul3A_2, %add3A_123 : i32
    %dma_start3A_125 = arith.constant 0 : i32
    %dma_start3A_126 = arith.constant 0 : i32
    %dma_start3A_127 = arith.constant 0 : i32
    %dma_start3A_128 = tpu.memref_slice %arg6[%dma_start3A_125, %dma_start3A_126, %dma_start3A_127] : memref<6x128x128xf32, #tpu.memory_space<vmem>> -> memref<1x128x128xf32, #tpu.memory_space<vmem>>
    %dma_start3A_129 = tpu.memref_squeeze %dma_start3A_128 : memref<1x128x128xf32, #tpu.memory_space<vmem>> -> memref<128x128xf32, #tpu.memory_space<vmem>>
    %dma_start3A_130 = arith.constant 0 : i32
    %dma_start3A_131 = tpu.memref_slice %arg4[%add3A_124, %dma_start3A_130] : memref<160000x128xf32, #tpu.memory_space<hbm>> -> memref<128x128xf32, #tpu.memory_space<hbm>>
    %dma_start3A_132 = arith.constant 0 : i32
    %dma_start3A_133 = tpu.memref_slice %arg4[%add3A_124, %dma_start3A_132] : memref<160000x128xf32, #tpu.memory_space<hbm>> -> memref<128x128xf32, #tpu.memory_space<hbm>>
    %dma_start3A_134 = arith.constant 0 : i32
    %dma_start3A_135 = arith.constant 0 : i32
    %dma_start3A_136 = tpu.memref_slice %arg6[%dma_start3A_125, %dma_start3A_134, %dma_start3A_135] : memref<6x128x128xf32, #tpu.memory_space<vmem>> -> memref<1x128x128xf32, #tpu.memory_space<vmem>>
    %dma_start3A_137 = tpu.memref_squeeze %dma_start3A_136 : memref<1x128x128xf32, #tpu.memory_space<vmem>> -> memref<128x128xf32, #tpu.memory_space<vmem>>
    tpu.enqueue_dma source(%dma_start3A_137 : memref<128x128xf32, #tpu.memory_space<vmem>>) target(%dma_start3A_133 : memref<128x128xf32, #tpu.memory_space<hbm>>) target_semaphore(%arg8 : memref<!tpu.dma_semaphore, #tpu.memory_space<semaphore_mem>>)
    %add3A_138 = arith.constant 4736 : i32
    %add3A_139 = arith.addi %mul3A_2, %add3A_138 : i32
    %dma_start3A_140 = arith.constant 1 : i32
    %dma_start3A_141 = arith.constant 0 : i32
    %dma_start3A_142 = arith.constant 0 : i32
    %dma_start3A_143 = tpu.memref_slice %arg6[%dma_start3A_140, %dma_start3A_141, %dma_start3A_142] : memref<6x128x128xf32, #tpu.memory_space<vmem>> -> memref<1x128x128xf32, #tpu.memory_space<vmem>>
    %dma_start3A_144 = tpu.memref_squeeze %dma_start3A_143 : memref<1x128x128xf32, #tpu.memory_space<vmem>> -> memref<128x128xf32, #tpu.memory_space<vmem>>
    %dma_start3A_145 = arith.constant 0 : i32
    %dma_start3A_146 = tpu.memref_slice %arg4[%add3A_139, %dma_start3A_145] : memref<160000x128xf32, #tpu.memory_space<hbm>> -> memref<128x128xf32, #tpu.memory_space<hbm>>
    %dma_start3A_147 = arith.constant 0 : i32
    %dma_start3A_148 = tpu.memref_slice %arg4[%add3A_139, %dma_start3A_147] : memref<160000x128xf32, #tpu.memory_space<hbm>> -> memref<128x128xf32, #tpu.memory_space<hbm>>
    %dma_start3A_149 = arith.constant 0 : i32
    %dma_start3A_150 = arith.constant 0 : i32
    %dma_start3A_151 = tpu.memref_slice %arg6[%dma_start3A_140, %dma_start3A_149, %dma_start3A_150] : memref<6x128x128xf32, #tpu.memory_space<vmem>> -> memref<1x128x128xf32, #tpu.memory_space<vmem>>
    %dma_start3A_152 = tpu.memref_squeeze %dma_start3A_151 : memref<1x128x128xf32, #tpu.memory_space<vmem>> -> memref<128x128xf32, #tpu.memory_space<vmem>>
    tpu.enqueue_dma source(%dma_start3A_152 : memref<128x128xf32, #tpu.memory_space<vmem>>) target(%dma_start3A_148 : memref<128x128xf32, #tpu.memory_space<hbm>>) target_semaphore(%arg8 : memref<!tpu.dma_semaphore, #tpu.memory_space<semaphore_mem>>)
    %add3A_153 = arith.constant 4864 : i32
    %add3A_154 = arith.addi %mul3A_2, %add3A_153 : i32
    %dma_start3A_155 = arith.constant 2 : i32
    %dma_start3A_156 = arith.constant 0 : i32
    %dma_start3A_157 = arith.constant 0 : i32
    %dma_start3A_158 = tpu.memref_slice %arg6[%dma_start3A_155, %dma_start3A_156, %dma_start3A_157] : memref<6x128x128xf32, #tpu.memory_space<vmem>> -> memref<1x128x128xf32, #tpu.memory_space<vmem>>
    %dma_start3A_159 = tpu.memref_squeeze %dma_start3A_158 : memref<1x128x128xf32, #tpu.memory_space<vmem>> -> memref<128x128xf32, #tpu.memory_space<vmem>>
    %dma_start3A_160 = arith.constant 0 : i32
    %dma_start3A_161 = tpu.memref_slice %arg4[%add3A_154, %dma_start3A_160] : memref<160000x128xf32, #tpu.memory_space<hbm>> -> memref<128x128xf32, #tpu.memory_space<hbm>>
    %dma_start3A_162 = arith.constant 0 : i32
    %dma_start3A_163 = tpu.memref_slice %arg4[%add3A_154, %dma_start3A_162] : memref<160000x128xf32, #tpu.memory_space<hbm>> -> memref<128x128xf32, #tpu.memory_space<hbm>>
    %dma_start3A_164 = arith.constant 0 : i32
    %dma_start3A_165 = arith.constant 0 : i32
    %dma_start3A_166 = tpu.memref_slice %arg6[%dma_start3A_155, %dma_start3A_164, %dma_start3A_165] : memref<6x128x128xf32, #tpu.memory_space<vmem>> -> memref<1x128x128xf32, #tpu.memory_space<vmem>>
    %dma_start3A_167 = tpu.memref_squeeze %dma_start3A_166 : memref<1x128x128xf32, #tpu.memory_space<vmem>> -> memref<128x128xf32, #tpu.memory_space<vmem>>
    tpu.enqueue_dma source(%dma_start3A_167 : memref<128x128xf32, #tpu.memory_space<vmem>>) target(%dma_start3A_163 : memref<128x128xf32, #tpu.memory_space<hbm>>) target_semaphore(%arg8 : memref<!tpu.dma_semaphore, #tpu.memory_space<semaphore_mem>>)
    %dma_wait3A_168 = arith.constant 0 : i32
    %dma_wait3A_169 = arith.constant 0 : i32
    %dma_wait3A_170 = arith.constant 0 : i32
    %dma_wait3A_171 = tpu.memref_slice %arg6[%dma_wait3A_168, %dma_wait3A_169, %dma_wait3A_170] : memref<6x128x128xf32, #tpu.memory_space<vmem>> -> memref<1x128x128xf32, #tpu.memory_space<vmem>>
    %dma_wait3A_172 = tpu.memref_squeeze %dma_wait3A_171 : memref<1x128x128xf32, #tpu.memory_space<vmem>> -> memref<128x128xf32, #tpu.memory_space<vmem>>
    %dma_wait3A_173 = arith.constant 0 : i32
    %dma_wait3A_174 = arith.constant 0 : i32
    %dma_wait3A_175 = tpu.memref_slice %arg2[%dma_wait3A_173, %dma_wait3A_174] : memref<10000x128xf32, #tpu.memory_space<hbm>> -> memref<128x128xf32, #tpu.memory_space<hbm>>
    %dma_wait3A_176 = arith.constant 0 : i32
    %dma_wait3A_177 = arith.constant 0 : i32
    %dma_wait3A_178 = tpu.memref_slice %arg6[%dma_wait3A_168, %dma_wait3A_176, %dma_wait3A_177] : memref<6x128x128xf32, #tpu.memory_space<vmem>> -> memref<1x128x128xf32, #tpu.memory_space<vmem>>
    %dma_wait3A_179 = tpu.memref_squeeze %dma_wait3A_178 : memref<1x128x128xf32, #tpu.memory_space<vmem>> -> memref<128x128xf32, #tpu.memory_space<vmem>>
    %dma_wait3A_180 = arith.constant 0 : i32
    %dma_wait3A_181 = arith.constant 0 : i32
    %dma_wait3A_182 = tpu.memref_slice %arg2[%dma_wait3A_180, %dma_wait3A_181] : memref<10000x128xf32, #tpu.memory_space<hbm>> -> memref<128x128xf32, #tpu.memory_space<hbm>>
    tpu.wait_dma2 semaphore(%arg8 : memref<!tpu.dma_semaphore, #tpu.memory_space<semaphore_mem>>) src(%dma_wait3A_182 : memref<128x128xf32, #tpu.memory_space<hbm>>) dst(%dma_wait3A_179 : memref<128x128xf32, #tpu.memory_space<vmem>>)
    %dma_wait3A_183 = arith.constant 1 : i32
    %dma_wait3A_184 = arith.constant 0 : i32
    %dma_wait3A_185 = arith.constant 0 : i32
    %dma_wait3A_186 = tpu.memref_slice %arg6[%dma_wait3A_183, %dma_wait3A_184, %dma_wait3A_185] : memref<6x128x128xf32, #tpu.memory_space<vmem>> -> memref<1x128x128xf32, #tpu.memory_space<vmem>>
    %dma_wait3A_187 = tpu.memref_squeeze %dma_wait3A_186 : memref<1x128x128xf32, #tpu.memory_space<vmem>> -> memref<128x128xf32, #tpu.memory_space<vmem>>
    %dma_wait3A_188 = arith.constant 0 : i32
    %dma_wait3A_189 = arith.constant 0 : i32
    %dma_wait3A_190 = tpu.memref_slice %arg2[%dma_wait3A_188, %dma_wait3A_189] : memref<10000x128xf32, #tpu.memory_space<hbm>> -> memref<128x128xf32, #tpu.memory_space<hbm>>
    %dma_wait3A_191 = arith.constant 0 : i32
    %dma_wait3A_192 = arith.constant 0 : i32
    %dma_wait3A_193 = tpu.memref_slice %arg6[%dma_wait3A_183, %dma_wait3A_191, %dma_wait3A_192] : memref<6x128x128xf32, #tpu.memory_space<vmem>> -> memref<1x128x128xf32, #tpu.memory_space<vmem>>
    %dma_wait3A_194 = tpu.memref_squeeze %dma_wait3A_193 : memref<1x128x128xf32, #tpu.memory_space<vmem>> -> memref<128x128xf32, #tpu.memory_space<vmem>>
    %dma_wait3A_195 = arith.constant 0 : i32
    %dma_wait3A_196 = arith.constant 0 : i32
    %dma_wait3A_197 = tpu.memref_slice %arg2[%dma_wait3A_195, %dma_wait3A_196] : memref<10000x128xf32, #tpu.memory_space<hbm>> -> memref<128x128xf32, #tpu.memory_space<hbm>>
    tpu.wait_dma2 semaphore(%arg8 : memref<!tpu.dma_semaphore, #tpu.memory_space<semaphore_mem>>) src(%dma_wait3A_197 : memref<128x128xf32, #tpu.memory_space<hbm>>) dst(%dma_wait3A_194 : memref<128x128xf32, #tpu.memory_space<vmem>>)
    %dma_wait3A_198 = arith.constant 2 : i32
    %dma_wait3A_199 = arith.constant 0 : i32
    %dma_wait3A_200 = arith.constant 0 : i32
    %dma_wait3A_201 = tpu.memref_slice %arg6[%dma_wait3A_198, %dma_wait3A_199, %dma_wait3A_200] : memref<6x128x128xf32, #tpu.memory_space<vmem>> -> memref<1x128x128xf32, #tpu.memory_space<vmem>>
    %dma_wait3A_202 = tpu.memref_squeeze %dma_wait3A_201 : memref<1x128x128xf32, #tpu.memory_space<vmem>> -> memref<128x128xf32, #tpu.memory_space<vmem>>
    %dma_wait3A_203 = arith.constant 0 : i32
    %dma_wait3A_204 = arith.constant 0 : i32
    %dma_wait3A_205 = tpu.memref_slice %arg2[%dma_wait3A_203, %dma_wait3A_204] : memref<10000x128xf32, #tpu.memory_space<hbm>> -> memref<128x128xf32, #tpu.memory_space<hbm>>
    %dma_wait3A_206 = arith.constant 0 : i32
    %dma_wait3A_207 = arith.constant 0 : i32
    %dma_wait3A_208 = tpu.memref_slice %arg6[%dma_wait3A_198, %dma_wait3A_206, %dma_wait3A_207] : memref<6x128x128xf32, #tpu.memory_space<vmem>> -> memref<1x128x128xf32, #tpu.memory_space<vmem>>
    %dma_wait3A_209 = tpu.memref_squeeze %dma_wait3A_208 : memref<1x128x128xf32, #tpu.memory_space<vmem>> -> memref<128x128xf32, #tpu.memory_space<vmem>>
    %dma_wait3A_210 = arith.constant 0 : i32
    %dma_wait3A_211 = arith.constant 0 : i32
    %dma_wait3A_212 = tpu.memref_slice %arg2[%dma_wait3A_210, %dma_wait3A_211] : memref<10000x128xf32, #tpu.memory_space<hbm>> -> memref<128x128xf32, #tpu.memory_space<hbm>>
    tpu.wait_dma2 semaphore(%arg8 : memref<!tpu.dma_semaphore, #tpu.memory_space<semaphore_mem>>) src(%dma_wait3A_212 : memref<128x128xf32, #tpu.memory_space<hbm>>) dst(%dma_wait3A_209 : memref<128x128xf32, #tpu.memory_space<vmem>>)
    %dma_wait3A_213 = arith.constant 3 : i32
    %dma_wait3A_214 = arith.constant 0 : i32
    %dma_wait3A_215 = arith.constant 0 : i32
    %dma_wait3A_216 = tpu.memref_slice %arg6[%dma_wait3A_213, %dma_wait3A_214, %dma_wait3A_215] : memref<6x128x128xf32, #tpu.memory_space<vmem>> -> memref<1x128x128xf32, #tpu.memory_space<vmem>>
    %dma_wait3A_217 = tpu.memref_squeeze %dma_wait3A_216 : memref<1x128x128xf32, #tpu.memory_space<vmem>> -> memref<128x128xf32, #tpu.memory_space<vmem>>
    %dma_wait3A_218 = arith.constant 0 : i32
    %dma_wait3A_219 = arith.constant 0 : i32
    %dma_wait3A_220 = tpu.memref_slice %arg2[%dma_wait3A_218, %dma_wait3A_219] : memref<10000x128xf32, #tpu.memory_space<hbm>> -> memref<128x128xf32, #tpu.memory_space<hbm>>
    %dma_wait3A_221 = arith.constant 0 : i32
    %dma_wait3A_222 = arith.constant 0 : i32
    %dma_wait3A_223 = tpu.memref_slice %arg6[%dma_wait3A_213, %dma_wait3A_221, %dma_wait3A_222] : memref<6x128x128xf32, #tpu.memory_space<vmem>> -> memref<1x128x128xf32, #tpu.memory_space<vmem>>
    %dma_wait3A_224 = tpu.memref_squeeze %dma_wait3A_223 : memref<1x128x128xf32, #tpu.memory_space<vmem>> -> memref<128x128xf32, #tpu.memory_space<vmem>>
    %dma_wait3A_225 = arith.constant 0 : i32
    %dma_wait3A_226 = arith.constant 0 : i32
    %dma_wait3A_227 = tpu.memref_slice %arg2[%dma_wait3A_225, %dma_wait3A_226] : memref<10000x128xf32, #tpu.memory_space<hbm>> -> memref<128x128xf32, #tpu.memory_space<hbm>>
    tpu.wait_dma2 semaphore(%arg8 : memref<!tpu.dma_semaphore, #tpu.memory_space<semaphore_mem>>) src(%dma_wait3A_227 : memref<128x128xf32, #tpu.memory_space<hbm>>) dst(%dma_wait3A_224 : memref<128x128xf32, #tpu.memory_space<vmem>>)
    %dma_wait3A_228 = arith.constant 4 : i32
    %dma_wait3A_229 = arith.constant 0 : i32
    %dma_wait3A_230 = arith.constant 0 : i32
    %dma_wait3A_231 = tpu.memref_slice %arg6[%dma_wait3A_228, %dma_wait3A_229, %dma_wait3A_230] : memref<6x128x128xf32, #tpu.memory_space<vmem>> -> memref<1x128x128xf32, #tpu.memory_space<vmem>>
    %dma_wait3A_232 = tpu.memref_squeeze %dma_wait3A_231 : memref<1x128x128xf32, #tpu.memory_space<vmem>> -> memref<128x128xf32, #tpu.memory_space<vmem>>
    %dma_wait3A_233 = arith.constant 0 : i32
    %dma_wait3A_234 = arith.constant 0 : i32
    %dma_wait3A_235 = tpu.memref_slice %arg2[%dma_wait3A_233, %dma_wait3A_234] : memref<10000x128xf32, #tpu.memory_space<hbm>> -> memref<128x128xf32, #tpu.memory_space<hbm>>
    %dma_wait3A_236 = arith.constant 0 : i32
    %dma_wait3A_237 = arith.constant 0 : i32
    %dma_wait3A_238 = tpu.memref_slice %arg6[%dma_wait3A_228, %dma_wait3A_236, %dma_wait3A_237] : memref<6x128x128xf32, #tpu.memory_space<vmem>> -> memref<1x128x128xf32, #tpu.memory_space<vmem>>
    %dma_wait3A_239 = tpu.memref_squeeze %dma_wait3A_238 : memref<1x128x128xf32, #tpu.memory_space<vmem>> -> memref<128x128xf32, #tpu.memory_space<vmem>>
    %dma_wait3A_240 = arith.constant 0 : i32
    %dma_wait3A_241 = arith.constant 0 : i32
    %dma_wait3A_242 = tpu.memref_slice %arg2[%dma_wait3A_240, %dma_wait3A_241] : memref<10000x128xf32, #tpu.memory_space<hbm>> -> memref<128x128xf32, #tpu.memory_space<hbm>>
    tpu.wait_dma2 semaphore(%arg8 : memref<!tpu.dma_semaphore, #tpu.memory_space<semaphore_mem>>) src(%dma_wait3A_242 : memref<128x128xf32, #tpu.memory_space<hbm>>) dst(%dma_wait3A_239 : memref<128x128xf32, #tpu.memory_space<vmem>>)
    %dma_wait3A_243 = arith.constant 5 : i32
    %dma_wait3A_244 = arith.constant 0 : i32
    %dma_wait3A_245 = arith.constant 0 : i32
    %dma_wait3A_246 = tpu.memref_slice %arg6[%dma_wait3A_243, %dma_wait3A_244, %dma_wait3A_245] : memref<6x128x128xf32, #tpu.memory_space<vmem>> -> memref<1x128x128xf32, #tpu.memory_space<vmem>>
    %dma_wait3A_247 = tpu.memref_squeeze %dma_wait3A_246 : memref<1x128x128xf32, #tpu.memory_space<vmem>> -> memref<128x128xf32, #tpu.memory_space<vmem>>
    %dma_wait3A_248 = arith.constant 0 : i32
    %dma_wait3A_249 = arith.constant 0 : i32
    %dma_wait3A_250 = tpu.memref_slice %arg2[%dma_wait3A_248, %dma_wait3A_249] : memref<10000x128xf32, #tpu.memory_space<hbm>> -> memref<128x128xf32, #tpu.memory_space<hbm>>
    %dma_wait3A_251 = arith.constant 0 : i32
    %dma_wait3A_252 = arith.constant 0 : i32
    %dma_wait3A_253 = tpu.memref_slice %arg6[%dma_wait3A_243, %dma_wait3A_251, %dma_wait3A_252] : memref<6x128x128xf32, #tpu.memory_space<vmem>> -> memref<1x128x128xf32, #tpu.memory_space<vmem>>
    %dma_wait3A_254 = tpu.memref_squeeze %dma_wait3A_253 : memref<1x128x128xf32, #tpu.memory_space<vmem>> -> memref<128x128xf32, #tpu.memory_space<vmem>>
    %dma_wait3A_255 = arith.constant 0 : i32
    %dma_wait3A_256 = arith.constant 0 : i32
    %dma_wait3A_257 = tpu.memref_slice %arg2[%dma_wait3A_255, %dma_wait3A_256] : memref<10000x128xf32, #tpu.memory_space<hbm>> -> memref<128x128xf32, #tpu.memory_space<hbm>>
    tpu.wait_dma2 semaphore(%arg8 : memref<!tpu.dma_semaphore, #tpu.memory_space<semaphore_mem>>) src(%dma_wait3A_257 : memref<128x128xf32, #tpu.memory_space<hbm>>) dst(%dma_wait3A_254 : memref<128x128xf32, #tpu.memory_space<vmem>>)
    %dma_start3A_258 = arith.constant 0 : i32
    %dma_start3A_259 = arith.constant 0 : i32
    %dma_start3A_260 = arith.constant 0 : i32
    %dma_start3A_261 = arith.constant 0 : i32
    %dma_start3A_262 = tpu.memref_slice %arg6[%dma_start3A_259, %dma_start3A_260, %dma_start3A_261] : memref<6x128x128xf32, #tpu.memory_space<vmem>> -> memref<1x8x128xf32, #tpu.memory_space<vmem>>
    %dma_start3A_263 = tpu.memref_squeeze %dma_start3A_262 : memref<1x8x128xf32, #tpu.memory_space<vmem>> -> memref<8x128xf32, #tpu.memory_space<vmem>>
    %dma_start3A_264 = arith.constant 4992 : i32
    %dma_start3A_265 = tpu.memref_slice %arg5[%dma_start3A_258, %dma_start3A_264] : memref<1x5000xi32, #tpu.memory_space<vmem>> -> memref<1x8xi32, #tpu.memory_space<vmem>>
    %dma_start3A_266 = tpu.memref_squeeze %dma_start3A_265 : memref<1x8xi32, #tpu.memory_space<vmem>> -> memref<8xi32, #tpu.memory_space<vmem>>
    %dma_start3A_267 = arith.constant 0 : i32
    %dma_start3A_268 = arith.constant 0 : i32
    %dma_start3A_269 = tpu.memref_slice %arg2[%dma_start3A_267, %dma_start3A_268] : memref<10000x128xf32, #tpu.memory_space<hbm>> -> memref<10000x128xf32, #tpu.memory_space<hbm>>
    tpu.enqueue_indirect_dma source(%dma_start3A_269 : memref<10000x128xf32, #tpu.memory_space<hbm>>) target(%dma_start3A_263 : memref<8x128xf32, #tpu.memory_space<vmem>>) offsets(%dma_start3A_266 : memref<8xi32, #tpu.memory_space<vmem>>) semaphore(%arg7 : memref<!tpu.dma_semaphore, #tpu.memory_space<semaphore_mem>>)
    %dma_wait3A_270 = arith.constant 0 : i32
    %dma_wait3A_271 = arith.constant 0 : i32
    %dma_wait3A_272 = arith.constant 0 : i32
    %dma_wait3A_273 = arith.constant 0 : i32
    %dma_wait3A_274 = tpu.memref_slice %arg6[%dma_wait3A_271, %dma_wait3A_272, %dma_wait3A_273] : memref<6x128x128xf32, #tpu.memory_space<vmem>> -> memref<1x8x128xf32, #tpu.memory_space<vmem>>
    %dma_wait3A_275 = tpu.memref_squeeze %dma_wait3A_274 : memref<1x8x128xf32, #tpu.memory_space<vmem>> -> memref<8x128xf32, #tpu.memory_space<vmem>>
    %dma_wait3A_276 = arith.constant 4992 : i32
    %dma_wait3A_277 = tpu.memref_slice %arg5[%dma_wait3A_270, %dma_wait3A_276] : memref<1x5000xi32, #tpu.memory_space<vmem>> -> memref<1x8xi32, #tpu.memory_space<vmem>>
    %dma_wait3A_278 = tpu.memref_squeeze %dma_wait3A_277 : memref<1x8xi32, #tpu.memory_space<vmem>> -> memref<8xi32, #tpu.memory_space<vmem>>
    %dma_wait3A_279 = arith.constant 0 : i32
    %dma_wait3A_280 = arith.constant 0 : i32
    %dma_wait3A_281 = tpu.memref_slice %arg2[%dma_wait3A_279, %dma_wait3A_280] : memref<10000x128xf32, #tpu.memory_space<hbm>> -> memref<10000x128xf32, #tpu.memory_space<hbm>>
    tpu.wait_indirect_dma semaphore(%arg7 : memref<!tpu.dma_semaphore, #tpu.memory_space<semaphore_mem>>) src(%dma_wait3A_281 : memref<10000x128xf32, #tpu.memory_space<hbm>>) dst(%dma_wait3A_275 : memref<8x128xf32, #tpu.memory_space<vmem>>)
    %add3A_282 = arith.constant 4992 : i32
    %add3A_283 = arith.addi %mul3A_2, %add3A_282 : i32
    %run_scoped3A = arith.constant 0 : i32
    "tpu.region"() ({
      %run_scoped3A_284 = tpu.sem_alloc : memref<!tpu.dma_semaphore, #tpu.memory_space<semaphore_mem>>
      %dma_start3A_285 = arith.constant 0 : i32
      %dma_start3A_286 = arith.constant 0 : i32
      %dma_start3A_287 = tpu.memref_slice %arg6[%run_scoped3A, %dma_start3A_285, %dma_start3A_286] : memref<6x128x128xf32, #tpu.memory_space<vmem>> -> memref<1x8x128xf32, #tpu.memory_space<vmem>>
      %dma_start3A_288 = tpu.memref_squeeze %dma_start3A_287 : memref<1x8x128xf32, #tpu.memory_space<vmem>> -> memref<8x128xf32, #tpu.memory_space<vmem>>
      %dma_start3A_289 = arith.constant 0 : i32
      %dma_start3A_290 = tpu.memref_slice %arg4[%add3A_283, %dma_start3A_289] : memref<160000x128xf32, #tpu.memory_space<hbm>> -> memref<8x128xf32, #tpu.memory_space<hbm>>
      %dma_start3A_291 = arith.constant 0 : i32
      %dma_start3A_292 = tpu.memref_slice %arg4[%add3A_283, %dma_start3A_291] : memref<160000x128xf32, #tpu.memory_space<hbm>> -> memref<8x128xf32, #tpu.memory_space<hbm>>
      %dma_start3A_293 = arith.constant 0 : i32
      %dma_start3A_294 = arith.constant 0 : i32
      %dma_start3A_295 = tpu.memref_slice %arg6[%run_scoped3A, %dma_start3A_293, %dma_start3A_294] : memref<6x128x128xf32, #tpu.memory_space<vmem>> -> memref<1x8x128xf32, #tpu.memory_space<vmem>>
      %dma_start3A_296 = tpu.memref_squeeze %dma_start3A_295 : memref<1x8x128xf32, #tpu.memory_space<vmem>> -> memref<8x128xf32, #tpu.memory_space<vmem>>
      tpu.enqueue_dma source(%dma_start3A_296 : memref<8x128xf32, #tpu.memory_space<vmem>>) target(%dma_start3A_292 : memref<8x128xf32, #tpu.memory_space<hbm>>) target_semaphore(%run_scoped3A_284 : memref<!tpu.dma_semaphore, #tpu.memory_space<semaphore_mem>>)
      %dma_wait3A_297 = arith.constant 0 : i32
      %dma_wait3A_298 = arith.constant 0 : i32
      %dma_wait3A_299 = tpu.memref_slice %arg6[%run_scoped3A, %dma_wait3A_297, %dma_wait3A_298] : memref<6x128x128xf32, #tpu.memory_space<vmem>> -> memref<1x8x128xf32, #tpu.memory_space<vmem>>
      %dma_wait3A_300 = tpu.memref_squeeze %dma_wait3A_299 : memref<1x8x128xf32, #tpu.memory_space<vmem>> -> memref<8x128xf32, #tpu.memory_space<vmem>>
      %dma_wait3A_301 = arith.constant 0 : i32
      %dma_wait3A_302 = tpu.memref_slice %arg4[%add3A_283, %dma_wait3A_301] : memref<160000x128xf32, #tpu.memory_space<hbm>> -> memref<8x128xf32, #tpu.memory_space<hbm>>
      %dma_wait3A_303 = arith.constant 0 : i32
      %dma_wait3A_304 = tpu.memref_slice %arg4[%add3A_283, %dma_wait3A_303] : memref<160000x128xf32, #tpu.memory_space<hbm>> -> memref<8x128xf32, #tpu.memory_space<hbm>>
      %dma_wait3A_305 = arith.constant 0 : i32
      %dma_wait3A_306 = arith.constant 0 : i32
      %dma_wait3A_307 = tpu.memref_slice %arg6[%run_scoped3A, %dma_wait3A_305, %dma_wait3A_306] : memref<6x128x128xf32, #tpu.memory_space<vmem>> -> memref<1x8x128xf32, #tpu.memory_space<vmem>>
      %dma_wait3A_308 = tpu.memref_squeeze %dma_wait3A_307 : memref<1x8x128xf32, #tpu.memory_space<vmem>> -> memref<8x128xf32, #tpu.memory_space<vmem>>
      tpu.wait_dma2 semaphore(%run_scoped3A_284 : memref<!tpu.dma_semaphore, #tpu.memory_space<semaphore_mem>>) src(%dma_wait3A_308 : memref<8x128xf32, #tpu.memory_space<vmem>>) dst(%dma_wait3A_304 : memref<8x128xf32, #tpu.memory_space<hbm>>)
      tpu.yield
    }) : () -> ()
    return
  }
}

#map = affine_map<(d0, d1) -> (0, 0)>
#map1 = affine_map<(d0, d1) -> (0, 0, 0)>
module attributes {stable_mosaic.version = 14 : i64} {
  func.func @k(%arg0: i32, %arg1: i32, %arg2: memref<10000x128xf32, #tpu.memory_space<hbm>>, %arg3: memref<32x1x5000xi32, #tpu.memory_space<hbm>>, %arg4: memref<160000x128xf32, #tpu.memory_space<hbm>>, %arg5: memref<1x5000xi32, #tpu.memory_space<vmem>>, %arg6: memref<6x128x128xf32, #tpu.memory_space<vmem>>, %arg7: memref<!tpu.dma_semaphore, #tpu.memory_space<semaphore_mem>>, %arg8: memref<!tpu.dma_semaphore, #tpu.memory_space<semaphore_mem>>) attributes {dimension_semantics = [#tpu.dimension_semantics<core_parallel>, #tpu.dimension_semantics<subcore_parallel>], iteration_bounds = array<i64: 2, 16>, scalar_prefetch = 0 : i64, scratch_operands = 4 : i64, tpu.core_type = #tpu.core_type<sc_vector_subcore>, window_params = [{transform_indices = #map}, {transform_indices = #map1}, {transform_indices = #map}]} {
    %mul3A = arith.constant 2 : i32
    %mul3A_0 = arith.muli %arg1, %mul3A : i32
    %add3A = arith.addi %mul3A_0, %arg0 : i32
    "tpu.region"() ({
      %run_scoped3A_284 = tpu.sem_alloc : memref<!tpu.dma_semaphore, #tpu.memory_space<semaphore_mem>>
      %dma_start3A_285 = arith.constant 0 : i32
      %dma_start3A_286 = arith.constant 0 : i32
      %dma_start3A_287 = tpu.memref_slice %arg3[%add3A, %dma_start3A_285, %dma_start3A_286] : memref<32x1x5000xi32, #tpu.memory_space<hbm>> -> memref<1x1x5000xi32, #tpu.memory_space<hbm>>
      %dma_start3A_288 = tpu.memref_squeeze %dma_start3A_287 : memref<1x1x5000xi32, #tpu.memory_space<hbm>> -> memref<1x5000xi32, #tpu.memory_space<hbm>>
      %dma_start3A_289 = arith.constant 0 : i32
      %dma_start3A_290 = arith.constant 0 : i32
      %dma_start3A_291 = tpu.memref_slice %arg3[%add3A, %dma_start3A_289, %dma_start3A_290] : memref<32x1x5000xi32, #tpu.memory_space<hbm>> -> memref<1x1x5000xi32, #tpu.memory_space<hbm>>
      %dma_start3A_292 = tpu.memref_squeeze %dma_start3A_291 : memref<1x1x5000xi32, #tpu.memory_space<hbm>> -> memref<1x5000xi32, #tpu.memory_space<hbm>>
      tpu.enqueue_dma source(%dma_start3A_292 : memref<1x5000xi32, #tpu.memory_space<hbm>>) target(%arg5 : memref<1x5000xi32, #tpu.memory_space<vmem>>) target_semaphore(%run_scoped3A_284 : memref<!tpu.dma_semaphore, #tpu.memory_space<semaphore_mem>>)
      %dma_wait3A_293 = arith.constant 0 : i32
      %dma_wait3A_294 = arith.constant 0 : i32
      %dma_wait3A_295 = tpu.memref_slice %arg3[%add3A, %dma_wait3A_293, %dma_wait3A_294] : memref<32x1x5000xi32, #tpu.memory_space<hbm>> -> memref<1x1x5000xi32, #tpu.memory_space<hbm>>
      %dma_wait3A_296 = tpu.memref_squeeze %dma_wait3A_295 : memref<1x1x5000xi32, #tpu.memory_space<hbm>> -> memref<1x5000xi32, #tpu.memory_space<hbm>>
      %dma_wait3A_297 = arith.constant 0 : i32
      %dma_wait3A_298 = arith.constant 0 : i32
      %dma_wait3A_299 = tpu.memref_slice %arg3[%add3A, %dma_wait3A_297, %dma_wait3A_298] : memref<32x1x5000xi32, #tpu.memory_space<hbm>> -> memref<1x1x5000xi32, #tpu.memory_space<hbm>>
      %dma_wait3A_300 = tpu.memref_squeeze %dma_wait3A_299 : memref<1x1x5000xi32, #tpu.memory_space<hbm>> -> memref<1x5000xi32, #tpu.memory_space<hbm>>
      tpu.wait_dma2 semaphore(%run_scoped3A_284 : memref<!tpu.dma_semaphore, #tpu.memory_space<semaphore_mem>>) src(%dma_wait3A_300 : memref<1x5000xi32, #tpu.memory_space<hbm>>) dst(%arg5 : memref<1x5000xi32, #tpu.memory_space<vmem>>)
      tpu.yield
    }) : () -> ()
    %mul3A_1 = arith.constant 5000 : i32
    %mul3A_2 = arith.muli %add3A, %mul3A_1 : i32
    %scan3A = arith.constant 0 : i32
    %scan3A_3 = arith.constant 0 : i32
    %scan3A_4 = arith.constant 6 : i32
    %scan3A_5 = arith.addi %scan3A_3, %scan3A_4 : i32
    %scan3A_6 = arith.constant 1 : i32
    scf.for %scan3A_284 = %scan3A_3 to %scan3A_5 step %scan3A_6  : i32 {
      %gt3A = arith.constant 0 : i32
      %gt3A_285 = arith.cmpi sgt, %scan3A_284, %gt3A : i32
      %convert_element_type3A = arith.extui %gt3A_285 : i1 to i32
      %cond3A = arith.constant 0 : i32
      %cond3A_286 = arith.cmpi ne, %convert_element_type3A, %cond3A : i32
      scf.if %cond3A_286 {
        %dma_wait3A_539 = arith.constant 0 : i32
        %dma_wait3A_540 = arith.constant 0 : i32
        %dma_wait3A_541 = arith.constant 0 : i32
        %dma_wait3A_542 = tpu.memref_slice %arg6[%dma_wait3A_539, %dma_wait3A_540, %dma_wait3A_541] : memref<6x128x128xf32, #tpu.memory_space<vmem>> -> memref<1x128x128xf32, #tpu.memory_space<vmem>>
        %dma_wait3A_543 = tpu.memref_squeeze %dma_wait3A_542 : memref<1x128x128xf32, #tpu.memory_space<vmem>> -> memref<128x128xf32, #tpu.memory_space<vmem>>
        %dma_wait3A_544 = arith.constant 0 : i32
        %dma_wait3A_545 = arith.constant 0 : i32
        %dma_wait3A_546 = tpu.memref_slice %arg2[%dma_wait3A_544, %dma_wait3A_545] : memref<10000x128xf32, #tpu.memory_space<hbm>> -> memref<128x128xf32, #tpu.memory_space<hbm>>
        %dma_wait3A_547 = arith.constant 0 : i32
        %dma_wait3A_548 = arith.constant 0 : i32
        %dma_wait3A_549 = tpu.memref_slice %arg6[%dma_wait3A_539, %dma_wait3A_547, %dma_wait3A_548] : memref<6x128x128xf32, #tpu.memory_space<vmem>> -> memref<1x128x128xf32, #tpu.memory_space<vmem>>
        %dma_wait3A_550 = tpu.memref_squeeze %dma_wait3A_549 : memref<1x128x128xf32, #tpu.memory_space<vmem>> -> memref<128x128xf32, #tpu.memory_space<vmem>>
        %dma_wait3A_551 = arith.constant 0 : i32
        %dma_wait3A_552 = arith.constant 0 : i32
        %dma_wait3A_553 = tpu.memref_slice %arg2[%dma_wait3A_551, %dma_wait3A_552] : memref<10000x128xf32, #tpu.memory_space<hbm>> -> memref<128x128xf32, #tpu.memory_space<hbm>>
        tpu.wait_dma2 semaphore(%arg8 : memref<!tpu.dma_semaphore, #tpu.memory_space<semaphore_mem>>) src(%dma_wait3A_553 : memref<128x128xf32, #tpu.memory_space<hbm>>) dst(%dma_wait3A_550 : memref<128x128xf32, #tpu.memory_space<vmem>>)
        %dma_wait3A_554 = arith.constant 1 : i32
        %dma_wait3A_555 = arith.constant 0 : i32
        %dma_wait3A_556 = arith.constant 0 : i32
        %dma_wait3A_557 = tpu.memref_slice %arg6[%dma_wait3A_554, %dma_wait3A_555, %dma_wait3A_556] : memref<6x128x128xf32, #tpu.memory_space<vmem>> -> memref<1x128x128xf32, #tpu.memory_space<vmem>>
        %dma_wait3A_558 = tpu.memref_squeeze %dma_wait3A_557 : memref<1x128x128xf32, #tpu.memory_space<vmem>> -> memref<128x128xf32, #tpu.memory_space<vmem>>
        %dma_wait3A_559 = arith.constant 0 : i32
        %dma_wait3A_560 = arith.constant 0 : i32
        %dma_wait3A_561 = tpu.memref_slice %arg2[%dma_wait3A_559, %dma_wait3A_560] : memref<10000x128xf32, #tpu.memory_space<hbm>> -> memref<128x128xf32, #tpu.memory_space<hbm>>
        %dma_wait3A_562 = arith.constant 0 : i32
        %dma_wait3A_563 = arith.constant 0 : i32
        %dma_wait3A_564 = tpu.memref_slice %arg6[%dma_wait3A_554, %dma_wait3A_562, %dma_wait3A_563] : memref<6x128x128xf32, #tpu.memory_space<vmem>> -> memref<1x128x128xf32, #tpu.memory_space<vmem>>
        %dma_wait3A_565 = tpu.memref_squeeze %dma_wait3A_564 : memref<1x128x128xf32, #tpu.memory_space<vmem>> -> memref<128x128xf32, #tpu.memory_space<vmem>>
        %dma_wait3A_566 = arith.constant 0 : i32
        %dma_wait3A_567 = arith.constant 0 : i32
        %dma_wait3A_568 = tpu.memref_slice %arg2[%dma_wait3A_566, %dma_wait3A_567] : memref<10000x128xf32, #tpu.memory_space<hbm>> -> memref<128x128xf32, #tpu.memory_space<hbm>>
        tpu.wait_dma2 semaphore(%arg8 : memref<!tpu.dma_semaphore, #tpu.memory_space<semaphore_mem>>) src(%dma_wait3A_568 : memref<128x128xf32, #tpu.memory_space<hbm>>) dst(%dma_wait3A_565 : memref<128x128xf32, #tpu.memory_space<vmem>>)
        %dma_wait3A_569 = arith.constant 2 : i32
        %dma_wait3A_570 = arith.constant 0 : i32
        %dma_wait3A_571 = arith.constant 0 : i32
        %dma_wait3A_572 = tpu.memref_slice %arg6[%dma_wait3A_569, %dma_wait3A_570, %dma_wait3A_571] : memref<6x128x128xf32, #tpu.memory_space<vmem>> -> memref<1x128x128xf32, #tpu.memory_space<vmem>>
        %dma_wait3A_573 = tpu.memref_squeeze %dma_wait3A_572 : memref<1x128x128xf32, #tpu.memory_space<vmem>> -> memref<128x128xf32, #tpu.memory_space<vmem>>
        %dma_wait3A_574 = arith.constant 0 : i32
        %dma_wait3A_575 = arith.constant 0 : i32
        %dma_wait3A_576 = tpu.memref_slice %arg2[%dma_wait3A_574, %dma_wait3A_575] : memref<10000x128xf32, #tpu.memory_space<hbm>> -> memref<128x128xf32, #tpu.memory_space<hbm>>
        %dma_wait3A_577 = arith.constant 0 : i32
        %dma_wait3A_578 = arith.constant 0 : i32
        %dma_wait3A_579 = tpu.memref_slice %arg6[%dma_wait3A_569, %dma_wait3A_577, %dma_wait3A_578] : memref<6x128x128xf32, #tpu.memory_space<vmem>> -> memref<1x128x128xf32, #tpu.memory_space<vmem>>
        %dma_wait3A_580 = tpu.memref_squeeze %dma_wait3A_579 : memref<1x128x128xf32, #tpu.memory_space<vmem>> -> memref<128x128xf32, #tpu.memory_space<vmem>>
        %dma_wait3A_581 = arith.constant 0 : i32
        %dma_wait3A_582 = arith.constant 0 : i32
        %dma_wait3A_583 = tpu.memref_slice %arg2[%dma_wait3A_581, %dma_wait3A_582] : memref<10000x128xf32, #tpu.memory_space<hbm>> -> memref<128x128xf32, #tpu.memory_space<hbm>>
        tpu.wait_dma2 semaphore(%arg8 : memref<!tpu.dma_semaphore, #tpu.memory_space<semaphore_mem>>) src(%dma_wait3A_583 : memref<128x128xf32, #tpu.memory_space<hbm>>) dst(%dma_wait3A_580 : memref<128x128xf32, #tpu.memory_space<vmem>>)
        %dma_wait3A_584 = arith.constant 3 : i32
        %dma_wait3A_585 = arith.constant 0 : i32
        %dma_wait3A_586 = arith.constant 0 : i32
        %dma_wait3A_587 = tpu.memref_slice %arg6[%dma_wait3A_584, %dma_wait3A_585, %dma_wait3A_586] : memref<6x128x128xf32, #tpu.memory_space<vmem>> -> memref<1x128x128xf32, #tpu.memory_space<vmem>>
        %dma_wait3A_588 = tpu.memref_squeeze %dma_wait3A_587 : memref<1x128x128xf32, #tpu.memory_space<vmem>> -> memref<128x128xf32, #tpu.memory_space<vmem>>
        %dma_wait3A_589 = arith.constant 0 : i32
        %dma_wait3A_590 = arith.constant 0 : i32
        %dma_wait3A_591 = tpu.memref_slice %arg2[%dma_wait3A_589, %dma_wait3A_590] : memref<10000x128xf32, #tpu.memory_space<hbm>> -> memref<128x128xf32, #tpu.memory_space<hbm>>
        %dma_wait3A_592 = arith.constant 0 : i32
        %dma_wait3A_593 = arith.constant 0 : i32
        %dma_wait3A_594 = tpu.memref_slice %arg6[%dma_wait3A_584, %dma_wait3A_592, %dma_wait3A_593] : memref<6x128x128xf32, #tpu.memory_space<vmem>> -> memref<1x128x128xf32, #tpu.memory_space<vmem>>
        %dma_wait3A_595 = tpu.memref_squeeze %dma_wait3A_594 : memref<1x128x128xf32, #tpu.memory_space<vmem>> -> memref<128x128xf32, #tpu.memory_space<vmem>>
        %dma_wait3A_596 = arith.constant 0 : i32
        %dma_wait3A_597 = arith.constant 0 : i32
        %dma_wait3A_598 = tpu.memref_slice %arg2[%dma_wait3A_596, %dma_wait3A_597] : memref<10000x128xf32, #tpu.memory_space<hbm>> -> memref<128x128xf32, #tpu.memory_space<hbm>>
        tpu.wait_dma2 semaphore(%arg8 : memref<!tpu.dma_semaphore, #tpu.memory_space<semaphore_mem>>) src(%dma_wait3A_598 : memref<128x128xf32, #tpu.memory_space<hbm>>) dst(%dma_wait3A_595 : memref<128x128xf32, #tpu.memory_space<vmem>>)
        %dma_wait3A_599 = arith.constant 4 : i32
        %dma_wait3A_600 = arith.constant 0 : i32
        %dma_wait3A_601 = arith.constant 0 : i32
        %dma_wait3A_602 = tpu.memref_slice %arg6[%dma_wait3A_599, %dma_wait3A_600, %dma_wait3A_601] : memref<6x128x128xf32, #tpu.memory_space<vmem>> -> memref<1x128x128xf32, #tpu.memory_space<vmem>>
        %dma_wait3A_603 = tpu.memref_squeeze %dma_wait3A_602 : memref<1x128x128xf32, #tpu.memory_space<vmem>> -> memref<128x128xf32, #tpu.memory_space<vmem>>
        %dma_wait3A_604 = arith.constant 0 : i32
        %dma_wait3A_605 = arith.constant 0 : i32
        %dma_wait3A_606 = tpu.memref_slice %arg2[%dma_wait3A_604, %dma_wait3A_605] : memref<10000x128xf32, #tpu.memory_space<hbm>> -> memref<128x128xf32, #tpu.memory_space<hbm>>
        %dma_wait3A_607 = arith.constant 0 : i32
        %dma_wait3A_608 = arith.constant 0 : i32
        %dma_wait3A_609 = tpu.memref_slice %arg6[%dma_wait3A_599, %dma_wait3A_607, %dma_wait3A_608] : memref<6x128x128xf32, #tpu.memory_space<vmem>> -> memref<1x128x128xf32, #tpu.memory_space<vmem>>
        %dma_wait3A_610 = tpu.memref_squeeze %dma_wait3A_609 : memref<1x128x128xf32, #tpu.memory_space<vmem>> -> memref<128x128xf32, #tpu.memory_space<vmem>>
        %dma_wait3A_611 = arith.constant 0 : i32
        %dma_wait3A_612 = arith.constant 0 : i32
        %dma_wait3A_613 = tpu.memref_slice %arg2[%dma_wait3A_611, %dma_wait3A_612] : memref<10000x128xf32, #tpu.memory_space<hbm>> -> memref<128x128xf32, #tpu.memory_space<hbm>>
        tpu.wait_dma2 semaphore(%arg8 : memref<!tpu.dma_semaphore, #tpu.memory_space<semaphore_mem>>) src(%dma_wait3A_613 : memref<128x128xf32, #tpu.memory_space<hbm>>) dst(%dma_wait3A_610 : memref<128x128xf32, #tpu.memory_space<vmem>>)
        %dma_wait3A_614 = arith.constant 5 : i32
        %dma_wait3A_615 = arith.constant 0 : i32
        %dma_wait3A_616 = arith.constant 0 : i32
        %dma_wait3A_617 = tpu.memref_slice %arg6[%dma_wait3A_614, %dma_wait3A_615, %dma_wait3A_616] : memref<6x128x128xf32, #tpu.memory_space<vmem>> -> memref<1x128x128xf32, #tpu.memory_space<vmem>>
        %dma_wait3A_618 = tpu.memref_squeeze %dma_wait3A_617 : memref<1x128x128xf32, #tpu.memory_space<vmem>> -> memref<128x128xf32, #tpu.memory_space<vmem>>
        %dma_wait3A_619 = arith.constant 0 : i32
        %dma_wait3A_620 = arith.constant 0 : i32
        %dma_wait3A_621 = tpu.memref_slice %arg2[%dma_wait3A_619, %dma_wait3A_620] : memref<10000x128xf32, #tpu.memory_space<hbm>> -> memref<128x128xf32, #tpu.memory_space<hbm>>
        %dma_wait3A_622 = arith.constant 0 : i32
        %dma_wait3A_623 = arith.constant 0 : i32
        %dma_wait3A_624 = tpu.memref_slice %arg6[%dma_wait3A_614, %dma_wait3A_622, %dma_wait3A_623] : memref<6x128x128xf32, #tpu.memory_space<vmem>> -> memref<1x128x128xf32, #tpu.memory_space<vmem>>
        %dma_wait3A_625 = tpu.memref_squeeze %dma_wait3A_624 : memref<1x128x128xf32, #tpu.memory_space<vmem>> -> memref<128x128xf32, #tpu.memory_space<vmem>>
        %dma_wait3A_626 = arith.constant 0 : i32
        %dma_wait3A_627 = arith.constant 0 : i32
        %dma_wait3A_628 = tpu.memref_slice %arg2[%dma_wait3A_626, %dma_wait3A_627] : memref<10000x128xf32, #tpu.memory_space<hbm>> -> memref<128x128xf32, #tpu.memory_space<hbm>>
        tpu.wait_dma2 semaphore(%arg8 : memref<!tpu.dma_semaphore, #tpu.memory_space<semaphore_mem>>) src(%dma_wait3A_628 : memref<128x128xf32, #tpu.memory_space<hbm>>) dst(%dma_wait3A_625 : memref<128x128xf32, #tpu.memory_space<vmem>>)
      } else {
      }
      %mul3A_287 = arith.constant 6 : i32
      %mul3A_288 = arith.muli %scan3A_284, %mul3A_287 : i32
      %add3A_289 = arith.constant 0 : i32
      %add3A_290 = arith.addi %mul3A_288, %add3A_289 : i32
      %mul3A_291 = arith.constant 128 : i32
      %mul3A_292 = arith.muli %add3A_290, %mul3A_291 : i32
      %mul3A_293 = arith.constant 6 : i32
      %mul3A_294 = arith.muli %scan3A_284, %mul3A_293 : i32
      %add3A_295 = arith.constant 1 : i32
      %add3A_296 = arith.addi %mul3A_294, %add3A_295 : i32
      %mul3A_297 = arith.constant 128 : i32
      %mul3A_298 = arith.muli %add3A_296, %mul3A_297 : i32
      %mul3A_299 = arith.constant 6 : i32
      %mul3A_300 = arith.muli %scan3A_284, %mul3A_299 : i32
      %add3A_301 = arith.constant 2 : i32
      %add3A_302 = arith.addi %mul3A_300, %add3A_301 : i32
      %mul3A_303 = arith.constant 128 : i32
      %mul3A_304 = arith.muli %add3A_302, %mul3A_303 : i32
      %mul3A_305 = arith.constant 6 : i32
      %mul3A_306 = arith.muli %scan3A_284, %mul3A_305 : i32
      %add3A_307 = arith.constant 3 : i32
      %add3A_308 = arith.addi %mul3A_306, %add3A_307 : i32
      %mul3A_309 = arith.constant 128 : i32
      %mul3A_310 = arith.muli %add3A_308, %mul3A_309 : i32
      %mul3A_311 = arith.constant 6 : i32
      %mul3A_312 = arith.muli %scan3A_284, %mul3A_311 : i32
      %add3A_313 = arith.constant 4 : i32
      %add3A_314 = arith.addi %mul3A_312, %add3A_313 : i32
      %mul3A_315 = arith.constant 128 : i32
      %mul3A_316 = arith.muli %add3A_314, %mul3A_315 : i32
      %mul3A_317 = arith.constant 6 : i32
      %mul3A_318 = arith.muli %scan3A_284, %mul3A_317 : i32
      %add3A_319 = arith.constant 5 : i32
      %add3A_320 = arith.addi %mul3A_318, %add3A_319 : i32
      %mul3A_321 = arith.constant 128 : i32
      %mul3A_322 = arith.muli %add3A_320, %mul3A_321 : i32
      %dma_start3A_323 = arith.constant 0 : i32
      %dma_start3A_324 = arith.constant 0 : i32
      %dma_start3A_325 = arith.constant 0 : i32
      %dma_start3A_326 = arith.constant 0 : i32
      %dma_start3A_327 = tpu.memref_slice %arg6[%dma_start3A_324, %dma_start3A_325, %dma_start3A_326] : memref<6x128x128xf32, #tpu.memory_space<vmem>> -> memref<1x128x128xf32, #tpu.memory_space<vmem>>
      %dma_start3A_328 = tpu.memref_squeeze %dma_start3A_327 : memref<1x128x128xf32, #tpu.memory_space<vmem>> -> memref<128x128xf32, #tpu.memory_space<vmem>>
      %dma_start3A_329 = tpu.memref_slice %arg5[%dma_start3A_323, %mul3A_292] : memref<1x5000xi32, #tpu.memory_space<vmem>> -> memref<1x128xi32, #tpu.memory_space<vmem>>
      %dma_start3A_330 = tpu.memref_squeeze %dma_start3A_329 : memref<1x128xi32, #tpu.memory_space<vmem>> -> memref<128xi32, #tpu.memory_space<vmem>>
      %dma_start3A_331 = arith.constant 0 : i32
      %dma_start3A_332 = arith.constant 0 : i32
      %dma_start3A_333 = tpu.memref_slice %arg2[%dma_start3A_331, %dma_start3A_332] : memref<10000x128xf32, #tpu.memory_space<hbm>> -> memref<10000x128xf32, #tpu.memory_space<hbm>>
      tpu.enqueue_indirect_dma source(%dma_start3A_333 : memref<10000x128xf32, #tpu.memory_space<hbm>>) target(%dma_start3A_328 : memref<128x128xf32, #tpu.memory_space<vmem>>) offsets(%dma_start3A_330 : memref<128xi32, #tpu.memory_space<vmem>>) semaphore(%arg7 : memref<!tpu.dma_semaphore, #tpu.memory_space<semaphore_mem>>)
      %dma_start3A_334 = arith.constant 0 : i32
      %dma_start3A_335 = arith.constant 1 : i32
      %dma_start3A_336 = arith.constant 0 : i32
      %dma_start3A_337 = arith.constant 0 : i32
      %dma_start3A_338 = tpu.memref_slice %arg6[%dma_start3A_335, %dma_start3A_336, %dma_start3A_337] : memref<6x128x128xf32, #tpu.memory_space<vmem>> -> memref<1x128x128xf32, #tpu.memory_space<vmem>>
      %dma_start3A_339 = tpu.memref_squeeze %dma_start3A_338 : memref<1x128x128xf32, #tpu.memory_space<vmem>> -> memref<128x128xf32, #tpu.memory_space<vmem>>
      %dma_start3A_340 = tpu.memref_slice %arg5[%dma_start3A_334, %mul3A_298] : memref<1x5000xi32, #tpu.memory_space<vmem>> -> memref<1x128xi32, #tpu.memory_space<vmem>>
      %dma_start3A_341 = tpu.memref_squeeze %dma_start3A_340 : memref<1x128xi32, #tpu.memory_space<vmem>> -> memref<128xi32, #tpu.memory_space<vmem>>
      %dma_start3A_342 = arith.constant 0 : i32
      %dma_start3A_343 = arith.constant 0 : i32
      %dma_start3A_344 = tpu.memref_slice %arg2[%dma_start3A_342, %dma_start3A_343] : memref<10000x128xf32, #tpu.memory_space<hbm>> -> memref<10000x128xf32, #tpu.memory_space<hbm>>
      tpu.enqueue_indirect_dma source(%dma_start3A_344 : memref<10000x128xf32, #tpu.memory_space<hbm>>) target(%dma_start3A_339 : memref<128x128xf32, #tpu.memory_space<vmem>>) offsets(%dma_start3A_341 : memref<128xi32, #tpu.memory_space<vmem>>) semaphore(%arg7 : memref<!tpu.dma_semaphore, #tpu.memory_space<semaphore_mem>>)
      %dma_start3A_345 = arith.constant 0 : i32
      %dma_start3A_346 = arith.constant 2 : i32
      %dma_start3A_347 = arith.constant 0 : i32
      %dma_start3A_348 = arith.constant 0 : i32
      %dma_start3A_349 = tpu.memref_slice %arg6[%dma_start3A_346, %dma_start3A_347, %dma_start3A_348] : memref<6x128x128xf32, #tpu.memory_space<vmem>> -> memref<1x128x128xf32, #tpu.memory_space<vmem>>
      %dma_start3A_350 = tpu.memref_squeeze %dma_start3A_349 : memref<1x128x128xf32, #tpu.memory_space<vmem>> -> memref<128x128xf32, #tpu.memory_space<vmem>>
      %dma_start3A_351 = tpu.memref_slice %arg5[%dma_start3A_345, %mul3A_304] : memref<1x5000xi32, #tpu.memory_space<vmem>> -> memref<1x128xi32, #tpu.memory_space<vmem>>
      %dma_start3A_352 = tpu.memref_squeeze %dma_start3A_351 : memref<1x128xi32, #tpu.memory_space<vmem>> -> memref<128xi32, #tpu.memory_space<vmem>>
      %dma_start3A_353 = arith.constant 0 : i32
      %dma_start3A_354 = arith.constant 0 : i32
      %dma_start3A_355 = tpu.memref_slice %arg2[%dma_start3A_353, %dma_start3A_354] : memref<10000x128xf32, #tpu.memory_space<hbm>> -> memref<10000x128xf32, #tpu.memory_space<hbm>>
      tpu.enqueue_indirect_dma source(%dma_start3A_355 : memref<10000x128xf32, #tpu.memory_space<hbm>>) target(%dma_start3A_350 : memref<128x128xf32, #tpu.memory_space<vmem>>) offsets(%dma_start3A_352 : memref<128xi32, #tpu.memory_space<vmem>>) semaphore(%arg7 : memref<!tpu.dma_semaphore, #tpu.memory_space<semaphore_mem>>)
      %dma_start3A_356 = arith.constant 0 : i32
      %dma_start3A_357 = arith.constant 3 : i32
      %dma_start3A_358 = arith.constant 0 : i32
      %dma_start3A_359 = arith.constant 0 : i32
      %dma_start3A_360 = tpu.memref_slice %arg6[%dma_start3A_357, %dma_start3A_358, %dma_start3A_359] : memref<6x128x128xf32, #tpu.memory_space<vmem>> -> memref<1x128x128xf32, #tpu.memory_space<vmem>>
      %dma_start3A_361 = tpu.memref_squeeze %dma_start3A_360 : memref<1x128x128xf32, #tpu.memory_space<vmem>> -> memref<128x128xf32, #tpu.memory_space<vmem>>
      %dma_start3A_362 = tpu.memref_slice %arg5[%dma_start3A_356, %mul3A_310] : memref<1x5000xi32, #tpu.memory_space<vmem>> -> memref<1x128xi32, #tpu.memory_space<vmem>>
      %dma_start3A_363 = tpu.memref_squeeze %dma_start3A_362 : memref<1x128xi32, #tpu.memory_space<vmem>> -> memref<128xi32, #tpu.memory_space<vmem>>
      %dma_start3A_364 = arith.constant 0 : i32
      %dma_start3A_365 = arith.constant 0 : i32
      %dma_start3A_366 = tpu.memref_slice %arg2[%dma_start3A_364, %dma_start3A_365] : memref<10000x128xf32, #tpu.memory_space<hbm>> -> memref<10000x128xf32, #tpu.memory_space<hbm>>
      tpu.enqueue_indirect_dma source(%dma_start3A_366 : memref<10000x128xf32, #tpu.memory_space<hbm>>) target(%dma_start3A_361 : memref<128x128xf32, #tpu.memory_space<vmem>>) offsets(%dma_start3A_363 : memref<128xi32, #tpu.memory_space<vmem>>) semaphore(%arg7 : memref<!tpu.dma_semaphore, #tpu.memory_space<semaphore_mem>>)
      %dma_start3A_367 = arith.constant 0 : i32
      %dma_start3A_368 = arith.constant 4 : i32
      %dma_start3A_369 = arith.constant 0 : i32
      %dma_start3A_370 = arith.constant 0 : i32
      %dma_start3A_371 = tpu.memref_slice %arg6[%dma_start3A_368, %dma_start3A_369, %dma_start3A_370] : memref<6x128x128xf32, #tpu.memory_space<vmem>> -> memref<1x128x128xf32, #tpu.memory_space<vmem>>
      %dma_start3A_372 = tpu.memref_squeeze %dma_start3A_371 : memref<1x128x128xf32, #tpu.memory_space<vmem>> -> memref<128x128xf32, #tpu.memory_space<vmem>>
      %dma_start3A_373 = tpu.memref_slice %arg5[%dma_start3A_367, %mul3A_316] : memref<1x5000xi32, #tpu.memory_space<vmem>> -> memref<1x128xi32, #tpu.memory_space<vmem>>
      %dma_start3A_374 = tpu.memref_squeeze %dma_start3A_373 : memref<1x128xi32, #tpu.memory_space<vmem>> -> memref<128xi32, #tpu.memory_space<vmem>>
      %dma_start3A_375 = arith.constant 0 : i32
      %dma_start3A_376 = arith.constant 0 : i32
      %dma_start3A_377 = tpu.memref_slice %arg2[%dma_start3A_375, %dma_start3A_376] : memref<10000x128xf32, #tpu.memory_space<hbm>> -> memref<10000x128xf32, #tpu.memory_space<hbm>>
      tpu.enqueue_indirect_dma source(%dma_start3A_377 : memref<10000x128xf32, #tpu.memory_space<hbm>>) target(%dma_start3A_372 : memref<128x128xf32, #tpu.memory_space<vmem>>) offsets(%dma_start3A_374 : memref<128xi32, #tpu.memory_space<vmem>>) semaphore(%arg7 : memref<!tpu.dma_semaphore, #tpu.memory_space<semaphore_mem>>)
      %dma_start3A_378 = arith.constant 0 : i32
      %dma_start3A_379 = arith.constant 5 : i32
      %dma_start3A_380 = arith.constant 0 : i32
      %dma_start3A_381 = arith.constant 0 : i32
      %dma_start3A_382 = tpu.memref_slice %arg6[%dma_start3A_379, %dma_start3A_380, %dma_start3A_381] : memref<6x128x128xf32, #tpu.memory_space<vmem>> -> memref<1x128x128xf32, #tpu.memory_space<vmem>>
      %dma_start3A_383 = tpu.memref_squeeze %dma_start3A_382 : memref<1x128x128xf32, #tpu.memory_space<vmem>> -> memref<128x128xf32, #tpu.memory_space<vmem>>
      %dma_start3A_384 = tpu.memref_slice %arg5[%dma_start3A_378, %mul3A_322] : memref<1x5000xi32, #tpu.memory_space<vmem>> -> memref<1x128xi32, #tpu.memory_space<vmem>>
      %dma_start3A_385 = tpu.memref_squeeze %dma_start3A_384 : memref<1x128xi32, #tpu.memory_space<vmem>> -> memref<128xi32, #tpu.memory_space<vmem>>
      %dma_start3A_386 = arith.constant 0 : i32
      %dma_start3A_387 = arith.constant 0 : i32
      %dma_start3A_388 = tpu.memref_slice %arg2[%dma_start3A_386, %dma_start3A_387] : memref<10000x128xf32, #tpu.memory_space<hbm>> -> memref<10000x128xf32, #tpu.memory_space<hbm>>
      tpu.enqueue_indirect_dma source(%dma_start3A_388 : memref<10000x128xf32, #tpu.memory_space<hbm>>) target(%dma_start3A_383 : memref<128x128xf32, #tpu.memory_space<vmem>>) offsets(%dma_start3A_385 : memref<128xi32, #tpu.memory_space<vmem>>) semaphore(%arg7 : memref<!tpu.dma_semaphore, #tpu.memory_space<semaphore_mem>>)
      %dma_wait3A_389 = arith.constant 0 : i32
      %dma_wait3A_390 = arith.constant 0 : i32
      %dma_wait3A_391 = arith.constant 0 : i32
      %dma_wait3A_392 = arith.constant 0 : i32
      %dma_wait3A_393 = tpu.memref_slice %arg6[%dma_wait3A_390, %dma_wait3A_391, %dma_wait3A_392] : memref<6x128x128xf32, #tpu.memory_space<vmem>> -> memref<1x128x128xf32, #tpu.memory_space<vmem>>
      %dma_wait3A_394 = tpu.memref_squeeze %dma_wait3A_393 : memref<1x128x128xf32, #tpu.memory_space<vmem>> -> memref<128x128xf32, #tpu.memory_space<vmem>>
      %dma_wait3A_395 = tpu.memref_slice %arg5[%dma_wait3A_389, %mul3A_292] : memref<1x5000xi32, #tpu.memory_space<vmem>> -> memref<1x128xi32, #tpu.memory_space<vmem>>
      %dma_wait3A_396 = tpu.memref_squeeze %dma_wait3A_395 : memref<1x128xi32, #tpu.memory_space<vmem>> -> memref<128xi32, #tpu.memory_space<vmem>>
      %dma_wait3A_397 = arith.constant 0 : i32
      %dma_wait3A_398 = arith.constant 0 : i32
      %dma_wait3A_399 = tpu.memref_slice %arg2[%dma_wait3A_397, %dma_wait3A_398] : memref<10000x128xf32, #tpu.memory_space<hbm>> -> memref<10000x128xf32, #tpu.memory_space<hbm>>
      tpu.wait_indirect_dma semaphore(%arg7 : memref<!tpu.dma_semaphore, #tpu.memory_space<semaphore_mem>>) src(%dma_wait3A_399 : memref<10000x128xf32, #tpu.memory_space<hbm>>) dst(%dma_wait3A_394 : memref<128x128xf32, #tpu.memory_space<vmem>>)
      %dma_wait3A_400 = arith.constant 0 : i32
      %dma_wait3A_401 = arith.constant 1 : i32
      %dma_wait3A_402 = arith.constant 0 : i32
      %dma_wait3A_403 = arith.constant 0 : i32
      %dma_wait3A_404 = tpu.memref_slice %arg6[%dma_wait3A_401, %dma_wait3A_402, %dma_wait3A_403] : memref<6x128x128xf32, #tpu.memory_space<vmem>> -> memref<1x128x128xf32, #tpu.memory_space<vmem>>
      %dma_wait3A_405 = tpu.memref_squeeze %dma_wait3A_404 : memref<1x128x128xf32, #tpu.memory_space<vmem>> -> memref<128x128xf32, #tpu.memory_space<vmem>>
      %dma_wait3A_406 = tpu.memref_slice %arg5[%dma_wait3A_400, %mul3A_298] : memref<1x5000xi32, #tpu.memory_space<vmem>> -> memref<1x128xi32, #tpu.memory_space<vmem>>
      %dma_wait3A_407 = tpu.memref_squeeze %dma_wait3A_406 : memref<1x128xi32, #tpu.memory_space<vmem>> -> memref<128xi32, #tpu.memory_space<vmem>>
      %dma_wait3A_408 = arith.constant 0 : i32
      %dma_wait3A_409 = arith.constant 0 : i32
      %dma_wait3A_410 = tpu.memref_slice %arg2[%dma_wait3A_408, %dma_wait3A_409] : memref<10000x128xf32, #tpu.memory_space<hbm>> -> memref<10000x128xf32, #tpu.memory_space<hbm>>
      tpu.wait_indirect_dma semaphore(%arg7 : memref<!tpu.dma_semaphore, #tpu.memory_space<semaphore_mem>>) src(%dma_wait3A_410 : memref<10000x128xf32, #tpu.memory_space<hbm>>) dst(%dma_wait3A_405 : memref<128x128xf32, #tpu.memory_space<vmem>>)
      %dma_wait3A_411 = arith.constant 0 : i32
      %dma_wait3A_412 = arith.constant 2 : i32
      %dma_wait3A_413 = arith.constant 0 : i32
      %dma_wait3A_414 = arith.constant 0 : i32
      %dma_wait3A_415 = tpu.memref_slice %arg6[%dma_wait3A_412, %dma_wait3A_413, %dma_wait3A_414] : memref<6x128x128xf32, #tpu.memory_space<vmem>> -> memref<1x128x128xf32, #tpu.memory_space<vmem>>
      %dma_wait3A_416 = tpu.memref_squeeze %dma_wait3A_415 : memref<1x128x128xf32, #tpu.memory_space<vmem>> -> memref<128x128xf32, #tpu.memory_space<vmem>>
      %dma_wait3A_417 = tpu.memref_slice %arg5[%dma_wait3A_411, %mul3A_304] : memref<1x5000xi32, #tpu.memory_space<vmem>> -> memref<1x128xi32, #tpu.memory_space<vmem>>
      %dma_wait3A_418 = tpu.memref_squeeze %dma_wait3A_417 : memref<1x128xi32, #tpu.memory_space<vmem>> -> memref<128xi32, #tpu.memory_space<vmem>>
      %dma_wait3A_419 = arith.constant 0 : i32
      %dma_wait3A_420 = arith.constant 0 : i32
      %dma_wait3A_421 = tpu.memref_slice %arg2[%dma_wait3A_419, %dma_wait3A_420] : memref<10000x128xf32, #tpu.memory_space<hbm>> -> memref<10000x128xf32, #tpu.memory_space<hbm>>
      tpu.wait_indirect_dma semaphore(%arg7 : memref<!tpu.dma_semaphore, #tpu.memory_space<semaphore_mem>>) src(%dma_wait3A_421 : memref<10000x128xf32, #tpu.memory_space<hbm>>) dst(%dma_wait3A_416 : memref<128x128xf32, #tpu.memory_space<vmem>>)
      %dma_wait3A_422 = arith.constant 0 : i32
      %dma_wait3A_423 = arith.constant 3 : i32
      %dma_wait3A_424 = arith.constant 0 : i32
      %dma_wait3A_425 = arith.constant 0 : i32
      %dma_wait3A_426 = tpu.memref_slice %arg6[%dma_wait3A_423, %dma_wait3A_424, %dma_wait3A_425] : memref<6x128x128xf32, #tpu.memory_space<vmem>> -> memref<1x128x128xf32, #tpu.memory_space<vmem>>
      %dma_wait3A_427 = tpu.memref_squeeze %dma_wait3A_426 : memref<1x128x128xf32, #tpu.memory_space<vmem>> -> memref<128x128xf32, #tpu.memory_space<vmem>>
      %dma_wait3A_428 = tpu.memref_slice %arg5[%dma_wait3A_422, %mul3A_310] : memref<1x5000xi32, #tpu.memory_space<vmem>> -> memref<1x128xi32, #tpu.memory_space<vmem>>
      %dma_wait3A_429 = tpu.memref_squeeze %dma_wait3A_428 : memref<1x128xi32, #tpu.memory_space<vmem>> -> memref<128xi32, #tpu.memory_space<vmem>>
      %dma_wait3A_430 = arith.constant 0 : i32
      %dma_wait3A_431 = arith.constant 0 : i32
      %dma_wait3A_432 = tpu.memref_slice %arg2[%dma_wait3A_430, %dma_wait3A_431] : memref<10000x128xf32, #tpu.memory_space<hbm>> -> memref<10000x128xf32, #tpu.memory_space<hbm>>
      tpu.wait_indirect_dma semaphore(%arg7 : memref<!tpu.dma_semaphore, #tpu.memory_space<semaphore_mem>>) src(%dma_wait3A_432 : memref<10000x128xf32, #tpu.memory_space<hbm>>) dst(%dma_wait3A_427 : memref<128x128xf32, #tpu.memory_space<vmem>>)
      %dma_wait3A_433 = arith.constant 0 : i32
      %dma_wait3A_434 = arith.constant 4 : i32
      %dma_wait3A_435 = arith.constant 0 : i32
      %dma_wait3A_436 = arith.constant 0 : i32
      %dma_wait3A_437 = tpu.memref_slice %arg6[%dma_wait3A_434, %dma_wait3A_435, %dma_wait3A_436] : memref<6x128x128xf32, #tpu.memory_space<vmem>> -> memref<1x128x128xf32, #tpu.memory_space<vmem>>
      %dma_wait3A_438 = tpu.memref_squeeze %dma_wait3A_437 : memref<1x128x128xf32, #tpu.memory_space<vmem>> -> memref<128x128xf32, #tpu.memory_space<vmem>>
      %dma_wait3A_439 = tpu.memref_slice %arg5[%dma_wait3A_433, %mul3A_316] : memref<1x5000xi32, #tpu.memory_space<vmem>> -> memref<1x128xi32, #tpu.memory_space<vmem>>
      %dma_wait3A_440 = tpu.memref_squeeze %dma_wait3A_439 : memref<1x128xi32, #tpu.memory_space<vmem>> -> memref<128xi32, #tpu.memory_space<vmem>>
      %dma_wait3A_441 = arith.constant 0 : i32
      %dma_wait3A_442 = arith.constant 0 : i32
      %dma_wait3A_443 = tpu.memref_slice %arg2[%dma_wait3A_441, %dma_wait3A_442] : memref<10000x128xf32, #tpu.memory_space<hbm>> -> memref<10000x128xf32, #tpu.memory_space<hbm>>
      tpu.wait_indirect_dma semaphore(%arg7 : memref<!tpu.dma_semaphore, #tpu.memory_space<semaphore_mem>>) src(%dma_wait3A_443 : memref<10000x128xf32, #tpu.memory_space<hbm>>) dst(%dma_wait3A_438 : memref<128x128xf32, #tpu.memory_space<vmem>>)
      %dma_wait3A_444 = arith.constant 0 : i32
      %dma_wait3A_445 = arith.constant 5 : i32
      %dma_wait3A_446 = arith.constant 0 : i32
      %dma_wait3A_447 = arith.constant 0 : i32
      %dma_wait3A_448 = tpu.memref_slice %arg6[%dma_wait3A_445, %dma_wait3A_446, %dma_wait3A_447] : memref<6x128x128xf32, #tpu.memory_space<vmem>> -> memref<1x128x128xf32, #tpu.memory_space<vmem>>
      %dma_wait3A_449 = tpu.memref_squeeze %dma_wait3A_448 : memref<1x128x128xf32, #tpu.memory_space<vmem>> -> memref<128x128xf32, #tpu.memory_space<vmem>>
      %dma_wait3A_450 = tpu.memref_slice %arg5[%dma_wait3A_444, %mul3A_322] : memref<1x5000xi32, #tpu.memory_space<vmem>> -> memref<1x128xi32, #tpu.memory_space<vmem>>
      %dma_wait3A_451 = tpu.memref_squeeze %dma_wait3A_450 : memref<1x128xi32, #tpu.memory_space<vmem>> -> memref<128xi32, #tpu.memory_space<vmem>>
      %dma_wait3A_452 = arith.constant 0 : i32
      %dma_wait3A_453 = arith.constant 0 : i32
      %dma_wait3A_454 = tpu.memref_slice %arg2[%dma_wait3A_452, %dma_wait3A_453] : memref<10000x128xf32, #tpu.memory_space<hbm>> -> memref<10000x128xf32, #tpu.memory_space<hbm>>
      tpu.wait_indirect_dma semaphore(%arg7 : memref<!tpu.dma_semaphore, #tpu.memory_space<semaphore_mem>>) src(%dma_wait3A_454 : memref<10000x128xf32, #tpu.memory_space<hbm>>) dst(%dma_wait3A_449 : memref<128x128xf32, #tpu.memory_space<vmem>>)
      %add3A_455 = arith.addi %mul3A_2, %mul3A_292 : i32
      %dma_start3A_456 = arith.constant 0 : i32
      %dma_start3A_457 = arith.constant 0 : i32
      %dma_start3A_458 = arith.constant 0 : i32
      %dma_start3A_459 = tpu.memref_slice %arg6[%dma_start3A_456, %dma_start3A_457, %dma_start3A_458] : memref<6x128x128xf32, #tpu.memory_space<vmem>> -> memref<1x128x128xf32, #tpu.memory_space<vmem>>
      %dma_start3A_460 = tpu.memref_squeeze %dma_start3A_459 : memref<1x128x128xf32, #tpu.memory_space<vmem>> -> memref<128x128xf32, #tpu.memory_space<vmem>>
      %dma_start3A_461 = arith.constant 0 : i32
      %dma_start3A_462 = tpu.memref_slice %arg4[%add3A_455, %dma_start3A_461] : memref<160000x128xf32, #tpu.memory_space<hbm>> -> memref<128x128xf32, #tpu.memory_space<hbm>>
      %dma_start3A_463 = arith.constant 0 : i32
      %dma_start3A_464 = tpu.memref_slice %arg4[%add3A_455, %dma_start3A_463] : memref<160000x128xf32, #tpu.memory_space<hbm>> -> memref<128x128xf32, #tpu.memory_space<hbm>>
      %dma_start3A_465 = arith.constant 0 : i32
      %dma_start3A_466 = arith.constant 0 : i32
      %dma_start3A_467 = tpu.memref_slice %arg6[%dma_start3A_456, %dma_start3A_465, %dma_start3A_466] : memref<6x128x128xf32, #tpu.memory_space<vmem>> -> memref<1x128x128xf32, #tpu.memory_space<vmem>>
      %dma_start3A_468 = tpu.memref_squeeze %dma_start3A_467 : memref<1x128x128xf32, #tpu.memory_space<vmem>> -> memref<128x128xf32, #tpu.memory_space<vmem>>
      tpu.enqueue_dma source(%dma_start3A_468 : memref<128x128xf32, #tpu.memory_space<vmem>>) target(%dma_start3A_464 : memref<128x128xf32, #tpu.memory_space<hbm>>) target_semaphore(%arg8 : memref<!tpu.dma_semaphore, #tpu.memory_space<semaphore_mem>>)
      %add3A_469 = arith.addi %mul3A_2, %mul3A_298 : i32
      %dma_start3A_470 = arith.constant 1 : i32
      %dma_start3A_471 = arith.constant 0 : i32
      %dma_start3A_472 = arith.constant 0 : i32
      %dma_start3A_473 = tpu.memref_slice %arg6[%dma_start3A_470, %dma_start3A_471, %dma_start3A_472] : memref<6x128x128xf32, #tpu.memory_space<vmem>> -> memref<1x128x128xf32, #tpu.memory_space<vmem>>
      %dma_start3A_474 = tpu.memref_squeeze %dma_start3A_473 : memref<1x128x128xf32, #tpu.memory_space<vmem>> -> memref<128x128xf32, #tpu.memory_space<vmem>>
      %dma_start3A_475 = arith.constant 0 : i32
      %dma_start3A_476 = tpu.memref_slice %arg4[%add3A_469, %dma_start3A_475] : memref<160000x128xf32, #tpu.memory_space<hbm>> -> memref<128x128xf32, #tpu.memory_space<hbm>>
      %dma_start3A_477 = arith.constant 0 : i32
      %dma_start3A_478 = tpu.memref_slice %arg4[%add3A_469, %dma_start3A_477] : memref<160000x128xf32, #tpu.memory_space<hbm>> -> memref<128x128xf32, #tpu.memory_space<hbm>>
      %dma_start3A_479 = arith.constant 0 : i32
      %dma_start3A_480 = arith.constant 0 : i32
      %dma_start3A_481 = tpu.memref_slice %arg6[%dma_start3A_470, %dma_start3A_479, %dma_start3A_480] : memref<6x128x128xf32, #tpu.memory_space<vmem>> -> memref<1x128x128xf32, #tpu.memory_space<vmem>>
      %dma_start3A_482 = tpu.memref_squeeze %dma_start3A_481 : memref<1x128x128xf32, #tpu.memory_space<vmem>> -> memref<128x128xf32, #tpu.memory_space<vmem>>
      tpu.enqueue_dma source(%dma_start3A_482 : memref<128x128xf32, #tpu.memory_space<vmem>>) target(%dma_start3A_478 : memref<128x128xf32, #tpu.memory_space<hbm>>) target_semaphore(%arg8 : memref<!tpu.dma_semaphore, #tpu.memory_space<semaphore_mem>>)
      %add3A_483 = arith.addi %mul3A_2, %mul3A_304 : i32
      %dma_start3A_484 = arith.constant 2 : i32
      %dma_start3A_485 = arith.constant 0 : i32
      %dma_start3A_486 = arith.constant 0 : i32
      %dma_start3A_487 = tpu.memref_slice %arg6[%dma_start3A_484, %dma_start3A_485, %dma_start3A_486] : memref<6x128x128xf32, #tpu.memory_space<vmem>> -> memref<1x128x128xf32, #tpu.memory_space<vmem>>
      %dma_start3A_488 = tpu.memref_squeeze %dma_start3A_487 : memref<1x128x128xf32, #tpu.memory_space<vmem>> -> memref<128x128xf32, #tpu.memory_space<vmem>>
      %dma_start3A_489 = arith.constant 0 : i32
      %dma_start3A_490 = tpu.memref_slice %arg4[%add3A_483, %dma_start3A_489] : memref<160000x128xf32, #tpu.memory_space<hbm>> -> memref<128x128xf32, #tpu.memory_space<hbm>>
      %dma_start3A_491 = arith.constant 0 : i32
      %dma_start3A_492 = tpu.memref_slice %arg4[%add3A_483, %dma_start3A_491] : memref<160000x128xf32, #tpu.memory_space<hbm>> -> memref<128x128xf32, #tpu.memory_space<hbm>>
      %dma_start3A_493 = arith.constant 0 : i32
      %dma_start3A_494 = arith.constant 0 : i32
      %dma_start3A_495 = tpu.memref_slice %arg6[%dma_start3A_484, %dma_start3A_493, %dma_start3A_494] : memref<6x128x128xf32, #tpu.memory_space<vmem>> -> memref<1x128x128xf32, #tpu.memory_space<vmem>>
      %dma_start3A_496 = tpu.memref_squeeze %dma_start3A_495 : memref<1x128x128xf32, #tpu.memory_space<vmem>> -> memref<128x128xf32, #tpu.memory_space<vmem>>
      tpu.enqueue_dma source(%dma_start3A_496 : memref<128x128xf32, #tpu.memory_space<vmem>>) target(%dma_start3A_492 : memref<128x128xf32, #tpu.memory_space<hbm>>) target_semaphore(%arg8 : memref<!tpu.dma_semaphore, #tpu.memory_space<semaphore_mem>>)
      %add3A_497 = arith.addi %mul3A_2, %mul3A_310 : i32
      %dma_start3A_498 = arith.constant 3 : i32
      %dma_start3A_499 = arith.constant 0 : i32
      %dma_start3A_500 = arith.constant 0 : i32
      %dma_start3A_501 = tpu.memref_slice %arg6[%dma_start3A_498, %dma_start3A_499, %dma_start3A_500] : memref<6x128x128xf32, #tpu.memory_space<vmem>> -> memref<1x128x128xf32, #tpu.memory_space<vmem>>
      %dma_start3A_502 = tpu.memref_squeeze %dma_start3A_501 : memref<1x128x128xf32, #tpu.memory_space<vmem>> -> memref<128x128xf32, #tpu.memory_space<vmem>>
      %dma_start3A_503 = arith.constant 0 : i32
      %dma_start3A_504 = tpu.memref_slice %arg4[%add3A_497, %dma_start3A_503] : memref<160000x128xf32, #tpu.memory_space<hbm>> -> memref<128x128xf32, #tpu.memory_space<hbm>>
      %dma_start3A_505 = arith.constant 0 : i32
      %dma_start3A_506 = tpu.memref_slice %arg4[%add3A_497, %dma_start3A_505] : memref<160000x128xf32, #tpu.memory_space<hbm>> -> memref<128x128xf32, #tpu.memory_space<hbm>>
      %dma_start3A_507 = arith.constant 0 : i32
      %dma_start3A_508 = arith.constant 0 : i32
      %dma_start3A_509 = tpu.memref_slice %arg6[%dma_start3A_498, %dma_start3A_507, %dma_start3A_508] : memref<6x128x128xf32, #tpu.memory_space<vmem>> -> memref<1x128x128xf32, #tpu.memory_space<vmem>>
      %dma_start3A_510 = tpu.memref_squeeze %dma_start3A_509 : memref<1x128x128xf32, #tpu.memory_space<vmem>> -> memref<128x128xf32, #tpu.memory_space<vmem>>
      tpu.enqueue_dma source(%dma_start3A_510 : memref<128x128xf32, #tpu.memory_space<vmem>>) target(%dma_start3A_506 : memref<128x128xf32, #tpu.memory_space<hbm>>) target_semaphore(%arg8 : memref<!tpu.dma_semaphore, #tpu.memory_space<semaphore_mem>>)
      %add3A_511 = arith.addi %mul3A_2, %mul3A_316 : i32
      %dma_start3A_512 = arith.constant 4 : i32
      %dma_start3A_513 = arith.constant 0 : i32
      %dma_start3A_514 = arith.constant 0 : i32
      %dma_start3A_515 = tpu.memref_slice %arg6[%dma_start3A_512, %dma_start3A_513, %dma_start3A_514] : memref<6x128x128xf32, #tpu.memory_space<vmem>> -> memref<1x128x128xf32, #tpu.memory_space<vmem>>
      %dma_start3A_516 = tpu.memref_squeeze %dma_start3A_515 : memref<1x128x128xf32, #tpu.memory_space<vmem>> -> memref<128x128xf32, #tpu.memory_space<vmem>>
      %dma_start3A_517 = arith.constant 0 : i32
      %dma_start3A_518 = tpu.memref_slice %arg4[%add3A_511, %dma_start3A_517] : memref<160000x128xf32, #tpu.memory_space<hbm>> -> memref<128x128xf32, #tpu.memory_space<hbm>>
      %dma_start3A_519 = arith.constant 0 : i32
      %dma_start3A_520 = tpu.memref_slice %arg4[%add3A_511, %dma_start3A_519] : memref<160000x128xf32, #tpu.memory_space<hbm>> -> memref<128x128xf32, #tpu.memory_space<hbm>>
      %dma_start3A_521 = arith.constant 0 : i32
      %dma_start3A_522 = arith.constant 0 : i32
      %dma_start3A_523 = tpu.memref_slice %arg6[%dma_start3A_512, %dma_start3A_521, %dma_start3A_522] : memref<6x128x128xf32, #tpu.memory_space<vmem>> -> memref<1x128x128xf32, #tpu.memory_space<vmem>>
      %dma_start3A_524 = tpu.memref_squeeze %dma_start3A_523 : memref<1x128x128xf32, #tpu.memory_space<vmem>> -> memref<128x128xf32, #tpu.memory_space<vmem>>
      tpu.enqueue_dma source(%dma_start3A_524 : memref<128x128xf32, #tpu.memory_space<vmem>>) target(%dma_start3A_520 : memref<128x128xf32, #tpu.memory_space<hbm>>) target_semaphore(%arg8 : memref<!tpu.dma_semaphore, #tpu.memory_space<semaphore_mem>>)
      %add3A_525 = arith.addi %mul3A_2, %mul3A_322 : i32
      %dma_start3A_526 = arith.constant 5 : i32
      %dma_start3A_527 = arith.constant 0 : i32
      %dma_start3A_528 = arith.constant 0 : i32
      %dma_start3A_529 = tpu.memref_slice %arg6[%dma_start3A_526, %dma_start3A_527, %dma_start3A_528] : memref<6x128x128xf32, #tpu.memory_space<vmem>> -> memref<1x128x128xf32, #tpu.memory_space<vmem>>
      %dma_start3A_530 = tpu.memref_squeeze %dma_start3A_529 : memref<1x128x128xf32, #tpu.memory_space<vmem>> -> memref<128x128xf32, #tpu.memory_space<vmem>>
      %dma_start3A_531 = arith.constant 0 : i32
      %dma_start3A_532 = tpu.memref_slice %arg4[%add3A_525, %dma_start3A_531] : memref<160000x128xf32, #tpu.memory_space<hbm>> -> memref<128x128xf32, #tpu.memory_space<hbm>>
      %dma_start3A_533 = arith.constant 0 : i32
      %dma_start3A_534 = tpu.memref_slice %arg4[%add3A_525, %dma_start3A_533] : memref<160000x128xf32, #tpu.memory_space<hbm>> -> memref<128x128xf32, #tpu.memory_space<hbm>>
      %dma_start3A_535 = arith.constant 0 : i32
      %dma_start3A_536 = arith.constant 0 : i32
      %dma_start3A_537 = tpu.memref_slice %arg6[%dma_start3A_526, %dma_start3A_535, %dma_start3A_536] : memref<6x128x128xf32, #tpu.memory_space<vmem>> -> memref<1x128x128xf32, #tpu.memory_space<vmem>>
      %dma_start3A_538 = tpu.memref_squeeze %dma_start3A_537 : memref<1x128x128xf32, #tpu.memory_space<vmem>> -> memref<128x128xf32, #tpu.memory_space<vmem>>
      tpu.enqueue_dma source(%dma_start3A_538 : memref<128x128xf32, #tpu.memory_space<vmem>>) target(%dma_start3A_534 : memref<128x128xf32, #tpu.memory_space<hbm>>) target_semaphore(%arg8 : memref<!tpu.dma_semaphore, #tpu.memory_space<semaphore_mem>>)
    }
    %scan3A_7 = arith.constant 6 : i32
    %dma_wait3A = arith.constant 0 : i32
    %dma_wait3A_8 = arith.constant 0 : i32
    %dma_wait3A_9 = arith.constant 0 : i32
    %dma_wait3A_10 = tpu.memref_slice %arg6[%dma_wait3A, %dma_wait3A_8, %dma_wait3A_9] : memref<6x128x128xf32, #tpu.memory_space<vmem>> -> memref<1x128x128xf32, #tpu.memory_space<vmem>>
    %dma_wait3A_11 = tpu.memref_squeeze %dma_wait3A_10 : memref<1x128x128xf32, #tpu.memory_space<vmem>> -> memref<128x128xf32, #tpu.memory_space<vmem>>
    %dma_wait3A_12 = arith.constant 0 : i32
    %dma_wait3A_13 = arith.constant 0 : i32
    %dma_wait3A_14 = tpu.memref_slice %arg2[%dma_wait3A_12, %dma_wait3A_13] : memref<10000x128xf32, #tpu.memory_space<hbm>> -> memref<128x128xf32, #tpu.memory_space<hbm>>
    %dma_wait3A_15 = arith.constant 0 : i32
    %dma_wait3A_16 = arith.constant 0 : i32
    %dma_wait3A_17 = tpu.memref_slice %arg6[%dma_wait3A, %dma_wait3A_15, %dma_wait3A_16] : memref<6x128x128xf32, #tpu.memory_space<vmem>> -> memref<1x128x128xf32, #tpu.memory_space<vmem>>
    %dma_wait3A_18 = tpu.memref_squeeze %dma_wait3A_17 : memref<1x128x128xf32, #tpu.memory_space<vmem>> -> memref<128x128xf32, #tpu.memory_space<vmem>>
    %dma_wait3A_19 = arith.constant 0 : i32
    %dma_wait3A_20 = arith.constant 0 : i32
    %dma_wait3A_21 = tpu.memref_slice %arg2[%dma_wait3A_19, %dma_wait3A_20] : memref<10000x128xf32, #tpu.memory_space<hbm>> -> memref<128x128xf32, #tpu.memory_space<hbm>>
    tpu.wait_dma2 semaphore(%arg8 : memref<!tpu.dma_semaphore, #tpu.memory_space<semaphore_mem>>) src(%dma_wait3A_21 : memref<128x128xf32, #tpu.memory_space<hbm>>) dst(%dma_wait3A_18 : memref<128x128xf32, #tpu.memory_space<vmem>>)
    %dma_wait3A_22 = arith.constant 1 : i32
    %dma_wait3A_23 = arith.constant 0 : i32
    %dma_wait3A_24 = arith.constant 0 : i32
    %dma_wait3A_25 = tpu.memref_slice %arg6[%dma_wait3A_22, %dma_wait3A_23, %dma_wait3A_24] : memref<6x128x128xf32, #tpu.memory_space<vmem>> -> memref<1x128x128xf32, #tpu.memory_space<vmem>>
    %dma_wait3A_26 = tpu.memref_squeeze %dma_wait3A_25 : memref<1x128x128xf32, #tpu.memory_space<vmem>> -> memref<128x128xf32, #tpu.memory_space<vmem>>
    %dma_wait3A_27 = arith.constant 0 : i32
    %dma_wait3A_28 = arith.constant 0 : i32
    %dma_wait3A_29 = tpu.memref_slice %arg2[%dma_wait3A_27, %dma_wait3A_28] : memref<10000x128xf32, #tpu.memory_space<hbm>> -> memref<128x128xf32, #tpu.memory_space<hbm>>
    %dma_wait3A_30 = arith.constant 0 : i32
    %dma_wait3A_31 = arith.constant 0 : i32
    %dma_wait3A_32 = tpu.memref_slice %arg6[%dma_wait3A_22, %dma_wait3A_30, %dma_wait3A_31] : memref<6x128x128xf32, #tpu.memory_space<vmem>> -> memref<1x128x128xf32, #tpu.memory_space<vmem>>
    %dma_wait3A_33 = tpu.memref_squeeze %dma_wait3A_32 : memref<1x128x128xf32, #tpu.memory_space<vmem>> -> memref<128x128xf32, #tpu.memory_space<vmem>>
    %dma_wait3A_34 = arith.constant 0 : i32
    %dma_wait3A_35 = arith.constant 0 : i32
    %dma_wait3A_36 = tpu.memref_slice %arg2[%dma_wait3A_34, %dma_wait3A_35] : memref<10000x128xf32, #tpu.memory_space<hbm>> -> memref<128x128xf32, #tpu.memory_space<hbm>>
    tpu.wait_dma2 semaphore(%arg8 : memref<!tpu.dma_semaphore, #tpu.memory_space<semaphore_mem>>) src(%dma_wait3A_36 : memref<128x128xf32, #tpu.memory_space<hbm>>) dst(%dma_wait3A_33 : memref<128x128xf32, #tpu.memory_space<vmem>>)
    %dma_wait3A_37 = arith.constant 2 : i32
    %dma_wait3A_38 = arith.constant 0 : i32
    %dma_wait3A_39 = arith.constant 0 : i32
    %dma_wait3A_40 = tpu.memref_slice %arg6[%dma_wait3A_37, %dma_wait3A_38, %dma_wait3A_39] : memref<6x128x128xf32, #tpu.memory_space<vmem>> -> memref<1x128x128xf32, #tpu.memory_space<vmem>>
    %dma_wait3A_41 = tpu.memref_squeeze %dma_wait3A_40 : memref<1x128x128xf32, #tpu.memory_space<vmem>> -> memref<128x128xf32, #tpu.memory_space<vmem>>
    %dma_wait3A_42 = arith.constant 0 : i32
    %dma_wait3A_43 = arith.constant 0 : i32
    %dma_wait3A_44 = tpu.memref_slice %arg2[%dma_wait3A_42, %dma_wait3A_43] : memref<10000x128xf32, #tpu.memory_space<hbm>> -> memref<128x128xf32, #tpu.memory_space<hbm>>
    %dma_wait3A_45 = arith.constant 0 : i32
    %dma_wait3A_46 = arith.constant 0 : i32
    %dma_wait3A_47 = tpu.memref_slice %arg6[%dma_wait3A_37, %dma_wait3A_45, %dma_wait3A_46] : memref<6x128x128xf32, #tpu.memory_space<vmem>> -> memref<1x128x128xf32, #tpu.memory_space<vmem>>
    %dma_wait3A_48 = tpu.memref_squeeze %dma_wait3A_47 : memref<1x128x128xf32, #tpu.memory_space<vmem>> -> memref<128x128xf32, #tpu.memory_space<vmem>>
    %dma_wait3A_49 = arith.constant 0 : i32
    %dma_wait3A_50 = arith.constant 0 : i32
    %dma_wait3A_51 = tpu.memref_slice %arg2[%dma_wait3A_49, %dma_wait3A_50] : memref<10000x128xf32, #tpu.memory_space<hbm>> -> memref<128x128xf32, #tpu.memory_space<hbm>>
    tpu.wait_dma2 semaphore(%arg8 : memref<!tpu.dma_semaphore, #tpu.memory_space<semaphore_mem>>) src(%dma_wait3A_51 : memref<128x128xf32, #tpu.memory_space<hbm>>) dst(%dma_wait3A_48 : memref<128x128xf32, #tpu.memory_space<vmem>>)
    %dma_start3A = arith.constant 0 : i32
    %dma_start3A_52 = arith.constant 0 : i32
    %dma_start3A_53 = arith.constant 0 : i32
    %dma_start3A_54 = arith.constant 0 : i32
    %dma_start3A_55 = tpu.memref_slice %arg6[%dma_start3A_52, %dma_start3A_53, %dma_start3A_54] : memref<6x128x128xf32, #tpu.memory_space<vmem>> -> memref<1x128x128xf32, #tpu.memory_space<vmem>>
    %dma_start3A_56 = tpu.memref_squeeze %dma_start3A_55 : memref<1x128x128xf32, #tpu.memory_space<vmem>> -> memref<128x128xf32, #tpu.memory_space<vmem>>
    %dma_start3A_57 = arith.constant 4608 : i32
    %dma_start3A_58 = tpu.memref_slice %arg5[%dma_start3A, %dma_start3A_57] : memref<1x5000xi32, #tpu.memory_space<vmem>> -> memref<1x128xi32, #tpu.memory_space<vmem>>
    %dma_start3A_59 = tpu.memref_squeeze %dma_start3A_58 : memref<1x128xi32, #tpu.memory_space<vmem>> -> memref<128xi32, #tpu.memory_space<vmem>>
    %dma_start3A_60 = arith.constant 0 : i32
    %dma_start3A_61 = arith.constant 0 : i32
    %dma_start3A_62 = tpu.memref_slice %arg2[%dma_start3A_60, %dma_start3A_61] : memref<10000x128xf32, #tpu.memory_space<hbm>> -> memref<10000x128xf32, #tpu.memory_space<hbm>>
    tpu.enqueue_indirect_dma source(%dma_start3A_62 : memref<10000x128xf32, #tpu.memory_space<hbm>>) target(%dma_start3A_56 : memref<128x128xf32, #tpu.memory_space<vmem>>) offsets(%dma_start3A_59 : memref<128xi32, #tpu.memory_space<vmem>>) semaphore(%arg7 : memref<!tpu.dma_semaphore, #tpu.memory_space<semaphore_mem>>)
    %dma_start3A_63 = arith.constant 0 : i32
    %dma_start3A_64 = arith.constant 1 : i32
    %dma_start3A_65 = arith.constant 0 : i32
    %dma_start3A_66 = arith.constant 0 : i32
    %dma_start3A_67 = tpu.memref_slice %arg6[%dma_start3A_64, %dma_start3A_65, %dma_start3A_66] : memref<6x128x128xf32, #tpu.memory_space<vmem>> -> memref<1x128x128xf32, #tpu.memory_space<vmem>>
    %dma_start3A_68 = tpu.memref_squeeze %dma_start3A_67 : memref<1x128x128xf32, #tpu.memory_space<vmem>> -> memref<128x128xf32, #tpu.memory_space<vmem>>
    %dma_start3A_69 = arith.constant 4736 : i32
    %dma_start3A_70 = tpu.memref_slice %arg5[%dma_start3A_63, %dma_start3A_69] : memref<1x5000xi32, #tpu.memory_space<vmem>> -> memref<1x128xi32, #tpu.memory_space<vmem>>
    %dma_start3A_71 = tpu.memref_squeeze %dma_start3A_70 : memref<1x128xi32, #tpu.memory_space<vmem>> -> memref<128xi32, #tpu.memory_space<vmem>>
    %dma_start3A_72 = arith.constant 0 : i32
    %dma_start3A_73 = arith.constant 0 : i32
    %dma_start3A_74 = tpu.memref_slice %arg2[%dma_start3A_72, %dma_start3A_73] : memref<10000x128xf32, #tpu.memory_space<hbm>> -> memref<10000x128xf32, #tpu.memory_space<hbm>>
    tpu.enqueue_indirect_dma source(%dma_start3A_74 : memref<10000x128xf32, #tpu.memory_space<hbm>>) target(%dma_start3A_68 : memref<128x128xf32, #tpu.memory_space<vmem>>) offsets(%dma_start3A_71 : memref<128xi32, #tpu.memory_space<vmem>>) semaphore(%arg7 : memref<!tpu.dma_semaphore, #tpu.memory_space<semaphore_mem>>)
    %dma_start3A_75 = arith.constant 0 : i32
    %dma_start3A_76 = arith.constant 2 : i32
    %dma_start3A_77 = arith.constant 0 : i32
    %dma_start3A_78 = arith.constant 0 : i32
    %dma_start3A_79 = tpu.memref_slice %arg6[%dma_start3A_76, %dma_start3A_77, %dma_start3A_78] : memref<6x128x128xf32, #tpu.memory_space<vmem>> -> memref<1x128x128xf32, #tpu.memory_space<vmem>>
    %dma_start3A_80 = tpu.memref_squeeze %dma_start3A_79 : memref<1x128x128xf32, #tpu.memory_space<vmem>> -> memref<128x128xf32, #tpu.memory_space<vmem>>
    %dma_start3A_81 = arith.constant 4864 : i32
    %dma_start3A_82 = tpu.memref_slice %arg5[%dma_start3A_75, %dma_start3A_81] : memref<1x5000xi32, #tpu.memory_space<vmem>> -> memref<1x128xi32, #tpu.memory_space<vmem>>
    %dma_start3A_83 = tpu.memref_squeeze %dma_start3A_82 : memref<1x128xi32, #tpu.memory_space<vmem>> -> memref<128xi32, #tpu.memory_space<vmem>>
    %dma_start3A_84 = arith.constant 0 : i32
    %dma_start3A_85 = arith.constant 0 : i32
    %dma_start3A_86 = tpu.memref_slice %arg2[%dma_start3A_84, %dma_start3A_85] : memref<10000x128xf32, #tpu.memory_space<hbm>> -> memref<10000x128xf32, #tpu.memory_space<hbm>>
    tpu.enqueue_indirect_dma source(%dma_start3A_86 : memref<10000x128xf32, #tpu.memory_space<hbm>>) target(%dma_start3A_80 : memref<128x128xf32, #tpu.memory_space<vmem>>) offsets(%dma_start3A_83 : memref<128xi32, #tpu.memory_space<vmem>>) semaphore(%arg7 : memref<!tpu.dma_semaphore, #tpu.memory_space<semaphore_mem>>)
    %dma_wait3A_87 = arith.constant 0 : i32
    %dma_wait3A_88 = arith.constant 0 : i32
    %dma_wait3A_89 = arith.constant 0 : i32
    %dma_wait3A_90 = arith.constant 0 : i32
    %dma_wait3A_91 = tpu.memref_slice %arg6[%dma_wait3A_88, %dma_wait3A_89, %dma_wait3A_90] : memref<6x128x128xf32, #tpu.memory_space<vmem>> -> memref<1x128x128xf32, #tpu.memory_space<vmem>>
    %dma_wait3A_92 = tpu.memref_squeeze %dma_wait3A_91 : memref<1x128x128xf32, #tpu.memory_space<vmem>> -> memref<128x128xf32, #tpu.memory_space<vmem>>
    %dma_wait3A_93 = arith.constant 4608 : i32
    %dma_wait3A_94 = tpu.memref_slice %arg5[%dma_wait3A_87, %dma_wait3A_93] : memref<1x5000xi32, #tpu.memory_space<vmem>> -> memref<1x128xi32, #tpu.memory_space<vmem>>
    %dma_wait3A_95 = tpu.memref_squeeze %dma_wait3A_94 : memref<1x128xi32, #tpu.memory_space<vmem>> -> memref<128xi32, #tpu.memory_space<vmem>>
    %dma_wait3A_96 = arith.constant 0 : i32
    %dma_wait3A_97 = arith.constant 0 : i32
    %dma_wait3A_98 = tpu.memref_slice %arg2[%dma_wait3A_96, %dma_wait3A_97] : memref<10000x128xf32, #tpu.memory_space<hbm>> -> memref<10000x128xf32, #tpu.memory_space<hbm>>
    tpu.wait_indirect_dma semaphore(%arg7 : memref<!tpu.dma_semaphore, #tpu.memory_space<semaphore_mem>>) src(%dma_wait3A_98 : memref<10000x128xf32, #tpu.memory_space<hbm>>) dst(%dma_wait3A_92 : memref<128x128xf32, #tpu.memory_space<vmem>>)
    %dma_wait3A_99 = arith.constant 0 : i32
    %dma_wait3A_100 = arith.constant 1 : i32
    %dma_wait3A_101 = arith.constant 0 : i32
    %dma_wait3A_102 = arith.constant 0 : i32
    %dma_wait3A_103 = tpu.memref_slice %arg6[%dma_wait3A_100, %dma_wait3A_101, %dma_wait3A_102] : memref<6x128x128xf32, #tpu.memory_space<vmem>> -> memref<1x128x128xf32, #tpu.memory_space<vmem>>
    %dma_wait3A_104 = tpu.memref_squeeze %dma_wait3A_103 : memref<1x128x128xf32, #tpu.memory_space<vmem>> -> memref<128x128xf32, #tpu.memory_space<vmem>>
    %dma_wait3A_105 = arith.constant 4736 : i32
    %dma_wait3A_106 = tpu.memref_slice %arg5[%dma_wait3A_99, %dma_wait3A_105] : memref<1x5000xi32, #tpu.memory_space<vmem>> -> memref<1x128xi32, #tpu.memory_space<vmem>>
    %dma_wait3A_107 = tpu.memref_squeeze %dma_wait3A_106 : memref<1x128xi32, #tpu.memory_space<vmem>> -> memref<128xi32, #tpu.memory_space<vmem>>
    %dma_wait3A_108 = arith.constant 0 : i32
    %dma_wait3A_109 = arith.constant 0 : i32
    %dma_wait3A_110 = tpu.memref_slice %arg2[%dma_wait3A_108, %dma_wait3A_109] : memref<10000x128xf32, #tpu.memory_space<hbm>> -> memref<10000x128xf32, #tpu.memory_space<hbm>>
    tpu.wait_indirect_dma semaphore(%arg7 : memref<!tpu.dma_semaphore, #tpu.memory_space<semaphore_mem>>) src(%dma_wait3A_110 : memref<10000x128xf32, #tpu.memory_space<hbm>>) dst(%dma_wait3A_104 : memref<128x128xf32, #tpu.memory_space<vmem>>)
    %dma_wait3A_111 = arith.constant 0 : i32
    %dma_wait3A_112 = arith.constant 2 : i32
    %dma_wait3A_113 = arith.constant 0 : i32
    %dma_wait3A_114 = arith.constant 0 : i32
    %dma_wait3A_115 = tpu.memref_slice %arg6[%dma_wait3A_112, %dma_wait3A_113, %dma_wait3A_114] : memref<6x128x128xf32, #tpu.memory_space<vmem>> -> memref<1x128x128xf32, #tpu.memory_space<vmem>>
    %dma_wait3A_116 = tpu.memref_squeeze %dma_wait3A_115 : memref<1x128x128xf32, #tpu.memory_space<vmem>> -> memref<128x128xf32, #tpu.memory_space<vmem>>
    %dma_wait3A_117 = arith.constant 4864 : i32
    %dma_wait3A_118 = tpu.memref_slice %arg5[%dma_wait3A_111, %dma_wait3A_117] : memref<1x5000xi32, #tpu.memory_space<vmem>> -> memref<1x128xi32, #tpu.memory_space<vmem>>
    %dma_wait3A_119 = tpu.memref_squeeze %dma_wait3A_118 : memref<1x128xi32, #tpu.memory_space<vmem>> -> memref<128xi32, #tpu.memory_space<vmem>>
    %dma_wait3A_120 = arith.constant 0 : i32
    %dma_wait3A_121 = arith.constant 0 : i32
    %dma_wait3A_122 = tpu.memref_slice %arg2[%dma_wait3A_120, %dma_wait3A_121] : memref<10000x128xf32, #tpu.memory_space<hbm>> -> memref<10000x128xf32, #tpu.memory_space<hbm>>
    tpu.wait_indirect_dma semaphore(%arg7 : memref<!tpu.dma_semaphore, #tpu.memory_space<semaphore_mem>>) src(%dma_wait3A_122 : memref<10000x128xf32, #tpu.memory_space<hbm>>) dst(%dma_wait3A_116 : memref<128x128xf32, #tpu.memory_space<vmem>>)
    %add3A_123 = arith.constant 4608 : i32
    %add3A_124 = arith.addi %mul3A_2, %add3A_123 : i32
    %dma_start3A_125 = arith.constant 0 : i32
    %dma_start3A_126 = arith.constant 0 : i32
    %dma_start3A_127 = arith.constant 0 : i32
    %dma_start3A_128 = tpu.memref_slice %arg6[%dma_start3A_125, %dma_start3A_126, %dma_start3A_127] : memref<6x128x128xf32, #tpu.memory_space<vmem>> -> memref<1x128x128xf32, #tpu.memory_space<vmem>>
    %dma_start3A_129 = tpu.memref_squeeze %dma_start3A_128 : memref<1x128x128xf32, #tpu.memory_space<vmem>> -> memref<128x128xf32, #tpu.memory_space<vmem>>
    %dma_start3A_130 = arith.constant 0 : i32
    %dma_start3A_131 = tpu.memref_slice %arg4[%add3A_124, %dma_start3A_130] : memref<160000x128xf32, #tpu.memory_space<hbm>> -> memref<128x128xf32, #tpu.memory_space<hbm>>
    %dma_start3A_132 = arith.constant 0 : i32
    %dma_start3A_133 = tpu.memref_slice %arg4[%add3A_124, %dma_start3A_132] : memref<160000x128xf32, #tpu.memory_space<hbm>> -> memref<128x128xf32, #tpu.memory_space<hbm>>
    %dma_start3A_134 = arith.constant 0 : i32
    %dma_start3A_135 = arith.constant 0 : i32
    %dma_start3A_136 = tpu.memref_slice %arg6[%dma_start3A_125, %dma_start3A_134, %dma_start3A_135] : memref<6x128x128xf32, #tpu.memory_space<vmem>> -> memref<1x128x128xf32, #tpu.memory_space<vmem>>
    %dma_start3A_137 = tpu.memref_squeeze %dma_start3A_136 : memref<1x128x128xf32, #tpu.memory_space<vmem>> -> memref<128x128xf32, #tpu.memory_space<vmem>>
    tpu.enqueue_dma source(%dma_start3A_137 : memref<128x128xf32, #tpu.memory_space<vmem>>) target(%dma_start3A_133 : memref<128x128xf32, #tpu.memory_space<hbm>>) target_semaphore(%arg8 : memref<!tpu.dma_semaphore, #tpu.memory_space<semaphore_mem>>)
    %add3A_138 = arith.constant 4736 : i32
    %add3A_139 = arith.addi %mul3A_2, %add3A_138 : i32
    %dma_start3A_140 = arith.constant 1 : i32
    %dma_start3A_141 = arith.constant 0 : i32
    %dma_start3A_142 = arith.constant 0 : i32
    %dma_start3A_143 = tpu.memref_slice %arg6[%dma_start3A_140, %dma_start3A_141, %dma_start3A_142] : memref<6x128x128xf32, #tpu.memory_space<vmem>> -> memref<1x128x128xf32, #tpu.memory_space<vmem>>
    %dma_start3A_144 = tpu.memref_squeeze %dma_start3A_143 : memref<1x128x128xf32, #tpu.memory_space<vmem>> -> memref<128x128xf32, #tpu.memory_space<vmem>>
    %dma_start3A_145 = arith.constant 0 : i32
    %dma_start3A_146 = tpu.memref_slice %arg4[%add3A_139, %dma_start3A_145] : memref<160000x128xf32, #tpu.memory_space<hbm>> -> memref<128x128xf32, #tpu.memory_space<hbm>>
    %dma_start3A_147 = arith.constant 0 : i32
    %dma_start3A_148 = tpu.memref_slice %arg4[%add3A_139, %dma_start3A_147] : memref<160000x128xf32, #tpu.memory_space<hbm>> -> memref<128x128xf32, #tpu.memory_space<hbm>>
    %dma_start3A_149 = arith.constant 0 : i32
    %dma_start3A_150 = arith.constant 0 : i32
    %dma_start3A_151 = tpu.memref_slice %arg6[%dma_start3A_140, %dma_start3A_149, %dma_start3A_150] : memref<6x128x128xf32, #tpu.memory_space<vmem>> -> memref<1x128x128xf32, #tpu.memory_space<vmem>>
    %dma_start3A_152 = tpu.memref_squeeze %dma_start3A_151 : memref<1x128x128xf32, #tpu.memory_space<vmem>> -> memref<128x128xf32, #tpu.memory_space<vmem>>
    tpu.enqueue_dma source(%dma_start3A_152 : memref<128x128xf32, #tpu.memory_space<vmem>>) target(%dma_start3A_148 : memref<128x128xf32, #tpu.memory_space<hbm>>) target_semaphore(%arg8 : memref<!tpu.dma_semaphore, #tpu.memory_space<semaphore_mem>>)
    %add3A_153 = arith.constant 4864 : i32
    %add3A_154 = arith.addi %mul3A_2, %add3A_153 : i32
    %dma_start3A_155 = arith.constant 2 : i32
    %dma_start3A_156 = arith.constant 0 : i32
    %dma_start3A_157 = arith.constant 0 : i32
    %dma_start3A_158 = tpu.memref_slice %arg6[%dma_start3A_155, %dma_start3A_156, %dma_start3A_157] : memref<6x128x128xf32, #tpu.memory_space<vmem>> -> memref<1x128x128xf32, #tpu.memory_space<vmem>>
    %dma_start3A_159 = tpu.memref_squeeze %dma_start3A_158 : memref<1x128x128xf32, #tpu.memory_space<vmem>> -> memref<128x128xf32, #tpu.memory_space<vmem>>
    %dma_start3A_160 = arith.constant 0 : i32
    %dma_start3A_161 = tpu.memref_slice %arg4[%add3A_154, %dma_start3A_160] : memref<160000x128xf32, #tpu.memory_space<hbm>> -> memref<128x128xf32, #tpu.memory_space<hbm>>
    %dma_start3A_162 = arith.constant 0 : i32
    %dma_start3A_163 = tpu.memref_slice %arg4[%add3A_154, %dma_start3A_162] : memref<160000x128xf32, #tpu.memory_space<hbm>> -> memref<128x128xf32, #tpu.memory_space<hbm>>
    %dma_start3A_164 = arith.constant 0 : i32
    %dma_start3A_165 = arith.constant 0 : i32
    %dma_start3A_166 = tpu.memref_slice %arg6[%dma_start3A_155, %dma_start3A_164, %dma_start3A_165] : memref<6x128x128xf32, #tpu.memory_space<vmem>> -> memref<1x128x128xf32, #tpu.memory_space<vmem>>
    %dma_start3A_167 = tpu.memref_squeeze %dma_start3A_166 : memref<1x128x128xf32, #tpu.memory_space<vmem>> -> memref<128x128xf32, #tpu.memory_space<vmem>>
    tpu.enqueue_dma source(%dma_start3A_167 : memref<128x128xf32, #tpu.memory_space<vmem>>) target(%dma_start3A_163 : memref<128x128xf32, #tpu.memory_space<hbm>>) target_semaphore(%arg8 : memref<!tpu.dma_semaphore, #tpu.memory_space<semaphore_mem>>)
    %dma_wait3A_168 = arith.constant 0 : i32
    %dma_wait3A_169 = arith.constant 0 : i32
    %dma_wait3A_170 = arith.constant 0 : i32
    %dma_wait3A_171 = tpu.memref_slice %arg6[%dma_wait3A_168, %dma_wait3A_169, %dma_wait3A_170] : memref<6x128x128xf32, #tpu.memory_space<vmem>> -> memref<1x128x128xf32, #tpu.memory_space<vmem>>
    %dma_wait3A_172 = tpu.memref_squeeze %dma_wait3A_171 : memref<1x128x128xf32, #tpu.memory_space<vmem>> -> memref<128x128xf32, #tpu.memory_space<vmem>>
    %dma_wait3A_173 = arith.constant 0 : i32
    %dma_wait3A_174 = arith.constant 0 : i32
    %dma_wait3A_175 = tpu.memref_slice %arg2[%dma_wait3A_173, %dma_wait3A_174] : memref<10000x128xf32, #tpu.memory_space<hbm>> -> memref<128x128xf32, #tpu.memory_space<hbm>>
    %dma_wait3A_176 = arith.constant 0 : i32
    %dma_wait3A_177 = arith.constant 0 : i32
    %dma_wait3A_178 = tpu.memref_slice %arg6[%dma_wait3A_168, %dma_wait3A_176, %dma_wait3A_177] : memref<6x128x128xf32, #tpu.memory_space<vmem>> -> memref<1x128x128xf32, #tpu.memory_space<vmem>>
    %dma_wait3A_179 = tpu.memref_squeeze %dma_wait3A_178 : memref<1x128x128xf32, #tpu.memory_space<vmem>> -> memref<128x128xf32, #tpu.memory_space<vmem>>
    %dma_wait3A_180 = arith.constant 0 : i32
    %dma_wait3A_181 = arith.constant 0 : i32
    %dma_wait3A_182 = tpu.memref_slice %arg2[%dma_wait3A_180, %dma_wait3A_181] : memref<10000x128xf32, #tpu.memory_space<hbm>> -> memref<128x128xf32, #tpu.memory_space<hbm>>
    tpu.wait_dma2 semaphore(%arg8 : memref<!tpu.dma_semaphore, #tpu.memory_space<semaphore_mem>>) src(%dma_wait3A_182 : memref<128x128xf32, #tpu.memory_space<hbm>>) dst(%dma_wait3A_179 : memref<128x128xf32, #tpu.memory_space<vmem>>)
    %dma_wait3A_183 = arith.constant 1 : i32
    %dma_wait3A_184 = arith.constant 0 : i32
    %dma_wait3A_185 = arith.constant 0 : i32
    %dma_wait3A_186 = tpu.memref_slice %arg6[%dma_wait3A_183, %dma_wait3A_184, %dma_wait3A_185] : memref<6x128x128xf32, #tpu.memory_space<vmem>> -> memref<1x128x128xf32, #tpu.memory_space<vmem>>
    %dma_wait3A_187 = tpu.memref_squeeze %dma_wait3A_186 : memref<1x128x128xf32, #tpu.memory_space<vmem>> -> memref<128x128xf32, #tpu.memory_space<vmem>>
    %dma_wait3A_188 = arith.constant 0 : i32
    %dma_wait3A_189 = arith.constant 0 : i32
    %dma_wait3A_190 = tpu.memref_slice %arg2[%dma_wait3A_188, %dma_wait3A_189] : memref<10000x128xf32, #tpu.memory_space<hbm>> -> memref<128x128xf32, #tpu.memory_space<hbm>>
    %dma_wait3A_191 = arith.constant 0 : i32
    %dma_wait3A_192 = arith.constant 0 : i32
    %dma_wait3A_193 = tpu.memref_slice %arg6[%dma_wait3A_183, %dma_wait3A_191, %dma_wait3A_192] : memref<6x128x128xf32, #tpu.memory_space<vmem>> -> memref<1x128x128xf32, #tpu.memory_space<vmem>>
    %dma_wait3A_194 = tpu.memref_squeeze %dma_wait3A_193 : memref<1x128x128xf32, #tpu.memory_space<vmem>> -> memref<128x128xf32, #tpu.memory_space<vmem>>
    %dma_wait3A_195 = arith.constant 0 : i32
    %dma_wait3A_196 = arith.constant 0 : i32
    %dma_wait3A_197 = tpu.memref_slice %arg2[%dma_wait3A_195, %dma_wait3A_196] : memref<10000x128xf32, #tpu.memory_space<hbm>> -> memref<128x128xf32, #tpu.memory_space<hbm>>
    tpu.wait_dma2 semaphore(%arg8 : memref<!tpu.dma_semaphore, #tpu.memory_space<semaphore_mem>>) src(%dma_wait3A_197 : memref<128x128xf32, #tpu.memory_space<hbm>>) dst(%dma_wait3A_194 : memref<128x128xf32, #tpu.memory_space<vmem>>)
    %dma_wait3A_198 = arith.constant 2 : i32
    %dma_wait3A_199 = arith.constant 0 : i32
    %dma_wait3A_200 = arith.constant 0 : i32
    %dma_wait3A_201 = tpu.memref_slice %arg6[%dma_wait3A_198, %dma_wait3A_199, %dma_wait3A_200] : memref<6x128x128xf32, #tpu.memory_space<vmem>> -> memref<1x128x128xf32, #tpu.memory_space<vmem>>
    %dma_wait3A_202 = tpu.memref_squeeze %dma_wait3A_201 : memref<1x128x128xf32, #tpu.memory_space<vmem>> -> memref<128x128xf32, #tpu.memory_space<vmem>>
    %dma_wait3A_203 = arith.constant 0 : i32
    %dma_wait3A_204 = arith.constant 0 : i32
    %dma_wait3A_205 = tpu.memref_slice %arg2[%dma_wait3A_203, %dma_wait3A_204] : memref<10000x128xf32, #tpu.memory_space<hbm>> -> memref<128x128xf32, #tpu.memory_space<hbm>>
    %dma_wait3A_206 = arith.constant 0 : i32
    %dma_wait3A_207 = arith.constant 0 : i32
    %dma_wait3A_208 = tpu.memref_slice %arg6[%dma_wait3A_198, %dma_wait3A_206, %dma_wait3A_207] : memref<6x128x128xf32, #tpu.memory_space<vmem>> -> memref<1x128x128xf32, #tpu.memory_space<vmem>>
    %dma_wait3A_209 = tpu.memref_squeeze %dma_wait3A_208 : memref<1x128x128xf32, #tpu.memory_space<vmem>> -> memref<128x128xf32, #tpu.memory_space<vmem>>
    %dma_wait3A_210 = arith.constant 0 : i32
    %dma_wait3A_211 = arith.constant 0 : i32
    %dma_wait3A_212 = tpu.memref_slice %arg2[%dma_wait3A_210, %dma_wait3A_211] : memref<10000x128xf32, #tpu.memory_space<hbm>> -> memref<128x128xf32, #tpu.memory_space<hbm>>
    tpu.wait_dma2 semaphore(%arg8 : memref<!tpu.dma_semaphore, #tpu.memory_space<semaphore_mem>>) src(%dma_wait3A_212 : memref<128x128xf32, #tpu.memory_space<hbm>>) dst(%dma_wait3A_209 : memref<128x128xf32, #tpu.memory_space<vmem>>)
    %dma_wait3A_213 = arith.constant 3 : i32
    %dma_wait3A_214 = arith.constant 0 : i32
    %dma_wait3A_215 = arith.constant 0 : i32
    %dma_wait3A_216 = tpu.memref_slice %arg6[%dma_wait3A_213, %dma_wait3A_214, %dma_wait3A_215] : memref<6x128x128xf32, #tpu.memory_space<vmem>> -> memref<1x128x128xf32, #tpu.memory_space<vmem>>
    %dma_wait3A_217 = tpu.memref_squeeze %dma_wait3A_216 : memref<1x128x128xf32, #tpu.memory_space<vmem>> -> memref<128x128xf32, #tpu.memory_space<vmem>>
    %dma_wait3A_218 = arith.constant 0 : i32
    %dma_wait3A_219 = arith.constant 0 : i32
    %dma_wait3A_220 = tpu.memref_slice %arg2[%dma_wait3A_218, %dma_wait3A_219] : memref<10000x128xf32, #tpu.memory_space<hbm>> -> memref<128x128xf32, #tpu.memory_space<hbm>>
    %dma_wait3A_221 = arith.constant 0 : i32
    %dma_wait3A_222 = arith.constant 0 : i32
    %dma_wait3A_223 = tpu.memref_slice %arg6[%dma_wait3A_213, %dma_wait3A_221, %dma_wait3A_222] : memref<6x128x128xf32, #tpu.memory_space<vmem>> -> memref<1x128x128xf32, #tpu.memory_space<vmem>>
    %dma_wait3A_224 = tpu.memref_squeeze %dma_wait3A_223 : memref<1x128x128xf32, #tpu.memory_space<vmem>> -> memref<128x128xf32, #tpu.memory_space<vmem>>
    %dma_wait3A_225 = arith.constant 0 : i32
    %dma_wait3A_226 = arith.constant 0 : i32
    %dma_wait3A_227 = tpu.memref_slice %arg2[%dma_wait3A_225, %dma_wait3A_226] : memref<10000x128xf32, #tpu.memory_space<hbm>> -> memref<128x128xf32, #tpu.memory_space<hbm>>
    tpu.wait_dma2 semaphore(%arg8 : memref<!tpu.dma_semaphore, #tpu.memory_space<semaphore_mem>>) src(%dma_wait3A_227 : memref<128x128xf32, #tpu.memory_space<hbm>>) dst(%dma_wait3A_224 : memref<128x128xf32, #tpu.memory_space<vmem>>)
    %dma_wait3A_228 = arith.constant 4 : i32
    %dma_wait3A_229 = arith.constant 0 : i32
    %dma_wait3A_230 = arith.constant 0 : i32
    %dma_wait3A_231 = tpu.memref_slice %arg6[%dma_wait3A_228, %dma_wait3A_229, %dma_wait3A_230] : memref<6x128x128xf32, #tpu.memory_space<vmem>> -> memref<1x128x128xf32, #tpu.memory_space<vmem>>
    %dma_wait3A_232 = tpu.memref_squeeze %dma_wait3A_231 : memref<1x128x128xf32, #tpu.memory_space<vmem>> -> memref<128x128xf32, #tpu.memory_space<vmem>>
    %dma_wait3A_233 = arith.constant 0 : i32
    %dma_wait3A_234 = arith.constant 0 : i32
    %dma_wait3A_235 = tpu.memref_slice %arg2[%dma_wait3A_233, %dma_wait3A_234] : memref<10000x128xf32, #tpu.memory_space<hbm>> -> memref<128x128xf32, #tpu.memory_space<hbm>>
    %dma_wait3A_236 = arith.constant 0 : i32
    %dma_wait3A_237 = arith.constant 0 : i32
    %dma_wait3A_238 = tpu.memref_slice %arg6[%dma_wait3A_228, %dma_wait3A_236, %dma_wait3A_237] : memref<6x128x128xf32, #tpu.memory_space<vmem>> -> memref<1x128x128xf32, #tpu.memory_space<vmem>>
    %dma_wait3A_239 = tpu.memref_squeeze %dma_wait3A_238 : memref<1x128x128xf32, #tpu.memory_space<vmem>> -> memref<128x128xf32, #tpu.memory_space<vmem>>
    %dma_wait3A_240 = arith.constant 0 : i32
    %dma_wait3A_241 = arith.constant 0 : i32
    %dma_wait3A_242 = tpu.memref_slice %arg2[%dma_wait3A_240, %dma_wait3A_241] : memref<10000x128xf32, #tpu.memory_space<hbm>> -> memref<128x128xf32, #tpu.memory_space<hbm>>
    tpu.wait_dma2 semaphore(%arg8 : memref<!tpu.dma_semaphore, #tpu.memory_space<semaphore_mem>>) src(%dma_wait3A_242 : memref<128x128xf32, #tpu.memory_space<hbm>>) dst(%dma_wait3A_239 : memref<128x128xf32, #tpu.memory_space<vmem>>)
    %dma_wait3A_243 = arith.constant 5 : i32
    %dma_wait3A_244 = arith.constant 0 : i32
    %dma_wait3A_245 = arith.constant 0 : i32
    %dma_wait3A_246 = tpu.memref_slice %arg6[%dma_wait3A_243, %dma_wait3A_244, %dma_wait3A_245] : memref<6x128x128xf32, #tpu.memory_space<vmem>> -> memref<1x128x128xf32, #tpu.memory_space<vmem>>
    %dma_wait3A_247 = tpu.memref_squeeze %dma_wait3A_246 : memref<1x128x128xf32, #tpu.memory_space<vmem>> -> memref<128x128xf32, #tpu.memory_space<vmem>>
    %dma_wait3A_248 = arith.constant 0 : i32
    %dma_wait3A_249 = arith.constant 0 : i32
    %dma_wait3A_250 = tpu.memref_slice %arg2[%dma_wait3A_248, %dma_wait3A_249] : memref<10000x128xf32, #tpu.memory_space<hbm>> -> memref<128x128xf32, #tpu.memory_space<hbm>>
    %dma_wait3A_251 = arith.constant 0 : i32
    %dma_wait3A_252 = arith.constant 0 : i32
    %dma_wait3A_253 = tpu.memref_slice %arg6[%dma_wait3A_243, %dma_wait3A_251, %dma_wait3A_252] : memref<6x128x128xf32, #tpu.memory_space<vmem>> -> memref<1x128x128xf32, #tpu.memory_space<vmem>>
    %dma_wait3A_254 = tpu.memref_squeeze %dma_wait3A_253 : memref<1x128x128xf32, #tpu.memory_space<vmem>> -> memref<128x128xf32, #tpu.memory_space<vmem>>
    %dma_wait3A_255 = arith.constant 0 : i32
    %dma_wait3A_256 = arith.constant 0 : i32
    %dma_wait3A_257 = tpu.memref_slice %arg2[%dma_wait3A_255, %dma_wait3A_256] : memref<10000x128xf32, #tpu.memory_space<hbm>> -> memref<128x128xf32, #tpu.memory_space<hbm>>
    tpu.wait_dma2 semaphore(%arg8 : memref<!tpu.dma_semaphore, #tpu.memory_space<semaphore_mem>>) src(%dma_wait3A_257 : memref<128x128xf32, #tpu.memory_space<hbm>>) dst(%dma_wait3A_254 : memref<128x128xf32, #tpu.memory_space<vmem>>)
    %dma_start3A_258 = arith.constant 0 : i32
    %dma_start3A_259 = arith.constant 0 : i32
    %dma_start3A_260 = arith.constant 0 : i32
    %dma_start3A_261 = arith.constant 0 : i32
    %dma_start3A_262 = tpu.memref_slice %arg6[%dma_start3A_259, %dma_start3A_260, %dma_start3A_261] : memref<6x128x128xf32, #tpu.memory_space<vmem>> -> memref<1x8x128xf32, #tpu.memory_space<vmem>>
    %dma_start3A_263 = tpu.memref_squeeze %dma_start3A_262 : memref<1x8x128xf32, #tpu.memory_space<vmem>> -> memref<8x128xf32, #tpu.memory_space<vmem>>
    %dma_start3A_264 = arith.constant 4992 : i32
    %dma_start3A_265 = tpu.memref_slice %arg5[%dma_start3A_258, %dma_start3A_264] : memref<1x5000xi32, #tpu.memory_space<vmem>> -> memref<1x8xi32, #tpu.memory_space<vmem>>
    %dma_start3A_266 = tpu.memref_squeeze %dma_start3A_265 : memref<1x8xi32, #tpu.memory_space<vmem>> -> memref<8xi32, #tpu.memory_space<vmem>>
    %dma_start3A_267 = arith.constant 0 : i32
    %dma_start3A_268 = arith.constant 0 : i32
    %dma_start3A_269 = tpu.memref_slice %arg2[%dma_start3A_267, %dma_start3A_268] : memref<10000x128xf32, #tpu.memory_space<hbm>> -> memref<10000x128xf32, #tpu.memory_space<hbm>>
    tpu.enqueue_indirect_dma source(%dma_start3A_269 : memref<10000x128xf32, #tpu.memory_space<hbm>>) target(%dma_start3A_263 : memref<8x128xf32, #tpu.memory_space<vmem>>) offsets(%dma_start3A_266 : memref<8xi32, #tpu.memory_space<vmem>>) semaphore(%arg7 : memref<!tpu.dma_semaphore, #tpu.memory_space<semaphore_mem>>)
    %dma_wait3A_270 = arith.constant 0 : i32
    %dma_wait3A_271 = arith.constant 0 : i32
    %dma_wait3A_272 = arith.constant 0 : i32
    %dma_wait3A_273 = arith.constant 0 : i32
    %dma_wait3A_274 = tpu.memref_slice %arg6[%dma_wait3A_271, %dma_wait3A_272, %dma_wait3A_273] : memref<6x128x128xf32, #tpu.memory_space<vmem>> -> memref<1x8x128xf32, #tpu.memory_space<vmem>>
    %dma_wait3A_275 = tpu.memref_squeeze %dma_wait3A_274 : memref<1x8x128xf32, #tpu.memory_space<vmem>> -> memref<8x128xf32, #tpu.memory_space<vmem>>
    %dma_wait3A_276 = arith.constant 4992 : i32
    %dma_wait3A_277 = tpu.memref_slice %arg5[%dma_wait3A_270, %dma_wait3A_276] : memref<1x5000xi32, #tpu.memory_space<vmem>> -> memref<1x8xi32, #tpu.memory_space<vmem>>
    %dma_wait3A_278 = tpu.memref_squeeze %dma_wait3A_277 : memref<1x8xi32, #tpu.memory_space<vmem>> -> memref<8xi32, #tpu.memory_space<vmem>>
    %dma_wait3A_279 = arith.constant 0 : i32
    %dma_wait3A_280 = arith.constant 0 : i32
    %dma_wait3A_281 = tpu.memref_slice %arg2[%dma_wait3A_279, %dma_wait3A_280] : memref<10000x128xf32, #tpu.memory_space<hbm>> -> memref<10000x128xf32, #tpu.memory_space<hbm>>
    tpu.wait_indirect_dma semaphore(%arg7 : memref<!tpu.dma_semaphore, #tpu.memory_space<semaphore_mem>>) src(%dma_wait3A_281 : memref<10000x128xf32, #tpu.memory_space<hbm>>) dst(%dma_wait3A_275 : memref<8x128xf32, #tpu.memory_space<vmem>>)
    %add3A_282 = arith.constant 4992 : i32
    %add3A_283 = arith.addi %mul3A_2, %add3A_282 : i32
    %run_scoped3A = arith.constant 0 : i32
    "tpu.region"() ({
      %run_scoped3A_284 = tpu.sem_alloc : memref<!tpu.dma_semaphore, #tpu.memory_space<semaphore_mem>>
      %dma_start3A_285 = arith.constant 0 : i32
      %dma_start3A_286 = arith.constant 0 : i32
      %dma_start3A_287 = tpu.memref_slice %arg6[%run_scoped3A, %dma_start3A_285, %dma_start3A_286] : memref<6x128x128xf32, #tpu.memory_space<vmem>> -> memref<1x8x128xf32, #tpu.memory_space<vmem>>
      %dma_start3A_288 = tpu.memref_squeeze %dma_start3A_287 : memref<1x8x128xf32, #tpu.memory_space<vmem>> -> memref<8x128xf32, #tpu.memory_space<vmem>>
      %dma_start3A_289 = arith.constant 0 : i32
      %dma_start3A_290 = tpu.memref_slice %arg4[%add3A_283, %dma_start3A_289] : memref<160000x128xf32, #tpu.memory_space<hbm>> -> memref<8x128xf32, #tpu.memory_space<hbm>>
      %dma_start3A_291 = arith.constant 0 : i32
      %dma_start3A_292 = tpu.memref_slice %arg4[%add3A_283, %dma_start3A_291] : memref<160000x128xf32, #tpu.memory_space<hbm>> -> memref<8x128xf32, #tpu.memory_space<hbm>>
      %dma_start3A_293 = arith.constant 0 : i32
      %dma_start3A_294 = arith.constant 0 : i32
      %dma_start3A_295 = tpu.memref_slice %arg6[%run_scoped3A, %dma_start3A_293, %dma_start3A_294] : memref<6x128x128xf32, #tpu.memory_space<vmem>> -> memref<1x8x128xf32, #tpu.memory_space<vmem>>
      %dma_start3A_296 = tpu.memref_squeeze %dma_start3A_295 : memref<1x8x128xf32, #tpu.memory_space<vmem>> -> memref<8x128xf32, #tpu.memory_space<vmem>>
      tpu.enqueue_dma source(%dma_start3A_296 : memref<8x128xf32, #tpu.memory_space<vmem>>) target(%dma_start3A_292 : memref<8x128xf32, #tpu.memory_space<hbm>>) target_semaphore(%run_scoped3A_284 : memref<!tpu.dma_semaphore, #tpu.memory_space<semaphore_mem>>)
      %dma_wait3A_297 = arith.constant 0 : i32
      %dma_wait3A_298 = arith.constant 0 : i32
      %dma_wait3A_299 = tpu.memref_slice %arg6[%run_scoped3A, %dma_wait3A_297, %dma_wait3A_298] : memref<6x128x128xf32, #tpu.memory_space<vmem>> -> memref<1x8x128xf32, #tpu.memory_space<vmem>>
      %dma_wait3A_300 = tpu.memref_squeeze %dma_wait3A_299 : memref<1x8x128xf32, #tpu.memory_space<vmem>> -> memref<8x128xf32, #tpu.memory_space<vmem>>
      %dma_wait3A_301 = arith.constant 0 : i32
      %dma_wait3A_302 = tpu.memref_slice %arg4[%add3A_283, %dma_wait3A_301] : memref<160000x128xf32, #tpu.memory_space<hbm>> -> memref<8x128xf32, #tpu.memory_space<hbm>>
      %dma_wait3A_303 = arith.constant 0 : i32
      %dma_wait3A_304 = tpu.memref_slice %arg4[%add3A_283, %dma_wait3A_303] : memref<160000x128xf32, #tpu.memory_space<hbm>> -> memref<8x128xf32, #tpu.memory_space<hbm>>
      %dma_wait3A_305 = arith.constant 0 : i32
      %dma_wait3A_306 = arith.constant 0 : i32
      %dma_wait3A_307 = tpu.memref_slice %arg6[%run_scoped3A, %dma_wait3A_305, %dma_wait3A_306] : memref<6x128x128xf32, #tpu.memory_space<vmem>> -> memref<1x8x128xf32, #tpu.memory_space<vmem>>
      %dma_wait3A_308 = tpu.memref_squeeze %dma_wait3A_307 : memref<1x8x128xf32, #tpu.memory_space<vmem>> -> memref<8x128xf32, #tpu.memory_space<vmem>>
      tpu.wait_dma2 semaphore(%run_scoped3A_284 : memref<!tpu.dma_semaphore, #tpu.memory_space<semaphore_mem>>) src(%dma_wait3A_308 : memref<8x128xf32, #tpu.memory_space<vmem>>) dst(%dma_wait3A_304 : memref<8x128xf32, #tpu.memory_space<hbm>>)
      tpu.yield
    }) : () -> ()
    return
  }
}

#map = affine_map<(d0, d1) -> (0, 0)>
#map1 = affine_map<(d0, d1) -> (0)>
module attributes {stable_mosaic.version = 14 : i64} {
  func.func @k(%arg0: i32, %arg1: i32, %arg2: memref<2560x128xf32, #tpu.memory_space<hbm>>, %arg3: memref<2560x128xi32, #tpu.memory_space<hbm>>, %arg4: memref<16xf32, #tpu.memory_space<hbm>>, %arg5: memref<10000xf32, #tpu.memory_space<hbm>>, %arg6: memref<2560x128xf32, #tpu.memory_space<hbm>>, %arg7: memref<160x128xf32, #tpu.memory_space<vmem>>, %arg8: memref<160x128xi32, #tpu.memory_space<vmem>>, %arg9: memref<16xf32, #tpu.memory_space<vmem>>, %arg10: memref<128xf32, #tpu.memory_space<vmem>>, %arg11: memref<10000xf32, #tpu.memory_space<vmem_shared>>) attributes {dimension_semantics = [#tpu.dimension_semantics<core_parallel>, #tpu.dimension_semantics<subcore_parallel>], iteration_bounds = array<i64: 1, 16>, scalar_prefetch = 0 : i64, scratch_operands = 5 : i64, tpu.core_type = #tpu.core_type<sc_vector_subcore>, window_params = [{transform_indices = #map}, {transform_indices = #map}, {transform_indices = #map1}, {transform_indices = #map1}, {transform_indices = #map}]} {
    %mul3A = arith.constant 160 : i32
    %mul3A_0 = arith.muli %arg1, %mul3A : i32
    "tpu.region"() ({
      %run_scoped3A = tpu.sem_alloc : memref<!tpu.dma_semaphore, #tpu.memory_space<semaphore_mem>>
      %dma_start3A = arith.constant 0 : i32
      %dma_start3A_23 = tpu.memref_slice %arg2[%mul3A_0, %dma_start3A] : memref<2560x128xf32, #tpu.memory_space<hbm>> -> memref<160x128xf32, #tpu.memory_space<hbm>>
      %dma_start3A_24 = arith.constant 0 : i32
      %dma_start3A_25 = tpu.memref_slice %arg2[%mul3A_0, %dma_start3A_24] : memref<2560x128xf32, #tpu.memory_space<hbm>> -> memref<160x128xf32, #tpu.memory_space<hbm>>
      tpu.enqueue_dma source(%dma_start3A_25 : memref<160x128xf32, #tpu.memory_space<hbm>>) target(%arg7 : memref<160x128xf32, #tpu.memory_space<vmem>>) target_semaphore(%run_scoped3A : memref<!tpu.dma_semaphore, #tpu.memory_space<semaphore_mem>>)
      %dma_wait3A = arith.constant 0 : i32
      %dma_wait3A_26 = tpu.memref_slice %arg2[%mul3A_0, %dma_wait3A] : memref<2560x128xf32, #tpu.memory_space<hbm>> -> memref<160x128xf32, #tpu.memory_space<hbm>>
      %dma_wait3A_27 = arith.constant 0 : i32
      %dma_wait3A_28 = tpu.memref_slice %arg2[%mul3A_0, %dma_wait3A_27] : memref<2560x128xf32, #tpu.memory_space<hbm>> -> memref<160x128xf32, #tpu.memory_space<hbm>>
      tpu.wait_dma2 semaphore(%run_scoped3A : memref<!tpu.dma_semaphore, #tpu.memory_space<semaphore_mem>>) src(%dma_wait3A_28 : memref<160x128xf32, #tpu.memory_space<hbm>>) dst(%arg7 : memref<160x128xf32, #tpu.memory_space<vmem>>)
      tpu.yield
    }) : () -> ()
    "tpu.region"() ({
      %run_scoped3A = tpu.sem_alloc : memref<!tpu.dma_semaphore, #tpu.memory_space<semaphore_mem>>
      %dma_start3A = arith.constant 0 : i32
      %dma_start3A_23 = tpu.memref_slice %arg3[%mul3A_0, %dma_start3A] : memref<2560x128xi32, #tpu.memory_space<hbm>> -> memref<160x128xi32, #tpu.memory_space<hbm>>
      %dma_start3A_24 = arith.constant 0 : i32
      %dma_start3A_25 = tpu.memref_slice %arg3[%mul3A_0, %dma_start3A_24] : memref<2560x128xi32, #tpu.memory_space<hbm>> -> memref<160x128xi32, #tpu.memory_space<hbm>>
      tpu.enqueue_dma source(%dma_start3A_25 : memref<160x128xi32, #tpu.memory_space<hbm>>) target(%arg8 : memref<160x128xi32, #tpu.memory_space<vmem>>) target_semaphore(%run_scoped3A : memref<!tpu.dma_semaphore, #tpu.memory_space<semaphore_mem>>)
      %dma_wait3A = arith.constant 0 : i32
      %dma_wait3A_26 = tpu.memref_slice %arg3[%mul3A_0, %dma_wait3A] : memref<2560x128xi32, #tpu.memory_space<hbm>> -> memref<160x128xi32, #tpu.memory_space<hbm>>
      %dma_wait3A_27 = arith.constant 0 : i32
      %dma_wait3A_28 = tpu.memref_slice %arg3[%mul3A_0, %dma_wait3A_27] : memref<2560x128xi32, #tpu.memory_space<hbm>> -> memref<160x128xi32, #tpu.memory_space<hbm>>
      tpu.wait_dma2 semaphore(%run_scoped3A : memref<!tpu.dma_semaphore, #tpu.memory_space<semaphore_mem>>) src(%dma_wait3A_28 : memref<160x128xi32, #tpu.memory_space<hbm>>) dst(%arg8 : memref<160x128xi32, #tpu.memory_space<vmem>>)
      tpu.yield
    }) : () -> ()
    "tpu.region"() ({
      %run_scoped3A = tpu.sem_alloc : memref<!tpu.dma_semaphore, #tpu.memory_space<semaphore_mem>>
      tpu.enqueue_dma source(%arg4 : memref<16xf32, #tpu.memory_space<hbm>>) target(%arg9 : memref<16xf32, #tpu.memory_space<vmem>>) target_semaphore(%run_scoped3A : memref<!tpu.dma_semaphore, #tpu.memory_space<semaphore_mem>>)
      tpu.wait_dma2 semaphore(%run_scoped3A : memref<!tpu.dma_semaphore, #tpu.memory_space<semaphore_mem>>) src(%arg4 : memref<16xf32, #tpu.memory_space<hbm>>) dst(%arg9 : memref<16xf32, #tpu.memory_space<vmem>>)
      tpu.yield
    }) : () -> ()
    %eq3A = arith.constant 0 : i32
    %eq3A_1 = arith.cmpi eq, %arg1, %eq3A : i32
    %convert_element_type3A = arith.extui %eq3A_1 : i1 to i32
    %cond3A = arith.constant 0 : i32
    %cond3A_2 = arith.cmpi ne, %convert_element_type3A, %cond3A : i32
    scf.if %cond3A_2 {
      "tpu.region"() ({
        %run_scoped3A = tpu.sem_alloc : memref<!tpu.dma_semaphore, #tpu.memory_space<semaphore_mem>>
        tpu.enqueue_dma source(%arg5 : memref<10000xf32, #tpu.memory_space<hbm>>) target(%arg11 : memref<10000xf32, #tpu.memory_space<vmem_shared>>) target_semaphore(%run_scoped3A : memref<!tpu.dma_semaphore, #tpu.memory_space<semaphore_mem>>)
        tpu.wait_dma2 semaphore(%run_scoped3A : memref<!tpu.dma_semaphore, #tpu.memory_space<semaphore_mem>>) src(%arg5 : memref<10000xf32, #tpu.memory_space<hbm>>) dst(%arg11 : memref<10000xf32, #tpu.memory_space<vmem_shared>>)
        tpu.yield
      }) : () -> ()
    } else {
    }
    %get3A = arith.constant 0 : index
    %get3A_3 = tpu.vector_load %arg9[%get3A] {strides = array<i32>} : memref<16xf32, #tpu.memory_space<vmem>>, vector<16xf32>,
    %get3A_4 = vector.shape_cast %get3A_3 : vector<16xf32> to vector<16xf32>
    %scan3A = arith.constant 0 : i32
    %scan3A_5 = arith.constant 0 : i32
    %scan3A_6 = arith.constant 160 : i32
    %scan3A_7 = arith.addi %scan3A_5, %scan3A_6 : i32
    %scan3A_8 = arith.constant 1 : i32
    scf.for %scan3A_23 = %scan3A_5 to %scan3A_7 step %scan3A_8  : i32 {
      %get3A_24 = arith.index_cast %scan3A_23 : i32 to index
      %get3A_25 = arith.constant 0 : index
      %get3A_26 = tpu.vector_load %arg7[%get3A_24, %get3A_25] {strides = array<i32>} : memref<160x128xf32, #tpu.memory_space<vmem>>, vector<1x16xf32>,
      %get3A_27 = vector.shape_cast %get3A_26 : vector<1x16xf32> to vector<16xf32>
      %sub3A = arith.subf %get3A_27, %get3A_4 : vector<16xf32>
      %exp3A = math.exp %sub3A : vector<16xf32>
      %swap3A = arith.index_cast %scan3A_23 : i32 to index
      %swap3A_28 = arith.constant 0 : index
      %swap3A_29 = tpu.vector_load %arg7[%swap3A, %swap3A_28] {strides = array<i32>} : memref<160x128xf32, #tpu.memory_space<vmem>>, vector<1x16xf32>,
      %swap3A_30 = vector.shape_cast %swap3A_29 : vector<1x16xf32> to vector<16xf32>
      %swap3A_31 = vector.shape_cast %exp3A : vector<16xf32> to vector<1x16xf32>
      tpu.vector_store %arg7[%swap3A, %swap3A_28], %swap3A_31 {strides = array<i32>} : memref<160x128xf32, #tpu.memory_space<vmem>>, vector<1x16xf32>,
      %get3A_32 = arith.index_cast %scan3A_23 : i32 to index
      %get3A_33 = arith.constant 16 : index
      %get3A_34 = tpu.vector_load %arg7[%get3A_32, %get3A_33] {strides = array<i32>} : memref<160x128xf32, #tpu.memory_space<vmem>>, vector<1x16xf32>,
      %get3A_35 = vector.shape_cast %get3A_34 : vector<1x16xf32> to vector<16xf32>
      %sub3A_36 = arith.subf %get3A_35, %get3A_4 : vector<16xf32>
      %exp3A_37 = math.exp %sub3A_36 : vector<16xf32>
      %swap3A_38 = arith.index_cast %scan3A_23 : i32 to index
      %swap3A_39 = arith.constant 16 : index
      %swap3A_40 = tpu.vector_load %arg7[%swap3A_38, %swap3A_39] {strides = array<i32>} : memref<160x128xf32, #tpu.memory_space<vmem>>, vector<1x16xf32>,
      %swap3A_41 = vector.shape_cast %swap3A_40 : vector<1x16xf32> to vector<16xf32>
      %swap3A_42 = vector.shape_cast %exp3A_37 : vector<16xf32> to vector<1x16xf32>
      tpu.vector_store %arg7[%swap3A_38, %swap3A_39], %swap3A_42 {strides = array<i32>} : memref<160x128xf32, #tpu.memory_space<vmem>>, vector<1x16xf32>,
      %get3A_43 = arith.index_cast %scan3A_23 : i32 to index
      %get3A_44 = arith.constant 32 : index
      %get3A_45 = tpu.vector_load %arg7[%get3A_43, %get3A_44] {strides = array<i32>} : memref<160x128xf32, #tpu.memory_space<vmem>>, vector<1x16xf32>,
      %get3A_46 = vector.shape_cast %get3A_45 : vector<1x16xf32> to vector<16xf32>
      %sub3A_47 = arith.subf %get3A_46, %get3A_4 : vector<16xf32>
      %exp3A_48 = math.exp %sub3A_47 : vector<16xf32>
      %swap3A_49 = arith.index_cast %scan3A_23 : i32 to index
      %swap3A_50 = arith.constant 32 : index
      %swap3A_51 = tpu.vector_load %arg7[%swap3A_49, %swap3A_50] {strides = array<i32>} : memref<160x128xf32, #tpu.memory_space<vmem>>, vector<1x16xf32>,
      %swap3A_52 = vector.shape_cast %swap3A_51 : vector<1x16xf32> to vector<16xf32>
      %swap3A_53 = vector.shape_cast %exp3A_48 : vector<16xf32> to vector<1x16xf32>
      tpu.vector_store %arg7[%swap3A_49, %swap3A_50], %swap3A_53 {strides = array<i32>} : memref<160x128xf32, #tpu.memory_space<vmem>>, vector<1x16xf32>,
      %get3A_54 = arith.index_cast %scan3A_23 : i32 to index
      %get3A_55 = arith.constant 48 : index
      %get3A_56 = tpu.vector_load %arg7[%get3A_54, %get3A_55] {strides = array<i32>} : memref<160x128xf32, #tpu.memory_space<vmem>>, vector<1x16xf32>,
      %get3A_57 = vector.shape_cast %get3A_56 : vector<1x16xf32> to vector<16xf32>
      %sub3A_58 = arith.subf %get3A_57, %get3A_4 : vector<16xf32>
      %exp3A_59 = math.exp %sub3A_58 : vector<16xf32>
      %swap3A_60 = arith.index_cast %scan3A_23 : i32 to index
      %swap3A_61 = arith.constant 48 : index
      %swap3A_62 = tpu.vector_load %arg7[%swap3A_60, %swap3A_61] {strides = array<i32>} : memref<160x128xf32, #tpu.memory_space<vmem>>, vector<1x16xf32>,
      %swap3A_63 = vector.shape_cast %swap3A_62 : vector<1x16xf32> to vector<16xf32>
      %swap3A_64 = vector.shape_cast %exp3A_59 : vector<16xf32> to vector<1x16xf32>
      tpu.vector_store %arg7[%swap3A_60, %swap3A_61], %swap3A_64 {strides = array<i32>} : memref<160x128xf32, #tpu.memory_space<vmem>>, vector<1x16xf32>,
      %get3A_65 = arith.index_cast %scan3A_23 : i32 to index
      %get3A_66 = arith.constant 64 : index
      %get3A_67 = tpu.vector_load %arg7[%get3A_65, %get3A_66] {strides = array<i32>} : memref<160x128xf32, #tpu.memory_space<vmem>>, vector<1x16xf32>,
      %get3A_68 = vector.shape_cast %get3A_67 : vector<1x16xf32> to vector<16xf32>
      %sub3A_69 = arith.subf %get3A_68, %get3A_4 : vector<16xf32>
      %exp3A_70 = math.exp %sub3A_69 : vector<16xf32>
      %swap3A_71 = arith.index_cast %scan3A_23 : i32 to index
      %swap3A_72 = arith.constant 64 : index
      %swap3A_73 = tpu.vector_load %arg7[%swap3A_71, %swap3A_72] {strides = array<i32>} : memref<160x128xf32, #tpu.memory_space<vmem>>, vector<1x16xf32>,
      %swap3A_74 = vector.shape_cast %swap3A_73 : vector<1x16xf32> to vector<16xf32>
      %swap3A_75 = vector.shape_cast %exp3A_70 : vector<16xf32> to vector<1x16xf32>
      tpu.vector_store %arg7[%swap3A_71, %swap3A_72], %swap3A_75 {strides = array<i32>} : memref<160x128xf32, #tpu.memory_space<vmem>>, vector<1x16xf32>,
      %get3A_76 = arith.index_cast %scan3A_23 : i32 to index
      %get3A_77 = arith.constant 80 : index
      %get3A_78 = tpu.vector_load %arg7[%get3A_76, %get3A_77] {strides = array<i32>} : memref<160x128xf32, #tpu.memory_space<vmem>>, vector<1x16xf32>,
      %get3A_79 = vector.shape_cast %get3A_78 : vector<1x16xf32> to vector<16xf32>
      %sub3A_80 = arith.subf %get3A_79, %get3A_4 : vector<16xf32>
      %exp3A_81 = math.exp %sub3A_80 : vector<16xf32>
      %swap3A_82 = arith.index_cast %scan3A_23 : i32 to index
      %swap3A_83 = arith.constant 80 : index
      %swap3A_84 = tpu.vector_load %arg7[%swap3A_82, %swap3A_83] {strides = array<i32>} : memref<160x128xf32, #tpu.memory_space<vmem>>, vector<1x16xf32>,
      %swap3A_85 = vector.shape_cast %swap3A_84 : vector<1x16xf32> to vector<16xf32>
      %swap3A_86 = vector.shape_cast %exp3A_81 : vector<16xf32> to vector<1x16xf32>
      tpu.vector_store %arg7[%swap3A_82, %swap3A_83], %swap3A_86 {strides = array<i32>} : memref<160x128xf32, #tpu.memory_space<vmem>>, vector<1x16xf32>,
      %get3A_87 = arith.index_cast %scan3A_23 : i32 to index
      %get3A_88 = arith.constant 96 : index
      %get3A_89 = tpu.vector_load %arg7[%get3A_87, %get3A_88] {strides = array<i32>} : memref<160x128xf32, #tpu.memory_space<vmem>>, vector<1x16xf32>,
      %get3A_90 = vector.shape_cast %get3A_89 : vector<1x16xf32> to vector<16xf32>
      %sub3A_91 = arith.subf %get3A_90, %get3A_4 : vector<16xf32>
      %exp3A_92 = math.exp %sub3A_91 : vector<16xf32>
      %swap3A_93 = arith.index_cast %scan3A_23 : i32 to index
      %swap3A_94 = arith.constant 96 : index
      %swap3A_95 = tpu.vector_load %arg7[%swap3A_93, %swap3A_94] {strides = array<i32>} : memref<160x128xf32, #tpu.memory_space<vmem>>, vector<1x16xf32>,
      %swap3A_96 = vector.shape_cast %swap3A_95 : vector<1x16xf32> to vector<16xf32>
      %swap3A_97 = vector.shape_cast %exp3A_92 : vector<16xf32> to vector<1x16xf32>
      tpu.vector_store %arg7[%swap3A_93, %swap3A_94], %swap3A_97 {strides = array<i32>} : memref<160x128xf32, #tpu.memory_space<vmem>>, vector<1x16xf32>,
      %get3A_98 = arith.index_cast %scan3A_23 : i32 to index
      %get3A_99 = arith.constant 112 : index
      %get3A_100 = tpu.vector_load %arg7[%get3A_98, %get3A_99] {strides = array<i32>} : memref<160x128xf32, #tpu.memory_space<vmem>>, vector<1x16xf32>,
      %get3A_101 = vector.shape_cast %get3A_100 : vector<1x16xf32> to vector<16xf32>
      %sub3A_102 = arith.subf %get3A_101, %get3A_4 : vector<16xf32>
      %exp3A_103 = math.exp %sub3A_102 : vector<16xf32>
      %swap3A_104 = arith.index_cast %scan3A_23 : i32 to index
      %swap3A_105 = arith.constant 112 : index
      %swap3A_106 = tpu.vector_load %arg7[%swap3A_104, %swap3A_105] {strides = array<i32>} : memref<160x128xf32, #tpu.memory_space<vmem>>, vector<1x16xf32>,
      %swap3A_107 = vector.shape_cast %swap3A_106 : vector<1x16xf32> to vector<16xf32>
      %swap3A_108 = vector.shape_cast %exp3A_103 : vector<16xf32> to vector<1x16xf32>
      tpu.vector_store %arg7[%swap3A_104, %swap3A_105], %swap3A_108 {strides = array<i32>} : memref<160x128xf32, #tpu.memory_space<vmem>>, vector<1x16xf32>,
    }
    %scan3A_9 = arith.constant 160 : i32
    %barrier3A = arith.constant 0 : index
    tpu.barrier barrier_id(%barrier3A)
    %scan3A_10 = arith.constant 0 : i32
    %scan3A_11 = arith.constant 0 : i32
    %scan3A_12 = arith.constant 160 : i32
    %scan3A_13 = arith.addi %scan3A_11, %scan3A_12 : i32
    %scan3A_14 = arith.constant 1 : i32
    scf.for %scan3A_23 = %scan3A_11 to %scan3A_13 step %scan3A_14  : i32 {
      "tpu.region"() ({
        %run_scoped3A = tpu.sem_alloc : memref<!tpu.dma_semaphore, #tpu.memory_space<semaphore_mem>>
        %dma_start3A = arith.constant 0 : i32
        %dma_start3A_24 = tpu.memref_slice %arg7[%scan3A_23, %dma_start3A] : memref<160x128xf32, #tpu.memory_space<vmem>> -> memref<1x128xf32, #tpu.memory_space<vmem>>
        %dma_start3A_25 = tpu.memref_squeeze %dma_start3A_24 : memref<1x128xf32, #tpu.memory_space<vmem>> -> memref<128xf32, #tpu.memory_space<vmem>>
        %dma_start3A_26 = arith.constant 0 : i32
        %dma_start3A_27 = tpu.memref_slice %arg8[%scan3A_23, %dma_start3A_26] : memref<160x128xi32, #tpu.memory_space<vmem>> -> memref<1x128xi32, #tpu.memory_space<vmem>>
        %dma_start3A_28 = tpu.memref_squeeze %dma_start3A_27 : memref<1x128xi32, #tpu.memory_space<vmem>> -> memref<128xi32, #tpu.memory_space<vmem>>
        %dma_start3A_29 = arith.constant 0 : i32
        %dma_start3A_30 = tpu.memref_slice %arg11[%dma_start3A_29] : memref<10000xf32, #tpu.memory_space<vmem_shared>> -> memref<10000xf32, #tpu.memory_space<vmem_shared>>
        tpu.enqueue_indirect_dma source(%dma_start3A_25 : memref<128xf32, #tpu.memory_space<vmem>>) target(%dma_start3A_30 : memref<10000xf32, #tpu.memory_space<vmem_shared>>) offsets(%dma_start3A_28 : memref<128xi32, #tpu.memory_space<vmem>>) semaphore(%run_scoped3A : memref<!tpu.dma_semaphore, #tpu.memory_space<semaphore_mem>>) {add = true}
        %dma_wait3A = arith.constant 0 : i32
        %dma_wait3A_31 = tpu.memref_slice %arg7[%scan3A_23, %dma_wait3A] : memref<160x128xf32, #tpu.memory_space<vmem>> -> memref<1x128xf32, #tpu.memory_space<vmem>>
        %dma_wait3A_32 = tpu.memref_squeeze %dma_wait3A_31 : memref<1x128xf32, #tpu.memory_space<vmem>> -> memref<128xf32, #tpu.memory_space<vmem>>
        %dma_wait3A_33 = arith.constant 0 : i32
        %dma_wait3A_34 = tpu.memref_slice %arg8[%scan3A_23, %dma_wait3A_33] : memref<160x128xi32, #tpu.memory_space<vmem>> -> memref<1x128xi32, #tpu.memory_space<vmem>>
        %dma_wait3A_35 = tpu.memref_squeeze %dma_wait3A_34 : memref<1x128xi32, #tpu.memory_space<vmem>> -> memref<128xi32, #tpu.memory_space<vmem>>
        %dma_wait3A_36 = arith.constant 0 : i32
        %dma_wait3A_37 = tpu.memref_slice %arg11[%dma_wait3A_36] : memref<10000xf32, #tpu.memory_space<vmem_shared>> -> memref<10000xf32, #tpu.memory_space<vmem_shared>>
        tpu.wait_indirect_dma semaphore(%run_scoped3A : memref<!tpu.dma_semaphore, #tpu.memory_space<semaphore_mem>>) src(%dma_wait3A_32 : memref<128xf32, #tpu.memory_space<vmem>>) dst(%dma_wait3A_37 : memref<10000xf32, #tpu.memory_space<vmem_shared>>)
        tpu.yield
      }) : () -> ()
    }
    %scan3A_15 = arith.constant 160 : i32
    %barrier3A_16 = arith.constant 0 : index
    tpu.barrier barrier_id(%barrier3A_16)
    %scan3A_17 = arith.constant 0 : i32
    %scan3A_18 = arith.constant 0 : i32
    %scan3A_19 = arith.constant 160 : i32
    %scan3A_20 = arith.addi %scan3A_18, %scan3A_19 : i32
    %scan3A_21 = arith.constant 1 : i32
    scf.for %scan3A_23 = %scan3A_18 to %scan3A_20 step %scan3A_21  : i32 {
      "tpu.region"() ({
        %run_scoped3A = tpu.sem_alloc : memref<!tpu.dma_semaphore, #tpu.memory_space<semaphore_mem>>
        %dma_start3A = arith.constant 0 : i32
        %dma_start3A_149 = tpu.memref_slice %arg8[%scan3A_23, %dma_start3A] : memref<160x128xi32, #tpu.memory_space<vmem>> -> memref<1x128xi32, #tpu.memory_space<vmem>>
        %dma_start3A_150 = tpu.memref_squeeze %dma_start3A_149 : memref<1x128xi32, #tpu.memory_space<vmem>> -> memref<128xi32, #tpu.memory_space<vmem>>
        %dma_start3A_151 = arith.constant 0 : i32
        %dma_start3A_152 = tpu.memref_slice %arg11[%dma_start3A_151] : memref<10000xf32, #tpu.memory_space<vmem_shared>> -> memref<10000xf32, #tpu.memory_space<vmem_shared>>
        tpu.enqueue_indirect_dma source(%dma_start3A_152 : memref<10000xf32, #tpu.memory_space<vmem_shared>>) target(%arg10 : memref<128xf32, #tpu.memory_space<vmem>>) offsets(%dma_start3A_150 : memref<128xi32, #tpu.memory_space<vmem>>) semaphore(%run_scoped3A : memref<!tpu.dma_semaphore, #tpu.memory_space<semaphore_mem>>)
        %dma_wait3A = arith.constant 0 : i32
        %dma_wait3A_153 = tpu.memref_slice %arg8[%scan3A_23, %dma_wait3A] : memref<160x128xi32, #tpu.memory_space<vmem>> -> memref<1x128xi32, #tpu.memory_space<vmem>>
        %dma_wait3A_154 = tpu.memref_squeeze %dma_wait3A_153 : memref<1x128xi32, #tpu.memory_space<vmem>> -> memref<128xi32, #tpu.memory_space<vmem>>
        %dma_wait3A_155 = arith.constant 0 : i32
        %dma_wait3A_156 = tpu.memref_slice %arg11[%dma_wait3A_155] : memref<10000xf32, #tpu.memory_space<vmem_shared>> -> memref<10000xf32, #tpu.memory_space<vmem_shared>>
        tpu.wait_indirect_dma semaphore(%run_scoped3A : memref<!tpu.dma_semaphore, #tpu.memory_space<semaphore_mem>>) src(%dma_wait3A_156 : memref<10000xf32, #tpu.memory_space<vmem_shared>>) dst(%arg10 : memref<128xf32, #tpu.memory_space<vmem>>)
        tpu.yield
      }) : () -> ()
      %get3A_24 = arith.constant 0 : index
      %get3A_25 = tpu.vector_load %arg10[%get3A_24] {strides = array<i32>} : memref<128xf32, #tpu.memory_space<vmem>>, vector<16xf32>,
      %get3A_26 = vector.shape_cast %get3A_25 : vector<16xf32> to vector<16xf32>
      %add3A = arith.constant 9.99999982E-14 : f32
      %add3A_27 = vector.broadcast %add3A : f32 to vector<16xf32>
      %add3A_28 = arith.addf %get3A_26, %add3A_27 : vector<16xf32>
      %get3A_29 = arith.index_cast %scan3A_23 : i32 to index
      %get3A_30 = arith.constant 0 : index
      %get3A_31 = tpu.vector_load %arg7[%get3A_29, %get3A_30] {strides = array<i32>} : memref<160x128xf32, #tpu.memory_space<vmem>>, vector<1x16xf32>,
      %get3A_32 = vector.shape_cast %get3A_31 : vector<1x16xf32> to vector<16xf32>
      %div3A = arith.divf %get3A_32, %add3A_28 : vector<16xf32>
      %swap3A = arith.index_cast %scan3A_23 : i32 to index
      %swap3A_33 = arith.constant 0 : index
      %swap3A_34 = tpu.vector_load %arg7[%swap3A, %swap3A_33] {strides = array<i32>} : memref<160x128xf32, #tpu.memory_space<vmem>>, vector<1x16xf32>,
      %swap3A_35 = vector.shape_cast %swap3A_34 : vector<1x16xf32> to vector<16xf32>
      %swap3A_36 = vector.shape_cast %div3A : vector<16xf32> to vector<1x16xf32>
      tpu.vector_store %arg7[%swap3A, %swap3A_33], %swap3A_36 {strides = array<i32>} : memref<160x128xf32, #tpu.memory_space<vmem>>, vector<1x16xf32>,
      %get3A_37 = arith.constant 16 : index
      %get3A_38 = tpu.vector_load %arg10[%get3A_37] {strides = array<i32>} : memref<128xf32, #tpu.memory_space<vmem>>, vector<16xf32>,
      %get3A_39 = vector.shape_cast %get3A_38 : vector<16xf32> to vector<16xf32>
      %add3A_40 = arith.constant 9.99999982E-14 : f32
      %add3A_41 = vector.broadcast %add3A_40 : f32 to vector<16xf32>
      %add3A_42 = arith.addf %get3A_39, %add3A_41 : vector<16xf32>
      %get3A_43 = arith.index_cast %scan3A_23 : i32 to index
      %get3A_44 = arith.constant 16 : index
      %get3A_45 = tpu.vector_load %arg7[%get3A_43, %get3A_44] {strides = array<i32>} : memref<160x128xf32, #tpu.memory_space<vmem>>, vector<1x16xf32>,
      %get3A_46 = vector.shape_cast %get3A_45 : vector<1x16xf32> to vector<16xf32>
      %div3A_47 = arith.divf %get3A_46, %add3A_42 : vector<16xf32>
      %swap3A_48 = arith.index_cast %scan3A_23 : i32 to index
      %swap3A_49 = arith.constant 16 : index
      %swap3A_50 = tpu.vector_load %arg7[%swap3A_48, %swap3A_49] {strides = array<i32>} : memref<160x128xf32, #tpu.memory_space<vmem>>, vector<1x16xf32>,
      %swap3A_51 = vector.shape_cast %swap3A_50 : vector<1x16xf32> to vector<16xf32>
      %swap3A_52 = vector.shape_cast %div3A_47 : vector<16xf32> to vector<1x16xf32>
      tpu.vector_store %arg7[%swap3A_48, %swap3A_49], %swap3A_52 {strides = array<i32>} : memref<160x128xf32, #tpu.memory_space<vmem>>, vector<1x16xf32>,
      %get3A_53 = arith.constant 32 : index
      %get3A_54 = tpu.vector_load %arg10[%get3A_53] {strides = array<i32>} : memref<128xf32, #tpu.memory_space<vmem>>, vector<16xf32>,
      %get3A_55 = vector.shape_cast %get3A_54 : vector<16xf32> to vector<16xf32>
      %add3A_56 = arith.constant 9.99999982E-14 : f32
      %add3A_57 = vector.broadcast %add3A_56 : f32 to vector<16xf32>
      %add3A_58 = arith.addf %get3A_55, %add3A_57 : vector<16xf32>
      %get3A_59 = arith.index_cast %scan3A_23 : i32 to index
      %get3A_60 = arith.constant 32 : index
      %get3A_61 = tpu.vector_load %arg7[%get3A_59, %get3A_60] {strides = array<i32>} : memref<160x128xf32, #tpu.memory_space<vmem>>, vector<1x16xf32>,
      %get3A_62 = vector.shape_cast %get3A_61 : vector<1x16xf32> to vector<16xf32>
      %div3A_63 = arith.divf %get3A_62, %add3A_58 : vector<16xf32>
      %swap3A_64 = arith.index_cast %scan3A_23 : i32 to index
      %swap3A_65 = arith.constant 32 : index
      %swap3A_66 = tpu.vector_load %arg7[%swap3A_64, %swap3A_65] {strides = array<i32>} : memref<160x128xf32, #tpu.memory_space<vmem>>, vector<1x16xf32>,
      %swap3A_67 = vector.shape_cast %swap3A_66 : vector<1x16xf32> to vector<16xf32>
      %swap3A_68 = vector.shape_cast %div3A_63 : vector<16xf32> to vector<1x16xf32>
      tpu.vector_store %arg7[%swap3A_64, %swap3A_65], %swap3A_68 {strides = array<i32>} : memref<160x128xf32, #tpu.memory_space<vmem>>, vector<1x16xf32>,
      %get3A_69 = arith.constant 48 : index
      %get3A_70 = tpu.vector_load %arg10[%get3A_69] {strides = array<i32>} : memref<128xf32, #tpu.memory_space<vmem>>, vector<16xf32>,
      %get3A_71 = vector.shape_cast %get3A_70 : vector<16xf32> to vector<16xf32>
      %add3A_72 = arith.constant 9.99999982E-14 : f32
      %add3A_73 = vector.broadcast %add3A_72 : f32 to vector<16xf32>
      %add3A_74 = arith.addf %get3A_71, %add3A_73 : vector<16xf32>
      %get3A_75 = arith.index_cast %scan3A_23 : i32 to index
      %get3A_76 = arith.constant 48 : index
      %get3A_77 = tpu.vector_load %arg7[%get3A_75, %get3A_76] {strides = array<i32>} : memref<160x128xf32, #tpu.memory_space<vmem>>, vector<1x16xf32>,
      %get3A_78 = vector.shape_cast %get3A_77 : vector<1x16xf32> to vector<16xf32>
      %div3A_79 = arith.divf %get3A_78, %add3A_74 : vector<16xf32>
      %swap3A_80 = arith.index_cast %scan3A_23 : i32 to index
      %swap3A_81 = arith.constant 48 : index
      %swap3A_82 = tpu.vector_load %arg7[%swap3A_80, %swap3A_81] {strides = array<i32>} : memref<160x128xf32, #tpu.memory_space<vmem>>, vector<1x16xf32>,
      %swap3A_83 = vector.shape_cast %swap3A_82 : vector<1x16xf32> to vector<16xf32>
      %swap3A_84 = vector.shape_cast %div3A_79 : vector<16xf32> to vector<1x16xf32>
      tpu.vector_store %arg7[%swap3A_80, %swap3A_81], %swap3A_84 {strides = array<i32>} : memref<160x128xf32, #tpu.memory_space<vmem>>, vector<1x16xf32>,
      %get3A_85 = arith.constant 64 : index
      %get3A_86 = tpu.vector_load %arg10[%get3A_85] {strides = array<i32>} : memref<128xf32, #tpu.memory_space<vmem>>, vector<16xf32>,
      %get3A_87 = vector.shape_cast %get3A_86 : vector<16xf32> to vector<16xf32>
      %add3A_88 = arith.constant 9.99999982E-14 : f32
      %add3A_89 = vector.broadcast %add3A_88 : f32 to vector<16xf32>
      %add3A_90 = arith.addf %get3A_87, %add3A_89 : vector<16xf32>
      %get3A_91 = arith.index_cast %scan3A_23 : i32 to index
      %get3A_92 = arith.constant 64 : index
      %get3A_93 = tpu.vector_load %arg7[%get3A_91, %get3A_92] {strides = array<i32>} : memref<160x128xf32, #tpu.memory_space<vmem>>, vector<1x16xf32>,
      %get3A_94 = vector.shape_cast %get3A_93 : vector<1x16xf32> to vector<16xf32>
      %div3A_95 = arith.divf %get3A_94, %add3A_90 : vector<16xf32>
      %swap3A_96 = arith.index_cast %scan3A_23 : i32 to index
      %swap3A_97 = arith.constant 64 : index
      %swap3A_98 = tpu.vector_load %arg7[%swap3A_96, %swap3A_97] {strides = array<i32>} : memref<160x128xf32, #tpu.memory_space<vmem>>, vector<1x16xf32>,
      %swap3A_99 = vector.shape_cast %swap3A_98 : vector<1x16xf32> to vector<16xf32>
      %swap3A_100 = vector.shape_cast %div3A_95 : vector<16xf32> to vector<1x16xf32>
      tpu.vector_store %arg7[%swap3A_96, %swap3A_97], %swap3A_100 {strides = array<i32>} : memref<160x128xf32, #tpu.memory_space<vmem>>, vector<1x16xf32>,
      %get3A_101 = arith.constant 80 : index
      %get3A_102 = tpu.vector_load %arg10[%get3A_101] {strides = array<i32>} : memref<128xf32, #tpu.memory_space<vmem>>, vector<16xf32>,
      %get3A_103 = vector.shape_cast %get3A_102 : vector<16xf32> to vector<16xf32>
      %add3A_104 = arith.constant 9.99999982E-14 : f32
      %add3A_105 = vector.broadcast %add3A_104 : f32 to vector<16xf32>
      %add3A_106 = arith.addf %get3A_103, %add3A_105 : vector<16xf32>
      %get3A_107 = arith.index_cast %scan3A_23 : i32 to index
      %get3A_108 = arith.constant 80 : index
      %get3A_109 = tpu.vector_load %arg7[%get3A_107, %get3A_108] {strides = array<i32>} : memref<160x128xf32, #tpu.memory_space<vmem>>, vector<1x16xf32>,
      %get3A_110 = vector.shape_cast %get3A_109 : vector<1x16xf32> to vector<16xf32>
      %div3A_111 = arith.divf %get3A_110, %add3A_106 : vector<16xf32>
      %swap3A_112 = arith.index_cast %scan3A_23 : i32 to index
      %swap3A_113 = arith.constant 80 : index
      %swap3A_114 = tpu.vector_load %arg7[%swap3A_112, %swap3A_113] {strides = array<i32>} : memref<160x128xf32, #tpu.memory_space<vmem>>, vector<1x16xf32>,
      %swap3A_115 = vector.shape_cast %swap3A_114 : vector<1x16xf32> to vector<16xf32>
      %swap3A_116 = vector.shape_cast %div3A_111 : vector<16xf32> to vector<1x16xf32>
      tpu.vector_store %arg7[%swap3A_112, %swap3A_113], %swap3A_116 {strides = array<i32>} : memref<160x128xf32, #tpu.memory_space<vmem>>, vector<1x16xf32>,
      %get3A_117 = arith.constant 96 : index
      %get3A_118 = tpu.vector_load %arg10[%get3A_117] {strides = array<i32>} : memref<128xf32, #tpu.memory_space<vmem>>, vector<16xf32>,
      %get3A_119 = vector.shape_cast %get3A_118 : vector<16xf32> to vector<16xf32>
      %add3A_120 = arith.constant 9.99999982E-14 : f32
      %add3A_121 = vector.broadcast %add3A_120 : f32 to vector<16xf32>
      %add3A_122 = arith.addf %get3A_119, %add3A_121 : vector<16xf32>
      %get3A_123 = arith.index_cast %scan3A_23 : i32 to index
      %get3A_124 = arith.constant 96 : index
      %get3A_125 = tpu.vector_load %arg7[%get3A_123, %get3A_124] {strides = array<i32>} : memref<160x128xf32, #tpu.memory_space<vmem>>, vector<1x16xf32>,
      %get3A_126 = vector.shape_cast %get3A_125 : vector<1x16xf32> to vector<16xf32>
      %div3A_127 = arith.divf %get3A_126, %add3A_122 : vector<16xf32>
      %swap3A_128 = arith.index_cast %scan3A_23 : i32 to index
      %swap3A_129 = arith.constant 96 : index
      %swap3A_130 = tpu.vector_load %arg7[%swap3A_128, %swap3A_129] {strides = array<i32>} : memref<160x128xf32, #tpu.memory_space<vmem>>, vector<1x16xf32>,
      %swap3A_131 = vector.shape_cast %swap3A_130 : vector<1x16xf32> to vector<16xf32>
      %swap3A_132 = vector.shape_cast %div3A_127 : vector<16xf32> to vector<1x16xf32>
      tpu.vector_store %arg7[%swap3A_128, %swap3A_129], %swap3A_132 {strides = array<i32>} : memref<160x128xf32, #tpu.memory_space<vmem>>, vector<1x16xf32>,
      %get3A_133 = arith.constant 112 : index
      %get3A_134 = tpu.vector_load %arg10[%get3A_133] {strides = array<i32>} : memref<128xf32, #tpu.memory_space<vmem>>, vector<16xf32>,
      %get3A_135 = vector.shape_cast %get3A_134 : vector<16xf32> to vector<16xf32>
      %add3A_136 = arith.constant 9.99999982E-14 : f32
      %add3A_137 = vector.broadcast %add3A_136 : f32 to vector<16xf32>
      %add3A_138 = arith.addf %get3A_135, %add3A_137 : vector<16xf32>
      %get3A_139 = arith.index_cast %scan3A_23 : i32 to index
      %get3A_140 = arith.constant 112 : index
      %get3A_141 = tpu.vector_load %arg7[%get3A_139, %get3A_140] {strides = array<i32>} : memref<160x128xf32, #tpu.memory_space<vmem>>, vector<1x16xf32>,
      %get3A_142 = vector.shape_cast %get3A_141 : vector<1x16xf32> to vector<16xf32>
      %div3A_143 = arith.divf %get3A_142, %add3A_138 : vector<16xf32>
      %swap3A_144 = arith.index_cast %scan3A_23 : i32 to index
      %swap3A_145 = arith.constant 112 : index
      %swap3A_146 = tpu.vector_load %arg7[%swap3A_144, %swap3A_145] {strides = array<i32>} : memref<160x128xf32, #tpu.memory_space<vmem>>, vector<1x16xf32>,
      %swap3A_147 = vector.shape_cast %swap3A_146 : vector<1x16xf32> to vector<16xf32>
      %swap3A_148 = vector.shape_cast %div3A_143 : vector<16xf32> to vector<1x16xf32>
      tpu.vector_store %arg7[%swap3A_144, %swap3A_145], %swap3A_148 {strides = array<i32>} : memref<160x128xf32, #tpu.memory_space<vmem>>, vector<1x16xf32>,
    }
    %scan3A_22 = arith.constant 160 : i32
    "tpu.region"() ({
      %run_scoped3A = tpu.sem_alloc : memref<!tpu.dma_semaphore, #tpu.memory_space<semaphore_mem>>
      %dma_start3A = arith.constant 0 : i32
      %dma_start3A_23 = tpu.memref_slice %arg6[%mul3A_0, %dma_start3A] : memref<2560x128xf32, #tpu.memory_space<hbm>> -> memref<160x128xf32, #tpu.memory_space<hbm>>
      %dma_start3A_24 = arith.constant 0 : i32
      %dma_start3A_25 = tpu.memref_slice %arg6[%mul3A_0, %dma_start3A_24] : memref<2560x128xf32, #tpu.memory_space<hbm>> -> memref<160x128xf32, #tpu.memory_space<hbm>>
      tpu.enqueue_dma source(%arg7 : memref<160x128xf32, #tpu.memory_space<vmem>>) target(%dma_start3A_25 : memref<160x128xf32, #tpu.memory_space<hbm>>) target_semaphore(%run_scoped3A : memref<!tpu.dma_semaphore, #tpu.memory_space<semaphore_mem>>)
      %dma_wait3A = arith.constant 0 : i32
      %dma_wait3A_26 = tpu.memref_slice %arg6[%mul3A_0, %dma_wait3A] : memref<2560x128xf32, #tpu.memory_space<hbm>> -> memref<160x128xf32, #tpu.memory_space<hbm>>
      %dma_wait3A_27 = arith.constant 0 : i32
      %dma_wait3A_28 = tpu.memref_slice %arg6[%mul3A_0, %dma_wait3A_27] : memref<2560x128xf32, #tpu.memory_space<hbm>> -> memref<160x128xf32, #tpu.memory_space<hbm>>
      tpu.wait_dma2 semaphore(%run_scoped3A : memref<!tpu.dma_semaphore, #tpu.memory_space<semaphore_mem>>) src(%arg7 : memref<160x128xf32, #tpu.memory_space<vmem>>) dst(%dma_wait3A_28 : memref<160x128xf32, #tpu.memory_space<hbm>>)
      tpu.yield
    }) : () -> ()
    return
  }
}

module attributes {stable_mosaic.version = 14 : i64} {
  func.func @body(%arg0: i32, %arg1: memref<1000x64xf32, #tpu.memory_space<vmem>>, %arg2: memref<64x64xf32, #tpu.memory_space<vmem>>, %arg3: memref<1x64xf32, #tpu.memory_space<vmem>>, %arg4: memref<64x64xf32, #tpu.memory_space<vmem>>, %arg5: memref<1000x128xf32, #tpu.memory_space<vmem>>) attributes {dimension_semantics = [#tpu.dimension_semantics<arbitrary>], iteration_bounds = array<i64: 10>, scalar_prefetch = 0 : i64, scratch_operands = 0 : i64, tpu.core_type = #tpu.core_type<tc>, window_params = [{transform_indices = @transform_0, window_bounds = array<i64: 1000, 64>}, {pipeline_mode = #tpu.pipeline_mode<synchronous>, transform_indices = @transform_1, window_bounds = array<i64: 64, 64>}, {pipeline_mode = #tpu.pipeline_mode<synchronous>, transform_indices = @transform_2, window_bounds = array<i64: 1, 64>}, {pipeline_mode = #tpu.pipeline_mode<synchronous>, transform_indices = @transform_3, window_bounds = array<i64: 64, 64>}, {transform_indices = @transform_4, window_bounds = array<i64: 1000, 128>}]} {
    %get3A = arith.constant 0 : index
    %get3A_0 = arith.constant 0 : index
    %get3A_1 = vector.load %arg1[%get3A, %get3A_0] : memref<1000x64xf32, #tpu.memory_space<vmem>>, vector<1000x64xf32>
    %get3A_2 = arith.constant 0 : index
    %get3A_3 = arith.constant 0 : index
    %get3A_4 = vector.load %arg2[%get3A_2, %get3A_3] : memref<64x64xf32, #tpu.memory_space<vmem>>, vector<64x64xf32>
    %dot_general3A = arith.constant dense<0.000000e+00> : vector<1000x64xf32>
    %dot_general3A_5 = tpu.matmul %get3A_1, %get3A_4, %dot_general3A {dimension_numbers = #tpu.dot_dimension_numbers<[1], [0], [0], [1], [0, 0, 1, 1], [], []>, transpose_lhs_hint = false} : vector<1000x64xf32>, vector<64x64xf32>, vector<1000x64xf32> -> vector<1000x64xf32>
    %get3A_6 = arith.constant 0 : index
    %get3A_7 = arith.constant 0 : index
    %get3A_8 = vector.load %arg3[%get3A_6, %get3A_7] : memref<1x64xf32, #tpu.memory_space<vmem>>, vector<1x64xf32>
    %add3A = vector.broadcast %get3A_8 : vector<1x64xf32> to vector<1000x64xf32>
    %add3A_9 = arith.addf %dot_general3A_5, %add3A : vector<1000x64xf32>
    %swap3A = arith.constant 0 : index
    %swap3A_10 = arith.constant 0 : index
    %swap3A_11 = vector.load %arg5[%swap3A, %swap3A_10] : memref<1000x128xf32, #tpu.memory_space<vmem>>, vector<1000x64xf32>
    tpu.vector_store %arg5[%swap3A, %swap3A_10], %add3A_9 {strides = array<i32>} : memref<1000x128xf32, #tpu.memory_space<vmem>>, vector<1000x64xf32>,
    %get3A_12 = arith.constant 0 : index
    %get3A_13 = arith.constant 0 : index
    %get3A_14 = vector.load %arg4[%get3A_12, %get3A_13] : memref<64x64xf32, #tpu.memory_space<vmem>>, vector<64x64xf32>
    %dot_general3A_15 = arith.constant dense<0.000000e+00> : vector<1000x64xf32>
    %dot_general3A_16 = tpu.matmul %get3A_1, %get3A_14, %dot_general3A_15 {dimension_numbers = #tpu.dot_dimension_numbers<[1], [0], [0], [1], [0, 0, 1, 1], [], []>, transpose_lhs_hint = false} : vector<1000x64xf32>, vector<64x64xf32>, vector<1000x64xf32> -> vector<1000x64xf32>
    %swap3A_17 = arith.constant 0 : index
    %swap3A_18 = arith.constant 64 : index
    %swap3A_19 = vector.load %arg5[%swap3A_17, %swap3A_18] : memref<1000x128xf32, #tpu.memory_space<vmem>>, vector<1000x64xf32>
    tpu.vector_store %arg5[%swap3A_17, %swap3A_18], %dot_general3A_16 {strides = array<i32>} : memref<1000x128xf32, #tpu.memory_space<vmem>>, vector<1000x64xf32>,
    return
  }
  func.func @transform_0(%arg0: i32) -> (i32, i32) {
    %c0_i32 = arith.constant 0 : i32
    %c0_i32_0 = arith.constant 0 : i32
    return %arg0, %c0_i32 : i32, i32
  }
  func.func @transform_1(%arg0: i32) -> (i32, i32) {
    %c0_i32 = arith.constant 0 : i32
    %c0_i32_0 = arith.constant 0 : i32
    %c0_i32_1 = arith.constant 0 : i32
    return %c0_i32, %c0_i32_0 : i32, i32
  }
  func.func @transform_2(%arg0: i32) -> (i32, i32) {
    %c0_i32 = arith.constant 0 : i32
    %c0_i32_0 = arith.constant 0 : i32
    %c0_i32_1 = arith.constant 0 : i32
    return %c0_i32, %c0_i32_0 : i32, i32
  }
  func.func @transform_3(%arg0: i32) -> (i32, i32) {
    %c0_i32 = arith.constant 0 : i32
    %c0_i32_0 = arith.constant 0 : i32
    %c0_i32_1 = arith.constant 0 : i32
    return %c0_i32, %c0_i32_0 : i32, i32
  }
  func.func @transform_4(%arg0: i32) -> (i32, i32) {
    %c0_i32 = arith.constant 0 : i32
    %c0_i32_0 = arith.constant 0 : i32
    return %arg0, %c0_i32 : i32, i32
  }
}

module attributes {stable_mosaic.version = 14 : i64} {
  func.func @body(%arg0: i32, %arg1: memref<64x3200xf32, #tpu.memory_space<vmem>>, %arg2: memref<3200x128xf32, #tpu.memory_space<vmem>>, %arg3: memref<64x128xbf16, #tpu.memory_space<vmem>>, %arg4: memref<64x64xbf16, #tpu.memory_space<vmem>>, %arg5: memref<1x64xf32, #tpu.memory_space<vmem>>, %arg6: memref<64x64xbf16, #tpu.memory_space<vmem>>, %arg7: memref<1x64xf32, #tpu.memory_space<vmem>>, %arg8: memref<64x64xbf16, #tpu.memory_space<vmem>>, %arg9: memref<1x64xf32, #tpu.memory_space<vmem>>, %arg10: memref<64x256xbf16, #tpu.memory_space<vmem>>, %arg11: memref<1x128xf32, #tpu.memory_space<vmem>>, %arg12: memref<128x128xbf16, #tpu.memory_space<vmem>>, %arg13: memref<1x128xf32, #tpu.memory_space<vmem>>, %arg14: memref<128x128xbf16, #tpu.memory_space<vmem>>, %arg15: memref<1x64xf32, #tpu.memory_space<vmem>>, %arg16: memref<1x64xbf16, #tpu.memory_space<vmem>>, %arg17: memref<1x1xf32, #tpu.memory_space<vmem>>, %arg18: memref<1x25x128xf32, #tpu.memory_space<vmem>>, %arg19: memref<8x128xf32, #tpu.memory_space<vmem>>, %arg20: memref<1xf32, #tpu.memory_space<smem>>) attributes {dimension_semantics = [#tpu.dimension_semantics<arbitrary>], iteration_bounds = array<i64: 50>, scalar_prefetch = 0 : i64, scratch_operands = 1 : i64, tpu.core_type = #tpu.core_type<tc>, window_params = [{transform_indices = @transform_0, window_bounds = array<i64: 64, 3200>}, {transform_indices = @transform_1, window_bounds = array<i64: 3200, 128>}, {pipeline_mode = #tpu.pipeline_mode<synchronous>, transform_indices = @transform_2, window_bounds = array<i64: 64, 128>}, {pipeline_mode = #tpu.pipeline_mode<synchronous>, transform_indices = @transform_3, window_bounds = array<i64: 64, 64>}, {pipeline_mode = #tpu.pipeline_mode<synchronous>, transform_indices = @transform_4, window_bounds = array<i64: 1, 64>}, {pipeline_mode = #tpu.pipeline_mode<synchronous>, transform_indices = @transform_5, window_bounds = array<i64: 64, 64>}, {pipeline_mode = #tpu.pipeline_mode<synchronous>, transform_indices = @transform_6, window_bounds = array<i64: 1, 64>}, {pipeline_mode = #tpu.pipeline_mode<synchronous>, transform_indices = @transform_7, window_bounds = array<i64: 64, 64>}, {pipeline_mode = #tpu.pipeline_mode<synchronous>, transform_indices = @transform_8, window_bounds = array<i64: 1, 64>}, {pipeline_mode = #tpu.pipeline_mode<synchronous>, transform_indices = @transform_9, window_bounds = array<i64: 64, 256>}, {pipeline_mode = #tpu.pipeline_mode<synchronous>, transform_indices = @transform_10, window_bounds = array<i64: 1, 128>}, {pipeline_mode = #tpu.pipeline_mode<synchronous>, transform_indices = @transform_11, window_bounds = array<i64: 128, 128>}, {pipeline_mode = #tpu.pipeline_mode<synchronous>, transform_indices = @transform_12, window_bounds = array<i64: 1, 128>}, {pipeline_mode = #tpu.pipeline_mode<synchronous>, transform_indices = @transform_13, window_bounds = array<i64: 128, 128>}, {pipeline_mode = #tpu.pipeline_mode<synchronous>, transform_indices = @transform_14, window_bounds = array<i64: 1, 64>}, {pipeline_mode = #tpu.pipeline_mode<synchronous>, transform_indices = @transform_15, window_bounds = array<i64: 1, 64>}, {pipeline_mode = #tpu.pipeline_mode<synchronous>, transform_indices = @transform_16, window_bounds = array<i64: 1, 1>}, {transform_indices = @transform_17, window_bounds = array<i64: 1, 25, 128>}, {pipeline_mode = #tpu.pipeline_mode<synchronous>, transform_indices = @transform_18, window_bounds = array<i64: 8, 128>}]} {
    %get3A = arith.constant 0 : index
    %get3A_0 = arith.constant 0 : index
    %get3A_1 = vector.load %arg3[%get3A, %get3A_0] : memref<64x128xbf16, #tpu.memory_space<vmem>>, vector<64x128xbf16>
    %get3A_2 = arith.constant 0 : index
    %get3A_3 = arith.constant 0 : index
    %get3A_4 = vector.load %arg4[%get3A_2, %get3A_3] : memref<64x64xbf16, #tpu.memory_space<vmem>>, vector<64x64xbf16>
    %get3A_5 = arith.constant 0 : index
    %get3A_6 = arith.constant 0 : index
    %get3A_7 = vector.load %arg5[%get3A_5, %get3A_6] : memref<1x64xf32, #tpu.memory_space<vmem>>, vector<1x64xf32>
    %get3A_8 = arith.constant 0 : index
    %get3A_9 = arith.constant 0 : index
    %get3A_10 = vector.load %arg6[%get3A_8, %get3A_9] : memref<64x64xbf16, #tpu.memory_space<vmem>>, vector<64x64xbf16>
    %get3A_11 = arith.constant 0 : index
    %get3A_12 = arith.constant 0 : index
    %get3A_13 = vector.load %arg7[%get3A_11, %get3A_12] : memref<1x64xf32, #tpu.memory_space<vmem>>, vector<1x64xf32>
    %get3A_14 = arith.constant 0 : index
    %get3A_15 = arith.constant 0 : index
    %get3A_16 = vector.load %arg8[%get3A_14, %get3A_15] : memref<64x64xbf16, #tpu.memory_space<vmem>>, vector<64x64xbf16>
    %get3A_17 = arith.constant 0 : index
    %get3A_18 = arith.constant 0 : index
    %get3A_19 = vector.load %arg9[%get3A_17, %get3A_18] : memref<1x64xf32, #tpu.memory_space<vmem>>, vector<1x64xf32>
    %get3A_20 = arith.constant 0 : index
    %get3A_21 = arith.constant 0 : index
    %get3A_22 = vector.load %arg10[%get3A_20, %get3A_21] : memref<64x256xbf16, #tpu.memory_space<vmem>>, vector<64x256xbf16>
    %get3A_23 = arith.constant 0 : index
    %get3A_24 = arith.constant 0 : index
    %get3A_25 = vector.load %arg11[%get3A_23, %get3A_24] : memref<1x128xf32, #tpu.memory_space<vmem>>, vector<1x128xf32>
    %get3A_26 = arith.constant 0 : index
    %get3A_27 = arith.constant 0 : index
    %get3A_28 = vector.load %arg12[%get3A_26, %get3A_27] : memref<128x128xbf16, #tpu.memory_space<vmem>>, vector<128x128xbf16>
    %get3A_29 = arith.constant 0 : index
    %get3A_30 = arith.constant 0 : index
    %get3A_31 = vector.load %arg13[%get3A_29, %get3A_30] : memref<1x128xf32, #tpu.memory_space<vmem>>, vector<1x128xf32>
    %get3A_32 = arith.constant 0 : index
    %get3A_33 = arith.constant 0 : index
    %get3A_34 = vector.load %arg14[%get3A_32, %get3A_33] : memref<128x128xbf16, #tpu.memory_space<vmem>>, vector<128x128xbf16>
    %get3A_35 = arith.constant 0 : index
    %get3A_36 = arith.constant 0 : index
    %get3A_37 = vector.load %arg15[%get3A_35, %get3A_36] : memref<1x64xf32, #tpu.memory_space<vmem>>, vector<1x64xf32>
    %get3A_38 = arith.constant 0 : index
    %get3A_39 = arith.constant 0 : index
    %get3A_40 = vector.load %arg16[%get3A_38, %get3A_39] : memref<1x64xbf16, #tpu.memory_space<vmem>>, vector<1x64xbf16>
    %get3A_41 = arith.constant 0 : index
    %get3A_42 = arith.constant 0 : index
    %get3A_43 = vector.load %arg17[%get3A_41, %get3A_42] : memref<1x1xf32, #tpu.memory_space<vmem>>, vector<1x1xf32>
    %get3A_44 = arith.constant 0 : index
    %get3A_45 = arith.constant 0 : index
    %get3A_46 = vector.load %arg1[%get3A_44, %get3A_45] : memref<64x3200xf32, #tpu.memory_space<vmem>>, vector<64x3200xf32>
    %convert_element_type3A = arith.truncf %get3A_46 : vector<64x3200xf32> to vector<64x3200xbf16>
    %dot_general3A = arith.constant dense<0.000000e+00> : vector<3200x128xf32>
    %dot_general3A_47 = tpu.matmul %convert_element_type3A, %get3A_1, %dot_general3A {dimension_numbers = #tpu.dot_dimension_numbers<[0], [0], [1], [1], [0, 1, 1, 1], [], []>, transpose_lhs_hint = false} : vector<64x3200xbf16>, vector<64x128xbf16>, vector<3200x128xf32> -> vector<3200x128xf32>
    %slice3A = vector.extract_strided_slice %dot_general3A_47 {offsets = [0, 0], sizes = [3200, 64], strides = [1, 1]} : vector<3200x128xf32> to vector<3200x64xf32>
    %get3A_48 = arith.constant 0 : index
    %get3A_49 = arith.constant 0 : index
    %get3A_50 = vector.load %arg2[%get3A_48, %get3A_49] : memref<3200x128xf32, #tpu.memory_space<vmem>>, vector<3200x64xf32>
    %add3A = arith.addf %slice3A, %get3A_50 : vector<3200x64xf32>
    %max3A = arith.constant 0.000000e+00 : f32
    %max3A_51 = vector.broadcast %max3A : f32 to vector<3200x64xf32>
    %max3A_52 = arith.maximumf %add3A, %max3A_51 : vector<3200x64xf32>
    %slice3A_53 = vector.extract_strided_slice %dot_general3A_47 {offsets = [0, 64], sizes = [3200, 64], strides = [1, 1]} : vector<3200x128xf32> to vector<3200x64xf32>
    %add3A_54 = arith.addf %max3A_52, %slice3A_53 : vector<3200x64xf32>
    %get3A_55 = arith.constant 0 : index
    %get3A_56 = arith.constant 64 : index
    %get3A_57 = vector.load %arg2[%get3A_55, %get3A_56] : memref<3200x128xf32, #tpu.memory_space<vmem>>, vector<3200x64xf32>
    %add3A_58 = arith.addf %add3A_54, %get3A_57 : vector<3200x64xf32>
    %convert_element_type3A_59 = arith.truncf %add3A_58 : vector<3200x64xf32> to vector<3200x64xbf16>
    %dot_general3A_60 = arith.constant dense<0.000000e+00> : vector<3200x64xf32>
    %dot_general3A_61 = tpu.matmul %convert_element_type3A_59, %get3A_4, %dot_general3A_60 {dimension_numbers = #tpu.dot_dimension_numbers<[1], [0], [0], [1], [0, 0, 1, 1], [], []>, transpose_lhs_hint = false} : vector<3200x64xbf16>, vector<64x64xbf16>, vector<3200x64xf32> -> vector<3200x64xf32>
    %add3A_62 = vector.broadcast %get3A_7 : vector<1x64xf32> to vector<3200x64xf32>
    %add3A_63 = arith.addf %dot_general3A_61, %add3A_62 : vector<3200x64xf32>
    %max3A_64 = arith.constant 0.000000e+00 : f32
    %max3A_65 = vector.broadcast %max3A_64 : f32 to vector<3200x64xf32>
    %max3A_66 = arith.maximumf %add3A_63, %max3A_65 : vector<3200x64xf32>
    %add3A_67 = arith.addf %max3A_66, %add3A_58 : vector<3200x64xf32>
    %convert_element_type3A_68 = arith.truncf %add3A_67 : vector<3200x64xf32> to vector<3200x64xbf16>
    %dot_general3A_69 = arith.constant dense<0.000000e+00> : vector<3200x64xf32>
    %dot_general3A_70 = tpu.matmul %convert_element_type3A_68, %get3A_10, %dot_general3A_69 {dimension_numbers = #tpu.dot_dimension_numbers<[1], [0], [0], [1], [0, 0, 1, 1], [], []>, transpose_lhs_hint = false} : vector<3200x64xbf16>, vector<64x64xbf16>, vector<3200x64xf32> -> vector<3200x64xf32>
    %add3A_71 = vector.broadcast %get3A_13 : vector<1x64xf32> to vector<3200x64xf32>
    %add3A_72 = arith.addf %dot_general3A_70, %add3A_71 : vector<3200x64xf32>
    %max3A_73 = arith.constant 0.000000e+00 : f32
    %max3A_74 = vector.broadcast %max3A_73 : f32 to vector<3200x64xf32>
    %max3A_75 = arith.maximumf %add3A_72, %max3A_74 : vector<3200x64xf32>
    %add3A_76 = arith.addf %max3A_75, %add3A_67 : vector<3200x64xf32>
    %convert_element_type3A_77 = arith.truncf %add3A_76 : vector<3200x64xf32> to vector<3200x64xbf16>
    %dot_general3A_78 = arith.constant dense<0.000000e+00> : vector<3200x64xf32>
    %dot_general3A_79 = tpu.matmul %convert_element_type3A_77, %get3A_16, %dot_general3A_78 {dimension_numbers = #tpu.dot_dimension_numbers<[1], [0], [0], [1], [0, 0, 1, 1], [], []>, transpose_lhs_hint = false} : vector<3200x64xbf16>, vector<64x64xbf16>, vector<3200x64xf32> -> vector<3200x64xf32>
    %add3A_80 = vector.broadcast %get3A_19 : vector<1x64xf32> to vector<3200x64xf32>
    %add3A_81 = arith.addf %dot_general3A_79, %add3A_80 : vector<3200x64xf32>
    %max3A_82 = arith.constant 0.000000e+00 : f32
    %max3A_83 = vector.broadcast %max3A_82 : f32 to vector<3200x64xf32>
    %max3A_84 = arith.maximumf %add3A_81, %max3A_83 : vector<3200x64xf32>
    %add3A_85 = arith.addf %max3A_84, %add3A_76 : vector<3200x64xf32>
    %convert_element_type3A_86 = arith.truncf %add3A_85 : vector<3200x64xf32> to vector<3200x64xbf16>
    %dot_general3A_87 = arith.constant dense<0.000000e+00> : vector<3200x256xf32>
    %dot_general3A_88 = tpu.matmul %convert_element_type3A_86, %get3A_22, %dot_general3A_87 {dimension_numbers = #tpu.dot_dimension_numbers<[1], [0], [0], [1], [0, 0, 1, 1], [], []>, transpose_lhs_hint = false} : vector<3200x64xbf16>, vector<64x256xbf16>, vector<3200x256xf32> -> vector<3200x256xf32>
    %slice3A_89 = vector.extract_strided_slice %dot_general3A_88 {offsets = [0, 0], sizes = [3200, 128], strides = [1, 1]} : vector<3200x256xf32> to vector<3200x128xf32>
    %add3A_90 = vector.broadcast %get3A_25 : vector<1x128xf32> to vector<3200x128xf32>
    %add3A_91 = arith.addf %slice3A_89, %add3A_90 : vector<3200x128xf32>
    %max3A_92 = arith.constant 0.000000e+00 : f32
    %max3A_93 = vector.broadcast %max3A_92 : f32 to vector<3200x128xf32>
    %max3A_94 = arith.maximumf %add3A_91, %max3A_93 : vector<3200x128xf32>
    %slice3A_95 = vector.extract_strided_slice %dot_general3A_88 {offsets = [0, 128], sizes = [3200, 128], strides = [1, 1]} : vector<3200x256xf32> to vector<3200x128xf32>
    %add3A_96 = arith.addf %max3A_94, %slice3A_95 : vector<3200x128xf32>
    %convert_element_type3A_97 = arith.truncf %add3A_96 : vector<3200x128xf32> to vector<3200x128xbf16>
    %dot_general3A_98 = arith.constant dense<0.000000e+00> : vector<3200x128xf32>
    %dot_general3A_99 = tpu.matmul %convert_element_type3A_97, %get3A_28, %dot_general3A_98 {dimension_numbers = #tpu.dot_dimension_numbers<[1], [0], [0], [1], [0, 0, 1, 1], [], []>, transpose_lhs_hint = false} : vector<3200x128xbf16>, vector<128x128xbf16>, vector<3200x128xf32> -> vector<3200x128xf32>
    %add3A_100 = vector.broadcast %get3A_31 : vector<1x128xf32> to vector<3200x128xf32>
    %add3A_101 = arith.addf %dot_general3A_99, %add3A_100 : vector<3200x128xf32>
    %max3A_102 = arith.constant 0.000000e+00 : f32
    %max3A_103 = vector.broadcast %max3A_102 : f32 to vector<3200x128xf32>
    %max3A_104 = arith.maximumf %add3A_101, %max3A_103 : vector<3200x128xf32>
    %add3A_105 = arith.addf %max3A_104, %add3A_96 : vector<3200x128xf32>
    %convert_element_type3A_106 = arith.truncf %add3A_105 : vector<3200x128xf32> to vector<3200x128xbf16>
    %dot_general3A_107 = arith.constant dense<0.000000e+00> : vector<3200x128xf32>
    %dot_general3A_108 = tpu.matmul %convert_element_type3A_106, %get3A_34, %dot_general3A_107 {dimension_numbers = #tpu.dot_dimension_numbers<[1], [0], [0], [1], [0, 0, 1, 1], [], []>, transpose_lhs_hint = false} : vector<3200x128xbf16>, vector<128x128xbf16>, vector<3200x128xf32> -> vector<3200x128xf32>
    %slice3A_109 = vector.extract_strided_slice %dot_general3A_108 {offsets = [0, 0], sizes = [3200, 64], strides = [1, 1]} : vector<3200x128xf32> to vector<3200x64xf32>
    %add3A_110 = vector.broadcast %get3A_37 : vector<1x64xf32> to vector<3200x64xf32>
    %add3A_111 = arith.addf %slice3A_109, %add3A_110 : vector<3200x64xf32>
    %max3A_112 = arith.constant 0.000000e+00 : f32
    %max3A_113 = vector.broadcast %max3A_112 : f32 to vector<3200x64xf32>
    %max3A_114 = arith.maximumf %add3A_111, %max3A_113 : vector<3200x64xf32>
    %slice3A_115 = vector.extract_strided_slice %dot_general3A_108 {offsets = [0, 64], sizes = [3200, 64], strides = [1, 1]} : vector<3200x128xf32> to vector<3200x64xf32>
    %add3A_116 = arith.addf %max3A_114, %slice3A_115 : vector<3200x64xf32>
    %convert_element_type3A_117 = arith.truncf %add3A_116 : vector<3200x64xf32> to vector<3200x64xbf16>
    %slice3A_118 = vector.extract_strided_slice %convert_element_type3A_117 {offsets = [0, 0], sizes = [128, 64], strides = [1, 1]} : vector<3200x64xbf16> to vector<128x64xbf16>
    %dot_general3A_119 = arith.constant dense<0.000000e+00> : vector<1x128xf32>
    %dot_general3A_120 = tpu.matmul %get3A_40, %slice3A_118, %dot_general3A_119 {dimension_numbers = #tpu.dot_dimension_numbers<[1], [1], [0], [0], [0, 0, 1, 0], [], []>, transpose_lhs_hint = false} : vector<1x64xbf16>, vector<128x64xbf16>, vector<1x128xf32> -> vector<1x128xf32>
    %slice3A_121 = vector.extract_strided_slice %convert_element_type3A_117 {offsets = [128, 0], sizes = [128, 64], strides = [1, 1]} : vector<3200x64xbf16> to vector<128x64xbf16>
    %dot_general3A_122 = arith.constant dense<0.000000e+00> : vector<1x128xf32>
    %dot_general3A_123 = tpu.matmul %get3A_40, %slice3A_121, %dot_general3A_122 {dimension_numbers = #tpu.dot_dimension_numbers<[1], [1], [0], [0], [0, 0, 1, 0], [], []>, transpose_lhs_hint = false} : vector<1x64xbf16>, vector<128x64xbf16>, vector<1x128xf32> -> vector<1x128xf32>
    %slice3A_124 = vector.extract_strided_slice %convert_element_type3A_117 {offsets = [256, 0], sizes = [128, 64], strides = [1, 1]} : vector<3200x64xbf16> to vector<128x64xbf16>
    %dot_general3A_125 = arith.constant dense<0.000000e+00> : vector<1x128xf32>
    %dot_general3A_126 = tpu.matmul %get3A_40, %slice3A_124, %dot_general3A_125 {dimension_numbers = #tpu.dot_dimension_numbers<[1], [1], [0], [0], [0, 0, 1, 0], [], []>, transpose_lhs_hint = false} : vector<1x64xbf16>, vector<128x64xbf16>, vector<1x128xf32> -> vector<1x128xf32>
    %slice3A_127 = vector.extract_strided_slice %convert_element_type3A_117 {offsets = [384, 0], sizes = [128, 64], strides = [1, 1]} : vector<3200x64xbf16> to vector<128x64xbf16>
    %dot_general3A_128 = arith.constant dense<0.000000e+00> : vector<1x128xf32>
    %dot_general3A_129 = tpu.matmul %get3A_40, %slice3A_127, %dot_general3A_128 {dimension_numbers = #tpu.dot_dimension_numbers<[1], [1], [0], [0], [0, 0, 1, 0], [], []>, transpose_lhs_hint = false} : vector<1x64xbf16>, vector<128x64xbf16>, vector<1x128xf32> -> vector<1x128xf32>
    %slice3A_130 = vector.extract_strided_slice %convert_element_type3A_117 {offsets = [512, 0], sizes = [128, 64], strides = [1, 1]} : vector<3200x64xbf16> to vector<128x64xbf16>
    %dot_general3A_131 = arith.constant dense<0.000000e+00> : vector<1x128xf32>
    %dot_general3A_132 = tpu.matmul %get3A_40, %slice3A_130, %dot_general3A_131 {dimension_numbers = #tpu.dot_dimension_numbers<[1], [1], [0], [0], [0, 0, 1, 0], [], []>, transpose_lhs_hint = false} : vector<1x64xbf16>, vector<128x64xbf16>, vector<1x128xf32> -> vector<1x128xf32>
    %slice3A_133 = vector.extract_strided_slice %convert_element_type3A_117 {offsets = [640, 0], sizes = [128, 64], strides = [1, 1]} : vector<3200x64xbf16> to vector<128x64xbf16>
    %dot_general3A_134 = arith.constant dense<0.000000e+00> : vector<1x128xf32>
    %dot_general3A_135 = tpu.matmul %get3A_40, %slice3A_133, %dot_general3A_134 {dimension_numbers = #tpu.dot_dimension_numbers<[1], [1], [0], [0], [0, 0, 1, 0], [], []>, transpose_lhs_hint = false} : vector<1x64xbf16>, vector<128x64xbf16>, vector<1x128xf32> -> vector<1x128xf32>
    %slice3A_136 = vector.extract_strided_slice %convert_element_type3A_117 {offsets = [768, 0], sizes = [128, 64], strides = [1, 1]} : vector<3200x64xbf16> to vector<128x64xbf16>
    %dot_general3A_137 = arith.constant dense<0.000000e+00> : vector<1x128xf32>
    %dot_general3A_138 = tpu.matmul %get3A_40, %slice3A_136, %dot_general3A_137 {dimension_numbers = #tpu.dot_dimension_numbers<[1], [1], [0], [0], [0, 0, 1, 0], [], []>, transpose_lhs_hint = false} : vector<1x64xbf16>, vector<128x64xbf16>, vector<1x128xf32> -> vector<1x128xf32>
    %slice3A_139 = vector.extract_strided_slice %convert_element_type3A_117 {offsets = [896, 0], sizes = [128, 64], strides = [1, 1]} : vector<3200x64xbf16> to vector<128x64xbf16>
    %dot_general3A_140 = arith.constant dense<0.000000e+00> : vector<1x128xf32>
    %dot_general3A_141 = tpu.matmul %get3A_40, %slice3A_139, %dot_general3A_140 {dimension_numbers = #tpu.dot_dimension_numbers<[1], [1], [0], [0], [0, 0, 1, 0], [], []>, transpose_lhs_hint = false} : vector<1x64xbf16>, vector<128x64xbf16>, vector<1x128xf32> -> vector<1x128xf32>
    %slice3A_142 = vector.extract_strided_slice %convert_element_type3A_117 {offsets = [1024, 0], sizes = [128, 64], strides = [1, 1]} : vector<3200x64xbf16> to vector<128x64xbf16>
    %dot_general3A_143 = arith.constant dense<0.000000e+00> : vector<1x128xf32>
    %dot_general3A_144 = tpu.matmul %get3A_40, %slice3A_142, %dot_general3A_143 {dimension_numbers = #tpu.dot_dimension_numbers<[1], [1], [0], [0], [0, 0, 1, 0], [], []>, transpose_lhs_hint = false} : vector<1x64xbf16>, vector<128x64xbf16>, vector<1x128xf32> -> vector<1x128xf32>
    %slice3A_145 = vector.extract_strided_slice %convert_element_type3A_117 {offsets = [1152, 0], sizes = [128, 64], strides = [1, 1]} : vector<3200x64xbf16> to vector<128x64xbf16>
    %dot_general3A_146 = arith.constant dense<0.000000e+00> : vector<1x128xf32>
    %dot_general3A_147 = tpu.matmul %get3A_40, %slice3A_145, %dot_general3A_146 {dimension_numbers = #tpu.dot_dimension_numbers<[1], [1], [0], [0], [0, 0, 1, 0], [], []>, transpose_lhs_hint = false} : vector<1x64xbf16>, vector<128x64xbf16>, vector<1x128xf32> -> vector<1x128xf32>
    %slice3A_148 = vector.extract_strided_slice %convert_element_type3A_117 {offsets = [1280, 0], sizes = [128, 64], strides = [1, 1]} : vector<3200x64xbf16> to vector<128x64xbf16>
    %dot_general3A_149 = arith.constant dense<0.000000e+00> : vector<1x128xf32>
    %dot_general3A_150 = tpu.matmul %get3A_40, %slice3A_148, %dot_general3A_149 {dimension_numbers = #tpu.dot_dimension_numbers<[1], [1], [0], [0], [0, 0, 1, 0], [], []>, transpose_lhs_hint = false} : vector<1x64xbf16>, vector<128x64xbf16>, vector<1x128xf32> -> vector<1x128xf32>
    %slice3A_151 = vector.extract_strided_slice %convert_element_type3A_117 {offsets = [1408, 0], sizes = [128, 64], strides = [1, 1]} : vector<3200x64xbf16> to vector<128x64xbf16>
    %dot_general3A_152 = arith.constant dense<0.000000e+00> : vector<1x128xf32>
    %dot_general3A_153 = tpu.matmul %get3A_40, %slice3A_151, %dot_general3A_152 {dimension_numbers = #tpu.dot_dimension_numbers<[1], [1], [0], [0], [0, 0, 1, 0], [], []>, transpose_lhs_hint = false} : vector<1x64xbf16>, vector<128x64xbf16>, vector<1x128xf32> -> vector<1x128xf32>
    %slice3A_154 = vector.extract_strided_slice %convert_element_type3A_117 {offsets = [1536, 0], sizes = [128, 64], strides = [1, 1]} : vector<3200x64xbf16> to vector<128x64xbf16>
    %dot_general3A_155 = arith.constant dense<0.000000e+00> : vector<1x128xf32>
    %dot_general3A_156 = tpu.matmul %get3A_40, %slice3A_154, %dot_general3A_155 {dimension_numbers = #tpu.dot_dimension_numbers<[1], [1], [0], [0], [0, 0, 1, 0], [], []>, transpose_lhs_hint = false} : vector<1x64xbf16>, vector<128x64xbf16>, vector<1x128xf32> -> vector<1x128xf32>
    %slice3A_157 = vector.extract_strided_slice %convert_element_type3A_117 {offsets = [1664, 0], sizes = [128, 64], strides = [1, 1]} : vector<3200x64xbf16> to vector<128x64xbf16>
    %dot_general3A_158 = arith.constant dense<0.000000e+00> : vector<1x128xf32>
    %dot_general3A_159 = tpu.matmul %get3A_40, %slice3A_157, %dot_general3A_158 {dimension_numbers = #tpu.dot_dimension_numbers<[1], [1], [0], [0], [0, 0, 1, 0], [], []>, transpose_lhs_hint = false} : vector<1x64xbf16>, vector<128x64xbf16>, vector<1x128xf32> -> vector<1x128xf32>
    %slice3A_160 = vector.extract_strided_slice %convert_element_type3A_117 {offsets = [1792, 0], sizes = [128, 64], strides = [1, 1]} : vector<3200x64xbf16> to vector<128x64xbf16>
    %dot_general3A_161 = arith.constant dense<0.000000e+00> : vector<1x128xf32>
    %dot_general3A_162 = tpu.matmul %get3A_40, %slice3A_160, %dot_general3A_161 {dimension_numbers = #tpu.dot_dimension_numbers<[1], [1], [0], [0], [0, 0, 1, 0], [], []>, transpose_lhs_hint = false} : vector<1x64xbf16>, vector<128x64xbf16>, vector<1x128xf32> -> vector<1x128xf32>
    %slice3A_163 = vector.extract_strided_slice %convert_element_type3A_117 {offsets = [1920, 0], sizes = [128, 64], strides = [1, 1]} : vector<3200x64xbf16> to vector<128x64xbf16>
    %dot_general3A_164 = arith.constant dense<0.000000e+00> : vector<1x128xf32>
    %dot_general3A_165 = tpu.matmul %get3A_40, %slice3A_163, %dot_general3A_164 {dimension_numbers = #tpu.dot_dimension_numbers<[1], [1], [0], [0], [0, 0, 1, 0], [], []>, transpose_lhs_hint = false} : vector<1x64xbf16>, vector<128x64xbf16>, vector<1x128xf32> -> vector<1x128xf32>
    %slice3A_166 = vector.extract_strided_slice %convert_element_type3A_117 {offsets = [2048, 0], sizes = [128, 64], strides = [1, 1]} : vector<3200x64xbf16> to vector<128x64xbf16>
    %dot_general3A_167 = arith.constant dense<0.000000e+00> : vector<1x128xf32>
    %dot_general3A_168 = tpu.matmul %get3A_40, %slice3A_166, %dot_general3A_167 {dimension_numbers = #tpu.dot_dimension_numbers<[1], [1], [0], [0], [0, 0, 1, 0], [], []>, transpose_lhs_hint = false} : vector<1x64xbf16>, vector<128x64xbf16>, vector<1x128xf32> -> vector<1x128xf32>
    %slice3A_169 = vector.extract_strided_slice %convert_element_type3A_117 {offsets = [2176, 0], sizes = [128, 64], strides = [1, 1]} : vector<3200x64xbf16> to vector<128x64xbf16>
    %dot_general3A_170 = arith.constant dense<0.000000e+00> : vector<1x128xf32>
    %dot_general3A_171 = tpu.matmul %get3A_40, %slice3A_169, %dot_general3A_170 {dimension_numbers = #tpu.dot_dimension_numbers<[1], [1], [0], [0], [0, 0, 1, 0], [], []>, transpose_lhs_hint = false} : vector<1x64xbf16>, vector<128x64xbf16>, vector<1x128xf32> -> vector<1x128xf32>
    %slice3A_172 = vector.extract_strided_slice %convert_element_type3A_117 {offsets = [2304, 0], sizes = [128, 64], strides = [1, 1]} : vector<3200x64xbf16> to vector<128x64xbf16>
    %dot_general3A_173 = arith.constant dense<0.000000e+00> : vector<1x128xf32>
    %dot_general3A_174 = tpu.matmul %get3A_40, %slice3A_172, %dot_general3A_173 {dimension_numbers = #tpu.dot_dimension_numbers<[1], [1], [0], [0], [0, 0, 1, 0], [], []>, transpose_lhs_hint = false} : vector<1x64xbf16>, vector<128x64xbf16>, vector<1x128xf32> -> vector<1x128xf32>
    %slice3A_175 = vector.extract_strided_slice %convert_element_type3A_117 {offsets = [2432, 0], sizes = [128, 64], strides = [1, 1]} : vector<3200x64xbf16> to vector<128x64xbf16>
    %dot_general3A_176 = arith.constant dense<0.000000e+00> : vector<1x128xf32>
    %dot_general3A_177 = tpu.matmul %get3A_40, %slice3A_175, %dot_general3A_176 {dimension_numbers = #tpu.dot_dimension_numbers<[1], [1], [0], [0], [0, 0, 1, 0], [], []>, transpose_lhs_hint = false} : vector<1x64xbf16>, vector<128x64xbf16>, vector<1x128xf32> -> vector<1x128xf32>
    %slice3A_178 = vector.extract_strided_slice %convert_element_type3A_117 {offsets = [2560, 0], sizes = [128, 64], strides = [1, 1]} : vector<3200x64xbf16> to vector<128x64xbf16>
    %dot_general3A_179 = arith.constant dense<0.000000e+00> : vector<1x128xf32>
    %dot_general3A_180 = tpu.matmul %get3A_40, %slice3A_178, %dot_general3A_179 {dimension_numbers = #tpu.dot_dimension_numbers<[1], [1], [0], [0], [0, 0, 1, 0], [], []>, transpose_lhs_hint = false} : vector<1x64xbf16>, vector<128x64xbf16>, vector<1x128xf32> -> vector<1x128xf32>
    %slice3A_181 = vector.extract_strided_slice %convert_element_type3A_117 {offsets = [2688, 0], sizes = [128, 64], strides = [1, 1]} : vector<3200x64xbf16> to vector<128x64xbf16>
    %dot_general3A_182 = arith.constant dense<0.000000e+00> : vector<1x128xf32>
    %dot_general3A_183 = tpu.matmul %get3A_40, %slice3A_181, %dot_general3A_182 {dimension_numbers = #tpu.dot_dimension_numbers<[1], [1], [0], [0], [0, 0, 1, 0], [], []>, transpose_lhs_hint = false} : vector<1x64xbf16>, vector<128x64xbf16>, vector<1x128xf32> -> vector<1x128xf32>
    %slice3A_184 = vector.extract_strided_slice %convert_element_type3A_117 {offsets = [2816, 0], sizes = [128, 64], strides = [1, 1]} : vector<3200x64xbf16> to vector<128x64xbf16>
    %dot_general3A_185 = arith.constant dense<0.000000e+00> : vector<1x128xf32>
    %dot_general3A_186 = tpu.matmul %get3A_40, %slice3A_184, %dot_general3A_185 {dimension_numbers = #tpu.dot_dimension_numbers<[1], [1], [0], [0], [0, 0, 1, 0], [], []>, transpose_lhs_hint = false} : vector<1x64xbf16>, vector<128x64xbf16>, vector<1x128xf32> -> vector<1x128xf32>
    %slice3A_187 = vector.extract_strided_slice %convert_element_type3A_117 {offsets = [2944, 0], sizes = [128, 64], strides = [1, 1]} : vector<3200x64xbf16> to vector<128x64xbf16>
    %dot_general3A_188 = arith.constant dense<0.000000e+00> : vector<1x128xf32>
    %dot_general3A_189 = tpu.matmul %get3A_40, %slice3A_187, %dot_general3A_188 {dimension_numbers = #tpu.dot_dimension_numbers<[1], [1], [0], [0], [0, 0, 1, 0], [], []>, transpose_lhs_hint = false} : vector<1x64xbf16>, vector<128x64xbf16>, vector<1x128xf32> -> vector<1x128xf32>
    %slice3A_190 = vector.extract_strided_slice %convert_element_type3A_117 {offsets = [3072, 0], sizes = [128, 64], strides = [1, 1]} : vector<3200x64xbf16> to vector<128x64xbf16>
    %dot_general3A_191 = arith.constant dense<0.000000e+00> : vector<1x128xf32>
    %dot_general3A_192 = tpu.matmul %get3A_40, %slice3A_190, %dot_general3A_191 {dimension_numbers = #tpu.dot_dimension_numbers<[1], [1], [0], [0], [0, 0, 1, 0], [], []>, transpose_lhs_hint = false} : vector<1x64xbf16>, vector<128x64xbf16>, vector<1x128xf32> -> vector<1x128xf32>
    %concatenate3A = tpu.concatenate %dot_general3A_120, %dot_general3A_123, %dot_general3A_126, %dot_general3A_129, %dot_general3A_132, %dot_general3A_135, %dot_general3A_138, %dot_general3A_141, %dot_general3A_144, %dot_general3A_147, %dot_general3A_150, %dot_general3A_153, %dot_general3A_156, %dot_general3A_159, %dot_general3A_162, %dot_general3A_165, %dot_general3A_168, %dot_general3A_171, %dot_general3A_174, %dot_general3A_177, %dot_general3A_180, %dot_general3A_183, %dot_general3A_186, %dot_general3A_189, %dot_general3A_192 in 0 : vector<1x128xf32>, vector<1x128xf32>, vector<1x128xf32>, vector<1x128xf32>, vector<1x128xf32>, vector<1x128xf32>, vector<1x128xf32>, vector<1x128xf32>, vector<1x128xf32>, vector<1x128xf32>, vector<1x128xf32>, vector<1x128xf32>, vector<1x128xf32>, vector<1x128xf32>, vector<1x128xf32>, vector<1x128xf32>, vector<1x128xf32>, vector<1x128xf32>, vector<1x128xf32>, vector<1x128xf32>, vector<1x128xf32>, vector<1x128xf32>, vector<1x128xf32>, vector<1x128xf32>, vector<1x128xf32> -> vector<25x128xf32>
    %squeeze3A = vector.extract %get3A_43[0, 0] : f32 from vector<1x1xf32>
    %add3A_193 = vector.broadcast %squeeze3A : f32 to vector<25x128xf32>
    %add3A_194 = arith.addf %concatenate3A, %add3A_193 : vector<25x128xf32>
    %swap3A = arith.constant 0 : index
    %swap3A_195 = arith.constant 0 : index
    %swap3A_196 = arith.constant 0 : index
    %swap3A_197 = vector.load %arg18[%swap3A, %swap3A_195, %swap3A_196] : memref<1x25x128xf32, #tpu.memory_space<vmem>>, vector<1x25x128xf32>
    %swap3A_198 = vector.shape_cast %swap3A_197 : vector<1x25x128xf32> to vector<25x128xf32>
    %swap3A_199 = vector.shape_cast %add3A_194 : vector<25x128xf32> to vector<1x25x128xf32>
    tpu.vector_store %arg18[%swap3A, %swap3A_195, %swap3A_196], %swap3A_199 {strides = array<i32>} : memref<1x25x128xf32, #tpu.memory_space<vmem>>, vector<1x25x128xf32>,
    %reduce_max3A = vector.shape_cast %add3A_194 : vector<25x128xf32> to vector<1x25x128xf32>
    %reduce_max3A_200 = arith.constant dense<0xFF800000> : vector<1xf32>
    %reduce_max3A_201 = vector.multi_reduction <maximumf>, %reduce_max3A, %reduce_max3A_200 [1, 2] : vector<1x25x128xf32> to vector<1xf32>
    %reduce_max3A_202 = vector.shape_cast %reduce_max3A_201 : vector<1xf32> to vector<1x1x1xf32>
    %reduce_max3A_203 = vector.extract %reduce_max3A_202[0, 0, 0] : f32 from vector<1x1x1xf32>
    %eq3A = arith.constant 0 : i32
    %eq3A_204 = arith.cmpi eq, %arg0, %eq3A : i32
    %get3A_205 = arith.constant 0 : index
    %get3A_206 = memref.load %arg20[%get3A_205] : memref<1xf32, #tpu.memory_space<smem>>
    %jit3A = arith.constant 0xFF800000 : f32
    %select_n3A = arith.select %eq3A_204, %jit3A, %get3A_206 : f32
    %max3A_207 = arith.maximumf %select_n3A, %reduce_max3A_203 : f32
    %swap3A_208 = arith.constant 0 : index
    %swap3A_209 = memref.load %arg20[%swap3A_208] : memref<1xf32, #tpu.memory_space<smem>>
    memref.store %max3A_207, %arg20[%swap3A_208] : memref<1xf32, #tpu.memory_space<smem>>
    %broadcast_in_dim3A = vector.broadcast %max3A_207 : f32 to vector<8x128xf32>
    %swap3A_210 = arith.constant 0 : index
    %swap3A_211 = arith.constant 0 : index
    %swap3A_212 = vector.load %arg19[%swap3A_210, %swap3A_211] : memref<8x128xf32, #tpu.memory_space<vmem>>, vector<8x128xf32>
    tpu.vector_store %arg19[%swap3A_210, %swap3A_211], %broadcast_in_dim3A {strides = array<i32>} : memref<8x128xf32, #tpu.memory_space<vmem>>, vector<8x128xf32>,
    return
  }
  func.func @transform_0(%arg0: i32) -> (i32, i32) {
    %add3A = arith.constant 0 : i32
    %add3A_0 = arith.addi %arg0, %add3A : i32
    %c0_i32 = arith.constant 0 : i32
    %c0_i32_1 = arith.constant 0 : i32
    return %c0_i32, %add3A_0 : i32, i32
  }
  func.func @transform_1(%arg0: i32) -> (i32, i32) {
    %c0_i32 = arith.constant 0 : i32
    %c0_i32_0 = arith.constant 0 : i32
    return %arg0, %c0_i32 : i32, i32
  }
  func.func @transform_2(%arg0: i32) -> (i32, i32) {
    %c0_i32 = arith.constant 0 : i32
    %c0_i32_0 = arith.constant 0 : i32
    %c0_i32_1 = arith.constant 0 : i32
    return %c0_i32, %c0_i32_0 : i32, i32
  }
  func.func @transform_3(%arg0: i32) -> (i32, i32) {
    %c0_i32 = arith.constant 0 : i32
    %c0_i32_0 = arith.constant 0 : i32
    %c0_i32_1 = arith.constant 0 : i32
    return %c0_i32, %c0_i32_0 : i32, i32
  }
  func.func @transform_4(%arg0: i32) -> (i32, i32) {
    %c0_i32 = arith.constant 0 : i32
    %c0_i32_0 = arith.constant 0 : i32
    %c0_i32_1 = arith.constant 0 : i32
    return %c0_i32, %c0_i32_0 : i32, i32
  }
  func.func @transform_5(%arg0: i32) -> (i32, i32) {
    %c0_i32 = arith.constant 0 : i32
    %c0_i32_0 = arith.constant 0 : i32
    %c0_i32_1 = arith.constant 0 : i32
    return %c0_i32, %c0_i32_0 : i32, i32
  }
  func.func @transform_6(%arg0: i32) -> (i32, i32) {
    %c0_i32 = arith.constant 0 : i32
    %c0_i32_0 = arith.constant 0 : i32
    %c0_i32_1 = arith.constant 0 : i32
    return %c0_i32, %c0_i32_0 : i32, i32
  }
  func.func @transform_7(%arg0: i32) -> (i32, i32) {
    %c0_i32 = arith.constant 0 : i32
    %c0_i32_0 = arith.constant 0 : i32
    %c0_i32_1 = arith.constant 0 : i32
    return %c0_i32, %c0_i32_0 : i32, i32
  }
  func.func @transform_8(%arg0: i32) -> (i32, i32) {
    %c0_i32 = arith.constant 0 : i32
    %c0_i32_0 = arith.constant 0 : i32
    %c0_i32_1 = arith.constant 0 : i32
    return %c0_i32, %c0_i32_0 : i32, i32
  }
  func.func @transform_9(%arg0: i32) -> (i32, i32) {
    %c0_i32 = arith.constant 0 : i32
    %c0_i32_0 = arith.constant 0 : i32
    %c0_i32_1 = arith.constant 0 : i32
    return %c0_i32, %c0_i32_0 : i32, i32
  }
  func.func @transform_10(%arg0: i32) -> (i32, i32) {
    %c0_i32 = arith.constant 0 : i32
    %c0_i32_0 = arith.constant 0 : i32
    %c0_i32_1 = arith.constant 0 : i32
    return %c0_i32, %c0_i32_0 : i32, i32
  }
  func.func @transform_11(%arg0: i32) -> (i32, i32) {
    %c0_i32 = arith.constant 0 : i32
    %c0_i32_0 = arith.constant 0 : i32
    %c0_i32_1 = arith.constant 0 : i32
    return %c0_i32, %c0_i32_0 : i32, i32
  }
  func.func @transform_12(%arg0: i32) -> (i32, i32) {
    %c0_i32 = arith.constant 0 : i32
    %c0_i32_0 = arith.constant 0 : i32
    %c0_i32_1 = arith.constant 0 : i32
    return %c0_i32, %c0_i32_0 : i32, i32
  }
  func.func @transform_13(%arg0: i32) -> (i32, i32) {
    %c0_i32 = arith.constant 0 : i32
    %c0_i32_0 = arith.constant 0 : i32
    %c0_i32_1 = arith.constant 0 : i32
    return %c0_i32, %c0_i32_0 : i32, i32
  }
  func.func @transform_14(%arg0: i32) -> (i32, i32) {
    %c0_i32 = arith.constant 0 : i32
    %c0_i32_0 = arith.constant 0 : i32
    %c0_i32_1 = arith.constant 0 : i32
    return %c0_i32, %c0_i32_0 : i32, i32
  }
  func.func @transform_15(%arg0: i32) -> (i32, i32) {
    %c0_i32 = arith.constant 0 : i32
    %c0_i32_0 = arith.constant 0 : i32
    %c0_i32_1 = arith.constant 0 : i32
    return %c0_i32, %c0_i32_0 : i32, i32
  }
  func.func @transform_16(%arg0: i32) -> (i32, i32) {
    %c0_i32 = arith.constant 0 : i32
    %c0_i32_0 = arith.constant 0 : i32
    %c0_i32_1 = arith.constant 0 : i32
    return %c0_i32, %c0_i32_0 : i32, i32
  }
  func.func @transform_17(%arg0: i32) -> (i32, i32, i32) {
    %c0_i32 = arith.constant 0 : i32
    %c0_i32_0 = arith.constant 0 : i32
    %c0_i32_1 = arith.constant 0 : i32
    return %arg0, %c0_i32, %c0_i32_0 : i32, i32, i32
  }
  func.func @transform_18(%arg0: i32) -> (i32, i32) {
    %c0_i32 = arith.constant 0 : i32
    %c0_i32_0 = arith.constant 0 : i32
    %c0_i32_1 = arith.constant 0 : i32
    return %c0_i32, %c0_i32_0 : i32, i32
  }
}

module attributes {stable_mosaic.version = 14 : i64} {
  func.func @body(%arg0: i32, %arg1: memref<64x3200xf32, #tpu.memory_space<vmem>>, %arg2: memref<3200x128xf32, #tpu.memory_space<vmem>>, %arg3: memref<64x128xbf16, #tpu.memory_space<vmem>>, %arg4: memref<64x64xbf16, #tpu.memory_space<vmem>>, %arg5: memref<1x64xf32, #tpu.memory_space<vmem>>, %arg6: memref<64x64xbf16, #tpu.memory_space<vmem>>, %arg7: memref<1x64xf32, #tpu.memory_space<vmem>>, %arg8: memref<64x64xbf16, #tpu.memory_space<vmem>>, %arg9: memref<1x64xf32, #tpu.memory_space<vmem>>, %arg10: memref<64x256xbf16, #tpu.memory_space<vmem>>, %arg11: memref<1x128xf32, #tpu.memory_space<vmem>>, %arg12: memref<128x128xbf16, #tpu.memory_space<vmem>>, %arg13: memref<1x128xf32, #tpu.memory_space<vmem>>, %arg14: memref<128x128xbf16, #tpu.memory_space<vmem>>, %arg15: memref<1x64xf32, #tpu.memory_space<vmem>>, %arg16: memref<1x64xbf16, #tpu.memory_space<vmem>>, %arg17: memref<1x1xf32, #tpu.memory_space<vmem>>, %arg18: memref<1x25x128xf32, #tpu.memory_space<vmem>>, %arg19: memref<8x128xf32, #tpu.memory_space<vmem>>, %arg20: memref<1xf32, #tpu.memory_space<smem>>) attributes {dimension_semantics = [#tpu.dimension_semantics<arbitrary>], iteration_bounds = array<i64: 50>, scalar_prefetch = 0 : i64, scratch_operands = 1 : i64, tpu.core_type = #tpu.core_type<tc>, window_params = [{transform_indices = @transform_0, window_bounds = array<i64: 64, 3200>}, {transform_indices = @transform_1, window_bounds = array<i64: 3200, 128>}, {pipeline_mode = #tpu.pipeline_mode<synchronous>, transform_indices = @transform_2, window_bounds = array<i64: 64, 128>}, {pipeline_mode = #tpu.pipeline_mode<synchronous>, transform_indices = @transform_3, window_bounds = array<i64: 64, 64>}, {pipeline_mode = #tpu.pipeline_mode<synchronous>, transform_indices = @transform_4, window_bounds = array<i64: 1, 64>}, {pipeline_mode = #tpu.pipeline_mode<synchronous>, transform_indices = @transform_5, window_bounds = array<i64: 64, 64>}, {pipeline_mode = #tpu.pipeline_mode<synchronous>, transform_indices = @transform_6, window_bounds = array<i64: 1, 64>}, {pipeline_mode = #tpu.pipeline_mode<synchronous>, transform_indices = @transform_7, window_bounds = array<i64: 64, 64>}, {pipeline_mode = #tpu.pipeline_mode<synchronous>, transform_indices = @transform_8, window_bounds = array<i64: 1, 64>}, {pipeline_mode = #tpu.pipeline_mode<synchronous>, transform_indices = @transform_9, window_bounds = array<i64: 64, 256>}, {pipeline_mode = #tpu.pipeline_mode<synchronous>, transform_indices = @transform_10, window_bounds = array<i64: 1, 128>}, {pipeline_mode = #tpu.pipeline_mode<synchronous>, transform_indices = @transform_11, window_bounds = array<i64: 128, 128>}, {pipeline_mode = #tpu.pipeline_mode<synchronous>, transform_indices = @transform_12, window_bounds = array<i64: 1, 128>}, {pipeline_mode = #tpu.pipeline_mode<synchronous>, transform_indices = @transform_13, window_bounds = array<i64: 128, 128>}, {pipeline_mode = #tpu.pipeline_mode<synchronous>, transform_indices = @transform_14, window_bounds = array<i64: 1, 64>}, {pipeline_mode = #tpu.pipeline_mode<synchronous>, transform_indices = @transform_15, window_bounds = array<i64: 1, 64>}, {pipeline_mode = #tpu.pipeline_mode<synchronous>, transform_indices = @transform_16, window_bounds = array<i64: 1, 1>}, {transform_indices = @transform_17, window_bounds = array<i64: 1, 25, 128>}, {pipeline_mode = #tpu.pipeline_mode<synchronous>, transform_indices = @transform_18, window_bounds = array<i64: 8, 128>}]} {
    %get3A = arith.constant 0 : index
    %get3A_0 = arith.constant 0 : index
    %get3A_1 = vector.load %arg3[%get3A, %get3A_0] : memref<64x128xbf16, #tpu.memory_space<vmem>>, vector<64x128xbf16>
    %get3A_2 = arith.constant 0 : index
    %get3A_3 = arith.constant 0 : index
    %get3A_4 = vector.load %arg4[%get3A_2, %get3A_3] : memref<64x64xbf16, #tpu.memory_space<vmem>>, vector<64x64xbf16>
    %get3A_5 = arith.constant 0 : index
    %get3A_6 = arith.constant 0 : index
    %get3A_7 = vector.load %arg5[%get3A_5, %get3A_6] : memref<1x64xf32, #tpu.memory_space<vmem>>, vector<1x64xf32>
    %get3A_8 = arith.constant 0 : index
    %get3A_9 = arith.constant 0 : index
    %get3A_10 = vector.load %arg6[%get3A_8, %get3A_9] : memref<64x64xbf16, #tpu.memory_space<vmem>>, vector<64x64xbf16>
    %get3A_11 = arith.constant 0 : index
    %get3A_12 = arith.constant 0 : index
    %get3A_13 = vector.load %arg7[%get3A_11, %get3A_12] : memref<1x64xf32, #tpu.memory_space<vmem>>, vector<1x64xf32>
    %get3A_14 = arith.constant 0 : index
    %get3A_15 = arith.constant 0 : index
    %get3A_16 = vector.load %arg8[%get3A_14, %get3A_15] : memref<64x64xbf16, #tpu.memory_space<vmem>>, vector<64x64xbf16>
    %get3A_17 = arith.constant 0 : index
    %get3A_18 = arith.constant 0 : index
    %get3A_19 = vector.load %arg9[%get3A_17, %get3A_18] : memref<1x64xf32, #tpu.memory_space<vmem>>, vector<1x64xf32>
    %get3A_20 = arith.constant 0 : index
    %get3A_21 = arith.constant 0 : index
    %get3A_22 = vector.load %arg10[%get3A_20, %get3A_21] : memref<64x256xbf16, #tpu.memory_space<vmem>>, vector<64x256xbf16>
    %get3A_23 = arith.constant 0 : index
    %get3A_24 = arith.constant 0 : index
    %get3A_25 = vector.load %arg11[%get3A_23, %get3A_24] : memref<1x128xf32, #tpu.memory_space<vmem>>, vector<1x128xf32>
    %get3A_26 = arith.constant 0 : index
    %get3A_27 = arith.constant 0 : index
    %get3A_28 = vector.load %arg12[%get3A_26, %get3A_27] : memref<128x128xbf16, #tpu.memory_space<vmem>>, vector<128x128xbf16>
    %get3A_29 = arith.constant 0 : index
    %get3A_30 = arith.constant 0 : index
    %get3A_31 = vector.load %arg13[%get3A_29, %get3A_30] : memref<1x128xf32, #tpu.memory_space<vmem>>, vector<1x128xf32>
    %get3A_32 = arith.constant 0 : index
    %get3A_33 = arith.constant 0 : index
    %get3A_34 = vector.load %arg14[%get3A_32, %get3A_33] : memref<128x128xbf16, #tpu.memory_space<vmem>>, vector<128x128xbf16>
    %get3A_35 = arith.constant 0 : index
    %get3A_36 = arith.constant 0 : index
    %get3A_37 = vector.load %arg15[%get3A_35, %get3A_36] : memref<1x64xf32, #tpu.memory_space<vmem>>, vector<1x64xf32>
    %get3A_38 = arith.constant 0 : index
    %get3A_39 = arith.constant 0 : index
    %get3A_40 = vector.load %arg16[%get3A_38, %get3A_39] : memref<1x64xbf16, #tpu.memory_space<vmem>>, vector<1x64xbf16>
    %get3A_41 = arith.constant 0 : index
    %get3A_42 = arith.constant 0 : index
    %get3A_43 = vector.load %arg17[%get3A_41, %get3A_42] : memref<1x1xf32, #tpu.memory_space<vmem>>, vector<1x1xf32>
    %get3A_44 = arith.constant 0 : index
    %get3A_45 = arith.constant 0 : index
    %get3A_46 = vector.load %arg1[%get3A_44, %get3A_45] : memref<64x3200xf32, #tpu.memory_space<vmem>>, vector<64x3200xf32>
    %convert_element_type3A = arith.truncf %get3A_46 : vector<64x3200xf32> to vector<64x3200xbf16>
    %dot_general3A = arith.constant dense<0.000000e+00> : vector<3200x128xf32>
    %dot_general3A_47 = tpu.matmul %convert_element_type3A, %get3A_1, %dot_general3A {dimension_numbers = #tpu.dot_dimension_numbers<[0], [0], [1], [1], [0, 1, 1, 1], [], []>, transpose_lhs_hint = false} : vector<64x3200xbf16>, vector<64x128xbf16>, vector<3200x128xf32> -> vector<3200x128xf32>
    %slice3A = vector.extract_strided_slice %dot_general3A_47 {offsets = [0, 0], sizes = [3200, 64], strides = [1, 1]} : vector<3200x128xf32> to vector<3200x64xf32>
    %get3A_48 = arith.constant 0 : index
    %get3A_49 = arith.constant 0 : index
    %get3A_50 = vector.load %arg2[%get3A_48, %get3A_49] : memref<3200x128xf32, #tpu.memory_space<vmem>>, vector<3200x64xf32>
    %add3A = arith.addf %slice3A, %get3A_50 : vector<3200x64xf32>
    %max3A = arith.constant 0.000000e+00 : f32
    %max3A_51 = vector.broadcast %max3A : f32 to vector<3200x64xf32>
    %max3A_52 = arith.maximumf %add3A, %max3A_51 : vector<3200x64xf32>
    %slice3A_53 = vector.extract_strided_slice %dot_general3A_47 {offsets = [0, 64], sizes = [3200, 64], strides = [1, 1]} : vector<3200x128xf32> to vector<3200x64xf32>
    %add3A_54 = arith.addf %max3A_52, %slice3A_53 : vector<3200x64xf32>
    %get3A_55 = arith.constant 0 : index
    %get3A_56 = arith.constant 64 : index
    %get3A_57 = vector.load %arg2[%get3A_55, %get3A_56] : memref<3200x128xf32, #tpu.memory_space<vmem>>, vector<3200x64xf32>
    %add3A_58 = arith.addf %add3A_54, %get3A_57 : vector<3200x64xf32>
    %convert_element_type3A_59 = arith.truncf %add3A_58 : vector<3200x64xf32> to vector<3200x64xbf16>
    %dot_general3A_60 = arith.constant dense<0.000000e+00> : vector<3200x64xf32>
    %dot_general3A_61 = tpu.matmul %convert_element_type3A_59, %get3A_4, %dot_general3A_60 {dimension_numbers = #tpu.dot_dimension_numbers<[1], [0], [0], [1], [0, 0, 1, 1], [], []>, transpose_lhs_hint = false} : vector<3200x64xbf16>, vector<64x64xbf16>, vector<3200x64xf32> -> vector<3200x64xf32>
    %add3A_62 = vector.broadcast %get3A_7 : vector<1x64xf32> to vector<3200x64xf32>
    %add3A_63 = arith.addf %dot_general3A_61, %add3A_62 : vector<3200x64xf32>
    %max3A_64 = arith.constant 0.000000e+00 : f32
    %max3A_65 = vector.broadcast %max3A_64 : f32 to vector<3200x64xf32>
    %max3A_66 = arith.maximumf %add3A_63, %max3A_65 : vector<3200x64xf32>
    %add3A_67 = arith.addf %max3A_66, %add3A_58 : vector<3200x64xf32>
    %convert_element_type3A_68 = arith.truncf %add3A_67 : vector<3200x64xf32> to vector<3200x64xbf16>
    %dot_general3A_69 = arith.constant dense<0.000000e+00> : vector<3200x64xf32>
    %dot_general3A_70 = tpu.matmul %convert_element_type3A_68, %get3A_10, %dot_general3A_69 {dimension_numbers = #tpu.dot_dimension_numbers<[1], [0], [0], [1], [0, 0, 1, 1], [], []>, transpose_lhs_hint = false} : vector<3200x64xbf16>, vector<64x64xbf16>, vector<3200x64xf32> -> vector<3200x64xf32>
    %add3A_71 = vector.broadcast %get3A_13 : vector<1x64xf32> to vector<3200x64xf32>
    %add3A_72 = arith.addf %dot_general3A_70, %add3A_71 : vector<3200x64xf32>
    %max3A_73 = arith.constant 0.000000e+00 : f32
    %max3A_74 = vector.broadcast %max3A_73 : f32 to vector<3200x64xf32>
    %max3A_75 = arith.maximumf %add3A_72, %max3A_74 : vector<3200x64xf32>
    %add3A_76 = arith.addf %max3A_75, %add3A_67 : vector<3200x64xf32>
    %convert_element_type3A_77 = arith.truncf %add3A_76 : vector<3200x64xf32> to vector<3200x64xbf16>
    %dot_general3A_78 = arith.constant dense<0.000000e+00> : vector<3200x64xf32>
    %dot_general3A_79 = tpu.matmul %convert_element_type3A_77, %get3A_16, %dot_general3A_78 {dimension_numbers = #tpu.dot_dimension_numbers<[1], [0], [0], [1], [0, 0, 1, 1], [], []>, transpose_lhs_hint = false} : vector<3200x64xbf16>, vector<64x64xbf16>, vector<3200x64xf32> -> vector<3200x64xf32>
    %add3A_80 = vector.broadcast %get3A_19 : vector<1x64xf32> to vector<3200x64xf32>
    %add3A_81 = arith.addf %dot_general3A_79, %add3A_80 : vector<3200x64xf32>
    %max3A_82 = arith.constant 0.000000e+00 : f32
    %max3A_83 = vector.broadcast %max3A_82 : f32 to vector<3200x64xf32>
    %max3A_84 = arith.maximumf %add3A_81, %max3A_83 : vector<3200x64xf32>
    %add3A_85 = arith.addf %max3A_84, %add3A_76 : vector<3200x64xf32>
    %convert_element_type3A_86 = arith.truncf %add3A_85 : vector<3200x64xf32> to vector<3200x64xbf16>
    %dot_general3A_87 = arith.constant dense<0.000000e+00> : vector<3200x256xf32>
    %dot_general3A_88 = tpu.matmul %convert_element_type3A_86, %get3A_22, %dot_general3A_87 {dimension_numbers = #tpu.dot_dimension_numbers<[1], [0], [0], [1], [0, 0, 1, 1], [], []>, transpose_lhs_hint = false} : vector<3200x64xbf16>, vector<64x256xbf16>, vector<3200x256xf32> -> vector<3200x256xf32>
    %slice3A_89 = vector.extract_strided_slice %dot_general3A_88 {offsets = [0, 0], sizes = [3200, 128], strides = [1, 1]} : vector<3200x256xf32> to vector<3200x128xf32>
    %add3A_90 = vector.broadcast %get3A_25 : vector<1x128xf32> to vector<3200x128xf32>
    %add3A_91 = arith.addf %slice3A_89, %add3A_90 : vector<3200x128xf32>
    %max3A_92 = arith.constant 0.000000e+00 : f32
    %max3A_93 = vector.broadcast %max3A_92 : f32 to vector<3200x128xf32>
    %max3A_94 = arith.maximumf %add3A_91, %max3A_93 : vector<3200x128xf32>
    %slice3A_95 = vector.extract_strided_slice %dot_general3A_88 {offsets = [0, 128], sizes = [3200, 128], strides = [1, 1]} : vector<3200x256xf32> to vector<3200x128xf32>
    %add3A_96 = arith.addf %max3A_94, %slice3A_95 : vector<3200x128xf32>
    %convert_element_type3A_97 = arith.truncf %add3A_96 : vector<3200x128xf32> to vector<3200x128xbf16>
    %dot_general3A_98 = arith.constant dense<0.000000e+00> : vector<3200x128xf32>
    %dot_general3A_99 = tpu.matmul %convert_element_type3A_97, %get3A_28, %dot_general3A_98 {dimension_numbers = #tpu.dot_dimension_numbers<[1], [0], [0], [1], [0, 0, 1, 1], [], []>, transpose_lhs_hint = false} : vector<3200x128xbf16>, vector<128x128xbf16>, vector<3200x128xf32> -> vector<3200x128xf32>
    %add3A_100 = vector.broadcast %get3A_31 : vector<1x128xf32> to vector<3200x128xf32>
    %add3A_101 = arith.addf %dot_general3A_99, %add3A_100 : vector<3200x128xf32>
    %max3A_102 = arith.constant 0.000000e+00 : f32
    %max3A_103 = vector.broadcast %max3A_102 : f32 to vector<3200x128xf32>
    %max3A_104 = arith.maximumf %add3A_101, %max3A_103 : vector<3200x128xf32>
    %add3A_105 = arith.addf %max3A_104, %add3A_96 : vector<3200x128xf32>
    %convert_element_type3A_106 = arith.truncf %add3A_105 : vector<3200x128xf32> to vector<3200x128xbf16>
    %dot_general3A_107 = arith.constant dense<0.000000e+00> : vector<3200x128xf32>
    %dot_general3A_108 = tpu.matmul %convert_element_type3A_106, %get3A_34, %dot_general3A_107 {dimension_numbers = #tpu.dot_dimension_numbers<[1], [0], [0], [1], [0, 0, 1, 1], [], []>, transpose_lhs_hint = false} : vector<3200x128xbf16>, vector<128x128xbf16>, vector<3200x128xf32> -> vector<3200x128xf32>
    %slice3A_109 = vector.extract_strided_slice %dot_general3A_108 {offsets = [0, 0], sizes = [3200, 64], strides = [1, 1]} : vector<3200x128xf32> to vector<3200x64xf32>
    %add3A_110 = vector.broadcast %get3A_37 : vector<1x64xf32> to vector<3200x64xf32>
    %add3A_111 = arith.addf %slice3A_109, %add3A_110 : vector<3200x64xf32>
    %max3A_112 = arith.constant 0.000000e+00 : f32
    %max3A_113 = vector.broadcast %max3A_112 : f32 to vector<3200x64xf32>
    %max3A_114 = arith.maximumf %add3A_111, %max3A_113 : vector<3200x64xf32>
    %slice3A_115 = vector.extract_strided_slice %dot_general3A_108 {offsets = [0, 64], sizes = [3200, 64], strides = [1, 1]} : vector<3200x128xf32> to vector<3200x64xf32>
    %add3A_116 = arith.addf %max3A_114, %slice3A_115 : vector<3200x64xf32>
    %convert_element_type3A_117 = arith.truncf %add3A_116 : vector<3200x64xf32> to vector<3200x64xbf16>
    %slice3A_118 = vector.extract_strided_slice %convert_element_type3A_117 {offsets = [0, 0], sizes = [128, 64], strides = [1, 1]} : vector<3200x64xbf16> to vector<128x64xbf16>
    %dot_general3A_119 = arith.constant dense<0.000000e+00> : vector<1x128xf32>
    %dot_general3A_120 = tpu.matmul %get3A_40, %slice3A_118, %dot_general3A_119 {dimension_numbers = #tpu.dot_dimension_numbers<[1], [1], [0], [0], [0, 0, 1, 0], [], []>, transpose_lhs_hint = false} : vector<1x64xbf16>, vector<128x64xbf16>, vector<1x128xf32> -> vector<1x128xf32>
    %slice3A_121 = vector.extract_strided_slice %convert_element_type3A_117 {offsets = [128, 0], sizes = [128, 64], strides = [1, 1]} : vector<3200x64xbf16> to vector<128x64xbf16>
    %dot_general3A_122 = arith.constant dense<0.000000e+00> : vector<1x128xf32>
    %dot_general3A_123 = tpu.matmul %get3A_40, %slice3A_121, %dot_general3A_122 {dimension_numbers = #tpu.dot_dimension_numbers<[1], [1], [0], [0], [0, 0, 1, 0], [], []>, transpose_lhs_hint = false} : vector<1x64xbf16>, vector<128x64xbf16>, vector<1x128xf32> -> vector<1x128xf32>
    %slice3A_124 = vector.extract_strided_slice %convert_element_type3A_117 {offsets = [256, 0], sizes = [128, 64], strides = [1, 1]} : vector<3200x64xbf16> to vector<128x64xbf16>
    %dot_general3A_125 = arith.constant dense<0.000000e+00> : vector<1x128xf32>
    %dot_general3A_126 = tpu.matmul %get3A_40, %slice3A_124, %dot_general3A_125 {dimension_numbers = #tpu.dot_dimension_numbers<[1], [1], [0], [0], [0, 0, 1, 0], [], []>, transpose_lhs_hint = false} : vector<1x64xbf16>, vector<128x64xbf16>, vector<1x128xf32> -> vector<1x128xf32>
    %slice3A_127 = vector.extract_strided_slice %convert_element_type3A_117 {offsets = [384, 0], sizes = [128, 64], strides = [1, 1]} : vector<3200x64xbf16> to vector<128x64xbf16>
    %dot_general3A_128 = arith.constant dense<0.000000e+00> : vector<1x128xf32>
    %dot_general3A_129 = tpu.matmul %get3A_40, %slice3A_127, %dot_general3A_128 {dimension_numbers = #tpu.dot_dimension_numbers<[1], [1], [0], [0], [0, 0, 1, 0], [], []>, transpose_lhs_hint = false} : vector<1x64xbf16>, vector<128x64xbf16>, vector<1x128xf32> -> vector<1x128xf32>
    %slice3A_130 = vector.extract_strided_slice %convert_element_type3A_117 {offsets = [512, 0], sizes = [128, 64], strides = [1, 1]} : vector<3200x64xbf16> to vector<128x64xbf16>
    %dot_general3A_131 = arith.constant dense<0.000000e+00> : vector<1x128xf32>
    %dot_general3A_132 = tpu.matmul %get3A_40, %slice3A_130, %dot_general3A_131 {dimension_numbers = #tpu.dot_dimension_numbers<[1], [1], [0], [0], [0, 0, 1, 0], [], []>, transpose_lhs_hint = false} : vector<1x64xbf16>, vector<128x64xbf16>, vector<1x128xf32> -> vector<1x128xf32>
    %slice3A_133 = vector.extract_strided_slice %convert_element_type3A_117 {offsets = [640, 0], sizes = [128, 64], strides = [1, 1]} : vector<3200x64xbf16> to vector<128x64xbf16>
    %dot_general3A_134 = arith.constant dense<0.000000e+00> : vector<1x128xf32>
    %dot_general3A_135 = tpu.matmul %get3A_40, %slice3A_133, %dot_general3A_134 {dimension_numbers = #tpu.dot_dimension_numbers<[1], [1], [0], [0], [0, 0, 1, 0], [], []>, transpose_lhs_hint = false} : vector<1x64xbf16>, vector<128x64xbf16>, vector<1x128xf32> -> vector<1x128xf32>
    %slice3A_136 = vector.extract_strided_slice %convert_element_type3A_117 {offsets = [768, 0], sizes = [128, 64], strides = [1, 1]} : vector<3200x64xbf16> to vector<128x64xbf16>
    %dot_general3A_137 = arith.constant dense<0.000000e+00> : vector<1x128xf32>
    %dot_general3A_138 = tpu.matmul %get3A_40, %slice3A_136, %dot_general3A_137 {dimension_numbers = #tpu.dot_dimension_numbers<[1], [1], [0], [0], [0, 0, 1, 0], [], []>, transpose_lhs_hint = false} : vector<1x64xbf16>, vector<128x64xbf16>, vector<1x128xf32> -> vector<1x128xf32>
    %slice3A_139 = vector.extract_strided_slice %convert_element_type3A_117 {offsets = [896, 0], sizes = [128, 64], strides = [1, 1]} : vector<3200x64xbf16> to vector<128x64xbf16>
    %dot_general3A_140 = arith.constant dense<0.000000e+00> : vector<1x128xf32>
    %dot_general3A_141 = tpu.matmul %get3A_40, %slice3A_139, %dot_general3A_140 {dimension_numbers = #tpu.dot_dimension_numbers<[1], [1], [0], [0], [0, 0, 1, 0], [], []>, transpose_lhs_hint = false} : vector<1x64xbf16>, vector<128x64xbf16>, vector<1x128xf32> -> vector<1x128xf32>
    %slice3A_142 = vector.extract_strided_slice %convert_element_type3A_117 {offsets = [1024, 0], sizes = [128, 64], strides = [1, 1]} : vector<3200x64xbf16> to vector<128x64xbf16>
    %dot_general3A_143 = arith.constant dense<0.000000e+00> : vector<1x128xf32>
    %dot_general3A_144 = tpu.matmul %get3A_40, %slice3A_142, %dot_general3A_143 {dimension_numbers = #tpu.dot_dimension_numbers<[1], [1], [0], [0], [0, 0, 1, 0], [], []>, transpose_lhs_hint = false} : vector<1x64xbf16>, vector<128x64xbf16>, vector<1x128xf32> -> vector<1x128xf32>
    %slice3A_145 = vector.extract_strided_slice %convert_element_type3A_117 {offsets = [1152, 0], sizes = [128, 64], strides = [1, 1]} : vector<3200x64xbf16> to vector<128x64xbf16>
    %dot_general3A_146 = arith.constant dense<0.000000e+00> : vector<1x128xf32>
    %dot_general3A_147 = tpu.matmul %get3A_40, %slice3A_145, %dot_general3A_146 {dimension_numbers = #tpu.dot_dimension_numbers<[1], [1], [0], [0], [0, 0, 1, 0], [], []>, transpose_lhs_hint = false} : vector<1x64xbf16>, vector<128x64xbf16>, vector<1x128xf32> -> vector<1x128xf32>
    %slice3A_148 = vector.extract_strided_slice %convert_element_type3A_117 {offsets = [1280, 0], sizes = [128, 64], strides = [1, 1]} : vector<3200x64xbf16> to vector<128x64xbf16>
    %dot_general3A_149 = arith.constant dense<0.000000e+00> : vector<1x128xf32>
    %dot_general3A_150 = tpu.matmul %get3A_40, %slice3A_148, %dot_general3A_149 {dimension_numbers = #tpu.dot_dimension_numbers<[1], [1], [0], [0], [0, 0, 1, 0], [], []>, transpose_lhs_hint = false} : vector<1x64xbf16>, vector<128x64xbf16>, vector<1x128xf32> -> vector<1x128xf32>
    %slice3A_151 = vector.extract_strided_slice %convert_element_type3A_117 {offsets = [1408, 0], sizes = [128, 64], strides = [1, 1]} : vector<3200x64xbf16> to vector<128x64xbf16>
    %dot_general3A_152 = arith.constant dense<0.000000e+00> : vector<1x128xf32>
    %dot_general3A_153 = tpu.matmul %get3A_40, %slice3A_151, %dot_general3A_152 {dimension_numbers = #tpu.dot_dimension_numbers<[1], [1], [0], [0], [0, 0, 1, 0], [], []>, transpose_lhs_hint = false} : vector<1x64xbf16>, vector<128x64xbf16>, vector<1x128xf32> -> vector<1x128xf32>
    %slice3A_154 = vector.extract_strided_slice %convert_element_type3A_117 {offsets = [1536, 0], sizes = [128, 64], strides = [1, 1]} : vector<3200x64xbf16> to vector<128x64xbf16>
    %dot_general3A_155 = arith.constant dense<0.000000e+00> : vector<1x128xf32>
    %dot_general3A_156 = tpu.matmul %get3A_40, %slice3A_154, %dot_general3A_155 {dimension_numbers = #tpu.dot_dimension_numbers<[1], [1], [0], [0], [0, 0, 1, 0], [], []>, transpose_lhs_hint = false} : vector<1x64xbf16>, vector<128x64xbf16>, vector<1x128xf32> -> vector<1x128xf32>
    %slice3A_157 = vector.extract_strided_slice %convert_element_type3A_117 {offsets = [1664, 0], sizes = [128, 64], strides = [1, 1]} : vector<3200x64xbf16> to vector<128x64xbf16>
    %dot_general3A_158 = arith.constant dense<0.000000e+00> : vector<1x128xf32>
    %dot_general3A_159 = tpu.matmul %get3A_40, %slice3A_157, %dot_general3A_158 {dimension_numbers = #tpu.dot_dimension_numbers<[1], [1], [0], [0], [0, 0, 1, 0], [], []>, transpose_lhs_hint = false} : vector<1x64xbf16>, vector<128x64xbf16>, vector<1x128xf32> -> vector<1x128xf32>
    %slice3A_160 = vector.extract_strided_slice %convert_element_type3A_117 {offsets = [1792, 0], sizes = [128, 64], strides = [1, 1]} : vector<3200x64xbf16> to vector<128x64xbf16>
    %dot_general3A_161 = arith.constant dense<0.000000e+00> : vector<1x128xf32>
    %dot_general3A_162 = tpu.matmul %get3A_40, %slice3A_160, %dot_general3A_161 {dimension_numbers = #tpu.dot_dimension_numbers<[1], [1], [0], [0], [0, 0, 1, 0], [], []>, transpose_lhs_hint = false} : vector<1x64xbf16>, vector<128x64xbf16>, vector<1x128xf32> -> vector<1x128xf32>
    %slice3A_163 = vector.extract_strided_slice %convert_element_type3A_117 {offsets = [1920, 0], sizes = [128, 64], strides = [1, 1]} : vector<3200x64xbf16> to vector<128x64xbf16>
    %dot_general3A_164 = arith.constant dense<0.000000e+00> : vector<1x128xf32>
    %dot_general3A_165 = tpu.matmul %get3A_40, %slice3A_163, %dot_general3A_164 {dimension_numbers = #tpu.dot_dimension_numbers<[1], [1], [0], [0], [0, 0, 1, 0], [], []>, transpose_lhs_hint = false} : vector<1x64xbf16>, vector<128x64xbf16>, vector<1x128xf32> -> vector<1x128xf32>
    %slice3A_166 = vector.extract_strided_slice %convert_element_type3A_117 {offsets = [2048, 0], sizes = [128, 64], strides = [1, 1]} : vector<3200x64xbf16> to vector<128x64xbf16>
    %dot_general3A_167 = arith.constant dense<0.000000e+00> : vector<1x128xf32>
    %dot_general3A_168 = tpu.matmul %get3A_40, %slice3A_166, %dot_general3A_167 {dimension_numbers = #tpu.dot_dimension_numbers<[1], [1], [0], [0], [0, 0, 1, 0], [], []>, transpose_lhs_hint = false} : vector<1x64xbf16>, vector<128x64xbf16>, vector<1x128xf32> -> vector<1x128xf32>
    %slice3A_169 = vector.extract_strided_slice %convert_element_type3A_117 {offsets = [2176, 0], sizes = [128, 64], strides = [1, 1]} : vector<3200x64xbf16> to vector<128x64xbf16>
    %dot_general3A_170 = arith.constant dense<0.000000e+00> : vector<1x128xf32>
    %dot_general3A_171 = tpu.matmul %get3A_40, %slice3A_169, %dot_general3A_170 {dimension_numbers = #tpu.dot_dimension_numbers<[1], [1], [0], [0], [0, 0, 1, 0], [], []>, transpose_lhs_hint = false} : vector<1x64xbf16>, vector<128x64xbf16>, vector<1x128xf32> -> vector<1x128xf32>
    %slice3A_172 = vector.extract_strided_slice %convert_element_type3A_117 {offsets = [2304, 0], sizes = [128, 64], strides = [1, 1]} : vector<3200x64xbf16> to vector<128x64xbf16>
    %dot_general3A_173 = arith.constant dense<0.000000e+00> : vector<1x128xf32>
    %dot_general3A_174 = tpu.matmul %get3A_40, %slice3A_172, %dot_general3A_173 {dimension_numbers = #tpu.dot_dimension_numbers<[1], [1], [0], [0], [0, 0, 1, 0], [], []>, transpose_lhs_hint = false} : vector<1x64xbf16>, vector<128x64xbf16>, vector<1x128xf32> -> vector<1x128xf32>
    %slice3A_175 = vector.extract_strided_slice %convert_element_type3A_117 {offsets = [2432, 0], sizes = [128, 64], strides = [1, 1]} : vector<3200x64xbf16> to vector<128x64xbf16>
    %dot_general3A_176 = arith.constant dense<0.000000e+00> : vector<1x128xf32>
    %dot_general3A_177 = tpu.matmul %get3A_40, %slice3A_175, %dot_general3A_176 {dimension_numbers = #tpu.dot_dimension_numbers<[1], [1], [0], [0], [0, 0, 1, 0], [], []>, transpose_lhs_hint = false} : vector<1x64xbf16>, vector<128x64xbf16>, vector<1x128xf32> -> vector<1x128xf32>
    %slice3A_178 = vector.extract_strided_slice %convert_element_type3A_117 {offsets = [2560, 0], sizes = [128, 64], strides = [1, 1]} : vector<3200x64xbf16> to vector<128x64xbf16>
    %dot_general3A_179 = arith.constant dense<0.000000e+00> : vector<1x128xf32>
    %dot_general3A_180 = tpu.matmul %get3A_40, %slice3A_178, %dot_general3A_179 {dimension_numbers = #tpu.dot_dimension_numbers<[1], [1], [0], [0], [0, 0, 1, 0], [], []>, transpose_lhs_hint = false} : vector<1x64xbf16>, vector<128x64xbf16>, vector<1x128xf32> -> vector<1x128xf32>
    %slice3A_181 = vector.extract_strided_slice %convert_element_type3A_117 {offsets = [2688, 0], sizes = [128, 64], strides = [1, 1]} : vector<3200x64xbf16> to vector<128x64xbf16>
    %dot_general3A_182 = arith.constant dense<0.000000e+00> : vector<1x128xf32>
    %dot_general3A_183 = tpu.matmul %get3A_40, %slice3A_181, %dot_general3A_182 {dimension_numbers = #tpu.dot_dimension_numbers<[1], [1], [0], [0], [0, 0, 1, 0], [], []>, transpose_lhs_hint = false} : vector<1x64xbf16>, vector<128x64xbf16>, vector<1x128xf32> -> vector<1x128xf32>
    %slice3A_184 = vector.extract_strided_slice %convert_element_type3A_117 {offsets = [2816, 0], sizes = [128, 64], strides = [1, 1]} : vector<3200x64xbf16> to vector<128x64xbf16>
    %dot_general3A_185 = arith.constant dense<0.000000e+00> : vector<1x128xf32>
    %dot_general3A_186 = tpu.matmul %get3A_40, %slice3A_184, %dot_general3A_185 {dimension_numbers = #tpu.dot_dimension_numbers<[1], [1], [0], [0], [0, 0, 1, 0], [], []>, transpose_lhs_hint = false} : vector<1x64xbf16>, vector<128x64xbf16>, vector<1x128xf32> -> vector<1x128xf32>
    %slice3A_187 = vector.extract_strided_slice %convert_element_type3A_117 {offsets = [2944, 0], sizes = [128, 64], strides = [1, 1]} : vector<3200x64xbf16> to vector<128x64xbf16>
    %dot_general3A_188 = arith.constant dense<0.000000e+00> : vector<1x128xf32>
    %dot_general3A_189 = tpu.matmul %get3A_40, %slice3A_187, %dot_general3A_188 {dimension_numbers = #tpu.dot_dimension_numbers<[1], [1], [0], [0], [0, 0, 1, 0], [], []>, transpose_lhs_hint = false} : vector<1x64xbf16>, vector<128x64xbf16>, vector<1x128xf32> -> vector<1x128xf32>
    %slice3A_190 = vector.extract_strided_slice %convert_element_type3A_117 {offsets = [3072, 0], sizes = [128, 64], strides = [1, 1]} : vector<3200x64xbf16> to vector<128x64xbf16>
    %dot_general3A_191 = arith.constant dense<0.000000e+00> : vector<1x128xf32>
    %dot_general3A_192 = tpu.matmul %get3A_40, %slice3A_190, %dot_general3A_191 {dimension_numbers = #tpu.dot_dimension_numbers<[1], [1], [0], [0], [0, 0, 1, 0], [], []>, transpose_lhs_hint = false} : vector<1x64xbf16>, vector<128x64xbf16>, vector<1x128xf32> -> vector<1x128xf32>
    %concatenate3A = tpu.concatenate %dot_general3A_120, %dot_general3A_123, %dot_general3A_126, %dot_general3A_129, %dot_general3A_132, %dot_general3A_135, %dot_general3A_138, %dot_general3A_141, %dot_general3A_144, %dot_general3A_147, %dot_general3A_150, %dot_general3A_153, %dot_general3A_156, %dot_general3A_159, %dot_general3A_162, %dot_general3A_165, %dot_general3A_168, %dot_general3A_171, %dot_general3A_174, %dot_general3A_177, %dot_general3A_180, %dot_general3A_183, %dot_general3A_186, %dot_general3A_189, %dot_general3A_192 in 0 : vector<1x128xf32>, vector<1x128xf32>, vector<1x128xf32>, vector<1x128xf32>, vector<1x128xf32>, vector<1x128xf32>, vector<1x128xf32>, vector<1x128xf32>, vector<1x128xf32>, vector<1x128xf32>, vector<1x128xf32>, vector<1x128xf32>, vector<1x128xf32>, vector<1x128xf32>, vector<1x128xf32>, vector<1x128xf32>, vector<1x128xf32>, vector<1x128xf32>, vector<1x128xf32>, vector<1x128xf32>, vector<1x128xf32>, vector<1x128xf32>, vector<1x128xf32>, vector<1x128xf32>, vector<1x128xf32> -> vector<25x128xf32>
    %squeeze3A = vector.extract %get3A_43[0, 0] : f32 from vector<1x1xf32>
    %add3A_193 = vector.broadcast %squeeze3A : f32 to vector<25x128xf32>
    %add3A_194 = arith.addf %concatenate3A, %add3A_193 : vector<25x128xf32>
    %swap3A = arith.constant 0 : index
    %swap3A_195 = arith.constant 0 : index
    %swap3A_196 = arith.constant 0 : index
    %swap3A_197 = vector.load %arg18[%swap3A, %swap3A_195, %swap3A_196] : memref<1x25x128xf32, #tpu.memory_space<vmem>>, vector<1x25x128xf32>
    %swap3A_198 = vector.shape_cast %swap3A_197 : vector<1x25x128xf32> to vector<25x128xf32>
    %swap3A_199 = vector.shape_cast %add3A_194 : vector<25x128xf32> to vector<1x25x128xf32>
    tpu.vector_store %arg18[%swap3A, %swap3A_195, %swap3A_196], %swap3A_199 {strides = array<i32>} : memref<1x25x128xf32, #tpu.memory_space<vmem>>, vector<1x25x128xf32>,
    %reduce_max3A = vector.shape_cast %add3A_194 : vector<25x128xf32> to vector<1x25x128xf32>
    %reduce_max3A_200 = arith.constant dense<0xFF800000> : vector<1xf32>
    %reduce_max3A_201 = vector.multi_reduction <maximumf>, %reduce_max3A, %reduce_max3A_200 [1, 2] : vector<1x25x128xf32> to vector<1xf32>
    %reduce_max3A_202 = vector.shape_cast %reduce_max3A_201 : vector<1xf32> to vector<1x1x1xf32>
    %reduce_max3A_203 = vector.extract %reduce_max3A_202[0, 0, 0] : f32 from vector<1x1x1xf32>
    %eq3A = arith.constant 0 : i32
    %eq3A_204 = arith.cmpi eq, %arg0, %eq3A : i32
    %get3A_205 = arith.constant 0 : index
    %get3A_206 = memref.load %arg20[%get3A_205] : memref<1xf32, #tpu.memory_space<smem>>
    %jit3A = arith.constant 0xFF800000 : f32
    %select_n3A = arith.select %eq3A_204, %jit3A, %get3A_206 : f32
    %max3A_207 = arith.maximumf %select_n3A, %reduce_max3A_203 : f32
    %swap3A_208 = arith.constant 0 : index
    %swap3A_209 = memref.load %arg20[%swap3A_208] : memref<1xf32, #tpu.memory_space<smem>>
    memref.store %max3A_207, %arg20[%swap3A_208] : memref<1xf32, #tpu.memory_space<smem>>
    %broadcast_in_dim3A = vector.broadcast %max3A_207 : f32 to vector<8x128xf32>
    %swap3A_210 = arith.constant 0 : index
    %swap3A_211 = arith.constant 0 : index
    %swap3A_212 = vector.load %arg19[%swap3A_210, %swap3A_211] : memref<8x128xf32, #tpu.memory_space<vmem>>, vector<8x128xf32>
    tpu.vector_store %arg19[%swap3A_210, %swap3A_211], %broadcast_in_dim3A {strides = array<i32>} : memref<8x128xf32, #tpu.memory_space<vmem>>, vector<8x128xf32>,
    return
  }
  func.func @transform_0(%arg0: i32) -> (i32, i32) {
    %add3A = arith.constant 50 : i32
    %add3A_0 = arith.addi %arg0, %add3A : i32
    %c0_i32 = arith.constant 0 : i32
    %c0_i32_1 = arith.constant 0 : i32
    return %c0_i32, %add3A_0 : i32, i32
  }
  func.func @transform_1(%arg0: i32) -> (i32, i32) {
    %c0_i32 = arith.constant 0 : i32
    %c0_i32_0 = arith.constant 0 : i32
    return %arg0, %c0_i32 : i32, i32
  }
  func.func @transform_2(%arg0: i32) -> (i32, i32) {
    %c0_i32 = arith.constant 0 : i32
    %c0_i32_0 = arith.constant 0 : i32
    %c0_i32_1 = arith.constant 0 : i32
    return %c0_i32, %c0_i32_0 : i32, i32
  }
  func.func @transform_3(%arg0: i32) -> (i32, i32) {
    %c0_i32 = arith.constant 0 : i32
    %c0_i32_0 = arith.constant 0 : i32
    %c0_i32_1 = arith.constant 0 : i32
    return %c0_i32, %c0_i32_0 : i32, i32
  }
  func.func @transform_4(%arg0: i32) -> (i32, i32) {
    %c0_i32 = arith.constant 0 : i32
    %c0_i32_0 = arith.constant 0 : i32
    %c0_i32_1 = arith.constant 0 : i32
    return %c0_i32, %c0_i32_0 : i32, i32
  }
  func.func @transform_5(%arg0: i32) -> (i32, i32) {
    %c0_i32 = arith.constant 0 : i32
    %c0_i32_0 = arith.constant 0 : i32
    %c0_i32_1 = arith.constant 0 : i32
    return %c0_i32, %c0_i32_0 : i32, i32
  }
  func.func @transform_6(%arg0: i32) -> (i32, i32) {
    %c0_i32 = arith.constant 0 : i32
    %c0_i32_0 = arith.constant 0 : i32
    %c0_i32_1 = arith.constant 0 : i32
    return %c0_i32, %c0_i32_0 : i32, i32
  }
  func.func @transform_7(%arg0: i32) -> (i32, i32) {
    %c0_i32 = arith.constant 0 : i32
    %c0_i32_0 = arith.constant 0 : i32
    %c0_i32_1 = arith.constant 0 : i32
    return %c0_i32, %c0_i32_0 : i32, i32
  }
  func.func @transform_8(%arg0: i32) -> (i32, i32) {
    %c0_i32 = arith.constant 0 : i32
    %c0_i32_0 = arith.constant 0 : i32
    %c0_i32_1 = arith.constant 0 : i32
    return %c0_i32, %c0_i32_0 : i32, i32
  }
  func.func @transform_9(%arg0: i32) -> (i32, i32) {
    %c0_i32 = arith.constant 0 : i32
    %c0_i32_0 = arith.constant 0 : i32
    %c0_i32_1 = arith.constant 0 : i32
    return %c0_i32, %c0_i32_0 : i32, i32
  }
  func.func @transform_10(%arg0: i32) -> (i32, i32) {
    %c0_i32 = arith.constant 0 : i32
    %c0_i32_0 = arith.constant 0 : i32
    %c0_i32_1 = arith.constant 0 : i32
    return %c0_i32, %c0_i32_0 : i32, i32
  }
  func.func @transform_11(%arg0: i32) -> (i32, i32) {
    %c0_i32 = arith.constant 0 : i32
    %c0_i32_0 = arith.constant 0 : i32
    %c0_i32_1 = arith.constant 0 : i32
    return %c0_i32, %c0_i32_0 : i32, i32
  }
  func.func @transform_12(%arg0: i32) -> (i32, i32) {
    %c0_i32 = arith.constant 0 : i32
    %c0_i32_0 = arith.constant 0 : i32
    %c0_i32_1 = arith.constant 0 : i32
    return %c0_i32, %c0_i32_0 : i32, i32
  }
  func.func @transform_13(%arg0: i32) -> (i32, i32) {
    %c0_i32 = arith.constant 0 : i32
    %c0_i32_0 = arith.constant 0 : i32
    %c0_i32_1 = arith.constant 0 : i32
    return %c0_i32, %c0_i32_0 : i32, i32
  }
  func.func @transform_14(%arg0: i32) -> (i32, i32) {
    %c0_i32 = arith.constant 0 : i32
    %c0_i32_0 = arith.constant 0 : i32
    %c0_i32_1 = arith.constant 0 : i32
    return %c0_i32, %c0_i32_0 : i32, i32
  }
  func.func @transform_15(%arg0: i32) -> (i32, i32) {
    %c0_i32 = arith.constant 0 : i32
    %c0_i32_0 = arith.constant 0 : i32
    %c0_i32_1 = arith.constant 0 : i32
    return %c0_i32, %c0_i32_0 : i32, i32
  }
  func.func @transform_16(%arg0: i32) -> (i32, i32) {
    %c0_i32 = arith.constant 0 : i32
    %c0_i32_0 = arith.constant 0 : i32
    %c0_i32_1 = arith.constant 0 : i32
    return %c0_i32, %c0_i32_0 : i32, i32
  }
  func.func @transform_17(%arg0: i32) -> (i32, i32, i32) {
    %c0_i32 = arith.constant 0 : i32
    %c0_i32_0 = arith.constant 0 : i32
    %c0_i32_1 = arith.constant 0 : i32
    return %arg0, %c0_i32, %c0_i32_0 : i32, i32, i32
  }
  func.func @transform_18(%arg0: i32) -> (i32, i32) {
    %c0_i32 = arith.constant 0 : i32
    %c0_i32_0 = arith.constant 0 : i32
    %c0_i32_1 = arith.constant 0 : i32
    return %c0_i32, %c0_i32_0 : i32, i32
  }
}

</mosaic_0001>

<sc_bundles>
// kernel: kernel.11.cloned.1.call-start
scs
__scs_entry_jumppad:
0x0: {  	(pc) =	sbr.rel $0x88, $3  }
0x1: {  	(tag) =	ssettag $0x0;
	lr =	simm.s32 $0x1  }
0x2: {  	[smem:$0x3F8B] =	sst lr;
	_ =	strace $0xD0000000  }
0x3: {  	_ = 	snop  }
0x4: {  	_ = 	snop  }
0x5: {  	_ = 	snop  }
0x6: {  	_ = 	snop  }
0x7: {  	_ = 	snop  }
__scs_overlays_trampoline_lowered:
0x8: {  	[smem:$0x3F9A] =	sst s0  }
0x9: {  	[smem:$0x3F9B] =	sst s1  }
0xa: {  	[smem:$0x3F9C] =	sst s2  }
0xb: {  	[smem:$0x3F9D] =	sst s3  }
0xc: {  	[smem:$0x3F9E] =	sst s4  }
0xd: {  	[smem:$0x3F9F] =	sst s5  }
0xe: {  	[smem:$0x3FA0] =	sst s6  }
0xf: {  	[smem:$0x3FA1] =	sst s7  }
0x10: {  	[smem:$0x3FA2] =	sst s8  }
0x11: {  	[smem:$0x3FA3] =	sst s9;
	s0 =	simm.s32 @!p0 $0x0  }
0x12: {  	s1 =	sld [smem:$0x3F89];
	s0 =	simm.s32 @p0 $0x1  }
0x13: {  	[smem:$0x3FA4] =	sst s0;
	s0 =	simm.s32 @!p1 $0x0  }
0x14: {  	s2 =	sld [smem:$0x3F88];
	s0 =	simm.s32 @p1 $0x1  }
0x15: {  	[smem:$0x3FA5] =	sst s0;
	s0 =	simm.s32 @!p2 $0x0  }
0x16: {  	s3 =	sld [smem:$0x3FDB];
	s0 =	simm.s32 @p2 $0x1  }
0x17: {  	s4 =	simm.s32 $0x1BF5;
	[smem:$0x3FA7] =	sst s0  }
0x18: {  	s0 =	sld [smem:$0x3F8A];
	_ =	swait.ge [sflag:s4], $0x0  }
0x19: {  	s7 =	sld [smem:$0x3F8B]  }
0x1a: {  	s8 =	sadd.s32 $0xFFFFE003, lr  }
0x1b: {  	s9 =	sadd.s32 $0xFFFFFEF7, lr;
	s5 =	simm.s32 $0xFFFFFFFF;
	p2 =	slt.u32 s8, $0xFFFFF086  }
0x1c: {  	p1 =	slt.u32 s9, $0xF7A;
	s5 =	simm.s32 @!p2 $0x0  }
0x1d: {  	s5 =	simm.s32 @p1 $0x1;
	p0 =	seq.s32 s7, s2  }
0x1e: {  	s7 =	smul.u32 @!p0 $0xF7A, s2;
	p2 =	seq.s32 @!p0 s5, $0x0  }
0x1f: {  	s9 =	smul.u32 $0xF7A, s1;
	s8 =	simm.s32 @!p0 $0x1BF5;
	p2 =	por !p2, p0  }
0x20: {  	[sflag:s8] =	ssyncset.s32 @!p0 $0xFFFFF086;
	s6 =	sadd.s32 @!p0 s3, s7;
	s7 =	simm.s32 @!p0 $0x108  }
0x21: {  	s3 =	sadd.s32 s3, s9;
	s6 =	sadd.s32 @!p0 $0x88, s6;
	s7 =	simm.s32 @p2 $0x1082  }
0x22: {  	[simem:s7], [sflag:s8] =	dma.local @!p0 [hbm:s6], $0xF7A  }
0x23: {  	s9 =	sor.u32 $0xD0000000, s2;
	s6 =	simm.s32 $0x108;
	_ =	swait.ge @!p0 [sflag:s8], $0x0  }
0x24: {  	s3 =	sadd.s32 $0x88, s3;
	s6 =	simm.s32 @!p1 $0x1082;
	[sflag:s4] =	ssyncset.s32 $0xFFFFF086  }
0x25: {  	[simem:s6], [sflag:s4] =	dma.local [hbm:s3], $0xF7A  }
0x26: {  	[smem:$0x3F8B] =	sst s1;
	(tag) =	ssettag s2;
	_ =	strace s9  }
0x27: {  	s1 =	sld [smem:$0x3F9B]  }
0x28: {  	s2 =	sld [smem:$0x3F9C]  }
0x29: {  	s4 =	sld [smem:$0x3F9E]  }
0x2a: {  	p0 =	seq.s32 s5, $0x0;
	s5 =	sld [smem:$0x3F9F]  }
0x2b: {  	s6 =	sld [smem:$0x3FA0]  }
0x2c: {  	s7 =	sld [smem:$0x3FA1]  }
0x2d: {  	s3 =	simm.s32 $0x108;
	s8 =	sld [smem:$0x3FA2]  }
0x2e: {  	s3 =	simm.s32 @!p0 $0x1082;
	s9 =	sld [smem:$0x3FA3]  }
0x2f: {  	lr =	sadd.s32 s0, s3;
	s0 =	sld [smem:$0x3F9A]  }
0x30: {  	s3 =	sld [smem:$0x3F9D]  }
0x31: {  	[smem:$0x3FA6] =	sst s10  }
0x32: {  	s10 =	sld [smem:$0x3FA4];
	_ =	sdelay $0x3  }
0x33: {  	p0 =	seq.s32 s10, $0x1;
	s10 =	sld [smem:$0x3FA6];
	_ =	sdelay $0x3  }
0x34: {  	[smem:$0x3FA6] =	sst s10  }
0x35: {  	s10 =	sld [smem:$0x3FA5];
	_ =	sdelay $0x3  }
0x36: {  	p1 =	seq.s32 s10, $0x1;
	s10 =	sld [smem:$0x3FA6];
	_ =	sdelay $0x3  }
0x37: {  	[smem:$0x3FA6] =	sst s10  }
0x38: {  	s10 =	sld [smem:$0x3FA7]  }
0x39: {  	_ = 	snop;
	(pc) =	sbr.ind lr, $3  }
0x3a: {  	_ = 	snop  }
0x3b: {  	_ = 	snop  }
0x3c: {  	p2 =	seq.s32 s10, $0x1;
	s10 =	sld [smem:$0x3FA6]  }
0x3d: {  	_ =	shalt  }
0x3e: {  	_ =	shalt  }
0x3f: {  	_ =	shalt  }
0x40: {  	_ =	shalt  }
0x41: {  	_ =	shalt  }
0x42: {  	_ =	shalt  }
0x43: {  	_ =	shalt  }
0x44: {  	_ =	shalt  }
0x45: {  	_ =	shalt  }
0x46: {  	_ =	shalt  }
0x47: {  	_ =	shalt  }
0x48: {  	_ =	shalt  }
0x49: {  	_ =	shalt  }
0x4a: {  	_ =	shalt  }
0x4b: {  	_ =	shalt  }
0x4c: {  	_ =	shalt  }
0x4d: {  	_ =	shalt  }
0x4e: {  	_ =	shalt  }
0x4f: {  	_ =	shalt  }
0x50: {  	_ =	shalt  }
0x51: {  	_ =	shalt  }
0x52: {  	_ =	shalt  }
0x53: {  	_ =	shalt  }
0x54: {  	_ =	shalt  }
0x55: {  	_ =	shalt  }
0x56: {  	_ =	shalt  }
0x57: {  	_ =	shalt  }
0x58: {  	_ =	shalt  }
0x59: {  	_ =	shalt  }
0x5a: {  	_ =	shalt  }
0x5b: {  	_ =	shalt  }
0x5c: {  	_ =	shalt  }
0x5d: {  	_ =	shalt  }
0x5e: {  	_ =	shalt  }
0x5f: {  	_ =	shalt  }
0x60: {  	_ =	shalt  }
0x61: {  	_ =	shalt  }
0x62: {  	_ =	shalt  }
0x63: {  	_ =	shalt  }
0x64: {  	_ =	shalt  }
0x65: {  	_ =	shalt  }
0x66: {  	_ =	shalt  }
0x67: {  	_ =	shalt  }
0x68: {  	_ =	shalt  }
0x69: {  	_ =	shalt  }
0x6a: {  	_ =	shalt  }
0x6b: {  	_ =	shalt  }
0x6c: {  	_ =	shalt  }
0x6d: {  	_ =	shalt  }
0x6e: {  	_ =	shalt  }
0x6f: {  	_ =	shalt  }
0x70: {  	_ =	shalt  }
0x71: {  	_ =	shalt  }
0x72: {  	_ =	shalt  }
0x73: {  	_ =	shalt  }
0x74: {  	_ =	shalt  }
0x75: {  	_ =	shalt  }
0x76: {  	_ =	shalt  }
0x77: {  	_ =	shalt  }
0x78: {  	_ =	shalt  }
0x79: {  	_ =	shalt  }
0x7a: {  	_ =	shalt  }
0x7b: {  	_ =	shalt  }
0x7c: {  	_ =	shalt  }
0x7d: {  	_ =	shalt  }
0x7e: {  	_ =	shalt  }
0x7f: {  	_ =	shalt  }
0x80: {  	_ =	shalt  }
0x81: {  	_ =	shalt  }
0x82: {  	_ =	shalt  }
0x83: {  	_ =	shalt  }
0x84: {  	_ =	shalt  }
0x85: {  	_ =	shalt  }
0x86: {  	_ =	shalt  }
0x87: {  	_ =	shalt  }
.Lfunc_end0:
.L_simem_size_0:
called_computation.1_lowered:
.L_overlay_start_0:
0x88: {  	s2 =	sld [smem:$0x3FD9]  }
0x89: {  	s3 =	sld [smem:$0x3FFE];
	_ =	sdelay $0x1  }
0x8a: {  	s1 =	srdreg.scid  }
0x8b: {  	s0 =	sand.u32 $0x1, s1  }
0x8c: {  	s17 =	sshll.u32 s0, $0xA;
	s2 =	sadd.s32 s3, s2  }
0x8d: {  	s2 =	sadd.s32 s2, s17  }
0x8e: {  	[smem:$0x3FB2] =	sst s2  }
0x8f: {  	_ = 	snop  }
0x90: {  	(tm) =	ssettm $0x1  }
0x91: {  	s18 =	sld [smem:$0x3FFB];
	_ =	sdelay $0x3  }
0x92: {  	_ =	strace s18  }
0x93: {  	s2 =	sld [smem:$0x3FFC];
	_ =	sdelay $0x3  }
0x94: {  	_ =	strace s2  }
0x95: {  	s2 =	sld [smem:$0x3FFD];
	_ =	sdelay $0x3  }
0x96: {  	_ =	strace s2  }
0x97: {  	_ =	strace $0x8FFFFFFF  }
0x98: {  	s19 =	sld [smem:$0x3FDB];
	_ =	sdelay $0x1  }
0x99: {  	s20 =	simm.s32 $_scs_section_size  }
0x9a: {  	s4 =	simm.s32 $_size__tile_overlayer_lowered;
	s5 =	simm.s32 $_tile_overlayer_lowered  }
0x9b: {  	s6 =	simm.s32 $0x1BFF;
	s21 =	sshll.u32 s5, $0x1;
	s3 =	sadd.s32 s20, s19  }
0x9c: {  	s22 =	simm.s32 $0x0;
	s4 =	sshll.u32 s4, $0x1;
	s5 =	sadd.s32 s21, s3  }
0x9d: {  	[timem:s22], [sflag:s6] =	dma.local [hbm:s5], s4  }
0x9e: {  	_ =	swait.ge [sflag:s6], s4  }
0x9f: {  	s4 =	ssub.s32 $0x0, s4;
	[sflag:s6] =	ssyncset.done $0x0  }
0xa0: {  	[sflag:s6] =	ssyncadd.s32 s4;
	_ =	sdelay $0x1  }
0xa1: {  	s23 =	simm.s32 $0x1B8B  }
0xa2: {  	_ =	swait.ge [sflag:s23], $0x1  }
0xa3: {  	[sflag:s23] =	ssyncset.done $0x0  }
0xa4: {  	[sflag:s23] =	ssyncadd.s32 $0xFFFFFFFF  }
0xa5: {  	s4 =	sld [smem:$0x0]  }
0xa6: {  	s5 =	sand.u32 $0xFFFFFFFE, s1  }
0xa7: {  	p0 =	sne.s32 s1, s5  }
0xa8: {  	s5 =	sshll.u32 @p0 s5, $0xE  }
0xa9: {  	s5 =	sadd.s32 @p0 $0x11B8D, s5;
	s6 =	sshll.u32 @p0 s4, $0x11  }
0xaa: {  	s5 =	sor.u32 @p0 s6, s5  }
0xab: {  	[sflag:s5] =	ssyncadd.remote.s32 @p0 $0x1;
	_ =	sdelay $0x1  }
0xac: {  	s5 =	simm.s32 @p0 $0x1B8D  }
0xad: {  	_ =	swait.eq @p0 [sflag:s5], $0x1  }
0xae: {  	[sflag:s5] =	ssyncadd.s32 @p0 $0xFFFFFFFF  }
0xaf: {  	s6 =	sshll.u32 @!p0 s1, $0xE  }
0xb0: {  	s6 =	sor.u32 @!p0 $0x4000, s6;
	s5 =	simm.s32 @!p0 $0x1B8D  }
0xb1: {  	s4 =	sshll.u32 @!p0 s4, $0x11;
	s6 =	sadd.s32 @!p0 $0x11B8D, s6;
	_ =	swait.eq @!p0 [sflag:s5], $0x1  }
0xb2: {  	s4 =	sor.u32 @!p0 s4, s6;
	[sflag:s5] =	ssyncadd.s32 @!p0 $0xFFFFFFFF  }
0xb3: {  	s25 =	simm.s32 $0x1B8E;
	s24 =	sld [smem:$0x3FFE];
	[sflag:s4] =	ssyncadd.remote.s32 @!p0 $0x1  }
0xb4: {  	s26 =	simm.s32 $execute0_lowered;
	[smem:$0x3FD2] =	sst s25  }
0xb5: {  	s5 =	sshll.u32 s26, $0x1;
	_ =	strace $0x80000049;
	[dreg:$0x1] =	wrdreg $0xFFFFFFFF  }
0xb6: {  	s28 =	simm.s32 $_size_execute0_lowered;
	s3 =	sadd.s32 s3, s5;
	[dreg:$0x0] =	wrdreg $0x0  }
0xb7: {  	s5 =	sshll.u32 s28, $0x1;
	[dreg:$0x2] =	wrdreg s3  }
0xb8: {  	[dreg:$0x3] =	wrdreg s5  }
0xb9: {  	[dreg:$0x4] =	wrdreg $0xC0  }
0xba: {  	_ =	task [dreg:s22], $0x5FFFF  }
0xbb: {  	[dreg:$0x1] =	wrdreg $0xFFFFFFFF  }
0xbc: {  	[dreg:$0x0] =	wrdreg $0x60  }
0xbd: {  	[dreg:$0x2] =	wrdreg s24  }
0xbe: {  	[dreg:$0x3] =	wrdreg $0xA  }
0xbf: {  	_ =	task.clear_ibuf [dreg:s22], $0x4FFFF;
	_ =	strace $0x90000049  }
0xc0: {  	s29 =	simm.s32 $0xA;
	_ =	strace $0x8000004B  }
0xc1: {  	_ =	swait.ge [sflag:s29], $0x1  }
0xc2: {  	[sflag:s29] =	ssyncadd.s32 $0xFFFFFFFF  }
0xc3: {  	_ =	strace $0x9000004B  }
0xc4: {  	_ =	sfence  }
0xc5: {  	s30 =	sld [smem:$0x0];
	_ =	sdelay $0x2  }
0xc6: {  	s31 =	sshll.u32 s1, $0xD;
	s1 =	sshrl.u32 s1, $0x2  }
0xc7: {  	s4 =	sand.u32 $0x4000, s31;
	s1 =	sadd.s32 s1, s30  }
0xc8: {  	s0 =	sor.u32 s4, s0;
	s1 =	sshll.u32 s1, $0x11  }
0xc9: {  	s0 =	sor.u32 s1, s0  }
0xca: {  	s0 =	sadd.s32 $0x8F2B, s0  }
0xcb: {  	[sflag:s0] =	ssyncadd.remote.s32 $0x1  }
0xcc: {  	_ =	sfence.sel $0xFFFF  }
0xcd: {  	[dreg:$0x0] =	wrdreg $0xFFFFFFFF;
	(pc) =	sbr.abs _section_cstart, $3  }
0xce: {  	[dreg:$0x1] =	wrdreg $0xFFFFFFFF  }
0xcf: {  	_ =	task.clear_ibuf [dreg:s22], $0x2FFFF;
	_ =	strace $0x9FFFFFFF  }
0xd0: {  	(tm) =	ssettm $0x7FFFFFFF  }
0xd1: {  	_ =	shalt  }
tec
execute0_lowered:
.L_overlay_start_1:
0x0: {  	(tag) =	ssettag $0x1  }
0x1: {  	s4 =	rddreg [dreg:$0x0]  }
0x2: {  	s3 =	srdreg.scid;
	s0 =	stileid.u32;
	s2 =	simm.s32 $0x0  }
0x3: {  	s13 =	simm.s32 $0x1400;
	s14 =	simm.s32 $0x5400;
	s15 =	simm.s32 $0x9400  }
0x4: {  	s16 =	simm.s32 $0xD400;
	s17 =	simm.s32 $0x11400;
	s18 =	simm.s32 $0x15400  }
0x5: {  	s19 =	simm.s32 $0x1;
	s20 =	simm.s32 $0x2;
	s21 =	simm.s32 $0x1200  }
0x6: {  	s22 =	simm.s32 $0x1280;
	s23 =	simm.s32 $0x1300;
	s24 =	simm.s32 $0x8  }
0x7: {  	s25 =	simm.s32 $0x1380;
	s5 =	sand.u32 $0x1, s3;
	s28 =	sshll.u32 s0, $0x1  }
0x8: {  	s26 =	simm.s32 $0x0;
	s30 =	smul.u32 $0x27100, s0;
	s6 =	sor.u32 s5, s28  }
0x9: {  	[smem:$0x7FF] =	sst s2;
	s3 =	sadd.s32 $0x4000, s4;
	s7 =	smul.u32 $0x280, s6  }
0xa: {  	s9 =	sadd.s32 $0x2A1200, s4;
	s8 =	ssub.s32 $0x2, s5;
	s6 =	smul.u32 $0x9C400, s6  }
0xb: {  	_ =	strace $0x8000004A;
	s12 =	smul.u32 $0x13880, s5;
	s29 =	sshrl.u32 s8, $0x1  }
0xc: {  	s10 =	ssub.s32 s8, s29;
	s7 =	sadd.s32 s7, s4;
	s6 =	sshrl.u32 s6, $0x3  }
0xd: {  	s4 =	sadd.s32 $0x29C200, s7;
	s11 =	sadd.s32 s9, s6;
	s9 =	sadd.s32 s30, s9  }
0xe: {  	s5 =	sadd.s32 $0x12000, s11;
	s6 =	sadd.s32 $0x12800, s11;
	s7 =	sadd.s32 $0x13000, s11  }
0xf: {  	s8 =	sadd.s32 $0x13800, s11;
	s31 =	sadd.s32 s12, s9;
	s9 =	smax.u32 s10, $0x1  }
0x10: {  	s11 =	simm.s32 $0x3;
	s12 =	simm.s32 $0x80;
	s10 =	sadd.s32 $0x2800, s31  }
.LBB2_1:
0x11: {  	[tilespmem:s2], [sflag:$0x3] =	stream.linear.gather [hbm4b:s4+s2], $0x1400, $0x38;
	[tilespmem:$0x19400] =	vst v63  }
0x12: {  	p0 =	por $0x1, $0x1;
	_ =	swait.ge [sflag:s11], $0x1400  }
0x13: {  	p0 =	por p0, p0;
	[sflag:s11] =	ssyncset.done $0x0  }
0x14: {  	s28 =	simm.s32 @!p0 $0x2;
	[sflag:s11] =	ssyncadd.s32 $0xFFFFEC00  }
0x15: {  	_ =	swait.ge @!p0 [sflag:s28], $0x4000  }
0x16: {  	[sflag:s28] =	ssyncset.done @!p0 $0x0  }
0x17: {  	[sflag:s28] =	ssyncadd.s32 @!p0 $0xFFFFC000  }
0x18: {  	_ =	swait.ge @!p0 [sflag:s28], $0x4000  }
0x19: {  	[sflag:s28] =	ssyncset.done @!p0 $0x0  }
0x1a: {  	[sflag:s28] =	ssyncadd.s32 @!p0 $0xFFFFC000  }
0x1b: {  	_ =	swait.ge @!p0 [sflag:s28], $0x4000  }
0x1c: {  	[sflag:s28] =	ssyncset.done @!p0 $0x0  }
0x1d: {  	[sflag:s28] =	ssyncadd.s32 @!p0 $0xFFFFC000  }
0x1e: {  	_ =	swait.ge @!p0 [sflag:s28], $0x4000  }
0x1f: {  	[sflag:s28] =	ssyncset.done @!p0 $0x0  }
0x20: {  	[sflag:s28] =	ssyncadd.s32 @!p0 $0xFFFFC000  }
0x21: {  	_ =	swait.ge @!p0 [sflag:s28], $0x4000  }
0x22: {  	[sflag:s28] =	ssyncset.done @!p0 $0x0  }
0x23: {  	[sflag:s28] =	ssyncadd.s32 @!p0 $0xFFFFC000  }
0x24: {  	_ =	swait.ge @!p0 [sflag:s28], $0x4000  }
0x25: {  	[sflag:s28] =	ssyncset.done @!p0 $0x0  }
0x26: {  	[sflag:s28] =	ssyncadd.s32 @!p0 $0xFFFFC000;
	s28 =	simm.s32 $0x0  }
0x27: {  	[tilespmem:s13], [sflag:$0x1] =	stream.indirect.gather [hbm4b:s3+s12], $0x80, s28, s12, $0xb8;
	[tilespmem:$0x19400] =	vst v63  }
0x28: {  	s28 =	simm.s32 $0x80  }
0x29: {  	[tilespmem:s14], [sflag:$0x1] =	stream.indirect.gather [hbm4b:s3+s12], $0x80, s28, s12, $0xb8;
	[tilespmem:$0x19400] =	vst v63  }
0x2a: {  	s28 =	simm.s32 $0x100  }
0x2b: {  	[tilespmem:s15], [sflag:$0x1] =	stream.indirect.gather [hbm4b:s3+s12], $0x80, s28, s12, $0xb8;
	[tilespmem:$0x19400] =	vst v63  }
0x2c: {  	s28 =	simm.s32 $0x180  }
0x2d: {  	[tilespmem:s16], [sflag:$0x1] =	stream.indirect.gather [hbm4b:s3+s12], $0x80, s28, s12, $0xb8;
	[tilespmem:$0x19400] =	vst v63  }
0x2e: {  	s28 =	simm.s32 $0x200  }
0x2f: {  	[tilespmem:s17], [sflag:$0x1] =	stream.indirect.gather [hbm4b:s3+s12], $0x80, s28, s12, $0xb8;
	[tilespmem:$0x19400] =	vst v63  }
0x30: {  	s28 =	simm.s32 $0x280  }
0x31: {  	[tilespmem:s18], [sflag:$0x1] =	stream.indirect.gather [hbm4b:s3+s12], $0x80, s28, s12, $0xb8;
	[tilespmem:$0x19400] =	vst v63  }
0x32: {  	_ =	swait.ge [sflag:s19], $0x4000  }
0x33: {  	[sflag:s19] =	ssyncset.done $0x0  }
0x34: {  	[sflag:s19] =	ssyncadd.s32 $0xFFFFC000  }
0x35: {  	_ =	swait.ge [sflag:s19], $0x4000  }
0x36: {  	[sflag:s19] =	ssyncset.done $0x0  }
0x37: {  	[sflag:s19] =	ssyncadd.s32 $0xFFFFC000  }
0x38: {  	_ =	swait.ge [sflag:s19], $0x4000  }
0x39: {  	[sflag:s19] =	ssyncset.done $0x0  }
0x3a: {  	[sflag:s19] =	ssyncadd.s32 $0xFFFFC000  }
0x3b: {  	_ =	swait.ge [sflag:s19], $0x4000  }
0x3c: {  	[sflag:s19] =	ssyncset.done $0x0  }
0x3d: {  	[sflag:s19] =	ssyncadd.s32 $0xFFFFC000  }
0x3e: {  	_ =	swait.ge [sflag:s19], $0x4000  }
0x3f: {  	[sflag:s19] =	ssyncset.done $0x0  }
0x40: {  	[sflag:s19] =	ssyncadd.s32 $0xFFFFC000  }
0x41: {  	_ =	swait.ge [sflag:s19], $0x4000  }
0x42: {  	[sflag:s19] =	ssyncset.done $0x0  }
0x43: {  	s28 =	sadd.s32 $0xFFFFD800, s10;
	[sflag:s19] =	ssyncadd.s32 $0xFFFFC000  }
0x44: {  	[hbm4b:s28+s2] =	stream.linear.scatter [tilespmem:s13], [sflag:$0x2], $0x4000, $0x38;
	[tilespmem:$0x19400] =	vst v63  }
0x45: {  	s28 =	sadd.s32 $0xFFFFE000, s10  }
0x46: {  	[hbm4b:s28+s2] =	stream.linear.scatter [tilespmem:s14], [sflag:$0x2], $0x4000, $0x38;
	[tilespmem:$0x19400] =	vst v63  }
0x47: {  	s28 =	sadd.s32 $0xFFFFE800, s10  }
0x48: {  	[hbm4b:s28+s2] =	stream.linear.scatter [tilespmem:s15], [sflag:$0x2], $0x4000, $0x38;
	[tilespmem:$0x19400] =	vst v63  }
0x49: {  	s29 =	simm.s32 $0xC00;
	s28 =	sadd.s32 $0xFFFFF000, s10  }
0x4a: {  	[hbm4b:s28+s2] =	stream.linear.scatter [tilespmem:s16], [sflag:$0x2], $0x4000, $0x38;
	[tilespmem:$0x19400] =	vst v63  }
0x4b: {  	p6 =	por $0x0, $0x0;
	s30 =	simm.s32 $0x1800;
	s28 =	sadd.s32 $0xFFFFF800, s10  }
0x4c: {  	[hbm4b:s28+s2] =	stream.linear.scatter [tilespmem:s17], [sflag:$0x2], $0x4000, $0x38;
	[tilespmem:$0x19400] =	vst v63  }
0x4d: {  	s31 =	smov.u32 s10;
	p0 =	por p6, p6;
	s28 =	sadd.s32 $0x3000, s10  }
.LBB2_2:
0x4e: {  	[hbm4b:s31+s2] =	stream.linear.scatter [tilespmem:s18], [sflag:$0x2], $0x4000, $0x38;
	[tilespmem:$0x19400] =	vst v63  }
0x4f: {  	s0 =	smov.u32 s30;
	s31 =	smov.u32 s28  }
0x50: {  	s30 =	sadd.s32 $0xC00, s30;
	s1 =	simm.s32 @!p0 $0x2;
	p2 =	seq.s32 s0, $0x0  }
0x51: {  	p1 =	sne.s32 s30, $0x4800;
	_ =	swait.ge @!p0 [sflag:s1], $0x4000  }
0x52: {  	[sflag:s1] =	ssyncset.done @!p0 $0x0  }
0x53: {  	[sflag:s1] =	ssyncadd.s32 @!p0 $0xFFFFC000  }
0x54: {  	_ =	swait.ge @!p0 [sflag:s1], $0x4000  }
0x55: {  	[sflag:s1] =	ssyncset.done @!p0 $0x0  }
0x56: {  	[sflag:s1] =	ssyncadd.s32 @!p0 $0xFFFFC000  }
0x57: {  	_ =	swait.ge @!p0 [sflag:s1], $0x4000  }
0x58: {  	[sflag:s1] =	ssyncset.done @!p0 $0x0  }
0x59: {  	[sflag:s1] =	ssyncadd.s32 @!p0 $0xFFFFC000  }
0x5a: {  	_ =	swait.ge @!p0 [sflag:s1], $0x4000  }
0x5b: {  	[sflag:s1] =	ssyncset.done @!p0 $0x0  }
0x5c: {  	[sflag:s1] =	ssyncadd.s32 @!p0 $0xFFFFC000  }
0x5d: {  	_ =	swait.ge @!p0 [sflag:s1], $0x4000  }
0x5e: {  	[sflag:s1] =	ssyncset.done @!p0 $0x0  }
0x5f: {  	[sflag:s1] =	ssyncadd.s32 @!p0 $0xFFFFC000  }
0x60: {  	_ =	swait.ge @!p0 [sflag:s1], $0x4000  }
0x61: {  	[sflag:s1] =	ssyncset.done @!p0 $0x0  }
0x62: {  	[sflag:s1] =	ssyncadd.s32 @!p0 $0xFFFFC000;
	s1 =	sshra.s32 s29, $0x2;
	s29 =	smov.u32 s0  }
0x63: {  	[tilespmem:s13], [sflag:$0x1] =	stream.indirect.gather [hbm4b:s3+s12], $0x80, s1, s12, $0xb8;
	[tilespmem:$0x19400] =	vst v63  }
0x64: {  	p0 =	por p2, p2;
	s0 =	sadd.s32 $0x80, s1  }
0x65: {  	[tilespmem:s14], [sflag:$0x1] =	stream.indirect.gather [hbm4b:s3+s12], $0x80, s0, s12, $0xb8;
	[tilespmem:$0x19400] =	vst v63  }
0x66: {  	s0 =	sadd.s32 $0x100, s1  }
0x67: {  	[tilespmem:s15], [sflag:$0x1] =	stream.indirect.gather [hbm4b:s3+s12], $0x80, s0, s12, $0xb8;
	[tilespmem:$0x19400] =	vst v63  }
0x68: {  	s0 =	sadd.s32 $0x180, s1  }
0x69: {  	[tilespmem:s16], [sflag:$0x1] =	stream.indirect.gather [hbm4b:s3+s12], $0x80, s0, s12, $0xb8;
	[tilespmem:$0x19400] =	vst v63  }
0x6a: {  	s0 =	sadd.s32 $0x200, s1  }
0x6b: {  	[tilespmem:s17], [sflag:$0x1] =	stream.indirect.gather [hbm4b:s3+s12], $0x80, s0, s12, $0xb8;
	[tilespmem:$0x19400] =	vst v63  }
0x6c: {  	s0 =	sadd.s32 $0x280, s1  }
0x6d: {  	[tilespmem:s18], [sflag:$0x1] =	stream.indirect.gather [hbm4b:s3+s12], $0x80, s0, s12, $0xb8;
	[tilespmem:$0x19400] =	vst v63  }
0x6e: {  	_ =	swait.ge [sflag:s19], $0x4000  }
0x6f: {  	[sflag:s19] =	ssyncset.done $0x0  }
0x70: {  	[sflag:s19] =	ssyncadd.s32 $0xFFFFC000  }
0x71: {  	_ =	swait.ge [sflag:s19], $0x4000  }
0x72: {  	[sflag:s19] =	ssyncset.done $0x0  }
0x73: {  	[sflag:s19] =	ssyncadd.s32 $0xFFFFC000  }
0x74: {  	_ =	swait.ge [sflag:s19], $0x4000  }
0x75: {  	[sflag:s19] =	ssyncset.done $0x0  }
0x76: {  	[sflag:s19] =	ssyncadd.s32 $0xFFFFC000  }
0x77: {  	_ =	swait.ge [sflag:s19], $0x4000  }
0x78: {  	[sflag:s19] =	ssyncset.done $0x0  }
0x79: {  	[sflag:s19] =	ssyncadd.s32 $0xFFFFC000  }
0x7a: {  	_ =	swait.ge [sflag:s19], $0x4000  }
0x7b: {  	[sflag:s19] =	ssyncset.done $0x0  }
0x7c: {  	[sflag:s19] =	ssyncadd.s32 $0xFFFFC000  }
0x7d: {  	_ =	swait.ge [sflag:s19], $0x4000  }
0x7e: {  	[sflag:s19] =	ssyncset.done $0x0  }
0x7f: {  	s0 =	sadd.s32 $0xFFFFD800, s28;
	[sflag:s19] =	ssyncadd.s32 $0xFFFFC000  }
0x80: {  	[hbm4b:s0+s2] =	stream.linear.scatter [tilespmem:s13], [sflag:$0x2], $0x4000, $0x38;
	[tilespmem:$0x19400] =	vst v63  }
0x81: {  	s0 =	sadd.s32 $0xFFFFE000, s28  }
0x82: {  	[hbm4b:s0+s2] =	stream.linear.scatter [tilespmem:s14], [sflag:$0x2], $0x4000, $0x38;
	[tilespmem:$0x19400] =	vst v63  }
0x83: {  	s0 =	sadd.s32 $0xFFFFE800, s28  }
0x84: {  	[hbm4b:s0+s2] =	stream.linear.scatter [tilespmem:s15], [sflag:$0x2], $0x4000, $0x38;
	[tilespmem:$0x19400] =	vst v63  }
.Ltmp0:
0x85: {  	s0 =	sadd.s32 $0xFFFFF000, s28;
	(pc) =	sbr.rel @p1 .LBB2_2-.Ltmp0, $4  }
0x86: {  	[hbm4b:s0+s2] =	stream.linear.scatter [tilespmem:s16], [sflag:$0x2], $0x4000, $0x38;
	[tilespmem:$0x19400] =	vst v63  }
0x87: {  	s0 =	sadd.s32 $0xFFFFF800, s28  }
0x88: {  	[hbm4b:s0+s2] =	stream.linear.scatter [tilespmem:s17], [sflag:$0x2], $0x4000, $0x38;
	[tilespmem:$0x19400] =	vst v63  }
0x89: {  	s28 =	sadd.s32 $0x3000, s28  }
0x8a: {  	[hbm4b:s31+s2] =	stream.linear.scatter [tilespmem:s18], [sflag:$0x2], $0x4000, $0x38;
	[tilespmem:$0x19400] =	vst v63  }
0x8b: {  	s0 =	simm.s32 @!p0 $0x2  }
0x8c: {  	_ =	swait.ge @!p0 [sflag:s0], $0x4000  }
0x8d: {  	[sflag:s0] =	ssyncset.done @!p0 $0x0  }
0x8e: {  	[sflag:s0] =	ssyncadd.s32 @!p0 $0xFFFFC000  }
0x8f: {  	_ =	swait.ge @!p0 [sflag:s0], $0x4000  }
0x90: {  	[sflag:s0] =	ssyncset.done @!p0 $0x0  }
0x91: {  	[sflag:s0] =	ssyncadd.s32 @!p0 $0xFFFFC000  }
0x92: {  	_ =	swait.ge @!p0 [sflag:s0], $0x4000  }
0x93: {  	[sflag:s0] =	ssyncset.done @!p0 $0x0  }
0x94: {  	[sflag:s0] =	ssyncadd.s32 @!p0 $0xFFFFC000  }
0x95: {  	_ =	swait.ge @!p0 [sflag:s0], $0x4000  }
0x96: {  	[sflag:s0] =	ssyncset.done @!p0 $0x0  }
0x97: {  	[sflag:s0] =	ssyncadd.s32 @!p0 $0xFFFFC000  }
0x98: {  	_ =	swait.ge @!p0 [sflag:s0], $0x4000  }
0x99: {  	[sflag:s0] =	ssyncset.done @!p0 $0x0  }
0x9a: {  	[sflag:s0] =	ssyncadd.s32 @!p0 $0xFFFFC000  }
0x9b: {  	_ =	swait.ge @!p0 [sflag:s0], $0x4000  }
0x9c: {  	[sflag:s0] =	ssyncset.done @!p0 $0x0  }
0x9d: {  	[sflag:s0] =	ssyncadd.s32 @!p0 $0xFFFFC000;
	s0 =	sshra.s32 s29, $0x2  }
0x9e: {  	[tilespmem:s13], [sflag:$0x1] =	stream.indirect.gather [hbm4b:s3+s12], $0x80, s0, s12, $0xb8;
	[tilespmem:$0x19400] =	vst v63  }
0x9f: {  	s1 =	sadd.s32 $0x80, s0  }
0xa0: {  	[tilespmem:s14], [sflag:$0x1] =	stream.indirect.gather [hbm4b:s3+s12], $0x80, s1, s12, $0xb8;
	[tilespmem:$0x19400] =	vst v63  }
0xa1: {  	s31 =	sadd.s32 $0x100, s0  }
0xa2: {  	[tilespmem:s15], [sflag:$0x1] =	stream.indirect.gather [hbm4b:s3+s12], $0x80, s31, s12, $0xb8;
	[tilespmem:$0x19400] =	vst v63  }
0xa3: {  	s29 =	sadd.s32 $0x180, s0  }
0xa4: {  	[tilespmem:s16], [sflag:$0x1] =	stream.indirect.gather [hbm4b:s3+s12], $0x80, s29, s12, $0xb8;
	[tilespmem:$0x19400] =	vst v63  }
0xa5: {  	s30 =	sadd.s32 $0x200, s0  }
0xa6: {  	[tilespmem:s17], [sflag:$0x1] =	stream.indirect.gather [hbm4b:s3+s12], $0x80, s30, s12, $0xb8;
	[tilespmem:$0x19400] =	vst v63  }
0xa7: {  	s0 =	sadd.s32 $0x280, s0  }
0xa8: {  	[tilespmem:s18], [sflag:$0x1] =	stream.indirect.gather [hbm4b:s3+s12], $0x80, s0, s12, $0xb8;
	[tilespmem:$0x19400] =	vst v63  }
0xa9: {  	_ =	swait.ge [sflag:s19], $0x4000  }
0xaa: {  	[sflag:s19] =	ssyncset.done $0x0  }
0xab: {  	[sflag:s19] =	ssyncadd.s32 $0xFFFFC000  }
0xac: {  	_ =	swait.ge [sflag:s19], $0x4000  }
0xad: {  	[sflag:s19] =	ssyncset.done $0x0  }
0xae: {  	[sflag:s19] =	ssyncadd.s32 $0xFFFFC000  }
0xaf: {  	_ =	swait.ge [sflag:s19], $0x4000  }
0xb0: {  	[sflag:s19] =	ssyncset.done $0x0  }
0xb1: {  	[sflag:s19] =	ssyncadd.s32 $0xFFFFC000  }
0xb2: {  	_ =	swait.ge [sflag:s19], $0x4000  }
0xb3: {  	[sflag:s19] =	ssyncset.done $0x0  }
0xb4: {  	[sflag:s19] =	ssyncadd.s32 $0xFFFFC000  }
0xb5: {  	_ =	swait.ge [sflag:s19], $0x4000  }
0xb6: {  	[sflag:s19] =	ssyncset.done $0x0  }
0xb7: {  	[sflag:s19] =	ssyncadd.s32 $0xFFFFC000  }
0xb8: {  	_ =	swait.ge [sflag:s19], $0x4000  }
0xb9: {  	[sflag:s19] =	ssyncset.done $0x0  }
0xba: {  	s31 =	sadd.s32 $0xFFFFD800, s28;
	[sflag:s19] =	ssyncadd.s32 $0xFFFFC000  }
0xbb: {  	[hbm4b:s31+s2] =	stream.linear.scatter [tilespmem:s13], [sflag:$0x2], $0x4000, $0x38;
	[tilespmem:$0x19400] =	vst v63  }
0xbc: {  	s1 =	sadd.s32 $0xFFFFE000, s28  }
0xbd: {  	[hbm4b:s1+s2] =	stream.linear.scatter [tilespmem:s14], [sflag:$0x2], $0x4000, $0x38;
	[tilespmem:$0x19400] =	vst v63  }
0xbe: {  	s29 =	sadd.s32 $0xFFFFE800, s28  }
0xbf: {  	[hbm4b:s29+s2] =	stream.linear.scatter [tilespmem:s15], [sflag:$0x2], $0x4000, $0x38;
	[tilespmem:$0x19400] =	vst v63  }
0xc0: {  	s30 =	sadd.s32 $0xFFFFF000, s28  }
0xc1: {  	[hbm4b:s30+s2] =	stream.linear.scatter [tilespmem:s16], [sflag:$0x2], $0x4000, $0x38;
	[tilespmem:$0x19400] =	vst v63  }
0xc2: {  	s31 =	sadd.s32 $0xFFFFF800, s28  }
0xc3: {  	[hbm4b:s31+s2] =	stream.linear.scatter [tilespmem:s17], [sflag:$0x2], $0x4000, $0x38;
	[tilespmem:$0x19400] =	vst v63  }
0xc4: {  	_ = 	snop  }
0xc5: {  	[hbm4b:s28+s2] =	stream.linear.scatter [tilespmem:s18], [sflag:$0x2], $0x4000, $0x38;
	[tilespmem:$0x19400] =	vst v63  }
0xc6: {  	_ =	swait.ge [sflag:s20], $0x4000  }
0xc7: {  	[sflag:s20] =	ssyncset.done $0x0  }
0xc8: {  	[sflag:s20] =	ssyncadd.s32 $0xFFFFC000  }
0xc9: {  	_ =	swait.ge [sflag:s20], $0x4000  }
0xca: {  	[sflag:s20] =	ssyncset.done $0x0  }
0xcb: {  	[sflag:s20] =	ssyncadd.s32 $0xFFFFC000  }
0xcc: {  	_ =	swait.ge [sflag:s20], $0x4000  }
0xcd: {  	[sflag:s20] =	ssyncset.done $0x0  }
0xce: {  	[sflag:s20] =	ssyncadd.s32 $0xFFFFC000  }
0xcf: {  	[tilespmem:s13], [sflag:$0x1] =	stream.indirect.gather [hbm4b:s3+s12], $0x80, s21, s12, $0xb8;
	[tilespmem:$0x19400] =	vst v63  }
0xd0: {  	_ = 	snop  }
0xd1: {  	[tilespmem:s14], [sflag:$0x1] =	stream.indirect.gather [hbm4b:s3+s12], $0x80, s22, s12, $0xb8;
	[tilespmem:$0x19400] =	vst v63  }
0xd2: {  	_ = 	snop  }
0xd3: {  	[tilespmem:s15], [sflag:$0x1] =	stream.indirect.gather [hbm4b:s3+s12], $0x80, s23, s12, $0xb8;
	[tilespmem:$0x19400] =	vst v63  }
0xd4: {  	_ =	swait.ge [sflag:s19], $0x4000  }
0xd5: {  	[sflag:s19] =	ssyncset.done $0x0  }
0xd6: {  	[sflag:s19] =	ssyncadd.s32 $0xFFFFC000  }
0xd7: {  	_ =	swait.ge [sflag:s19], $0x4000  }
0xd8: {  	[sflag:s19] =	ssyncset.done $0x0  }
0xd9: {  	[sflag:s19] =	ssyncadd.s32 $0xFFFFC000  }
0xda: {  	_ =	swait.ge [sflag:s19], $0x4000  }
0xdb: {  	[sflag:s19] =	ssyncset.done $0x0  }
0xdc: {  	[sflag:s19] =	ssyncadd.s32 $0xFFFFC000  }
0xdd: {  	[hbm4b:s5+s2] =	stream.linear.scatter [tilespmem:s13], [sflag:$0x2], $0x4000, $0x38;
	[tilespmem:$0x19400] =	vst v63  }
0xde: {  	_ = 	snop  }
0xdf: {  	[hbm4b:s6+s2] =	stream.linear.scatter [tilespmem:s14], [sflag:$0x2], $0x4000, $0x38;
	[tilespmem:$0x19400] =	vst v63  }
0xe0: {  	_ = 	snop  }
0xe1: {  	[hbm4b:s7+s2] =	stream.linear.scatter [tilespmem:s15], [sflag:$0x2], $0x4000, $0x38;
	[tilespmem:$0x19400] =	vst v63  }
0xe2: {  	_ =	swait.ge [sflag:s20], $0x4000  }
0xe3: {  	[sflag:s20] =	ssyncset.done $0x0  }
0xe4: {  	[sflag:s20] =	ssyncadd.s32 $0xFFFFC000  }
0xe5: {  	_ =	swait.ge [sflag:s20], $0x4000  }
0xe6: {  	[sflag:s20] =	ssyncset.done $0x0  }
0xe7: {  	[sflag:s20] =	ssyncadd.s32 $0xFFFFC000  }
0xe8: {  	_ =	swait.ge [sflag:s20], $0x4000  }
0xe9: {  	[sflag:s20] =	ssyncset.done $0x0  }
0xea: {  	[sflag:s20] =	ssyncadd.s32 $0xFFFFC000  }
0xeb: {  	_ =	swait.ge [sflag:s20], $0x4000  }
0xec: {  	[sflag:s20] =	ssyncset.done $0x0  }
0xed: {  	[sflag:s20] =	ssyncadd.s32 $0xFFFFC000  }
0xee: {  	_ =	swait.ge [sflag:s20], $0x4000  }
0xef: {  	[sflag:s20] =	ssyncset.done $0x0  }
0xf0: {  	[sflag:s20] =	ssyncadd.s32 $0xFFFFC000  }
0xf1: {  	_ =	swait.ge [sflag:s20], $0x4000  }
0xf2: {  	[sflag:s20] =	ssyncset.done $0x0  }
0xf3: {  	[sflag:s20] =	ssyncadd.s32 $0xFFFFC000  }
0xf4: {  	[tilespmem:s13], [sflag:$0x1] =	stream.indirect.gather [hbm4b:s3+s24], $0x80, s25, s24, $0xb8;
	[tilespmem:$0x19400] =	vst v63  }
0xf5: {  	s26 =	sadd.s32 $0x1, s26;
	_ =	swait.ge [sflag:s19], $0x400  }
0xf6: {  	p0 =	sne.s32 s26, s9;
	[sflag:s19] =	ssyncset.done $0x0  }
.Ltmp1:
0xf7: {  	[sflag:s19] =	ssyncadd.s32 $0xFFFFFC00;
	(pc) =	sbr.rel @p0 .LBB2_1-.Ltmp1, $4  }
0xf8: {  	[hbm4b:s8+s2] =	stream.linear.scatter [tilespmem:s13], [sflag:$0x3], $0x400, $0x38;
	[tilespmem:$0x19400] =	vst v63  }
0xf9: {  	_ =	swait.ge [sflag:s11], $0x400  }
0xfa: {  	[sflag:s11] =	ssyncset.done $0x0  }
0xfb: {  	[sflag:s11] =	ssyncadd.s32 $0xFFFFFC00  }
0xfc: {  	_ =	sfence.sel $0x180000  }
0xfd: {  	[bflag:$0x0] =	sbarrier.arrive $0xFFFF  }
0xfe: {  	_ =	strace $0x9000004A  }
0xff: {  	s0 =	stileid.u32;
	[bflag:$0x2] =	sbarrier.arrive $0xFFFF  }
0x100: {  	p0 =	sne.s32 s0, $0x0;
	s0 =	rddreg [dreg:$0x1]  }
0x101: {  	s0 =	sadd.s32 @!p0 $0x100000, s0  }
0x102: {  	[sflag:s0] =	ssyncadd.tile.s32 @!p0 $0x1;
	_ =	shalt  }
.Lfunc_end2:
_tile_overlayer_lowered:
.L_overlay_start_2:
0x103: {  	(tag) =	ssettag $0x2  }
0x104: {  	s0 =	rddreg [dreg:$0x0];
	s2 =	stileid.u32  }
0x105: {  	s1 =	rddreg [dreg:$0x1];
	p0 =	sne.s32 s2, $0x0  }
0x106: {  	s3 =	rddreg [dreg:$0x2];
	[bflag:$0x3] =	sbarrier.arrive $0xFFFF;
	s2 =	simm.s32 @!p0 $0x1C03  }
0x107: {  	[timem:s3], [sflag:s2] =	dma.local @!p0 [hbm:s0], s1  }
0x108: {  	s0 =	simm.s32 @!p0 $0x3  }
0x109: {  	_ =	swait.ge @!p0 [sflag:s0], s1  }
0x10a: {  	s1 =	ssub.s32 @!p0 $0x0, s1;
	[sflag:s0] =	ssyncset.done @!p0 $0x0  }
0x10b: {  	[sflag:s0] =	ssyncadd.s32 @!p0 s1  }
0x10c: {  	[bflag:$0x3] =	sbarrier.arrive $0xFFFF  }
0x10d: {  	_ =	shalt  }

// kernel: kernel.14.cloned.1.call-start
scs
__scs_entry_jumppad:
0x0: {  	(pc) =	sbr.rel $0x88, $3  }
0x1: {  	(tag) =	ssettag $0x0;
	lr =	simm.s32 $0x1  }
0x2: {  	[smem:$0x3F8B] =	sst lr;
	_ =	strace $0xD0000000  }
0x3: {  	_ = 	snop  }
0x4: {  	_ = 	snop  }
0x5: {  	_ = 	snop  }
0x6: {  	_ = 	snop  }
0x7: {  	_ = 	snop  }
__scs_overlays_trampoline_lowered:
0x8: {  	[smem:$0x3F9A] =	sst s0  }
0x9: {  	[smem:$0x3F9B] =	sst s1  }
0xa: {  	[smem:$0x3F9C] =	sst s2  }
0xb: {  	[smem:$0x3F9D] =	sst s3  }
0xc: {  	[smem:$0x3F9E] =	sst s4  }
0xd: {  	[smem:$0x3F9F] =	sst s5  }
0xe: {  	[smem:$0x3FA0] =	sst s6  }
0xf: {  	[smem:$0x3FA1] =	sst s7  }
0x10: {  	[smem:$0x3FA2] =	sst s8  }
0x11: {  	[smem:$0x3FA3] =	sst s9;
	s0 =	simm.s32 @!p0 $0x0  }
0x12: {  	s1 =	sld [smem:$0x3F89];
	s0 =	simm.s32 @p0 $0x1  }
0x13: {  	[smem:$0x3FA4] =	sst s0;
	s0 =	simm.s32 @!p1 $0x0  }
0x14: {  	s2 =	sld [smem:$0x3F88];
	s0 =	simm.s32 @p1 $0x1  }
0x15: {  	[smem:$0x3FA5] =	sst s0;
	s0 =	simm.s32 @!p2 $0x0  }
0x16: {  	s3 =	sld [smem:$0x3FDB];
	s0 =	simm.s32 @p2 $0x1  }
0x17: {  	s4 =	simm.s32 $0x1BF5;
	[smem:$0x3FA7] =	sst s0  }
0x18: {  	s0 =	sld [smem:$0x3F8A];
	_ =	swait.ge [sflag:s4], $0x0  }
0x19: {  	s7 =	sld [smem:$0x3F8B]  }
0x1a: {  	s8 =	sadd.s32 $0xFFFFE003, lr  }
0x1b: {  	s9 =	sadd.s32 $0xFFFFFEF7, lr;
	s5 =	simm.s32 $0xFFFFFFFF;
	p2 =	slt.u32 s8, $0xFFFFF086  }
0x1c: {  	p1 =	slt.u32 s9, $0xF7A;
	s5 =	simm.s32 @!p2 $0x0  }
0x1d: {  	s5 =	simm.s32 @p1 $0x1;
	p0 =	seq.s32 s7, s2  }
0x1e: {  	s7 =	smul.u32 @!p0 $0xF7A, s2;
	p2 =	seq.s32 @!p0 s5, $0x0  }
0x1f: {  	s9 =	smul.u32 $0xF7A, s1;
	s8 =	simm.s32 @!p0 $0x1BF5;
	p2 =	por !p2, p0  }
0x20: {  	[sflag:s8] =	ssyncset.s32 @!p0 $0xFFFFF086;
	s6 =	sadd.s32 @!p0 s3, s7;
	s7 =	simm.s32 @!p0 $0x108  }
0x21: {  	s3 =	sadd.s32 s3, s9;
	s6 =	sadd.s32 @!p0 $0x88, s6;
	s7 =	simm.s32 @p2 $0x1082  }
0x22: {  	[simem:s7], [sflag:s8] =	dma.local @!p0 [hbm:s6], $0xF7A  }
0x23: {  	s9 =	sor.u32 $0xD0000000, s2;
	s6 =	simm.s32 $0x108;
	_ =	swait.ge @!p0 [sflag:s8], $0x0  }
0x24: {  	s3 =	sadd.s32 $0x88, s3;
	s6 =	simm.s32 @!p1 $0x1082;
	[sflag:s4] =	ssyncset.s32 $0xFFFFF086  }
0x25: {  	[simem:s6], [sflag:s4] =	dma.local [hbm:s3], $0xF7A  }
0x26: {  	[smem:$0x3F8B] =	sst s1;
	(tag) =	ssettag s2;
	_ =	strace s9  }
0x27: {  	s1 =	sld [smem:$0x3F9B]  }
0x28: {  	s2 =	sld [smem:$0x3F9C]  }
0x29: {  	s4 =	sld [smem:$0x3F9E]  }
0x2a: {  	p0 =	seq.s32 s5, $0x0;
	s5 =	sld [smem:$0x3F9F]  }
0x2b: {  	s6 =	sld [smem:$0x3FA0]  }
0x2c: {  	s7 =	sld [smem:$0x3FA1]  }
0x2d: {  	s3 =	simm.s32 $0x108;
	s8 =	sld [smem:$0x3FA2]  }
0x2e: {  	s3 =	simm.s32 @!p0 $0x1082;
	s9 =	sld [smem:$0x3FA3]  }
0x2f: {  	lr =	sadd.s32 s0, s3;
	s0 =	sld [smem:$0x3F9A]  }
0x30: {  	s3 =	sld [smem:$0x3F9D]  }
0x31: {  	[smem:$0x3FA6] =	sst s10  }
0x32: {  	s10 =	sld [smem:$0x3FA4];
	_ =	sdelay $0x3  }
0x33: {  	p0 =	seq.s32 s10, $0x1;
	s10 =	sld [smem:$0x3FA6];
	_ =	sdelay $0x3  }
0x34: {  	[smem:$0x3FA6] =	sst s10  }
0x35: {  	s10 =	sld [smem:$0x3FA5];
	_ =	sdelay $0x3  }
0x36: {  	p1 =	seq.s32 s10, $0x1;
	s10 =	sld [smem:$0x3FA6];
	_ =	sdelay $0x3  }
0x37: {  	[smem:$0x3FA6] =	sst s10  }
0x38: {  	s10 =	sld [smem:$0x3FA7]  }
0x39: {  	_ = 	snop;
	(pc) =	sbr.ind lr, $3  }
0x3a: {  	_ = 	snop  }
0x3b: {  	_ = 	snop  }
0x3c: {  	p2 =	seq.s32 s10, $0x1;
	s10 =	sld [smem:$0x3FA6]  }
0x3d: {  	_ =	shalt  }
0x3e: {  	_ =	shalt  }
0x3f: {  	_ =	shalt  }
0x40: {  	_ =	shalt  }
0x41: {  	_ =	shalt  }
0x42: {  	_ =	shalt  }
0x43: {  	_ =	shalt  }
0x44: {  	_ =	shalt  }
0x45: {  	_ =	shalt  }
0x46: {  	_ =	shalt  }
0x47: {  	_ =	shalt  }
0x48: {  	_ =	shalt  }
0x49: {  	_ =	shalt  }
0x4a: {  	_ =	shalt  }
0x4b: {  	_ =	shalt  }
0x4c: {  	_ =	shalt  }
0x4d: {  	_ =	shalt  }
0x4e: {  	_ =	shalt  }
0x4f: {  	_ =	shalt  }
0x50: {  	_ =	shalt  }
0x51: {  	_ =	shalt  }
0x52: {  	_ =	shalt  }
0x53: {  	_ =	shalt  }
0x54: {  	_ =	shalt  }
0x55: {  	_ =	shalt  }
0x56: {  	_ =	shalt  }
0x57: {  	_ =	shalt  }
0x58: {  	_ =	shalt  }
0x59: {  	_ =	shalt  }
0x5a: {  	_ =	shalt  }
0x5b: {  	_ =	shalt  }
0x5c: {  	_ =	shalt  }
0x5d: {  	_ =	shalt  }
0x5e: {  	_ =	shalt  }
0x5f: {  	_ =	shalt  }
0x60: {  	_ =	shalt  }
0x61: {  	_ =	shalt  }
0x62: {  	_ =	shalt  }
0x63: {  	_ =	shalt  }
0x64: {  	_ =	shalt  }
0x65: {  	_ =	shalt  }
0x66: {  	_ =	shalt  }
0x67: {  	_ =	shalt  }
0x68: {  	_ =	shalt  }
0x69: {  	_ =	shalt  }
0x6a: {  	_ =	shalt  }
0x6b: {  	_ =	shalt  }
0x6c: {  	_ =	shalt  }
0x6d: {  	_ =	shalt  }
0x6e: {  	_ =	shalt  }
0x6f: {  	_ =	shalt  }
0x70: {  	_ =	shalt  }
0x71: {  	_ =	shalt  }
0x72: {  	_ =	shalt  }
0x73: {  	_ =	shalt  }
0x74: {  	_ =	shalt  }
0x75: {  	_ =	shalt  }
0x76: {  	_ =	shalt  }
0x77: {  	_ =	shalt  }
0x78: {  	_ =	shalt  }
0x79: {  	_ =	shalt  }
0x7a: {  	_ =	shalt  }
0x7b: {  	_ =	shalt  }
0x7c: {  	_ =	shalt  }
0x7d: {  	_ =	shalt  }
0x7e: {  	_ =	shalt  }
0x7f: {  	_ =	shalt  }
0x80: {  	_ =	shalt  }
0x81: {  	_ =	shalt  }
0x82: {  	_ =	shalt  }
0x83: {  	_ =	shalt  }
0x84: {  	_ =	shalt  }
0x85: {  	_ =	shalt  }
0x86: {  	_ =	shalt  }
0x87: {  	_ =	shalt  }
.Lfunc_end0:
.L_simem_size_0:
called_computation.2_lowered:
.L_overlay_start_0:
0x88: {  	s0 =	sld [smem:$0x3FD9]  }
0x89: {  	s1 =	sld [smem:$0x3FFE];
	_ =	sdelay $0x3  }
0x8a: {  	s0 =	sadd.s32 s1, s0  }
0x8b: {  	[smem:$0x3FB2] =	sst s0  }
0x8c: {  	_ = 	snop  }
0x8d: {  	s0 =	sld [smem:$0x3FD0];
	(tm) =	ssettm $0x1  }
0x8e: {  	s16 =	sld [smem:$0x3FFB];
	_ =	sdelay $0x3  }
0x8f: {  	_ =	strace s16  }
0x90: {  	s1 =	sld [smem:$0x3FFC];
	_ =	sdelay $0x3  }
0x91: {  	_ =	strace s1  }
0x92: {  	s1 =	sld [smem:$0x3FFD];
	_ =	sdelay $0x3  }
0x93: {  	_ =	strace s1  }
0x94: {  	_ =	strace $0x8FFFFFFF  }
0x95: {  	s17 =	sld [smem:$0x3FDB];
	_ =	sdelay $0x1  }
0x96: {  	s2 =	simm.s32 $_scs_section_size  }
0x97: {  	s3 =	simm.s32 $_size__tile_overlayer_lowered;
	s4 =	simm.s32 $_tile_overlayer_lowered  }
0x98: {  	s20 =	simm.s32 $0x1BFF;
	s19 =	sshll.u32 s4, $0x1;
	s1 =	sadd.s32 s2, s17  }
0x99: {  	s5 =	simm.s32 $0x0;
	s18 =	sshll.u32 s3, $0x1;
	s3 =	sadd.s32 s19, s1  }
0x9a: {  	[timem:s5], [sflag:s20] =	dma.local [hbm:s3], s18  }
0x9b: {  	_ =	swait.ge [sflag:s20], s18  }
0x9c: {  	s2 =	ssub.s32 $0x0, s18;
	[sflag:s20] =	ssyncset.done $0x0  }
0x9d: {  	[sflag:s20] =	ssyncadd.s32 s2;
	_ =	sdelay $0x1  }
0x9e: {  	s21 =	simm.s32 $0x1B8B  }
0x9f: {  	_ =	swait.ge [sflag:s21], $0x1  }
0xa0: {  	[sflag:s21] =	ssyncset.done $0x0  }
0xa1: {  	s23 =	simm.s32 $0x1B8E;
	s22 =	sld [smem:$0x3FFE];
	[sflag:s21] =	ssyncadd.s32 $0xFFFFFFFF  }
0xa2: {  	s24 =	simm.s32 $execute0_lowered;
	[smem:$0x3FD2] =	sst s23  }
0xa3: {  	s3 =	sshll.u32 s24, $0x1;
	_ =	strace $0x8000004C;
	[dreg:$0x1] =	wrdreg $0xFFFFFFFF  }
0xa4: {  	s25 =	simm.s32 $_size_execute0_lowered;
	s1 =	sadd.s32 s1, s3;
	[dreg:$0x0] =	wrdreg $0x0  }
0xa5: {  	s3 =	sshll.u32 s25, $0x1;
	[dreg:$0x2] =	wrdreg s1  }
0xa6: {  	[dreg:$0x3] =	wrdreg s3  }
0xa7: {  	[dreg:$0x4] =	wrdreg $0xC0  }
0xa8: {  	_ =	task [dreg:s5], $0x5FFFF  }
0xa9: {  	[dreg:$0x1] =	wrdreg $0xFFFFFFFF  }
0xaa: {  	[dreg:$0x0] =	wrdreg $0x60  }
0xab: {  	[dreg:$0x2] =	wrdreg s22  }
0xac: {  	[dreg:$0x3] =	wrdreg s0  }
0xad: {  	[dreg:$0x4] =	wrdreg $0xA1000  }
0xae: {  	[dreg:$0x5] =	wrdreg $0x9  }
0xaf: {  	_ =	task.clear_ibuf [dreg:s5], $0x6FFFF;
	_ =	strace $0x9000004C  }
0xb0: {  	s26 =	simm.s32 $0x9;
	_ =	strace $0x8000004E  }
0xb1: {  	_ =	swait.ge [sflag:s26], $0x1  }
0xb2: {  	[sflag:s26] =	ssyncadd.s32 $0xFFFFFFFF  }
0xb3: {  	_ =	strace $0x9000004E  }
0xb4: {  	_ =	sfence  }
0xb5: {  	s28 =	sld [smem:$0x0];
	_ =	sdelay $0x1  }
0xb6: {  	s29 =	srdreg.scid  }
0xb7: {  	s30 =	sshll.u32 s29, $0xD;
	s31 =	sshrl.u32 s29, $0x2  }
0xb8: {  	s2 =	sand.u32 $0x4000, s30;
	s1 =	sand.u32 $0x1, s29;
	s0 =	sadd.s32 s31, s28  }
0xb9: {  	s1 =	sor.u32 s2, s1;
	s0 =	sshll.u32 s0, $0x11  }
0xba: {  	s0 =	sor.u32 s0, s1  }
0xbb: {  	s0 =	sadd.s32 $0x8F2B, s0  }
0xbc: {  	[sflag:s0] =	ssyncadd.remote.s32 $0x1  }
0xbd: {  	_ =	sfence.sel $0xFFFF  }
0xbe: {  	[dreg:$0x0] =	wrdreg $0xFFFFFFFF;
	(pc) =	sbr.abs _section_cstart, $3  }
0xbf: {  	[dreg:$0x1] =	wrdreg $0xFFFFFFFF  }
0xc0: {  	_ =	task.clear_ibuf [dreg:s5], $0x2FFFF;
	_ =	strace $0x9FFFFFFF  }
0xc1: {  	(tm) =	ssettm $0x7FFFFFFF  }
tec
execute0_lowered:
.L_overlay_start_1:
0x0: {  	(tag) =	ssettag $0x1  }
0x1: {  	s1 =	rddreg [dreg:$0x0]  }
0x2: {  	s3 =	rddreg [dreg:$0x1];
	s4 =	stileid.u32  }
0x3: {  	s2 =	rddreg [dreg:$0x2];
	s5 =	smul.u32 $0xA00, s4  }
0x4: {  	s0 =	rddreg [dreg:$0x3];
	s6 =	simm.s32 $0x0  }
0x5: {  	[smem:$0x7FF] =	sst s6;
	s5 =	sadd.s32 s5, s1  }
0x6: {  	s30 =	simm.s32 $0x1;
	_ =	strace $0x8000004D;
	s7 =	sadd.s32 $0x4200, s5  }
0x7: {  	[tilespmem:s6], [sflag:$0x1] =	stream.linear.gather [hbm4b:s7+s6], $0x5000, $0x38;
	[tilespmem:$0xA378] =	vst v63  }
0x8: {  	_ =	swait.ge [sflag:s30], $0x5000  }
0x9: {  	[sflag:s30] =	ssyncset.done $0x0  }
0xa: {  	s9 =	simm.s32 $0x5000;
	s8 =	sadd.s32 $0x512400, s5;
	[sflag:s30] =	ssyncadd.s32 $0xFFFFB000  }
0xb: {  	[tilespmem:s9], [sflag:$0x1] =	stream.linear.gather [hbm4b:s8+s6], $0x5000, $0x38;
	[tilespmem:$0xA378] =	vst v63  }
0xc: {  	_ =	swait.ge [sflag:s30], $0x5000  }
0xd: {  	[sflag:s30] =	ssyncset.done $0x0  }
0xe: {  	s31 =	simm.s32 $0xA000;
	s1 =	sadd.s32 $0x4000, s1;
	[sflag:s30] =	ssyncadd.s32 $0xFFFFB000  }
0xf: {  	[tilespmem:s31], [sflag:$0x1] =	stream.linear.gather [hbm4b:s1+s6], $0x80, $0x38;
	[tilespmem:$0xA378] =	vst v63  }
0x10: {  	_ =	swait.ge [sflag:s30], $0x80  }
0x11: {  	p0 =	sne.s32 s4, $0x0;
	[sflag:s30] =	ssyncset.done $0x0  }
0x12: {  	s4 =	simm.s32 @!p0 $0x1C01;
	s1 =	sshrl.u32 @!p0 s2, $0x3;
	[sflag:s30] =	ssyncadd.s32 $0xFFFFFF80  }
0x13: {  	[spmem:s1], [sflag:s4] =	dma.local @!p0 [hbm:s3], $0x4F0  }
0x14: {  	s1 =	simm.s32 @!p0 $0x1  }
0x15: {  	_ =	swait.ge @!p0 [sflag:s1], $0x4F0  }
0x16: {  	[sflag:s1] =	ssyncset.done @!p0 $0x0  }
0x17: {  	[sflag:s1] =	ssyncadd.s32 @!p0 $0xFFFFFB10  }
0x18: {  	s3 =	simm.s32 $0x0;
	v0 =	vld [tilespmem:$0xA000]  }
0x19: {  	v4 =	vld [tilespmem:s3+$0x0]  }
0x1a: {  	v6 =	vld [tilespmem:s3+$0x10]  }
0x1b: {  	v5 =	vld [tilespmem:s3+$0x20]  }
0x1c: {  	v2 =	vld [tilespmem:s3+$0x30]  }
0x1d: {  	v3 =	vld [tilespmem:s3+$0x40]  }
0x1e: {  	v1 =	vld [tilespmem:s3+$0x50];
	v7 =	vsub.f32 v4, v0  }
0x1f: {  	s4 =	simm.s32 $0x200;
	s1 =	sadd.s32 $0xE200, s5;
	v6 =	vsub.f32 v6, v0;
	v4 =	vld [tilespmem:s3+$0x60]  }
.LBB2_1:
0x20: {  	p1 =	sne.s32 s4, $0x13E00;
	v7 =	vmul.f32 $1.442695020e+00, v7;
	v5 =	vsub.f32 v5, v0;
	v8 =	vld [tilespmem:s3+$0x70]  }
0x21: {  	v6 =	vmul.f32 $1.442695020e+00, v6;
	v2 =	vsub.f32 v2, v0  }
0x22: {  	v5 =	vmul.f32 $1.442695020e+00, v5;
	v3 =	vsub.f32 v3, v0;
	(erf) = vpow2.f32 v7  }
0x23: {  	v2 =	vmul.f32 $1.442695020e+00, v2;
	v1 =	vsub.f32 v1, v0;
	(erf) = vpow2.f32 v6  }
0x24: {  	v3 =	vmul.f32 $1.442695020e+00, v3;
	v4 =	vsub.f32 v4, v0;
	(erf) = vpow2.f32 v5  }
0x25: {  	v1 =	vmul.f32 $1.442695020e+00, v1;
	v5 =	vsub.f32 v8, v0;
	(erf) = vpow2.f32 v2  }
0x26: {  	v2 =	vmul.f32 $1.442695020e+00, v4;
	(erf) = vpow2.f32 v3  }
0x27: {  	v3 =	vmul.f32 $1.442695020e+00, v5;
	(erf) = vpow2.f32 v1  }
0x28: {  	(erf) = vpow2.f32 v2  }
0x29: {  	(erf) = vpow2.f32 v3;
	_ =	sdelay $0x1  }
0x2a: {  	v1 =	vpop (erf)  }
0x2b: {  	s5 =	sshra.s32 s4, $0x2;
	[tilespmem:s3+$0x0] =	vst v1;
	v1 =	vpop (erf)  }
0x2c: {  	v4 =	vld [tilespmem:s5+$0x0];
	[tilespmem:s3+$0x10] =	vst v1;
	v1 =	vpop (erf)  }
0x2d: {  	v6 =	vld [tilespmem:s5+$0x10];
	[tilespmem:s3+$0x20] =	vst v1;
	v1 =	vpop (erf)  }
.Ltmp0:
0x2e: {  	v5 =	vld [tilespmem:s5+$0x20];
	[tilespmem:s3+$0x30] =	vst v1;
	v1 =	vpop (erf);
	(pc) =	sbr.rel @p1 .LBB2_1-.Ltmp0, $4  }
0x2f: {  	v2 =	vld [tilespmem:s5+$0x30];
	[tilespmem:s3+$0x40] =	vst v1;
	v1 =	vpop (erf)  }
0x30: {  	v3 =	vld [tilespmem:s5+$0x40];
	[tilespmem:s3+$0x50] =	vst v1;
	v8 =	vpop (erf)  }
0x31: {  	v7 =	vsub.f32 v4, v0;
	v1 =	vld [tilespmem:s5+$0x50];
	[tilespmem:s3+$0x60] =	vst v8;
	v8 =	vpop (erf)  }
0x32: {  	s4 =	sadd.s32 $0x200, s4;
	v6 =	vsub.f32 v6, v0;
	v4 =	vld [tilespmem:s5+$0x60];
	[tilespmem:s3+$0x70] =	vst v8;
	s3 =	smov.u32 s5  }
0x33: {  	v7 =	vmul.f32 $1.442695020e+00, v7;
	v5 =	vsub.f32 v5, v0;
	v8 =	vld [tilespmem:s3+$0x70]  }
0x34: {  	v6 =	vmul.f32 $1.442695020e+00, v6;
	v2 =	vsub.f32 v2, v0  }
0x35: {  	v5 =	vmul.f32 $1.442695020e+00, v5;
	v3 =	vsub.f32 v3, v0;
	(erf) = vpow2.f32 v7  }
0x36: {  	v2 =	vmul.f32 $1.442695020e+00, v2;
	v1 =	vsub.f32 v1, v0;
	(erf) = vpow2.f32 v6  }
0x37: {  	v3 =	vmul.f32 $1.442695020e+00, v3;
	v4 =	vsub.f32 v4, v0;
	(erf) = vpow2.f32 v5  }
0x38: {  	v1 =	vmul.f32 $1.442695020e+00, v1;
	v54 =	vsub.f32 v8, v0;
	(erf) = vpow2.f32 v2  }
0x39: {  	v55 =	vmul.f32 $1.442695020e+00, v4;
	(erf) = vpow2.f32 v3  }
0x3a: {  	v0 =	vmul.f32 $1.442695020e+00, v54;
	(erf) = vpow2.f32 v1  }
0x3b: {  	(erf) = vpow2.f32 v55  }
0x3c: {  	(erf) = vpow2.f32 v0;
	_ =	sdelay $0x1  }
0x3d: {  	v56 =	vpop (erf)  }
0x3e: {  	[tilespmem:s3+$0x0] =	vst v56;
	v57 =	vpop (erf)  }
0x3f: {  	[tilespmem:s3+$0x10] =	vst v57;
	v58 =	vpop (erf)  }
0x40: {  	[tilespmem:s3+$0x20] =	vst v58;
	v59 =	vpop (erf)  }
0x41: {  	[tilespmem:s3+$0x30] =	vst v59;
	v60 =	vpop (erf)  }
0x42: {  	[tilespmem:s3+$0x40] =	vst v60;
	v61 =	vpop (erf)  }
0x43: {  	[tilespmem:s3+$0x50] =	vst v61;
	v62 =	vpop (erf)  }
0x44: {  	[tilespmem:s3+$0x60] =	vst v62;
	v63 =	vpop (erf)  }
0x45: {  	s4 =	simm.s32 $0x0;
	[tilespmem:s3+$0x70] =	vst v63  }
0x46: {  	s5 =	simm.s32 $0x5000;
	s3 =	simm.s32 $0x80;
	[bflag:$0x0] =	sbarrier.arrive $0xFFFF  }
0x47: {  	[spmem:s2] =	stream.indirect.scatter.add.f32 [tilespmem:s4], [sflag:$0x1], $0x1, s5, s3, $0xb8;
	[tilespmem:$0xA378] =	vst v63  }
0x48: {  	s4 =	simm.s32 $0x1  }
0x49: {  	s5 =	simm.s32 $0x200;
	_ =	swait.ge [sflag:s4], $0x80  }
.LBB2_3:
0x4a: {  	s6 =	sshra.s32 s5, $0x2;
	[sflag:s4] =	ssyncset.done $0x0;
	p1 =	sne.s32 s5, $0x13E00  }
.Ltmp1:
0x4b: {  	s7 =	sadd.s32 $0x5000, s6;
	[sflag:s4] =	ssyncadd.s32 $0xFFFFFF80;
	(pc) =	sbr.rel @p1 .LBB2_3-.Ltmp1, $3  }
0x4c: {  	[spmem:s2] =	stream.indirect.scatter.add.f32 [tilespmem:s6], [sflag:$0x1], $0x1, s7, s3, $0xb8;
	[tilespmem:$0xA378] =	vst v63  }
0x4d: {  	s5 =	sadd.s32 $0x200, s5;
	_ =	sdelay $0x1  }
0x4e: {  	_ =	swait.ge [sflag:s4], $0x80  }
0x4f: {  	[sflag:s4] =	ssyncset.done $0x0  }
0x50: {  	s5 =	simm.s32 $0xA080;
	s3 =	simm.s32 $0x1;
	[sflag:s4] =	ssyncadd.s32 $0xFFFFFF80  }
0x51: {  	s6 =	simm.s32 $0x5000;
	s4 =	simm.s32 $0x80;
	[bflag:$0x0] =	sbarrier.arrive $0xFFFF  }
0x52: {  	[tilespmem:s5], [sflag:$0x1] =	stream.indirect.gather [spmem:s2], $0x1, s6, s4, $0xb8;
	[tilespmem:$0xA378] =	vst v63  }
0x53: {  	_ =	swait.ge [sflag:s3], $0x80  }
0x54: {  	[sflag:s3] =	ssyncset.done $0x0  }
0x55: {  	[sflag:s3] =	ssyncadd.s32 $0xFFFFFF80  }
0x56: {  	v0 =	vld [tilespmem:$0xA080];
	_ =	sdelay $0x4  }
0x57: {  	v0 =	vadd.f32 $9.999999820e-14, v0;
	_ =	sdelay $0x1  }
0x58: {  	(erf) = vrcp.f32 v0;
	_ =	sdelay $0x3  }
0x59: {  	s6 =	simm.s32 $0x0  }
0x5a: {  	v0 =	vld [tilespmem:s6+$0x0];
	_ =	sdelay $0x3  }
0x5b: {  	v6 =	vpop (erf)  }
0x5c: {  	v0 =	vmul.f32 v6, v0;
	_ =	sdelay $0x1  }
0x5d: {  	[tilespmem:s6+$0x0] =	vst v0  }
0x5e: {  	v0 =	vld [tilespmem:$0xA090];
	_ =	sdelay $0x4  }
0x5f: {  	v0 =	vadd.f32 $9.999999820e-14, v0;
	_ =	sdelay $0x1  }
0x60: {  	(erf) = vrcp.f32 v0;
	_ =	sdelay $0x4  }
0x61: {  	v1 =	vld [tilespmem:s6+$0x10];
	_ =	sdelay $0x3  }
0x62: {  	v0 =	vpop (erf)  }
0x63: {  	v0 =	vmul.f32 v0, v1;
	_ =	sdelay $0x1  }
0x64: {  	[tilespmem:s6+$0x10] =	vst v0  }
0x65: {  	v0 =	vld [tilespmem:$0xA0A0];
	_ =	sdelay $0x4  }
0x66: {  	v0 =	vadd.f32 $9.999999820e-14, v0;
	_ =	sdelay $0x1  }
0x67: {  	(erf) = vrcp.f32 v0;
	_ =	sdelay $0x4  }
0x68: {  	v2 =	vld [tilespmem:s6+$0x20];
	_ =	sdelay $0x3  }
0x69: {  	v0 =	vpop (erf)  }
0x6a: {  	v0 =	vmul.f32 v0, v2;
	_ =	sdelay $0x1  }
0x6b: {  	[tilespmem:s6+$0x20] =	vst v0  }
0x6c: {  	v0 =	vld [tilespmem:$0xA0B0];
	_ =	sdelay $0x4  }
0x6d: {  	v0 =	vadd.f32 $9.999999820e-14, v0;
	_ =	sdelay $0x1  }
0x6e: {  	(erf) = vrcp.f32 v0;
	_ =	sdelay $0x4  }
0x6f: {  	v3 =	vld [tilespmem:s6+$0x30];
	_ =	sdelay $0x3  }
0x70: {  	v0 =	vpop (erf)  }
0x71: {  	v0 =	vmul.f32 v0, v3;
	_ =	sdelay $0x1  }
0x72: {  	[tilespmem:s6+$0x30] =	vst v0  }
0x73: {  	v0 =	vld [tilespmem:$0xA0C0];
	_ =	sdelay $0x4  }
0x74: {  	v0 =	vadd.f32 $9.999999820e-14, v0;
	_ =	sdelay $0x1  }
0x75: {  	(erf) = vrcp.f32 v0;
	_ =	sdelay $0x4  }
0x76: {  	v4 =	vld [tilespmem:s6+$0x40];
	_ =	sdelay $0x3  }
0x77: {  	v0 =	vpop (erf)  }
0x78: {  	v0 =	vmul.f32 v0, v4;
	_ =	sdelay $0x1  }
0x79: {  	[tilespmem:s6+$0x40] =	vst v0  }
0x7a: {  	v0 =	vld [tilespmem:$0xA0D0];
	_ =	sdelay $0x4  }
0x7b: {  	v0 =	vadd.f32 $9.999999820e-14, v0;
	_ =	sdelay $0x1  }
0x7c: {  	(erf) = vrcp.f32 v0;
	_ =	sdelay $0x4  }
0x7d: {  	v5 =	vld [tilespmem:s6+$0x50];
	_ =	sdelay $0x3  }
0x7e: {  	v0 =	vpop (erf)  }
0x7f: {  	v0 =	vmul.f32 v0, v5;
	_ =	sdelay $0x1  }
0x80: {  	[tilespmem:s6+$0x50] =	vst v0  }
0x81: {  	v0 =	vld [tilespmem:$0xA0E0];
	_ =	sdelay $0x4  }
0x82: {  	v0 =	vadd.f32 $9.999999820e-14, v0;
	_ =	sdelay $0x1  }
0x83: {  	(erf) = vrcp.f32 v0;
	_ =	sdelay $0x4  }
0x84: {  	v7 =	vld [tilespmem:s6+$0x60];
	_ =	sdelay $0x3  }
0x85: {  	v0 =	vpop (erf)  }
0x86: {  	v0 =	vmul.f32 v0, v7;
	_ =	sdelay $0x1  }
0x87: {  	[tilespmem:s6+$0x60] =	vst v0  }
0x88: {  	v0 =	vld [tilespmem:$0xA0F0];
	_ =	sdelay $0x4  }
0x89: {  	v0 =	vadd.f32 $9.999999820e-14, v0;
	_ =	sdelay $0x1  }
0x8a: {  	(erf) = vrcp.f32 v0;
	_ =	sdelay $0x4  }
0x8b: {  	v63 =	vld [tilespmem:s6+$0x70];
	_ =	sdelay $0x3  }
0x8c: {  	v0 =	vpop (erf)  }
0x8d: {  	s7 =	simm.s32 $0x400;
	s9 =	simm.s32 $0x80;
	v0 =	vmul.f32 v0, v63  }
.LBB2_5:
0x8e: {  	p1 =	sne.s32 s7, $0x13E00;
	s10 =	sadd.s32 $0x5000, s9  }
0x8f: {  	[tilespmem:s6+$0x70] =	vst v0;
	s8 =	smov.u32 s7;
	s7 =	sadd.s32 $0x200, s7;
	s6 =	smov.u32 s9  }
0x90: {  	[tilespmem:s5], [sflag:$0x1] =	stream.indirect.gather [spmem:s2], $0x1, s10, s4, $0xb8;
	[tilespmem:$0xA378] =	vst v63  }
0x91: {  	_ =	swait.ge [sflag:s3], $0x80  }
0x92: {  	[sflag:s3] =	ssyncset.done $0x0  }
0x93: {  	[sflag:s3] =	ssyncadd.s32 $0xFFFFFF80  }
0x94: {  	v0 =	vld [tilespmem:$0xA080]  }
0x95: {  	v3 =	vld [tilespmem:s6+$0x0]  }
0x96: {  	v4 =	vld [tilespmem:s6+$0x10]  }
0x97: {  	v5 =	vld [tilespmem:s6+$0x20]  }
0x98: {  	v6 =	vld [tilespmem:s6+$0x30]  }
0x99: {  	v0 =	vadd.f32 $9.999999820e-14, v0;
	v7 =	vld [tilespmem:s6+$0x40]  }
0x9a: {  	v2 =	vld [tilespmem:s6+$0x50]  }
0x9b: {  	v1 =	vld [tilespmem:s6+$0x60];
	(erf) = vrcp.f32 v0  }
0x9c: {  	v0 =	vld [tilespmem:s6+$0x70];
	_ =	sdelay $0x7  }
0x9d: {  	v8 =	vpop (erf)  }
0x9e: {  	v3 =	vmul.f32 v8, v3;
	_ =	sdelay $0x1  }
0x9f: {  	[tilespmem:s6+$0x0] =	vst v3  }
0xa0: {  	v3 =	vld [tilespmem:$0xA090];
	_ =	sdelay $0x4  }
0xa1: {  	v3 =	vadd.f32 $9.999999820e-14, v3;
	_ =	sdelay $0x1  }
0xa2: {  	(erf) = vrcp.f32 v3;
	_ =	sdelay $0x8  }
0xa3: {  	v3 =	vpop (erf)  }
0xa4: {  	v3 =	vmul.f32 v3, v4;
	_ =	sdelay $0x1  }
0xa5: {  	[tilespmem:s6+$0x10] =	vst v3  }
0xa6: {  	v3 =	vld [tilespmem:$0xA0A0];
	_ =	sdelay $0x4  }
0xa7: {  	v3 =	vadd.f32 $9.999999820e-14, v3;
	_ =	sdelay $0x1  }
0xa8: {  	(erf) = vrcp.f32 v3;
	_ =	sdelay $0x8  }
0xa9: {  	v3 =	vpop (erf)  }
0xaa: {  	v3 =	vmul.f32 v3, v5;
	_ =	sdelay $0x1  }
0xab: {  	[tilespmem:s6+$0x20] =	vst v3  }
0xac: {  	v3 =	vld [tilespmem:$0xA0B0];
	_ =	sdelay $0x4  }
0xad: {  	v3 =	vadd.f32 $9.999999820e-14, v3;
	_ =	sdelay $0x1  }
0xae: {  	(erf) = vrcp.f32 v3;
	_ =	sdelay $0x8  }
0xaf: {  	v3 =	vpop (erf)  }
0xb0: {  	v3 =	vmul.f32 v3, v6;
	_ =	sdelay $0x1  }
0xb1: {  	[tilespmem:s6+$0x30] =	vst v3  }
0xb2: {  	v3 =	vld [tilespmem:$0xA0C0];
	_ =	sdelay $0x4  }
0xb3: {  	v3 =	vadd.f32 $9.999999820e-14, v3;
	_ =	sdelay $0x1  }
0xb4: {  	(erf) = vrcp.f32 v3;
	_ =	sdelay $0x8  }
0xb5: {  	v3 =	vpop (erf)  }
0xb6: {  	v3 =	vmul.f32 v3, v7;
	_ =	sdelay $0x1  }
0xb7: {  	[tilespmem:s6+$0x40] =	vst v3  }
0xb8: {  	v3 =	vld [tilespmem:$0xA0D0];
	_ =	sdelay $0x4  }
0xb9: {  	v3 =	vadd.f32 $9.999999820e-14, v3;
	_ =	sdelay $0x1  }
0xba: {  	(erf) = vrcp.f32 v3;
	_ =	sdelay $0x8  }
0xbb: {  	v3 =	vpop (erf)  }
0xbc: {  	v2 =	vmul.f32 v3, v2;
	_ =	sdelay $0x1  }
0xbd: {  	[tilespmem:s6+$0x50] =	vst v2  }
0xbe: {  	v2 =	vld [tilespmem:$0xA0E0];
	_ =	sdelay $0x4  }
0xbf: {  	v2 =	vadd.f32 $9.999999820e-14, v2;
	_ =	sdelay $0x1  }
0xc0: {  	(erf) = vrcp.f32 v2;
	_ =	sdelay $0x8  }
0xc1: {  	v2 =	vpop (erf)  }
0xc2: {  	v1 =	vmul.f32 v2, v1;
	_ =	sdelay $0x1  }
0xc3: {  	[tilespmem:s6+$0x60] =	vst v1  }
0xc4: {  	v1 =	vld [tilespmem:$0xA0F0];
	_ =	sdelay $0x4  }
0xc5: {  	v1 =	vadd.f32 $9.999999820e-14, v1;
	_ =	sdelay $0x1  }
0xc6: {  	(erf) = vrcp.f32 v1;
	_ =	sdelay $0x6  }
.Ltmp2:
0xc7: {  	(pc) =	sbr.rel @p1 .LBB2_5-.Ltmp2, $4  }
0xc8: {  	_ = 	snop  }
0xc9: {  	v1 =	vpop (erf)  }
0xca: {  	v0 =	vmul.f32 v1, v0  }
0xcb: {  	s9 =	sshra.s32 s8, $0x2  }
0xcc: {  	s7 =	sadd.s32 $0x5000, s9;
	[tilespmem:s6+$0x70] =	vst v0  }
0xcd: {  	[tilespmem:s5], [sflag:$0x1] =	stream.indirect.gather [spmem:s2], $0x1, s7, s4, $0xb8;
	[tilespmem:$0xA378] =	vst v63  }
0xce: {  	_ =	swait.ge [sflag:s3], $0x80  }
0xcf: {  	[sflag:s3] =	ssyncset.done $0x0  }
0xd0: {  	[sflag:s3] =	ssyncadd.s32 $0xFFFFFF80  }
0xd1: {  	v61 =	vld [tilespmem:$0xA080];
	_ =	sdelay $0x4  }
0xd2: {  	v0 =	vadd.f32 $9.999999820e-14, v61;
	_ =	sdelay $0x1  }
0xd3: {  	(erf) = vrcp.f32 v0;
	_ =	sdelay $0x4  }
0xd4: {  	v62 =	vld [tilespmem:s9+$0x0];
	_ =	sdelay $0x3  }
0xd5: {  	v6 =	vpop (erf)  }
0xd6: {  	v0 =	vmul.f32 v6, v62;
	_ =	sdelay $0x1  }
0xd7: {  	[tilespmem:s9+$0x0] =	vst v0  }
0xd8: {  	v0 =	vld [tilespmem:$0xA090];
	_ =	sdelay $0x4  }
0xd9: {  	v0 =	vadd.f32 $9.999999820e-14, v0;
	_ =	sdelay $0x1  }
0xda: {  	(erf) = vrcp.f32 v0;
	_ =	sdelay $0x4  }
0xdb: {  	v1 =	vld [tilespmem:s9+$0x10];
	_ =	sdelay $0x3  }
0xdc: {  	v0 =	vpop (erf)  }
0xdd: {  	v0 =	vmul.f32 v0, v1;
	_ =	sdelay $0x1  }
0xde: {  	[tilespmem:s9+$0x10] =	vst v0  }
0xdf: {  	v0 =	vld [tilespmem:$0xA0A0];
	_ =	sdelay $0x4  }
0xe0: {  	v0 =	vadd.f32 $9.999999820e-14, v0;
	_ =	sdelay $0x1  }
0xe1: {  	(erf) = vrcp.f32 v0;
	_ =	sdelay $0x4  }
0xe2: {  	v2 =	vld [tilespmem:s9+$0x20];
	_ =	sdelay $0x3  }
0xe3: {  	v0 =	vpop (erf)  }
0xe4: {  	v0 =	vmul.f32 v0, v2;
	_ =	sdelay $0x1  }
0xe5: {  	[tilespmem:s9+$0x20] =	vst v0  }
0xe6: {  	v0 =	vld [tilespmem:$0xA0B0];
	_ =	sdelay $0x4  }
0xe7: {  	v0 =	vadd.f32 $9.999999820e-14, v0;
	_ =	sdelay $0x1  }
0xe8: {  	(erf) = vrcp.f32 v0;
	_ =	sdelay $0x4  }
0xe9: {  	v3 =	vld [tilespmem:s9+$0x30];
	_ =	sdelay $0x3  }
0xea: {  	v0 =	vpop (erf)  }
0xeb: {  	v0 =	vmul.f32 v0, v3;
	_ =	sdelay $0x1  }
0xec: {  	[tilespmem:s9+$0x30] =	vst v0  }
0xed: {  	v0 =	vld [tilespmem:$0xA0C0];
	_ =	sdelay $0x4  }
0xee: {  	v0 =	vadd.f32 $9.999999820e-14, v0;
	_ =	sdelay $0x1  }
0xef: {  	(erf) = vrcp.f32 v0;
	_ =	sdelay $0x4  }
0xf0: {  	v4 =	vld [tilespmem:s9+$0x40];
	_ =	sdelay $0x3  }
0xf1: {  	v0 =	vpop (erf)  }
0xf2: {  	v0 =	vmul.f32 v0, v4;
	_ =	sdelay $0x1  }
0xf3: {  	[tilespmem:s9+$0x40] =	vst v0  }
0xf4: {  	v0 =	vld [tilespmem:$0xA0D0];
	_ =	sdelay $0x4  }
0xf5: {  	v0 =	vadd.f32 $9.999999820e-14, v0;
	_ =	sdelay $0x1  }
0xf6: {  	(erf) = vrcp.f32 v0;
	_ =	sdelay $0x4  }
0xf7: {  	v5 =	vld [tilespmem:s9+$0x50];
	_ =	sdelay $0x3  }
0xf8: {  	v0 =	vpop (erf)  }
0xf9: {  	v0 =	vmul.f32 v0, v5;
	_ =	sdelay $0x1  }
0xfa: {  	[tilespmem:s9+$0x50] =	vst v0  }
0xfb: {  	v0 =	vld [tilespmem:$0xA0E0];
	_ =	sdelay $0x4  }
0xfc: {  	v0 =	vadd.f32 $9.999999820e-14, v0;
	_ =	sdelay $0x1  }
0xfd: {  	(erf) = vrcp.f32 v0;
	_ =	sdelay $0x4  }
0xfe: {  	v7 =	vld [tilespmem:s9+$0x60];
	_ =	sdelay $0x3  }
0xff: {  	v0 =	vpop (erf)  }
0x100: {  	v0 =	vmul.f32 v0, v7;
	_ =	sdelay $0x1  }
0x101: {  	[tilespmem:s9+$0x60] =	vst v0  }
0x102: {  	v0 =	vld [tilespmem:$0xA0F0];
	_ =	sdelay $0x4  }
0x103: {  	v0 =	vadd.f32 $9.999999820e-14, v0;
	_ =	sdelay $0x1  }
0x104: {  	(erf) = vrcp.f32 v0;
	_ =	sdelay $0x4  }
0x105: {  	v63 =	vld [tilespmem:s9+$0x70];
	_ =	sdelay $0x3  }
0x106: {  	v0 =	vpop (erf)  }
0x107: {  	v0 =	vmul.f32 v0, v63;
	_ =	sdelay $0x1  }
0x108: {  	s30 =	simm.s32 $0x0;
	s31 =	simm.s32 $0x1;
	[tilespmem:s9+$0x70] =	vst v0  }
0x109: {  	[hbm4b:s1+s30] =	stream.linear.scatter [tilespmem:s30], [sflag:$0x1], $0x5000, $0x38;
	[tilespmem:$0xA378] =	vst v63  }
0x10a: {  	_ =	swait.ge [sflag:s31], $0x5000  }
0x10b: {  	[sflag:s31] =	ssyncset.done $0x0  }
0x10c: {  	[sflag:s31] =	ssyncadd.s32 $0xFFFFB000  }
0x10d: {  	_ =	sfence.sel $0x180000  }
0x10e: {  	[bflag:$0x0] =	sbarrier.arrive $0xFFFF  }
0x10f: {  	_ =	strace $0x9000004D  }
0x110: {  	s0 =	sadd.s32 @!p0 $0x100000, s0;
	[bflag:$0x2] =	sbarrier.arrive $0xFFFF  }
0x111: {  	[sflag:s0] =	ssyncadd.tile.s32 @!p0 $0x1;
	_ =	shalt  }
.Lfunc_end2:
_tile_overlayer_lowered:
.L_overlay_start_2:
0x112: {  	(tag) =	ssettag $0x2  }
0x113: {  	s0 =	rddreg [dreg:$0x0];
	s2 =	stileid.u32  }
0x114: {  	s1 =	rddreg [dreg:$0x1];
	p0 =	sne.s32 s2, $0x0  }
0x115: {  	s3 =	rddreg [dreg:$0x2];
	[bflag:$0x3] =	sbarrier.arrive $0xFFFF;
	s2 =	simm.s32 @!p0 $0x1C01  }
0x116: {  	[timem:s3], [sflag:s2] =	dma.local @!p0 [hbm:s0], s1  }
0x117: {  	s0 =	simm.s32 @!p0 $0x1  }
0x118: {  	_ =	swait.ge @!p0 [sflag:s0], s1  }
0x119: {  	s1 =	ssub.s32 @!p0 $0x0, s1;
	[sflag:s0] =	ssyncset.done @!p0 $0x0  }
0x11a: {  	[sflag:s0] =	ssyncadd.s32 @!p0 s1  }
0x11b: {  	[bflag:$0x3] =	sbarrier.arrive $0xFFFF  }
0x11c: {  	_ =	shalt  }

// kernel: kernel.8.cloned.1.call-start
scs
__scs_entry_jumppad:
0x0: {  	(pc) =	sbr.rel $0x88, $3  }
0x1: {  	(tag) =	ssettag $0x0;
	lr =	simm.s32 $0x1  }
0x2: {  	[smem:$0x3F8B] =	sst lr;
	_ =	strace $0xD0000000  }
0x3: {  	_ = 	snop  }
0x4: {  	_ = 	snop  }
0x5: {  	_ = 	snop  }
0x6: {  	_ = 	snop  }
0x7: {  	_ = 	snop  }
__scs_overlays_trampoline_lowered:
0x8: {  	[smem:$0x3F9A] =	sst s0  }
0x9: {  	[smem:$0x3F9B] =	sst s1  }
0xa: {  	[smem:$0x3F9C] =	sst s2  }
0xb: {  	[smem:$0x3F9D] =	sst s3  }
0xc: {  	[smem:$0x3F9E] =	sst s4  }
0xd: {  	[smem:$0x3F9F] =	sst s5  }
0xe: {  	[smem:$0x3FA0] =	sst s6  }
0xf: {  	[smem:$0x3FA1] =	sst s7  }
0x10: {  	[smem:$0x3FA2] =	sst s8  }
0x11: {  	[smem:$0x3FA3] =	sst s9;
	s0 =	simm.s32 @!p0 $0x0  }
0x12: {  	s1 =	sld [smem:$0x3F89];
	s0 =	simm.s32 @p0 $0x1  }
0x13: {  	[smem:$0x3FA4] =	sst s0;
	s0 =	simm.s32 @!p1 $0x0  }
0x14: {  	s2 =	sld [smem:$0x3F88];
	s0 =	simm.s32 @p1 $0x1  }
0x15: {  	[smem:$0x3FA5] =	sst s0;
	s0 =	simm.s32 @!p2 $0x0  }
0x16: {  	s3 =	sld [smem:$0x3FDB];
	s0 =	simm.s32 @p2 $0x1  }
0x17: {  	s4 =	simm.s32 $0x1BF5;
	[smem:$0x3FA7] =	sst s0  }
0x18: {  	s0 =	sld [smem:$0x3F8A];
	_ =	swait.ge [sflag:s4], $0x0  }
0x19: {  	s7 =	sld [smem:$0x3F8B]  }
0x1a: {  	s8 =	sadd.s32 $0xFFFFE003, lr  }
0x1b: {  	s9 =	sadd.s32 $0xFFFFFEF7, lr;
	s5 =	simm.s32 $0xFFFFFFFF;
	p2 =	slt.u32 s8, $0xFFFFF086  }
0x1c: {  	p1 =	slt.u32 s9, $0xF7A;
	s5 =	simm.s32 @!p2 $0x0  }
0x1d: {  	s5 =	simm.s32 @p1 $0x1;
	p0 =	seq.s32 s7, s2  }
0x1e: {  	s7 =	smul.u32 @!p0 $0xF7A, s2;
	p2 =	seq.s32 @!p0 s5, $0x0  }
0x1f: {  	s9 =	smul.u32 $0xF7A, s1;
	s8 =	simm.s32 @!p0 $0x1BF5;
	p2 =	por !p2, p0  }
0x20: {  	[sflag:s8] =	ssyncset.s32 @!p0 $0xFFFFF086;
	s6 =	sadd.s32 @!p0 s3, s7;
	s7 =	simm.s32 @!p0 $0x108  }
0x21: {  	s3 =	sadd.s32 s3, s9;
	s6 =	sadd.s32 @!p0 $0x88, s6;
	s7 =	simm.s32 @p2 $0x1082  }
0x22: {  	[simem:s7], [sflag:s8] =	dma.local @!p0 [hbm:s6], $0xF7A  }
0x23: {  	s9 =	sor.u32 $0xD0000000, s2;
	s6 =	simm.s32 $0x108;
	_ =	swait.ge @!p0 [sflag:s8], $0x0  }
0x24: {  	s3 =	sadd.s32 $0x88, s3;
	s6 =	simm.s32 @!p1 $0x1082;
	[sflag:s4] =	ssyncset.s32 $0xFFFFF086  }
0x25: {  	[simem:s6], [sflag:s4] =	dma.local [hbm:s3], $0xF7A  }
0x26: {  	[smem:$0x3F8B] =	sst s1;
	(tag) =	ssettag s2;
	_ =	strace s9  }
0x27: {  	s1 =	sld [smem:$0x3F9B]  }
0x28: {  	s2 =	sld [smem:$0x3F9C]  }
0x29: {  	s4 =	sld [smem:$0x3F9E]  }
0x2a: {  	p0 =	seq.s32 s5, $0x0;
	s5 =	sld [smem:$0x3F9F]  }
0x2b: {  	s6 =	sld [smem:$0x3FA0]  }
0x2c: {  	s7 =	sld [smem:$0x3FA1]  }
0x2d: {  	s3 =	simm.s32 $0x108;
	s8 =	sld [smem:$0x3FA2]  }
0x2e: {  	s3 =	simm.s32 @!p0 $0x1082;
	s9 =	sld [smem:$0x3FA3]  }
0x2f: {  	lr =	sadd.s32 s0, s3;
	s0 =	sld [smem:$0x3F9A]  }
0x30: {  	s3 =	sld [smem:$0x3F9D]  }
0x31: {  	[smem:$0x3FA6] =	sst s10  }
0x32: {  	s10 =	sld [smem:$0x3FA4];
	_ =	sdelay $0x3  }
0x33: {  	p0 =	seq.s32 s10, $0x1;
	s10 =	sld [smem:$0x3FA6];
	_ =	sdelay $0x3  }
0x34: {  	[smem:$0x3FA6] =	sst s10  }
0x35: {  	s10 =	sld [smem:$0x3FA5];
	_ =	sdelay $0x3  }
0x36: {  	p1 =	seq.s32 s10, $0x1;
	s10 =	sld [smem:$0x3FA6];
	_ =	sdelay $0x3  }
0x37: {  	[smem:$0x3FA6] =	sst s10  }
0x38: {  	s10 =	sld [smem:$0x3FA7]  }
0x39: {  	_ = 	snop;
	(pc) =	sbr.ind lr, $3  }
0x3a: {  	_ = 	snop  }
0x3b: {  	_ = 	snop  }
0x3c: {  	p2 =	seq.s32 s10, $0x1;
	s10 =	sld [smem:$0x3FA6]  }
0x3d: {  	_ =	shalt  }
0x3e: {  	_ =	shalt  }
0x3f: {  	_ =	shalt  }
0x40: {  	_ =	shalt  }
0x41: {  	_ =	shalt  }
0x42: {  	_ =	shalt  }
0x43: {  	_ =	shalt  }
0x44: {  	_ =	shalt  }
0x45: {  	_ =	shalt  }
0x46: {  	_ =	shalt  }
0x47: {  	_ =	shalt  }
0x48: {  	_ =	shalt  }
0x49: {  	_ =	shalt  }
0x4a: {  	_ =	shalt  }
0x4b: {  	_ =	shalt  }
0x4c: {  	_ =	shalt  }
0x4d: {  	_ =	shalt  }
0x4e: {  	_ =	shalt  }
0x4f: {  	_ =	shalt  }
0x50: {  	_ =	shalt  }
0x51: {  	_ =	shalt  }
0x52: {  	_ =	shalt  }
0x53: {  	_ =	shalt  }
0x54: {  	_ =	shalt  }
0x55: {  	_ =	shalt  }
0x56: {  	_ =	shalt  }
0x57: {  	_ =	shalt  }
0x58: {  	_ =	shalt  }
0x59: {  	_ =	shalt  }
0x5a: {  	_ =	shalt  }
0x5b: {  	_ =	shalt  }
0x5c: {  	_ =	shalt  }
0x5d: {  	_ =	shalt  }
0x5e: {  	_ =	shalt  }
0x5f: {  	_ =	shalt  }
0x60: {  	_ =	shalt  }
0x61: {  	_ =	shalt  }
0x62: {  	_ =	shalt  }
0x63: {  	_ =	shalt  }
0x64: {  	_ =	shalt  }
0x65: {  	_ =	shalt  }
0x66: {  	_ =	shalt  }
0x67: {  	_ =	shalt  }
0x68: {  	_ =	shalt  }
0x69: {  	_ =	shalt  }
0x6a: {  	_ =	shalt  }
0x6b: {  	_ =	shalt  }
0x6c: {  	_ =	shalt  }
0x6d: {  	_ =	shalt  }
0x6e: {  	_ =	shalt  }
0x6f: {  	_ =	shalt  }
0x70: {  	_ =	shalt  }
0x71: {  	_ =	shalt  }
0x72: {  	_ =	shalt  }
0x73: {  	_ =	shalt  }
0x74: {  	_ =	shalt  }
0x75: {  	_ =	shalt  }
0x76: {  	_ =	shalt  }
0x77: {  	_ =	shalt  }
0x78: {  	_ =	shalt  }
0x79: {  	_ =	shalt  }
0x7a: {  	_ =	shalt  }
0x7b: {  	_ =	shalt  }
0x7c: {  	_ =	shalt  }
0x7d: {  	_ =	shalt  }
0x7e: {  	_ =	shalt  }
0x7f: {  	_ =	shalt  }
0x80: {  	_ =	shalt  }
0x81: {  	_ =	shalt  }
0x82: {  	_ =	shalt  }
0x83: {  	_ =	shalt  }
0x84: {  	_ =	shalt  }
0x85: {  	_ =	shalt  }
0x86: {  	_ =	shalt  }
0x87: {  	_ =	shalt  }
.Lfunc_end0:
.L_simem_size_0:
called_computation_lowered:
.L_overlay_start_0:
0x88: {  	s2 =	sld [smem:$0x3FD9]  }
0x89: {  	s3 =	sld [smem:$0x3FFE];
	_ =	sdelay $0x1  }
0x8a: {  	s1 =	srdreg.scid  }
0x8b: {  	s0 =	sand.u32 $0x1, s1  }
0x8c: {  	s17 =	sshll.u32 s0, $0xA;
	s2 =	sadd.s32 s3, s2  }
0x8d: {  	s2 =	sadd.s32 s2, s17  }
0x8e: {  	[smem:$0x3FB2] =	sst s2  }
0x8f: {  	_ = 	snop  }
0x90: {  	s2 =	sld [smem:$0x3FD0];
	(tm) =	ssettm $0x1  }
0x91: {  	s18 =	sld [smem:$0x3FFB];
	_ =	sdelay $0x3  }
0x92: {  	_ =	strace s18  }
0x93: {  	s3 =	sld [smem:$0x3FFC];
	_ =	sdelay $0x3  }
0x94: {  	_ =	strace s3  }
0x95: {  	s3 =	sld [smem:$0x3FFD];
	_ =	sdelay $0x3  }
0x96: {  	_ =	strace s3  }
0x97: {  	_ =	strace $0x8FFFFFFF  }
0x98: {  	s19 =	sld [smem:$0x3FDB];
	_ =	sdelay $0x1  }
0x99: {  	s4 =	simm.s32 $_scs_section_size  }
0x9a: {  	s5 =	simm.s32 $_size__tile_overlayer_lowered;
	s6 =	simm.s32 $_tile_overlayer_lowered  }
0x9b: {  	s22 =	simm.s32 $0x1BFF;
	s21 =	sshll.u32 s6, $0x1;
	s3 =	sadd.s32 s4, s19  }
0x9c: {  	s7 =	simm.s32 $0x0;
	s20 =	sshll.u32 s5, $0x1;
	s5 =	sadd.s32 s21, s3  }
0x9d: {  	[timem:s7], [sflag:s22] =	dma.local [hbm:s5], s20  }
0x9e: {  	_ =	swait.ge [sflag:s22], s20  }
0x9f: {  	s4 =	ssub.s32 $0x0, s20;
	[sflag:s22] =	ssyncset.done $0x0  }
0xa0: {  	[sflag:s22] =	ssyncadd.s32 s4;
	_ =	sdelay $0x1  }
0xa1: {  	s23 =	simm.s32 $0x1B8B  }
0xa2: {  	_ =	swait.ge [sflag:s23], $0x1  }
0xa3: {  	[sflag:s23] =	ssyncset.done $0x0  }
0xa4: {  	s25 =	simm.s32 $0x1B8E;
	s24 =	sld [smem:$0x3FFE];
	[sflag:s23] =	ssyncadd.s32 $0xFFFFFFFF  }
0xa5: {  	s26 =	simm.s32 $execute0_lowered;
	[smem:$0x3FD2] =	sst s25  }
0xa6: {  	s5 =	sshll.u32 s26, $0x1;
	_ =	strace $0x80000046;
	[dreg:$0x1] =	wrdreg $0xFFFFFFFF  }
0xa7: {  	s28 =	simm.s32 $_size_execute0_lowered;
	s3 =	sadd.s32 s3, s5;
	[dreg:$0x0] =	wrdreg $0x0  }
0xa8: {  	s5 =	sshll.u32 s28, $0x1;
	[dreg:$0x2] =	wrdreg s3  }
0xa9: {  	[dreg:$0x3] =	wrdreg s5  }
0xaa: {  	[dreg:$0x4] =	wrdreg $0xC0  }
0xab: {  	_ =	task [dreg:s7], $0x5FFFF  }
0xac: {  	[dreg:$0x1] =	wrdreg $0xFFFFFFFF  }
0xad: {  	[dreg:$0x0] =	wrdreg $0x60  }
0xae: {  	[dreg:$0x2] =	wrdreg s24  }
0xaf: {  	[dreg:$0x3] =	wrdreg s2  }
0xb0: {  	[dreg:$0x4] =	wrdreg $0x9  }
0xb1: {  	_ =	task.clear_ibuf [dreg:s7], $0x5FFFF;
	_ =	strace $0x90000046  }
0xb2: {  	s29 =	simm.s32 $0x9;
	_ =	strace $0x80000048  }
0xb3: {  	_ =	swait.ge [sflag:s29], $0x1  }
0xb4: {  	[sflag:s29] =	ssyncadd.s32 $0xFFFFFFFF  }
0xb5: {  	_ =	strace $0x90000048  }
0xb6: {  	_ =	sfence  }
0xb7: {  	s30 =	sld [smem:$0x0];
	_ =	sdelay $0x2  }
0xb8: {  	s31 =	sshll.u32 s1, $0xD;
	s1 =	sshrl.u32 s1, $0x2  }
0xb9: {  	s3 =	sand.u32 $0x4000, s31;
	s1 =	sadd.s32 s1, s30  }
0xba: {  	s0 =	sor.u32 s3, s0;
	s1 =	sshll.u32 s1, $0x11  }
0xbb: {  	s0 =	sor.u32 s1, s0  }
0xbc: {  	s0 =	sadd.s32 $0x8F2B, s0  }
0xbd: {  	[sflag:s0] =	ssyncadd.remote.s32 $0x1  }
0xbe: {  	_ =	sfence.sel $0xFFFF  }
0xbf: {  	[dreg:$0x0] =	wrdreg $0xFFFFFFFF;
	(pc) =	sbr.abs _section_cstart, $3  }
0xc0: {  	[dreg:$0x1] =	wrdreg $0xFFFFFFFF  }
0xc1: {  	_ =	task.clear_ibuf [dreg:s7], $0x2FFFF;
	_ =	strace $0x9FFFFFFF  }
0xc2: {  	(tm) =	ssettm $0x7FFFFFFF  }
0xc3: {  	_ =	shalt  }
tec
execute0_lowered:
.L_overlay_start_1:
0x0: {  	(tag) =	ssettag $0x1  }
0x1: {  	s4 =	rddreg [dreg:$0x0]  }
0x2: {  	s5 =	rddreg [dreg:$0x1];
	s2 =	simm.s32 $0x0;
	s3 =	srdreg.scid  }
0x3: {  	s0 =	stileid.u32;
	s13 =	simm.s32 $0x1400;
	s14 =	simm.s32 $0x5400  }
0x4: {  	s15 =	simm.s32 $0x9400;
	s16 =	simm.s32 $0xD400;
	s17 =	simm.s32 $0x11400  }
0x5: {  	s18 =	simm.s32 $0x15400;
	s19 =	simm.s32 $0x1;
	s20 =	simm.s32 $0x2  }
0x6: {  	s21 =	simm.s32 $0x1200;
	s22 =	simm.s32 $0x1280;
	s23 =	simm.s32 $0x1300  }
0x7: {  	s24 =	simm.s32 $0x8;
	s25 =	simm.s32 $0x1380;
	s26 =	simm.s32 $0x0  }
0x8: {  	[smem:$0x7FF] =	sst s2;
	s6 =	sand.u32 $0x1, s3;
	s28 =	sshll.u32 s0, $0x1  }
0x9: {  	s3 =	sadd.s32 $0x4000, s4;
	s31 =	smul.u32 $0x27100, s0;
	s7 =	sor.u32 s6, s28  }
0xa: {  	s10 =	sadd.s32 $0x2B200, s4;
	s8 =	ssub.s32 $0x2, s6;
	s9 =	smul.u32 $0x9C400, s7  }
0xb: {  	_ =	strace $0x80000047;
	s29 =	sshrl.u32 s8, $0x1;
	s7 =	smul.u32 $0x280, s7  }
0xc: {  	s12 =	smul.u32 $0x13880, s6;
	s11 =	ssub.s32 s8, s29;
	s30 =	sshrl.u32 s9, $0x3  }
0xd: {  	s4 =	sadd.s32 s5, s7;
	s9 =	sadd.s32 s31, s10;
	s8 =	sadd.s32 s10, s30  }
0xe: {  	s10 =	sadd.s32 s12, s9;
	s9 =	smax.u32 s11, $0x1;
	s11 =	simm.s32 $0x3  }
0xf: {  	s12 =	simm.s32 $0x80;
	s5 =	sadd.s32 $0x12000, s8;
	s6 =	sadd.s32 $0x12800, s8  }
0x10: {  	s7 =	sadd.s32 $0x13000, s8;
	s8 =	sadd.s32 $0x13800, s8;
	s10 =	sadd.s32 $0x2800, s10  }
.LBB2_1:
0x11: {  	[tilespmem:s2], [sflag:$0x3] =	stream.linear.gather [hbm4b:s4+s2], $0x1400, $0x38;
	[tilespmem:$0x19400] =	vst v63  }
0x12: {  	p0 =	por $0x1, $0x1;
	_ =	swait.ge [sflag:s11], $0x1400  }
0x13: {  	p0 =	por p0, p0;
	[sflag:s11] =	ssyncset.done $0x0  }
0x14: {  	s28 =	simm.s32 @!p0 $0x2;
	[sflag:s11] =	ssyncadd.s32 $0xFFFFEC00  }
0x15: {  	_ =	swait.ge @!p0 [sflag:s28], $0x4000  }
0x16: {  	[sflag:s28] =	ssyncset.done @!p0 $0x0  }
0x17: {  	[sflag:s28] =	ssyncadd.s32 @!p0 $0xFFFFC000  }
0x18: {  	_ =	swait.ge @!p0 [sflag:s28], $0x4000  }
0x19: {  	[sflag:s28] =	ssyncset.done @!p0 $0x0  }
0x1a: {  	[sflag:s28] =	ssyncadd.s32 @!p0 $0xFFFFC000  }
0x1b: {  	_ =	swait.ge @!p0 [sflag:s28], $0x4000  }
0x1c: {  	[sflag:s28] =	ssyncset.done @!p0 $0x0  }
0x1d: {  	[sflag:s28] =	ssyncadd.s32 @!p0 $0xFFFFC000  }
0x1e: {  	_ =	swait.ge @!p0 [sflag:s28], $0x4000  }
0x1f: {  	[sflag:s28] =	ssyncset.done @!p0 $0x0  }
0x20: {  	[sflag:s28] =	ssyncadd.s32 @!p0 $0xFFFFC000  }
0x21: {  	_ =	swait.ge @!p0 [sflag:s28], $0x4000  }
0x22: {  	[sflag:s28] =	ssyncset.done @!p0 $0x0  }
0x23: {  	[sflag:s28] =	ssyncadd.s32 @!p0 $0xFFFFC000  }
0x24: {  	_ =	swait.ge @!p0 [sflag:s28], $0x4000  }
0x25: {  	[sflag:s28] =	ssyncset.done @!p0 $0x0  }
0x26: {  	[sflag:s28] =	ssyncadd.s32 @!p0 $0xFFFFC000;
	s28 =	simm.s32 $0x0  }
0x27: {  	[tilespmem:s13], [sflag:$0x1] =	stream.indirect.gather [hbm4b:s3+s12], $0x80, s28, s12, $0xb8;
	[tilespmem:$0x19400] =	vst v63  }
0x28: {  	s28 =	simm.s32 $0x80  }
0x29: {  	[tilespmem:s14], [sflag:$0x1] =	stream.indirect.gather [hbm4b:s3+s12], $0x80, s28, s12, $0xb8;
	[tilespmem:$0x19400] =	vst v63  }
0x2a: {  	s28 =	simm.s32 $0x100  }
0x2b: {  	[tilespmem:s15], [sflag:$0x1] =	stream.indirect.gather [hbm4b:s3+s12], $0x80, s28, s12, $0xb8;
	[tilespmem:$0x19400] =	vst v63  }
0x2c: {  	s28 =	simm.s32 $0x180  }
0x2d: {  	[tilespmem:s16], [sflag:$0x1] =	stream.indirect.gather [hbm4b:s3+s12], $0x80, s28, s12, $0xb8;
	[tilespmem:$0x19400] =	vst v63  }
0x2e: {  	s28 =	simm.s32 $0x200  }
0x2f: {  	[tilespmem:s17], [sflag:$0x1] =	stream.indirect.gather [hbm4b:s3+s12], $0x80, s28, s12, $0xb8;
	[tilespmem:$0x19400] =	vst v63  }
0x30: {  	s28 =	simm.s32 $0x280  }
0x31: {  	[tilespmem:s18], [sflag:$0x1] =	stream.indirect.gather [hbm4b:s3+s12], $0x80, s28, s12, $0xb8;
	[tilespmem:$0x19400] =	vst v63  }
0x32: {  	_ =	swait.ge [sflag:s19], $0x4000  }
0x33: {  	[sflag:s19] =	ssyncset.done $0x0  }
0x34: {  	[sflag:s19] =	ssyncadd.s32 $0xFFFFC000  }
0x35: {  	_ =	swait.ge [sflag:s19], $0x4000  }
0x36: {  	[sflag:s19] =	ssyncset.done $0x0  }
0x37: {  	[sflag:s19] =	ssyncadd.s32 $0xFFFFC000  }
0x38: {  	_ =	swait.ge [sflag:s19], $0x4000  }
0x39: {  	[sflag:s19] =	ssyncset.done $0x0  }
0x3a: {  	[sflag:s19] =	ssyncadd.s32 $0xFFFFC000  }
0x3b: {  	_ =	swait.ge [sflag:s19], $0x4000  }
0x3c: {  	[sflag:s19] =	ssyncset.done $0x0  }
0x3d: {  	[sflag:s19] =	ssyncadd.s32 $0xFFFFC000  }
0x3e: {  	_ =	swait.ge [sflag:s19], $0x4000  }
0x3f: {  	[sflag:s19] =	ssyncset.done $0x0  }
0x40: {  	[sflag:s19] =	ssyncadd.s32 $0xFFFFC000  }
0x41: {  	_ =	swait.ge [sflag:s19], $0x4000  }
0x42: {  	[sflag:s19] =	ssyncset.done $0x0  }
0x43: {  	s28 =	sadd.s32 $0xFFFFD800, s10;
	[sflag:s19] =	ssyncadd.s32 $0xFFFFC000  }
0x44: {  	[hbm4b:s28+s2] =	stream.linear.scatter [tilespmem:s13], [sflag:$0x2], $0x4000, $0x38;
	[tilespmem:$0x19400] =	vst v63  }
0x45: {  	s28 =	sadd.s32 $0xFFFFE000, s10  }
0x46: {  	[hbm4b:s28+s2] =	stream.linear.scatter [tilespmem:s14], [sflag:$0x2], $0x4000, $0x38;
	[tilespmem:$0x19400] =	vst v63  }
0x47: {  	s28 =	sadd.s32 $0xFFFFE800, s10  }
0x48: {  	[hbm4b:s28+s2] =	stream.linear.scatter [tilespmem:s15], [sflag:$0x2], $0x4000, $0x38;
	[tilespmem:$0x19400] =	vst v63  }
0x49: {  	s29 =	simm.s32 $0xC00;
	s28 =	sadd.s32 $0xFFFFF000, s10  }
0x4a: {  	[hbm4b:s28+s2] =	stream.linear.scatter [tilespmem:s16], [sflag:$0x2], $0x4000, $0x38;
	[tilespmem:$0x19400] =	vst v63  }
0x4b: {  	p6 =	por $0x0, $0x0;
	s30 =	simm.s32 $0x1800;
	s28 =	sadd.s32 $0xFFFFF800, s10  }
0x4c: {  	[hbm4b:s28+s2] =	stream.linear.scatter [tilespmem:s17], [sflag:$0x2], $0x4000, $0x38;
	[tilespmem:$0x19400] =	vst v63  }
0x4d: {  	s31 =	smov.u32 s10;
	p0 =	por p6, p6;
	s28 =	sadd.s32 $0x3000, s10  }
.LBB2_2:
0x4e: {  	[hbm4b:s31+s2] =	stream.linear.scatter [tilespmem:s18], [sflag:$0x2], $0x4000, $0x38;
	[tilespmem:$0x19400] =	vst v63  }
0x4f: {  	s0 =	smov.u32 s30;
	s31 =	smov.u32 s28  }
0x50: {  	s30 =	sadd.s32 $0xC00, s30;
	s1 =	simm.s32 @!p0 $0x2;
	p2 =	seq.s32 s0, $0x0  }
0x51: {  	p1 =	sne.s32 s30, $0x4800;
	_ =	swait.ge @!p0 [sflag:s1], $0x4000  }
0x52: {  	[sflag:s1] =	ssyncset.done @!p0 $0x0  }
0x53: {  	[sflag:s1] =	ssyncadd.s32 @!p0 $0xFFFFC000  }
0x54: {  	_ =	swait.ge @!p0 [sflag:s1], $0x4000  }
0x55: {  	[sflag:s1] =	ssyncset.done @!p0 $0x0  }
0x56: {  	[sflag:s1] =	ssyncadd.s32 @!p0 $0xFFFFC000  }
0x57: {  	_ =	swait.ge @!p0 [sflag:s1], $0x4000  }
0x58: {  	[sflag:s1] =	ssyncset.done @!p0 $0x0  }
0x59: {  	[sflag:s1] =	ssyncadd.s32 @!p0 $0xFFFFC000  }
0x5a: {  	_ =	swait.ge @!p0 [sflag:s1], $0x4000  }
0x5b: {  	[sflag:s1] =	ssyncset.done @!p0 $0x0  }
0x5c: {  	[sflag:s1] =	ssyncadd.s32 @!p0 $0xFFFFC000  }
0x5d: {  	_ =	swait.ge @!p0 [sflag:s1], $0x4000  }
0x5e: {  	[sflag:s1] =	ssyncset.done @!p0 $0x0  }
0x5f: {  	[sflag:s1] =	ssyncadd.s32 @!p0 $0xFFFFC000  }
0x60: {  	_ =	swait.ge @!p0 [sflag:s1], $0x4000  }
0x61: {  	[sflag:s1] =	ssyncset.done @!p0 $0x0  }
0x62: {  	[sflag:s1] =	ssyncadd.s32 @!p0 $0xFFFFC000;
	s1 =	sshra.s32 s29, $0x2;
	s29 =	smov.u32 s0  }
0x63: {  	[tilespmem:s13], [sflag:$0x1] =	stream.indirect.gather [hbm4b:s3+s12], $0x80, s1, s12, $0xb8;
	[tilespmem:$0x19400] =	vst v63  }
0x64: {  	p0 =	por p2, p2;
	s0 =	sadd.s32 $0x80, s1  }
0x65: {  	[tilespmem:s14], [sflag:$0x1] =	stream.indirect.gather [hbm4b:s3+s12], $0x80, s0, s12, $0xb8;
	[tilespmem:$0x19400] =	vst v63  }
0x66: {  	s0 =	sadd.s32 $0x100, s1  }
0x67: {  	[tilespmem:s15], [sflag:$0x1] =	stream.indirect.gather [hbm4b:s3+s12], $0x80, s0, s12, $0xb8;
	[tilespmem:$0x19400] =	vst v63  }
0x68: {  	s0 =	sadd.s32 $0x180, s1  }
0x69: {  	[tilespmem:s16], [sflag:$0x1] =	stream.indirect.gather [hbm4b:s3+s12], $0x80, s0, s12, $0xb8;
	[tilespmem:$0x19400] =	vst v63  }
0x6a: {  	s0 =	sadd.s32 $0x200, s1  }
0x6b: {  	[tilespmem:s17], [sflag:$0x1] =	stream.indirect.gather [hbm4b:s3+s12], $0x80, s0, s12, $0xb8;
	[tilespmem:$0x19400] =	vst v63  }
0x6c: {  	s0 =	sadd.s32 $0x280, s1  }
0x6d: {  	[tilespmem:s18], [sflag:$0x1] =	stream.indirect.gather [hbm4b:s3+s12], $0x80, s0, s12, $0xb8;
	[tilespmem:$0x19400] =	vst v63  }
0x6e: {  	_ =	swait.ge [sflag:s19], $0x4000  }
0x6f: {  	[sflag:s19] =	ssyncset.done $0x0  }
0x70: {  	[sflag:s19] =	ssyncadd.s32 $0xFFFFC000  }
0x71: {  	_ =	swait.ge [sflag:s19], $0x4000  }
0x72: {  	[sflag:s19] =	ssyncset.done $0x0  }
0x73: {  	[sflag:s19] =	ssyncadd.s32 $0xFFFFC000  }
0x74: {  	_ =	swait.ge [sflag:s19], $0x4000  }
0x75: {  	[sflag:s19] =	ssyncset.done $0x0  }
0x76: {  	[sflag:s19] =	ssyncadd.s32 $0xFFFFC000  }
0x77: {  	_ =	swait.ge [sflag:s19], $0x4000  }
0x78: {  	[sflag:s19] =	ssyncset.done $0x0  }
0x79: {  	[sflag:s19] =	ssyncadd.s32 $0xFFFFC000  }
0x7a: {  	_ =	swait.ge [sflag:s19], $0x4000  }
0x7b: {  	[sflag:s19] =	ssyncset.done $0x0  }
0x7c: {  	[sflag:s19] =	ssyncadd.s32 $0xFFFFC000  }
0x7d: {  	_ =	swait.ge [sflag:s19], $0x4000  }
0x7e: {  	[sflag:s19] =	ssyncset.done $0x0  }
0x7f: {  	s0 =	sadd.s32 $0xFFFFD800, s28;
	[sflag:s19] =	ssyncadd.s32 $0xFFFFC000  }
0x80: {  	[hbm4b:s0+s2] =	stream.linear.scatter [tilespmem:s13], [sflag:$0x2], $0x4000, $0x38;
	[tilespmem:$0x19400] =	vst v63  }
0x81: {  	s0 =	sadd.s32 $0xFFFFE000, s28  }
0x82: {  	[hbm4b:s0+s2] =	stream.linear.scatter [tilespmem:s14], [sflag:$0x2], $0x4000, $0x38;
	[tilespmem:$0x19400] =	vst v63  }
0x83: {  	s0 =	sadd.s32 $0xFFFFE800, s28  }
0x84: {  	[hbm4b:s0+s2] =	stream.linear.scatter [tilespmem:s15], [sflag:$0x2], $0x4000, $0x38;
	[tilespmem:$0x19400] =	vst v63  }
.Ltmp0:
0x85: {  	s0 =	sadd.s32 $0xFFFFF000, s28;
	(pc) =	sbr.rel @p1 .LBB2_2-.Ltmp0, $4  }
0x86: {  	[hbm4b:s0+s2] =	stream.linear.scatter [tilespmem:s16], [sflag:$0x2], $0x4000, $0x38;
	[tilespmem:$0x19400] =	vst v63  }
0x87: {  	s0 =	sadd.s32 $0xFFFFF800, s28  }
0x88: {  	[hbm4b:s0+s2] =	stream.linear.scatter [tilespmem:s17], [sflag:$0x2], $0x4000, $0x38;
	[tilespmem:$0x19400] =	vst v63  }
0x89: {  	s28 =	sadd.s32 $0x3000, s28  }
0x8a: {  	[hbm4b:s31+s2] =	stream.linear.scatter [tilespmem:s18], [sflag:$0x2], $0x4000, $0x38;
	[tilespmem:$0x19400] =	vst v63  }
0x8b: {  	s0 =	simm.s32 @!p0 $0x2  }
0x8c: {  	_ =	swait.ge @!p0 [sflag:s0], $0x4000  }
0x8d: {  	[sflag:s0] =	ssyncset.done @!p0 $0x0  }
0x8e: {  	[sflag:s0] =	ssyncadd.s32 @!p0 $0xFFFFC000  }
0x8f: {  	_ =	swait.ge @!p0 [sflag:s0], $0x4000  }
0x90: {  	[sflag:s0] =	ssyncset.done @!p0 $0x0  }
0x91: {  	[sflag:s0] =	ssyncadd.s32 @!p0 $0xFFFFC000  }
0x92: {  	_ =	swait.ge @!p0 [sflag:s0], $0x4000  }
0x93: {  	[sflag:s0] =	ssyncset.done @!p0 $0x0  }
0x94: {  	[sflag:s0] =	ssyncadd.s32 @!p0 $0xFFFFC000  }
0x95: {  	_ =	swait.ge @!p0 [sflag:s0], $0x4000  }
0x96: {  	[sflag:s0] =	ssyncset.done @!p0 $0x0  }
0x97: {  	[sflag:s0] =	ssyncadd.s32 @!p0 $0xFFFFC000  }
0x98: {  	_ =	swait.ge @!p0 [sflag:s0], $0x4000  }
0x99: {  	[sflag:s0] =	ssyncset.done @!p0 $0x0  }
0x9a: {  	[sflag:s0] =	ssyncadd.s32 @!p0 $0xFFFFC000  }
0x9b: {  	_ =	swait.ge @!p0 [sflag:s0], $0x4000  }
0x9c: {  	[sflag:s0] =	ssyncset.done @!p0 $0x0  }
0x9d: {  	[sflag:s0] =	ssyncadd.s32 @!p0 $0xFFFFC000;
	s0 =	sshra.s32 s29, $0x2  }
0x9e: {  	[tilespmem:s13], [sflag:$0x1] =	stream.indirect.gather [hbm4b:s3+s12], $0x80, s0, s12, $0xb8;
	[tilespmem:$0x19400] =	vst v63  }
0x9f: {  	s1 =	sadd.s32 $0x80, s0  }
0xa0: {  	[tilespmem:s14], [sflag:$0x1] =	stream.indirect.gather [hbm4b:s3+s12], $0x80, s1, s12, $0xb8;
	[tilespmem:$0x19400] =	vst v63  }
0xa1: {  	s31 =	sadd.s32 $0x100, s0  }
0xa2: {  	[tilespmem:s15], [sflag:$0x1] =	stream.indirect.gather [hbm4b:s3+s12], $0x80, s31, s12, $0xb8;
	[tilespmem:$0x19400] =	vst v63  }
0xa3: {  	s29 =	sadd.s32 $0x180, s0  }
0xa4: {  	[tilespmem:s16], [sflag:$0x1] =	stream.indirect.gather [hbm4b:s3+s12], $0x80, s29, s12, $0xb8;
	[tilespmem:$0x19400] =	vst v63  }
0xa5: {  	s30 =	sadd.s32 $0x200, s0  }
0xa6: {  	[tilespmem:s17], [sflag:$0x1] =	stream.indirect.gather [hbm4b:s3+s12], $0x80, s30, s12, $0xb8;
	[tilespmem:$0x19400] =	vst v63  }
0xa7: {  	s0 =	sadd.s32 $0x280, s0  }
0xa8: {  	[tilespmem:s18], [sflag:$0x1] =	stream.indirect.gather [hbm4b:s3+s12], $0x80, s0, s12, $0xb8;
	[tilespmem:$0x19400] =	vst v63  }
0xa9: {  	_ =	swait.ge [sflag:s19], $0x4000  }
0xaa: {  	[sflag:s19] =	ssyncset.done $0x0  }
0xab: {  	[sflag:s19] =	ssyncadd.s32 $0xFFFFC000  }
0xac: {  	_ =	swait.ge [sflag:s19], $0x4000  }
0xad: {  	[sflag:s19] =	ssyncset.done $0x0  }
0xae: {  	[sflag:s19] =	ssyncadd.s32 $0xFFFFC000  }
0xaf: {  	_ =	swait.ge [sflag:s19], $0x4000  }
0xb0: {  	[sflag:s19] =	ssyncset.done $0x0  }
0xb1: {  	[sflag:s19] =	ssyncadd.s32 $0xFFFFC000  }
0xb2: {  	_ =	swait.ge [sflag:s19], $0x4000  }
0xb3: {  	[sflag:s19] =	ssyncset.done $0x0  }
0xb4: {  	[sflag:s19] =	ssyncadd.s32 $0xFFFFC000  }
0xb5: {  	_ =	swait.ge [sflag:s19], $0x4000  }
0xb6: {  	[sflag:s19] =	ssyncset.done $0x0  }
0xb7: {  	[sflag:s19] =	ssyncadd.s32 $0xFFFFC000  }
0xb8: {  	_ =	swait.ge [sflag:s19], $0x4000  }
0xb9: {  	[sflag:s19] =	ssyncset.done $0x0  }
0xba: {  	s31 =	sadd.s32 $0xFFFFD800, s28;
	[sflag:s19] =	ssyncadd.s32 $0xFFFFC000  }
0xbb: {  	[hbm4b:s31+s2] =	stream.linear.scatter [tilespmem:s13], [sflag:$0x2], $0x4000, $0x38;
	[tilespmem:$0x19400] =	vst v63  }
0xbc: {  	s1 =	sadd.s32 $0xFFFFE000, s28  }
0xbd: {  	[hbm4b:s1+s2] =	stream.linear.scatter [tilespmem:s14], [sflag:$0x2], $0x4000, $0x38;
	[tilespmem:$0x19400] =	vst v63  }
0xbe: {  	s29 =	sadd.s32 $0xFFFFE800, s28  }
0xbf: {  	[hbm4b:s29+s2] =	stream.linear.scatter [tilespmem:s15], [sflag:$0x2], $0x4000, $0x38;
	[tilespmem:$0x19400] =	vst v63  }
0xc0: {  	s30 =	sadd.s32 $0xFFFFF000, s28  }
0xc1: {  	[hbm4b:s30+s2] =	stream.linear.scatter [tilespmem:s16], [sflag:$0x2], $0x4000, $0x38;
	[tilespmem:$0x19400] =	vst v63  }
0xc2: {  	s31 =	sadd.s32 $0xFFFFF800, s28  }
0xc3: {  	[hbm4b:s31+s2] =	stream.linear.scatter [tilespmem:s17], [sflag:$0x2], $0x4000, $0x38;
	[tilespmem:$0x19400] =	vst v63  }
0xc4: {  	_ = 	snop  }
0xc5: {  	[hbm4b:s28+s2] =	stream.linear.scatter [tilespmem:s18], [sflag:$0x2], $0x4000, $0x38;
	[tilespmem:$0x19400] =	vst v63  }
0xc6: {  	_ =	swait.ge [sflag:s20], $0x4000  }
0xc7: {  	[sflag:s20] =	ssyncset.done $0x0  }
0xc8: {  	[sflag:s20] =	ssyncadd.s32 $0xFFFFC000  }
0xc9: {  	_ =	swait.ge [sflag:s20], $0x4000  }
0xca: {  	[sflag:s20] =	ssyncset.done $0x0  }
0xcb: {  	[sflag:s20] =	ssyncadd.s32 $0xFFFFC000  }
0xcc: {  	_ =	swait.ge [sflag:s20], $0x4000  }
0xcd: {  	[sflag:s20] =	ssyncset.done $0x0  }
0xce: {  	[sflag:s20] =	ssyncadd.s32 $0xFFFFC000  }
0xcf: {  	[tilespmem:s13], [sflag:$0x1] =	stream.indirect.gather [hbm4b:s3+s12], $0x80, s21, s12, $0xb8;
	[tilespmem:$0x19400] =	vst v63  }
0xd0: {  	_ = 	snop  }
0xd1: {  	[tilespmem:s14], [sflag:$0x1] =	stream.indirect.gather [hbm4b:s3+s12], $0x80, s22, s12, $0xb8;
	[tilespmem:$0x19400] =	vst v63  }
0xd2: {  	_ = 	snop  }
0xd3: {  	[tilespmem:s15], [sflag:$0x1] =	stream.indirect.gather [hbm4b:s3+s12], $0x80, s23, s12, $0xb8;
	[tilespmem:$0x19400] =	vst v63  }
0xd4: {  	_ =	swait.ge [sflag:s19], $0x4000  }
0xd5: {  	[sflag:s19] =	ssyncset.done $0x0  }
0xd6: {  	[sflag:s19] =	ssyncadd.s32 $0xFFFFC000  }
0xd7: {  	_ =	swait.ge [sflag:s19], $0x4000  }
0xd8: {  	[sflag:s19] =	ssyncset.done $0x0  }
0xd9: {  	[sflag:s19] =	ssyncadd.s32 $0xFFFFC000  }
0xda: {  	_ =	swait.ge [sflag:s19], $0x4000  }
0xdb: {  	[sflag:s19] =	ssyncset.done $0x0  }
0xdc: {  	[sflag:s19] =	ssyncadd.s32 $0xFFFFC000  }
0xdd: {  	[hbm4b:s5+s2] =	stream.linear.scatter [tilespmem:s13], [sflag:$0x2], $0x4000, $0x38;
	[tilespmem:$0x19400] =	vst v63  }
0xde: {  	_ = 	snop  }
0xdf: {  	[hbm4b:s6+s2] =	stream.linear.scatter [tilespmem:s14], [sflag:$0x2], $0x4000, $0x38;
	[tilespmem:$0x19400] =	vst v63  }
0xe0: {  	_ = 	snop  }
0xe1: {  	[hbm4b:s7+s2] =	stream.linear.scatter [tilespmem:s15], [sflag:$0x2], $0x4000, $0x38;
	[tilespmem:$0x19400] =	vst v63  }
0xe2: {  	_ =	swait.ge [sflag:s20], $0x4000  }
0xe3: {  	[sflag:s20] =	ssyncset.done $0x0  }
0xe4: {  	[sflag:s20] =	ssyncadd.s32 $0xFFFFC000  }
0xe5: {  	_ =	swait.ge [sflag:s20], $0x4000  }
0xe6: {  	[sflag:s20] =	ssyncset.done $0x0  }
0xe7: {  	[sflag:s20] =	ssyncadd.s32 $0xFFFFC000  }
0xe8: {  	_ =	swait.ge [sflag:s20], $0x4000  }
0xe9: {  	[sflag:s20] =	ssyncset.done $0x0  }
0xea: {  	[sflag:s20] =	ssyncadd.s32 $0xFFFFC000  }
0xeb: {  	_ =	swait.ge [sflag:s20], $0x4000  }
0xec: {  	[sflag:s20] =	ssyncset.done $0x0  }
0xed: {  	[sflag:s20] =	ssyncadd.s32 $0xFFFFC000  }
0xee: {  	_ =	swait.ge [sflag:s20], $0x4000  }
0xef: {  	[sflag:s20] =	ssyncset.done $0x0  }
0xf0: {  	[sflag:s20] =	ssyncadd.s32 $0xFFFFC000  }
0xf1: {  	_ =	swait.ge [sflag:s20], $0x4000  }
0xf2: {  	[sflag:s20] =	ssyncset.done $0x0  }
0xf3: {  	[sflag:s20] =	ssyncadd.s32 $0xFFFFC000  }
0xf4: {  	[tilespmem:s13], [sflag:$0x1] =	stream.indirect.gather [hbm4b:s3+s24], $0x80, s25, s24, $0xb8;
	[tilespmem:$0x19400] =	vst v63  }
0xf5: {  	s26 =	sadd.s32 $0x1, s26;
	_ =	swait.ge [sflag:s19], $0x400  }
0xf6: {  	p0 =	sne.s32 s26, s9;
	[sflag:s19] =	ssyncset.done $0x0  }
.Ltmp1:
0xf7: {  	[sflag:s19] =	ssyncadd.s32 $0xFFFFFC00;
	(pc) =	sbr.rel @p0 .LBB2_1-.Ltmp1, $4  }
0xf8: {  	[hbm4b:s8+s2] =	stream.linear.scatter [tilespmem:s13], [sflag:$0x3], $0x400, $0x38;
	[tilespmem:$0x19400] =	vst v63  }
0xf9: {  	_ =	swait.ge [sflag:s11], $0x400  }
0xfa: {  	[sflag:s11] =	ssyncset.done $0x0  }
0xfb: {  	[sflag:s11] =	ssyncadd.s32 $0xFFFFFC00  }
0xfc: {  	_ =	sfence.sel $0x180000  }
0xfd: {  	[bflag:$0x0] =	sbarrier.arrive $0xFFFF  }
0xfe: {  	_ =	strace $0x90000047  }
0xff: {  	s0 =	stileid.u32;
	[bflag:$0x2] =	sbarrier.arrive $0xFFFF  }
0x100: {  	p0 =	sne.s32 s0, $0x0;
	s0 =	rddreg [dreg:$0x2]  }
0x101: {  	s0 =	sadd.s32 @!p0 $0x100000, s0  }
0x102: {  	[sflag:s0] =	ssyncadd.tile.s32 @!p0 $0x1;
	_ =	shalt  }
.Lfunc_end2:
_tile_overlayer_lowered:
.L_overlay_start_2:
0x103: {  	(tag) =	ssettag $0x2  }
0x104: {  	s0 =	rddreg [dreg:$0x0];
	s2 =	stileid.u32  }
0x105: {  	s1 =	rddreg [dreg:$0x1];
	p0 =	sne.s32 s2, $0x0  }
0x106: {  	s3 =	rddreg [dreg:$0x2];
	[bflag:$0x3] =	sbarrier.arrive $0xFFFF;
	s2 =	simm.s32 @!p0 $0x1C03  }
0x107: {  	[timem:s3], [sflag:s2] =	dma.local @!p0 [hbm:s0], s1  }
0x108: {  	s0 =	simm.s32 @!p0 $0x3  }
0x109: {  	_ =	swait.ge @!p0 [sflag:s0], s1  }
0x10a: {  	s1 =	ssub.s32 @!p0 $0x0, s1;
	[sflag:s0] =	ssyncset.done @!p0 $0x0  }
0x10b: {  	[sflag:s0] =	ssyncadd.s32 @!p0 s1  }
0x10c: {  	[bflag:$0x3] =	sbarrier.arrive $0xFFFF  }
0x10d: {  	_ =	shalt  }

</sc_bundles>
